<compile_context>
chip_gen: v7x
topology: tpu7x:2x2x1
jax: 0.10.2.dev20260603
libtpu: 0.0.44.dev20260713+nightly
codegen_flags: <defaults>
</compile_context>

<pallas_src>
import functools

import jax
import jax.numpy as jnp
from jax import lax
from jax.experimental import pallas as pl
from jax.experimental.pallas import tpu as pltpu
from jax.experimental.pallas import tpu_sc as plsc

NC = 2
NS = 16
NW = NC * NS

TB = 128
DB = 8
SKEW = 129


@functools.partial(jax.jit, static_argnames=("V", "D"))
def _detile_table(w_t, tail, *, V, D):
    VB = 256
    n_blocks = V // VB
    per_w = -(-n_blocks // NW)
    blk_words = VB * D
    mesh = plsc.VectorSubcoreMesh(core_axis_name="c", subcore_axis_name="s")

    @functools.partial(
        pl.kernel,
        mesh=mesh,
        out_type=jax.ShapeDtypeStruct((V * D,), jnp.float32),
        scratch_types=[
            pltpu.VMEM((D, VB), jnp.float32),
            pltpu.VMEM((D, VB), jnp.float32),
            pltpu.VMEM((blk_words,), jnp.float32),
            pltpu.VMEM((blk_words,), jnp.float32),
            pltpu.SemaphoreType.DMA,
            pltpu.SemaphoreType.DMA,
            pltpu.SemaphoreType.DMA,
            pltpu.SemaphoreType.DMA,
        ],
        compiler_params=pltpu.CompilerParams(
            use_tc_tiling_on_sc=True, needs_layout_passes=False),
    )
    def k(wt_hbm, tail_hbm, out_hbm, buf_a, buf_b, cbuf_a, cbuf_b,
          gsem_a, gsem_b, wsem_a, wsem_b):
        wid = lax.axis_index("s") * NC + lax.axis_index("c")
        start = wid * per_w
        cnt = jnp.minimum(per_w, jnp.maximum(n_blocks - start, 0))

        iota = lax.iota(jnp.int32, 16)
        rot = [(iota + j) & 15 for j in range(16)]

        @pl.when(wid == NW - 1)
        def _():
            pltpu.sync_copy(
                tail_hbm,
                out_hbm.at[pl.ds(n_blocks * blk_words, tail.shape[0])])

        def load(b, buf, sem):
            pltpu.async_copy(
                wt_hbm.at[pl.ds(0, D), pl.ds((start + b) * VB, VB)], buf, sem)

        iota_d = iota * D

        def transpose(buf, cbuf):
            for d0 in range(D // 16):
                rows_j = [rot[j] + d0 * 16 for j in range(16)]
                dvec_j = [iota_d + (rot[j] + d0 * 16) for j in range(16)]

                def v_body(v8, carry):
                    v0 = v8 * 16
                    cols = iota + v0
                    base = v0 * D
                    vs = [plsc.load_gather(buf, [rows_j[j], cols])
                          for j in range(16)]
                    for j in range(16):
                        plsc.store_scatter(cbuf, [dvec_j[j] + base], vs[j])
                    return carry
                lax.fori_loop(0, VB // 16, v_body, 0)

        def write(b, cbuf, sem):
            pltpu.async_copy(
                cbuf, out_hbm.at[pl.ds((start + b) * blk_words, blk_words)],
                sem)

        def wait_fill(buf, sem):
            pltpu.make_async_copy(
                wt_hbm.at[pl.ds(0, D), pl.ds(0, VB)], buf, sem).wait()

        def wait_drain(cbuf, sem):
            pltpu.make_async_copy(
                cbuf, out_hbm.at[pl.ds(0, blk_words)], sem).wait()

        @pl.when(cnt > 0)
        def _():
            load(0, buf_a, gsem_a)

            @pl.when(cnt > 1)
            def _():
                load(1, buf_b, gsem_b)

            def body(b2, carry):
                for i, (buf, cbuf, gsem, wsem) in enumerate(
                        ((buf_a, cbuf_a, gsem_a, wsem_a),
                         (buf_b, cbuf_b, gsem_b, wsem_b))):
                    b = 2 * b2 + i

                    @pl.when(b < cnt)
                    def _():
                        wait_fill(buf, gsem)

                        @pl.when(b >= 2)
                        def _():
                            wait_drain(cbuf, wsem)

                        transpose(buf, cbuf)

                        @pl.when(b + 2 < cnt)
                        def _():
                            load(b + 2, buf, gsem)

                        write(b, cbuf, wsem)
                return carry

            lax.fori_loop(0, (per_w + 1) // 2, body, 0)

            @pl.when(cnt > 1)
            def _():
                wait_drain(cbuf_b, wsem_b)
            wait_drain(cbuf_a, wsem_a)

    return k(w_t, tail)


@functools.partial(jax.jit, static_argnames=("S", "T", "D"))
def _embedding_gather(table, idx_flat, *, S, T, D):
    n_blocks = (S * T) // TB
    blocks_per_w = n_blocks // NW
    idx_per_w = blocks_per_w * TB
    n_groups = blocks_per_w // 2
    mesh = plsc.VectorSubcoreMesh(core_axis_name="c", subcore_axis_name="s")

    @functools.partial(
        pl.kernel,
        mesh=mesh,
        out_type=jax.ShapeDtypeStruct((T, DB, S // TB, 8, TB), jnp.float32),
        scratch_types=[
            pltpu.VMEM((idx_per_w,), jnp.int32),
            pltpu.VMEM((TB, D), jnp.float32),
            pltpu.VMEM((TB, D), jnp.float32),
            pltpu.VMEM((D, SKEW), jnp.float32),
            pltpu.VMEM((D, SKEW), jnp.float32),
            pltpu.SemaphoreType.DMA,
            pltpu.SemaphoreType.DMA,
            pltpu.SemaphoreType.DMA,
            pltpu.SemaphoreType.DMA,
        ],
        compiler_params=pltpu.CompilerParams(
            use_tc_tiling_on_sc=False, needs_layout_passes=False),
    )
    def k(table_hbm, idx_hbm, out_hbm, idx_v, buf_a, buf_b, sbuf_a, sbuf_b,
          gsem_a, gsem_b, wsem_a, wsem_b):
        wid = lax.axis_index("s") * NC + lax.axis_index("c")
        pltpu.sync_copy(idx_hbm.at[pl.ds(wid * idx_per_w, idx_per_w)], idx_v)

        iota = lax.iota(jnp.int32, 16)
        row_idx = [iota + 16 * c for c in range(D // 16)]

        def gather(k_, buf, sem):
            pltpu.async_copy(
                table_hbm.at[idx_v.at[pl.ds(k_ * TB, TB)]], buf, sem)

        def transpose(buf, sbuf):
            def bl_body(bl0, carry):
                bls = [bl0 * 4 + blo for blo in range(4)]
                cols = [jnp.full((16,), bl, jnp.int32) for bl in bls]
                vs = [buf[bl, pl.ds(c * 16, 16)]
                      for bl in bls for c in range(D // 16)]
                i = 0
                for blo in range(4):
                    for c in range(D // 16):
                        plsc.store_scatter(sbuf, [row_idx[c], cols[blo]],
                                           vs[i])
                        i += 1
                return carry
            lax.fori_loop(0, TB // 4, bl_body, 0)

        def writeback(k_, sbuf, sem):
            blk = wid * blocks_per_w + k_
            p = blk // TB
            bb = blk % TB
            for db in range(DB):
                pltpu.async_copy(
                    sbuf.at[pl.ds(db * 8, 8), pl.ds(0, TB)],
                    out_hbm.at[p, db, bb], sem)

        def wait_fill(buf, sem):
            pltpu.make_async_copy(table_hbm.at[pl.ds(0, TB)], buf, sem).wait()

        def wait_drain(sbuf, sem):
            for _ in range(DB):
                pltpu.make_async_copy(
                    sbuf.at[pl.ds(0, 8), pl.ds(0, TB)],
                    out_hbm.at[0, 0, 0], sem).wait()

        gather(0, buf_a, gsem_a)
        gather(1, buf_b, gsem_b)

        def body(g, carry):
            for b, (buf, sbuf, gsem, wsem) in enumerate(
                    ((buf_a, sbuf_a, gsem_a, wsem_a),
                     (buf_b, sbuf_b, gsem_b, wsem_b))):
                k_ = 2 * g + b
                wait_fill(buf, gsem)

                @pl.when(g > 0)
                def _():
                    wait_drain(sbuf, wsem)

                transpose(buf, sbuf)

                @pl.when(g < n_groups - 1)
                def _():
                    gather(k_ + 2, buf, gsem)

                writeback(k_, sbuf, wsem)
            return carry

        lax.fori_loop(0, n_groups, body, 0)
        wait_drain(sbuf_a, wsem_a)
        wait_drain(sbuf_b, wsem_b)

    return k(table, idx_flat)


def kernel(token_ids, weight):
    S, T = token_ids.shape
    V, D = weight.shape
    n_full = (V // 128) * 128
    tail = lax.slice(weight, (n_full, 0), (V, D)).reshape((V - n_full) * D)
    wlin = _detile_table(weight.T, tail, V=V, D=D).reshape(V, D)
    idx_flat = token_ids.T.reshape(S * T).astype(jnp.int32)
    x5 = _embedding_gather(wlin, idx_flat, S=S, T=T, D=D)
    return x5.transpose(2, 4, 0, 1, 3).reshape(S, T, D)

# --- scband reference (transcript-rebuilt; emitter-appended) ---
"""Pipeline reference for scband-embedding-15676630631010 (READ-ONLY COPY).

The authoritative reference and input builder live on the scoring server;
editing this copy changes nothing except your own understanding.
"""

import jax, jax.numpy as jnp
import numpy as np
import math

NUM_EMBEDDINGS = 1000000
EMBEDDING_DIM = 64

def _init_weight(key):
    d_out, d_in = NUM_EMBEDDINGS, EMBEDDING_DIM
    variance = 2.0 / (d_in + d_out)
    std = math.sqrt(variance)
    # trunc_normal_(mean=0, std=std, a=-3*std, b=3*std)
    w = jax.random.truncated_normal(key, -3.0, 3.0, (NUM_EMBEDDINGS, EMBEDDING_DIM), dtype=jnp.float32)
    return w * std

def setup_inputs(seed: int = 0) -> dict:
    key = jax.random.key(seed)
    k_idx, k_w = jax.random.split(key)
    token_ids = jax.random.randint(k_idx, (16384, 50), 0, NUM_EMBEDDINGS, dtype=jnp.int64 if jax.config.read('jax_enable_x64') else jnp.int32)
    weight = _init_weight(k_w)
    return {"token_ids": token_ids, "weight": weight}

def reference(token_ids, weight):
    # forward: self.weight[token_ids]
    return jnp.take(weight, token_ids, axis=0)

if __name__ == "__main__":
    import jax
    _d = setup_inputs()
    print(jax.jit(kernel)(*tuple(_d.values())))

</pallas_src>

<mosaic_0001>
#map = affine_map<(d0, d1) -> (0, 0)>
#map1 = affine_map<(d0, d1) -> (0)>
module attributes {stable_mosaic.version = 14 : i64} {
  func.func @k(%arg0: i32, %arg1: i32, %arg2: memref<64x1000000xf32, #tpu.memory_space<hbm>>, %arg3: memref<4096xf32, #tpu.memory_space<hbm>>, %arg4: memref<64000000xf32, #tpu.memory_space<hbm>>, %arg5: memref<64x256xf32, #tpu.memory_space<vmem>>, %arg6: memref<64x256xf32, #tpu.memory_space<vmem>>, %arg7: memref<16384xf32, #tpu.memory_space<vmem>>, %arg8: memref<16384xf32, #tpu.memory_space<vmem>>, %arg9: memref<!tpu.dma_semaphore, #tpu.memory_space<semaphore_mem>>, %arg10: memref<!tpu.dma_semaphore, #tpu.memory_space<semaphore_mem>>, %arg11: memref<!tpu.dma_semaphore, #tpu.memory_space<semaphore_mem>>, %arg12: memref<!tpu.dma_semaphore, #tpu.memory_space<semaphore_mem>>) attributes {dimension_semantics = [#tpu.dimension_semantics<core_parallel>, #tpu.dimension_semantics<subcore_parallel>], iteration_bounds = array<i64: 2, 16>, scalar_prefetch = 0 : i64, scratch_operands = 8 : i64, tpu.core_type = #tpu.core_type<sc_vector_subcore>, window_params = [{transform_indices = #map}, {transform_indices = #map1}, {transform_indices = #map1}]} {
    %mul3A = arith.constant 2 : i32
    %mul3A_0 = arith.muli %arg1, %mul3A : i32
    %add3A = arith.addi %mul3A_0, %arg0 : i32
    %mul3A_1 = arith.constant 123 : i32
    %mul3A_2 = arith.muli %add3A, %mul3A_1 : i32
    %sub3A = arith.constant 3906 : i32
    %sub3A_3 = arith.subi %sub3A, %mul3A_2 : i32
    %max3A = arith.constant 0 : i32
    %max3A_4 = arith.maxsi %sub3A_3, %max3A : i32
    %min3A = arith.constant 123 : i32
    %min3A_5 = arith.minsi %min3A, %max3A_4 : i32
    %iota3A = tpu.iota {dimensions = array<i32: 0>} : vector<16xi32>
    %add3A_6 = arith.constant 0 : i32
    %add3A_7 = vector.broadcast %add3A_6 : i32 to vector<16xi32>
    %add3A_8 = arith.addi %iota3A, %add3A_7 : vector<16xi32>
    %and3A = arith.constant 15 : i32
    %and3A_9 = vector.broadcast %and3A : i32 to vector<16xi32>
    %and3A_10 = arith.andi %add3A_8, %and3A_9 : vector<16xi32>
    %add3A_11 = arith.constant 1 : i32
    %add3A_12 = vector.broadcast %add3A_11 : i32 to vector<16xi32>
    %add3A_13 = arith.addi %iota3A, %add3A_12 : vector<16xi32>
    %and3A_14 = arith.constant 15 : i32
    %and3A_15 = vector.broadcast %and3A_14 : i32 to vector<16xi32>
    %and3A_16 = arith.andi %add3A_13, %and3A_15 : vector<16xi32>
    %add3A_17 = arith.constant 2 : i32
    %add3A_18 = vector.broadcast %add3A_17 : i32 to vector<16xi32>
    %add3A_19 = arith.addi %iota3A, %add3A_18 : vector<16xi32>
    %and3A_20 = arith.constant 15 : i32
    %and3A_21 = vector.broadcast %and3A_20 : i32 to vector<16xi32>
    %and3A_22 = arith.andi %add3A_19, %and3A_21 : vector<16xi32>
    %add3A_23 = arith.constant 3 : i32
    %add3A_24 = vector.broadcast %add3A_23 : i32 to vector<16xi32>
    %add3A_25 = arith.addi %iota3A, %add3A_24 : vector<16xi32>
    %and3A_26 = arith.constant 15 : i32
    %and3A_27 = vector.broadcast %and3A_26 : i32 to vector<16xi32>
    %and3A_28 = arith.andi %add3A_25, %and3A_27 : vector<16xi32>
    %add3A_29 = arith.constant 4 : i32
    %add3A_30 = vector.broadcast %add3A_29 : i32 to vector<16xi32>
    %add3A_31 = arith.addi %iota3A, %add3A_30 : vector<16xi32>
    %and3A_32 = arith.constant 15 : i32
    %and3A_33 = vector.broadcast %and3A_32 : i32 to vector<16xi32>
    %and3A_34 = arith.andi %add3A_31, %and3A_33 : vector<16xi32>
    %add3A_35 = arith.constant 5 : i32
    %add3A_36 = vector.broadcast %add3A_35 : i32 to vector<16xi32>
    %add3A_37 = arith.addi %iota3A, %add3A_36 : vector<16xi32>
    %and3A_38 = arith.constant 15 : i32
    %and3A_39 = vector.broadcast %and3A_38 : i32 to vector<16xi32>
    %and3A_40 = arith.andi %add3A_37, %and3A_39 : vector<16xi32>
    %add3A_41 = arith.constant 6 : i32
    %add3A_42 = vector.broadcast %add3A_41 : i32 to vector<16xi32>
    %add3A_43 = arith.addi %iota3A, %add3A_42 : vector<16xi32>
    %and3A_44 = arith.constant 15 : i32
    %and3A_45 = vector.broadcast %and3A_44 : i32 to vector<16xi32>
    %and3A_46 = arith.andi %add3A_43, %and3A_45 : vector<16xi32>
    %add3A_47 = arith.constant 7 : i32
    %add3A_48 = vector.broadcast %add3A_47 : i32 to vector<16xi32>
    %add3A_49 = arith.addi %iota3A, %add3A_48 : vector<16xi32>
    %and3A_50 = arith.constant 15 : i32
    %and3A_51 = vector.broadcast %and3A_50 : i32 to vector<16xi32>
    %and3A_52 = arith.andi %add3A_49, %and3A_51 : vector<16xi32>
    %add3A_53 = arith.constant 8 : i32
    %add3A_54 = vector.broadcast %add3A_53 : i32 to vector<16xi32>
    %add3A_55 = arith.addi %iota3A, %add3A_54 : vector<16xi32>
    %and3A_56 = arith.constant 15 : i32
    %and3A_57 = vector.broadcast %and3A_56 : i32 to vector<16xi32>
    %and3A_58 = arith.andi %add3A_55, %and3A_57 : vector<16xi32>
    %add3A_59 = arith.constant 9 : i32
    %add3A_60 = vector.broadcast %add3A_59 : i32 to vector<16xi32>
    %add3A_61 = arith.addi %iota3A, %add3A_60 : vector<16xi32>
    %and3A_62 = arith.constant 15 : i32
    %and3A_63 = vector.broadcast %and3A_62 : i32 to vector<16xi32>
    %and3A_64 = arith.andi %add3A_61, %and3A_63 : vector<16xi32>
    %add3A_65 = arith.constant 10 : i32
    %add3A_66 = vector.broadcast %add3A_65 : i32 to vector<16xi32>
    %add3A_67 = arith.addi %iota3A, %add3A_66 : vector<16xi32>
    %and3A_68 = arith.constant 15 : i32
    %and3A_69 = vector.broadcast %and3A_68 : i32 to vector<16xi32>
    %and3A_70 = arith.andi %add3A_67, %and3A_69 : vector<16xi32>
    %add3A_71 = arith.constant 11 : i32
    %add3A_72 = vector.broadcast %add3A_71 : i32 to vector<16xi32>
    %add3A_73 = arith.addi %iota3A, %add3A_72 : vector<16xi32>
    %and3A_74 = arith.constant 15 : i32
    %and3A_75 = vector.broadcast %and3A_74 : i32 to vector<16xi32>
    %and3A_76 = arith.andi %add3A_73, %and3A_75 : vector<16xi32>
    %add3A_77 = arith.constant 12 : i32
    %add3A_78 = vector.broadcast %add3A_77 : i32 to vector<16xi32>
    %add3A_79 = arith.addi %iota3A, %add3A_78 : vector<16xi32>
    %and3A_80 = arith.constant 15 : i32
    %and3A_81 = vector.broadcast %and3A_80 : i32 to vector<16xi32>
    %and3A_82 = arith.andi %add3A_79, %and3A_81 : vector<16xi32>
    %add3A_83 = arith.constant 13 : i32
    %add3A_84 = vector.broadcast %add3A_83 : i32 to vector<16xi32>
    %add3A_85 = arith.addi %iota3A, %add3A_84 : vector<16xi32>
    %and3A_86 = arith.constant 15 : i32
    %and3A_87 = vector.broadcast %and3A_86 : i32 to vector<16xi32>
    %and3A_88 = arith.andi %add3A_85, %and3A_87 : vector<16xi32>
    %add3A_89 = arith.constant 14 : i32
    %add3A_90 = vector.broadcast %add3A_89 : i32 to vector<16xi32>
    %add3A_91 = arith.addi %iota3A, %add3A_90 : vector<16xi32>
    %and3A_92 = arith.constant 15 : i32
    %and3A_93 = vector.broadcast %and3A_92 : i32 to vector<16xi32>
    %and3A_94 = arith.andi %add3A_91, %and3A_93 : vector<16xi32>
    %add3A_95 = arith.constant 15 : i32
    %add3A_96 = vector.broadcast %add3A_95 : i32 to vector<16xi32>
    %add3A_97 = arith.addi %iota3A, %add3A_96 : vector<16xi32>
    %and3A_98 = arith.constant 15 : i32
    %and3A_99 = vector.broadcast %and3A_98 : i32 to vector<16xi32>
    %and3A_100 = arith.andi %add3A_97, %and3A_99 : vector<16xi32>
    %eq3A = arith.constant 31 : i32
    %eq3A_101 = arith.cmpi eq, %add3A, %eq3A : i32
    %convert_element_type3A = arith.extui %eq3A_101 : i1 to i32
    %cond3A = arith.constant 0 : i32
    %cond3A_102 = arith.cmpi ne, %convert_element_type3A, %cond3A : i32
    scf.if %cond3A_102 {
      "tpu.region"() ({
        %run_scoped3A = tpu.sem_alloc : memref<!tpu.dma_semaphore, #tpu.memory_space<semaphore_mem>>
        %dma_start3A = arith.constant 63995904 : i32
        %dma_start3A_110 = tpu.memref_slice %arg4[%dma_start3A] : memref<64000000xf32, #tpu.memory_space<hbm>> -> memref<4096xf32, #tpu.memory_space<hbm>>
        tpu.enqueue_dma source(%arg3 : memref<4096xf32, #tpu.memory_space<hbm>>) target(%dma_start3A_110 : memref<4096xf32, #tpu.memory_space<hbm>>) target_semaphore(%run_scoped3A : memref<!tpu.dma_semaphore, #tpu.memory_space<semaphore_mem>>)
        %dma_wait3A = arith.constant 63995904 : i32
        %dma_wait3A_111 = tpu.memref_slice %arg4[%dma_wait3A] : memref<64000000xf32, #tpu.memory_space<hbm>> -> memref<4096xf32, #tpu.memory_space<hbm>>
        tpu.wait_dma2 semaphore(%run_scoped3A : memref<!tpu.dma_semaphore, #tpu.memory_space<semaphore_mem>>) src(%arg3 : memref<4096xf32, #tpu.memory_space<hbm>>) dst(%dma_wait3A_111 : memref<4096xf32, #tpu.memory_space<hbm>>)
        tpu.yield
      }) : () -> ()
    } else {
    }
    %mul3A_103 = arith.constant 64 : i32
    %mul3A_104 = vector.broadcast %mul3A_103 : i32 to vector<16xi32>
    %mul3A_105 = arith.muli %iota3A, %mul3A_104 : vector<16xi32>
    %gt3A = arith.constant 0 : i32
    %gt3A_106 = arith.cmpi sgt, %min3A_5, %gt3A : i32
    %convert_element_type3A_107 = arith.extui %gt3A_106 : i1 to i32
    %cond3A_108 = arith.constant 0 : i32
    %cond3A_109 = arith.cmpi ne, %convert_element_type3A_107, %cond3A_108 : i32
    scf.if %cond3A_109 {
      %add3A_110 = arith.constant 0 : i32
      %add3A_111 = arith.addi %mul3A_2, %add3A_110 : i32
      %mul3A_112 = arith.constant 256 : i32
      %mul3A_113 = arith.muli %add3A_111, %mul3A_112 : i32
      %dma_start3A = arith.constant 0 : i32
      %dma_start3A_114 = tpu.memref_slice %arg2[%dma_start3A, %mul3A_113] : memref<64x1000000xf32, #tpu.memory_space<hbm>> -> memref<64x256xf32, #tpu.memory_space<hbm>>
      %dma_start3A_115 = arith.constant 0 : i32
      %dma_start3A_116 = tpu.memref_slice %arg2[%dma_start3A_115, %mul3A_113] : memref<64x1000000xf32, #tpu.memory_space<hbm>> -> memref<64x256xf32, #tpu.memory_space<hbm>>
      tpu.enqueue_dma source(%dma_start3A_116 : memref<64x256xf32, #tpu.memory_space<hbm>>) target(%arg5 : memref<64x256xf32, #tpu.memory_space<vmem>>) target_semaphore(%arg9 : memref<!tpu.dma_semaphore, #tpu.memory_space<semaphore_mem>>)
      %gt3A_117 = arith.constant 1 : i32
      %gt3A_118 = arith.cmpi sgt, %min3A_5, %gt3A_117 : i32
      %convert_element_type3A_119 = arith.extui %gt3A_118 : i1 to i32
      %cond3A_120 = arith.constant 0 : i32
      %cond3A_121 = arith.cmpi ne, %convert_element_type3A_119, %cond3A_120 : i32
      scf.if %cond3A_121 {
        %add3A_135 = arith.constant 1 : i32
        %add3A_136 = arith.addi %mul3A_2, %add3A_135 : i32
        %mul3A_137 = arith.constant 256 : i32
        %mul3A_138 = arith.muli %add3A_136, %mul3A_137 : i32
        %dma_start3A_139 = arith.constant 0 : i32
        %dma_start3A_140 = tpu.memref_slice %arg2[%dma_start3A_139, %mul3A_138] : memref<64x1000000xf32, #tpu.memory_space<hbm>> -> memref<64x256xf32, #tpu.memory_space<hbm>>
        %dma_start3A_141 = arith.constant 0 : i32
        %dma_start3A_142 = tpu.memref_slice %arg2[%dma_start3A_141, %mul3A_138] : memref<64x1000000xf32, #tpu.memory_space<hbm>> -> memref<64x256xf32, #tpu.memory_space<hbm>>
        tpu.enqueue_dma source(%dma_start3A_142 : memref<64x256xf32, #tpu.memory_space<hbm>>) target(%arg6 : memref<64x256xf32, #tpu.memory_space<vmem>>) target_semaphore(%arg10 : memref<!tpu.dma_semaphore, #tpu.memory_space<semaphore_mem>>)
      } else {
      }
      %scan3A = arith.constant 0 : i32
      %scan3A_122 = arith.constant 0 : i32
      %scan3A_123 = arith.constant 62 : i32
      %scan3A_124 = arith.addi %scan3A_122, %scan3A_123 : i32
      %scan3A_125 = arith.constant 1 : i32
      scf.for %scan3A_135 = %scan3A_122 to %scan3A_124 step %scan3A_125  : i32 {
        %mul3A_136 = arith.constant 2 : i32
        %mul3A_137 = arith.muli %mul3A_136, %scan3A_135 : i32
        %add3A_138 = arith.constant 0 : i32
        %add3A_139 = arith.addi %mul3A_137, %add3A_138 : i32
        %lt3A = arith.cmpi slt, %add3A_139, %min3A_5 : i32
        %convert_element_type3A_140 = arith.extui %lt3A : i1 to i32
        %cond3A_141 = arith.constant 0 : i32
        %cond3A_142 = arith.cmpi ne, %convert_element_type3A_140, %cond3A_141 : i32
        scf.if %cond3A_142 {
          %dma_wait3A_151 = arith.constant 0 : i32
          %dma_wait3A_152 = arith.constant 0 : i32
          %dma_wait3A_153 = tpu.memref_slice %arg2[%dma_wait3A_151, %dma_wait3A_152] : memref<64x1000000xf32, #tpu.memory_space<hbm>> -> memref<64x256xf32, #tpu.memory_space<hbm>>
          %dma_wait3A_154 = arith.constant 0 : i32
          %dma_wait3A_155 = arith.constant 0 : i32
          %dma_wait3A_156 = tpu.memref_slice %arg2[%dma_wait3A_154, %dma_wait3A_155] : memref<64x1000000xf32, #tpu.memory_space<hbm>> -> memref<64x256xf32, #tpu.memory_space<hbm>>
          tpu.wait_dma2 semaphore(%arg9 : memref<!tpu.dma_semaphore, #tpu.memory_space<semaphore_mem>>) src(%dma_wait3A_156 : memref<64x256xf32, #tpu.memory_space<hbm>>) dst(%arg5 : memref<64x256xf32, #tpu.memory_space<vmem>>)
          %ge3A = arith.constant 2 : i32
          %ge3A_157 = arith.cmpi sge, %add3A_139, %ge3A : i32
          %convert_element_type3A_158 = arith.extui %ge3A_157 : i1 to i32
          %cond3A_159 = arith.constant 0 : i32
          %cond3A_160 = arith.cmpi ne, %convert_element_type3A_158, %cond3A_159 : i32
          scf.if %cond3A_160 {
            %dma_wait3A_644 = arith.constant 0 : i32
            %dma_wait3A_645 = tpu.memref_slice %arg4[%dma_wait3A_644] : memref<64000000xf32, #tpu.memory_space<hbm>> -> memref<16384xf32, #tpu.memory_space<hbm>>
            %dma_wait3A_646 = arith.constant 0 : i32
            %dma_wait3A_647 = tpu.memref_slice %arg4[%dma_wait3A_646] : memref<64000000xf32, #tpu.memory_space<hbm>> -> memref<16384xf32, #tpu.memory_space<hbm>>
            tpu.wait_dma2 semaphore(%arg11 : memref<!tpu.dma_semaphore, #tpu.memory_space<semaphore_mem>>) src(%arg7 : memref<16384xf32, #tpu.memory_space<vmem>>) dst(%dma_wait3A_647 : memref<16384xf32, #tpu.memory_space<hbm>>)
          } else {
          }
          %add3A_161 = arith.constant 0 : i32
          %add3A_162 = vector.broadcast %add3A_161 : i32 to vector<16xi32>
          %add3A_163 = arith.addi %and3A_10, %add3A_162 : vector<16xi32>
          %add3A_164 = arith.constant 0 : i32
          %add3A_165 = vector.broadcast %add3A_164 : i32 to vector<16xi32>
          %add3A_166 = arith.addi %and3A_16, %add3A_165 : vector<16xi32>
          %add3A_167 = arith.constant 0 : i32
          %add3A_168 = vector.broadcast %add3A_167 : i32 to vector<16xi32>
          %add3A_169 = arith.addi %and3A_22, %add3A_168 : vector<16xi32>
          %add3A_170 = arith.constant 0 : i32
          %add3A_171 = vector.broadcast %add3A_170 : i32 to vector<16xi32>
          %add3A_172 = arith.addi %and3A_28, %add3A_171 : vector<16xi32>
          %add3A_173 = arith.constant 0 : i32
          %add3A_174 = vector.broadcast %add3A_173 : i32 to vector<16xi32>
          %add3A_175 = arith.addi %and3A_34, %add3A_174 : vector<16xi32>
          %add3A_176 = arith.constant 0 : i32
          %add3A_177 = vector.broadcast %add3A_176 : i32 to vector<16xi32>
          %add3A_178 = arith.addi %and3A_40, %add3A_177 : vector<16xi32>
          %add3A_179 = arith.constant 0 : i32
          %add3A_180 = vector.broadcast %add3A_179 : i32 to vector<16xi32>
          %add3A_181 = arith.addi %and3A_46, %add3A_180 : vector<16xi32>
          %add3A_182 = arith.constant 0 : i32
          %add3A_183 = vector.broadcast %add3A_182 : i32 to vector<16xi32>
          %add3A_184 = arith.addi %and3A_52, %add3A_183 : vector<16xi32>
          %add3A_185 = arith.constant 0 : i32
          %add3A_186 = vector.broadcast %add3A_185 : i32 to vector<16xi32>
          %add3A_187 = arith.addi %and3A_58, %add3A_186 : vector<16xi32>
          %add3A_188 = arith.constant 0 : i32
          %add3A_189 = vector.broadcast %add3A_188 : i32 to vector<16xi32>
          %add3A_190 = arith.addi %and3A_64, %add3A_189 : vector<16xi32>
          %add3A_191 = arith.constant 0 : i32
          %add3A_192 = vector.broadcast %add3A_191 : i32 to vector<16xi32>
          %add3A_193 = arith.addi %and3A_70, %add3A_192 : vector<16xi32>
          %add3A_194 = arith.constant 0 : i32
          %add3A_195 = vector.broadcast %add3A_194 : i32 to vector<16xi32>
          %add3A_196 = arith.addi %and3A_76, %add3A_195 : vector<16xi32>
          %add3A_197 = arith.constant 0 : i32
          %add3A_198 = vector.broadcast %add3A_197 : i32 to vector<16xi32>
          %add3A_199 = arith.addi %and3A_82, %add3A_198 : vector<16xi32>
          %add3A_200 = arith.constant 0 : i32
          %add3A_201 = vector.broadcast %add3A_200 : i32 to vector<16xi32>
          %add3A_202 = arith.addi %and3A_88, %add3A_201 : vector<16xi32>
          %add3A_203 = arith.constant 0 : i32
          %add3A_204 = vector.broadcast %add3A_203 : i32 to vector<16xi32>
          %add3A_205 = arith.addi %and3A_94, %add3A_204 : vector<16xi32>
          %add3A_206 = arith.constant 0 : i32
          %add3A_207 = vector.broadcast %add3A_206 : i32 to vector<16xi32>
          %add3A_208 = arith.addi %and3A_100, %add3A_207 : vector<16xi32>
          %add3A_209 = arith.constant 0 : i32
          %add3A_210 = vector.broadcast %add3A_209 : i32 to vector<16xi32>
          %add3A_211 = arith.addi %and3A_10, %add3A_210 : vector<16xi32>
          %add3A_212 = arith.addi %mul3A_105, %add3A_211 : vector<16xi32>
          %add3A_213 = arith.constant 0 : i32
          %add3A_214 = vector.broadcast %add3A_213 : i32 to vector<16xi32>
          %add3A_215 = arith.addi %and3A_16, %add3A_214 : vector<16xi32>
          %add3A_216 = arith.addi %mul3A_105, %add3A_215 : vector<16xi32>
          %add3A_217 = arith.constant 0 : i32
          %add3A_218 = vector.broadcast %add3A_217 : i32 to vector<16xi32>
          %add3A_219 = arith.addi %and3A_22, %add3A_218 : vector<16xi32>
          %add3A_220 = arith.addi %mul3A_105, %add3A_219 : vector<16xi32>
          %add3A_221 = arith.constant 0 : i32
          %add3A_222 = vector.broadcast %add3A_221 : i32 to vector<16xi32>
          %add3A_223 = arith.addi %and3A_28, %add3A_222 : vector<16xi32>
          %add3A_224 = arith.addi %mul3A_105, %add3A_223 : vector<16xi32>
          %add3A_225 = arith.constant 0 : i32
          %add3A_226 = vector.broadcast %add3A_225 : i32 to vector<16xi32>
          %add3A_227 = arith.addi %and3A_34, %add3A_226 : vector<16xi32>
          %add3A_228 = arith.addi %mul3A_105, %add3A_227 : vector<16xi32>
          %add3A_229 = arith.constant 0 : i32
          %add3A_230 = vector.broadcast %add3A_229 : i32 to vector<16xi32>
          %add3A_231 = arith.addi %and3A_40, %add3A_230 : vector<16xi32>
          %add3A_232 = arith.addi %mul3A_105, %add3A_231 : vector<16xi32>
          %add3A_233 = arith.constant 0 : i32
          %add3A_234 = vector.broadcast %add3A_233 : i32 to vector<16xi32>
          %add3A_235 = arith.addi %and3A_46, %add3A_234 : vector<16xi32>
          %add3A_236 = arith.addi %mul3A_105, %add3A_235 : vector<16xi32>
          %add3A_237 = arith.constant 0 : i32
          %add3A_238 = vector.broadcast %add3A_237 : i32 to vector<16xi32>
          %add3A_239 = arith.addi %and3A_52, %add3A_238 : vector<16xi32>
          %add3A_240 = arith.addi %mul3A_105, %add3A_239 : vector<16xi32>
          %add3A_241 = arith.constant 0 : i32
          %add3A_242 = vector.broadcast %add3A_241 : i32 to vector<16xi32>
          %add3A_243 = arith.addi %and3A_58, %add3A_242 : vector<16xi32>
          %add3A_244 = arith.addi %mul3A_105, %add3A_243 : vector<16xi32>
          %add3A_245 = arith.constant 0 : i32
          %add3A_246 = vector.broadcast %add3A_245 : i32 to vector<16xi32>
          %add3A_247 = arith.addi %and3A_64, %add3A_246 : vector<16xi32>
          %add3A_248 = arith.addi %mul3A_105, %add3A_247 : vector<16xi32>
          %add3A_249 = arith.constant 0 : i32
          %add3A_250 = vector.broadcast %add3A_249 : i32 to vector<16xi32>
          %add3A_251 = arith.addi %and3A_70, %add3A_250 : vector<16xi32>
          %add3A_252 = arith.addi %mul3A_105, %add3A_251 : vector<16xi32>
          %add3A_253 = arith.constant 0 : i32
          %add3A_254 = vector.broadcast %add3A_253 : i32 to vector<16xi32>
          %add3A_255 = arith.addi %and3A_76, %add3A_254 : vector<16xi32>
          %add3A_256 = arith.addi %mul3A_105, %add3A_255 : vector<16xi32>
          %add3A_257 = arith.constant 0 : i32
          %add3A_258 = vector.broadcast %add3A_257 : i32 to vector<16xi32>
          %add3A_259 = arith.addi %and3A_82, %add3A_258 : vector<16xi32>
          %add3A_260 = arith.addi %mul3A_105, %add3A_259 : vector<16xi32>
          %add3A_261 = arith.constant 0 : i32
          %add3A_262 = vector.broadcast %add3A_261 : i32 to vector<16xi32>
          %add3A_263 = arith.addi %and3A_88, %add3A_262 : vector<16xi32>
          %add3A_264 = arith.addi %mul3A_105, %add3A_263 : vector<16xi32>
          %add3A_265 = arith.constant 0 : i32
          %add3A_266 = vector.broadcast %add3A_265 : i32 to vector<16xi32>
          %add3A_267 = arith.addi %and3A_94, %add3A_266 : vector<16xi32>
          %add3A_268 = arith.addi %mul3A_105, %add3A_267 : vector<16xi32>
          %add3A_269 = arith.constant 0 : i32
          %add3A_270 = vector.broadcast %add3A_269 : i32 to vector<16xi32>
          %add3A_271 = arith.addi %and3A_100, %add3A_270 : vector<16xi32>
          %add3A_272 = arith.addi %mul3A_105, %add3A_271 : vector<16xi32>
          %scan3A_273 = arith.constant 0 : i32
          %scan3A_274 = arith.constant 0 : i32
          %scan3A_275 = arith.constant 16 : i32
          %scan3A_276 = arith.addi %scan3A_274, %scan3A_275 : i32
          %scan3A_277 = arith.constant 1 : i32
          scf.for %scan3A_644 = %scan3A_274 to %scan3A_276 step %scan3A_277  : i32 {
            %mul3A_645 = arith.constant 16 : i32
            %mul3A_646 = arith.muli %scan3A_644, %mul3A_645 : i32
            %add3A_647 = vector.broadcast %mul3A_646 : i32 to vector<16xi32>
            %add3A_648 = arith.addi %iota3A, %add3A_647 : vector<16xi32>
            %mul3A_649 = arith.constant 64 : i32
            %mul3A_650 = arith.muli %mul3A_646, %mul3A_649 : i32
            %gather3A = tpu.vector_load_idx %arg5[%add3A_163, %add3A_648] : memref<64x256xf32, #tpu.memory_space<vmem>>[vector<16xi32>, vector<16xi32>], vector<16xf32>,
            %gather3A_651 = tpu.vector_load_idx %arg5[%add3A_166, %add3A_648] : memref<64x256xf32, #tpu.memory_space<vmem>>[vector<16xi32>, vector<16xi32>], vector<16xf32>,
            %gather3A_652 = tpu.vector_load_idx %arg5[%add3A_169, %add3A_648] : memref<64x256xf32, #tpu.memory_space<vmem>>[vector<16xi32>, vector<16xi32>], vector<16xf32>,
            %gather3A_653 = tpu.vector_load_idx %arg5[%add3A_172, %add3A_648] : memref<64x256xf32, #tpu.memory_space<vmem>>[vector<16xi32>, vector<16xi32>], vector<16xf32>,
            %gather3A_654 = tpu.vector_load_idx %arg5[%add3A_175, %add3A_648] : memref<64x256xf32, #tpu.memory_space<vmem>>[vector<16xi32>, vector<16xi32>], vector<16xf32>,
            %gather3A_655 = tpu.vector_load_idx %arg5[%add3A_178, %add3A_648] : memref<64x256xf32, #tpu.memory_space<vmem>>[vector<16xi32>, vector<16xi32>], vector<16xf32>,
            %gather3A_656 = tpu.vector_load_idx %arg5[%add3A_181, %add3A_648] : memref<64x256xf32, #tpu.memory_space<vmem>>[vector<16xi32>, vector<16xi32>], vector<16xf32>,
            %gather3A_657 = tpu.vector_load_idx %arg5[%add3A_184, %add3A_648] : memref<64x256xf32, #tpu.memory_space<vmem>>[vector<16xi32>, vector<16xi32>], vector<16xf32>,
            %gather3A_658 = tpu.vector_load_idx %arg5[%add3A_187, %add3A_648] : memref<64x256xf32, #tpu.memory_space<vmem>>[vector<16xi32>, vector<16xi32>], vector<16xf32>,
            %gather3A_659 = tpu.vector_load_idx %arg5[%add3A_190, %add3A_648] : memref<64x256xf32, #tpu.memory_space<vmem>>[vector<16xi32>, vector<16xi32>], vector<16xf32>,
            %gather3A_660 = tpu.vector_load_idx %arg5[%add3A_193, %add3A_648] : memref<64x256xf32, #tpu.memory_space<vmem>>[vector<16xi32>, vector<16xi32>], vector<16xf32>,
            %gather3A_661 = tpu.vector_load_idx %arg5[%add3A_196, %add3A_648] : memref<64x256xf32, #tpu.memory_space<vmem>>[vector<16xi32>, vector<16xi32>], vector<16xf32>,
            %gather3A_662 = tpu.vector_load_idx %arg5[%add3A_199, %add3A_648] : memref<64x256xf32, #tpu.memory_space<vmem>>[vector<16xi32>, vector<16xi32>], vector<16xf32>,
            %gather3A_663 = tpu.vector_load_idx %arg5[%add3A_202, %add3A_648] : memref<64x256xf32, #tpu.memory_space<vmem>>[vector<16xi32>, vector<16xi32>], vector<16xf32>,
            %gather3A_664 = tpu.vector_load_idx %arg5[%add3A_205, %add3A_648] : memref<64x256xf32, #tpu.memory_space<vmem>>[vector<16xi32>, vector<16xi32>], vector<16xf32>,
            %gather3A_665 = tpu.vector_load_idx %arg5[%add3A_208, %add3A_648] : memref<64x256xf32, #tpu.memory_space<vmem>>[vector<16xi32>, vector<16xi32>], vector<16xf32>,
            %add3A_666 = vector.broadcast %mul3A_650 : i32 to vector<16xi32>
            %add3A_667 = arith.addi %add3A_212, %add3A_666 : vector<16xi32>
            tpu.vector_store_idx %arg7[%add3A_667], %gather3A : memref<16384xf32, #tpu.memory_space<vmem>>[vector<16xi32>], vector<16xf32>,
            %add3A_668 = vector.broadcast %mul3A_650 : i32 to vector<16xi32>
            %add3A_669 = arith.addi %add3A_216, %add3A_668 : vector<16xi32>
            tpu.vector_store_idx %arg7[%add3A_669], %gather3A_651 : memref<16384xf32, #tpu.memory_space<vmem>>[vector<16xi32>], vector<16xf32>,
            %add3A_670 = vector.broadcast %mul3A_650 : i32 to vector<16xi32>
            %add3A_671 = arith.addi %add3A_220, %add3A_670 : vector<16xi32>
            tpu.vector_store_idx %arg7[%add3A_671], %gather3A_652 : memref<16384xf32, #tpu.memory_space<vmem>>[vector<16xi32>], vector<16xf32>,
            %add3A_672 = vector.broadcast %mul3A_650 : i32 to vector<16xi32>
            %add3A_673 = arith.addi %add3A_224, %add3A_672 : vector<16xi32>
            tpu.vector_store_idx %arg7[%add3A_673], %gather3A_653 : memref<16384xf32, #tpu.memory_space<vmem>>[vector<16xi32>], vector<16xf32>,
            %add3A_674 = vector.broadcast %mul3A_650 : i32 to vector<16xi32>
            %add3A_675 = arith.addi %add3A_228, %add3A_674 : vector<16xi32>
            tpu.vector_store_idx %arg7[%add3A_675], %gather3A_654 : memref<16384xf32, #tpu.memory_space<vmem>>[vector<16xi32>], vector<16xf32>,
            %add3A_676 = vector.broadcast %mul3A_650 : i32 to vector<16xi32>
            %add3A_677 = arith.addi %add3A_232, %add3A_676 : vector<16xi32>
            tpu.vector_store_idx %arg7[%add3A_677], %gather3A_655 : memref<16384xf32, #tpu.memory_space<vmem>>[vector<16xi32>], vector<16xf32>,
            %add3A_678 = vector.broadcast %mul3A_650 : i32 to vector<16xi32>
            %add3A_679 = arith.addi %add3A_236, %add3A_678 : vector<16xi32>
            tpu.vector_store_idx %arg7[%add3A_679], %gather3A_656 : memref<16384xf32, #tpu.memory_space<vmem>>[vector<16xi32>], vector<16xf32>,
            %add3A_680 = vector.broadcast %mul3A_650 : i32 to vector<16xi32>
            %add3A_681 = arith.addi %add3A_240, %add3A_680 : vector<16xi32>
            tpu.vector_store_idx %arg7[%add3A_681], %gather3A_657 : memref<16384xf32, #tpu.memory_space<vmem>>[vector<16xi32>], vector<16xf32>,
            %add3A_682 = vector.broadcast %mul3A_650 : i32 to vector<16xi32>
            %add3A_683 = arith.addi %add3A_244, %add3A_682 : vector<16xi32>
            tpu.vector_store_idx %arg7[%add3A_683], %gather3A_658 : memref<16384xf32, #tpu.memory_space<vmem>>[vector<16xi32>], vector<16xf32>,
            %add3A_684 = vector.broadcast %mul3A_650 : i32 to vector<16xi32>
            %add3A_685 = arith.addi %add3A_248, %add3A_684 : vector<16xi32>
            tpu.vector_store_idx %arg7[%add3A_685], %gather3A_659 : memref<16384xf32, #tpu.memory_space<vmem>>[vector<16xi32>], vector<16xf32>,
            %add3A_686 = vector.broadcast %mul3A_650 : i32 to vector<16xi32>
            %add3A_687 = arith.addi %add3A_252, %add3A_686 : vector<16xi32>
            tpu.vector_store_idx %arg7[%add3A_687], %gather3A_660 : memref<16384xf32, #tpu.memory_space<vmem>>[vector<16xi32>], vector<16xf32>,
            %add3A_688 = vector.broadcast %mul3A_650 : i32 to vector<16xi32>
            %add3A_689 = arith.addi %add3A_256, %add3A_688 : vector<16xi32>
            tpu.vector_store_idx %arg7[%add3A_689], %gather3A_661 : memref<16384xf32, #tpu.memory_space<vmem>>[vector<16xi32>], vector<16xf32>,
            %add3A_690 = vector.broadcast %mul3A_650 : i32 to vector<16xi32>
            %add3A_691 = arith.addi %add3A_260, %add3A_690 : vector<16xi32>
            tpu.vector_store_idx %arg7[%add3A_691], %gather3A_662 : memref<16384xf32, #tpu.memory_space<vmem>>[vector<16xi32>], vector<16xf32>,
            %add3A_692 = vector.broadcast %mul3A_650 : i32 to vector<16xi32>
            %add3A_693 = arith.addi %add3A_264, %add3A_692 : vector<16xi32>
            tpu.vector_store_idx %arg7[%add3A_693], %gather3A_663 : memref<16384xf32, #tpu.memory_space<vmem>>[vector<16xi32>], vector<16xf32>,
            %add3A_694 = vector.broadcast %mul3A_650 : i32 to vector<16xi32>
            %add3A_695 = arith.addi %add3A_268, %add3A_694 : vector<16xi32>
            tpu.vector_store_idx %arg7[%add3A_695], %gather3A_664 : memref<16384xf32, #tpu.memory_space<vmem>>[vector<16xi32>], vector<16xf32>,
            %add3A_696 = vector.broadcast %mul3A_650 : i32 to vector<16xi32>
            %add3A_697 = arith.addi %add3A_272, %add3A_696 : vector<16xi32>
            tpu.vector_store_idx %arg7[%add3A_697], %gather3A_665 : memref<16384xf32, #tpu.memory_space<vmem>>[vector<16xi32>], vector<16xf32>,
          }
          %scan3A_278 = arith.constant 16 : i32
          %add3A_279 = arith.constant 16 : i32
          %add3A_280 = vector.broadcast %add3A_279 : i32 to vector<16xi32>
          %add3A_281 = arith.addi %and3A_10, %add3A_280 : vector<16xi32>
          %add3A_282 = arith.constant 16 : i32
          %add3A_283 = vector.broadcast %add3A_282 : i32 to vector<16xi32>
          %add3A_284 = arith.addi %and3A_16, %add3A_283 : vector<16xi32>
          %add3A_285 = arith.constant 16 : i32
          %add3A_286 = vector.broadcast %add3A_285 : i32 to vector<16xi32>
          %add3A_287 = arith.addi %and3A_22, %add3A_286 : vector<16xi32>
          %add3A_288 = arith.constant 16 : i32
          %add3A_289 = vector.broadcast %add3A_288 : i32 to vector<16xi32>
          %add3A_290 = arith.addi %and3A_28, %add3A_289 : vector<16xi32>
          %add3A_291 = arith.constant 16 : i32
          %add3A_292 = vector.broadcast %add3A_291 : i32 to vector<16xi32>
          %add3A_293 = arith.addi %and3A_34, %add3A_292 : vector<16xi32>
          %add3A_294 = arith.constant 16 : i32
          %add3A_295 = vector.broadcast %add3A_294 : i32 to vector<16xi32>
          %add3A_296 = arith.addi %and3A_40, %add3A_295 : vector<16xi32>
          %add3A_297 = arith.constant 16 : i32
          %add3A_298 = vector.broadcast %add3A_297 : i32 to vector<16xi32>
          %add3A_299 = arith.addi %and3A_46, %add3A_298 : vector<16xi32>
          %add3A_300 = arith.constant 16 : i32
          %add3A_301 = vector.broadcast %add3A_300 : i32 to vector<16xi32>
          %add3A_302 = arith.addi %and3A_52, %add3A_301 : vector<16xi32>
          %add3A_303 = arith.constant 16 : i32
          %add3A_304 = vector.broadcast %add3A_303 : i32 to vector<16xi32>
          %add3A_305 = arith.addi %and3A_58, %add3A_304 : vector<16xi32>
          %add3A_306 = arith.constant 16 : i32
          %add3A_307 = vector.broadcast %add3A_306 : i32 to vector<16xi32>
          %add3A_308 = arith.addi %and3A_64, %add3A_307 : vector<16xi32>
          %add3A_309 = arith.constant 16 : i32
          %add3A_310 = vector.broadcast %add3A_309 : i32 to vector<16xi32>
          %add3A_311 = arith.addi %and3A_70, %add3A_310 : vector<16xi32>
          %add3A_312 = arith.constant 16 : i32
          %add3A_313 = vector.broadcast %add3A_312 : i32 to vector<16xi32>
          %add3A_314 = arith.addi %and3A_76, %add3A_313 : vector<16xi32>
          %add3A_315 = arith.constant 16 : i32
          %add3A_316 = vector.broadcast %add3A_315 : i32 to vector<16xi32>
          %add3A_317 = arith.addi %and3A_82, %add3A_316 : vector<16xi32>
          %add3A_318 = arith.constant 16 : i32
          %add3A_319 = vector.broadcast %add3A_318 : i32 to vector<16xi32>
          %add3A_320 = arith.addi %and3A_88, %add3A_319 : vector<16xi32>
          %add3A_321 = arith.constant 16 : i32
          %add3A_322 = vector.broadcast %add3A_321 : i32 to vector<16xi32>
          %add3A_323 = arith.addi %and3A_94, %add3A_322 : vector<16xi32>
          %add3A_324 = arith.constant 16 : i32
          %add3A_325 = vector.broadcast %add3A_324 : i32 to vector<16xi32>
          %add3A_326 = arith.addi %and3A_100, %add3A_325 : vector<16xi32>
          %add3A_327 = arith.constant 16 : i32
          %add3A_328 = vector.broadcast %add3A_327 : i32 to vector<16xi32>
          %add3A_329 = arith.addi %and3A_10, %add3A_328 : vector<16xi32>
          %add3A_330 = arith.addi %mul3A_105, %add3A_329 : vector<16xi32>
          %add3A_331 = arith.constant 16 : i32
          %add3A_332 = vector.broadcast %add3A_331 : i32 to vector<16xi32>
          %add3A_333 = arith.addi %and3A_16, %add3A_332 : vector<16xi32>
          %add3A_334 = arith.addi %mul3A_105, %add3A_333 : vector<16xi32>
          %add3A_335 = arith.constant 16 : i32
          %add3A_336 = vector.broadcast %add3A_335 : i32 to vector<16xi32>
          %add3A_337 = arith.addi %and3A_22, %add3A_336 : vector<16xi32>
          %add3A_338 = arith.addi %mul3A_105, %add3A_337 : vector<16xi32>
          %add3A_339 = arith.constant 16 : i32
          %add3A_340 = vector.broadcast %add3A_339 : i32 to vector<16xi32>
          %add3A_341 = arith.addi %and3A_28, %add3A_340 : vector<16xi32>
          %add3A_342 = arith.addi %mul3A_105, %add3A_341 : vector<16xi32>
          %add3A_343 = arith.constant 16 : i32
          %add3A_344 = vector.broadcast %add3A_343 : i32 to vector<16xi32>
          %add3A_345 = arith.addi %and3A_34, %add3A_344 : vector<16xi32>
          %add3A_346 = arith.addi %mul3A_105, %add3A_345 : vector<16xi32>
          %add3A_347 = arith.constant 16 : i32
          %add3A_348 = vector.broadcast %add3A_347 : i32 to vector<16xi32>
          %add3A_349 = arith.addi %and3A_40, %add3A_348 : vector<16xi32>
          %add3A_350 = arith.addi %mul3A_105, %add3A_349 : vector<16xi32>
          %add3A_351 = arith.constant 16 : i32
          %add3A_352 = vector.broadcast %add3A_351 : i32 to vector<16xi32>
          %add3A_353 = arith.addi %and3A_46, %add3A_352 : vector<16xi32>
          %add3A_354 = arith.addi %mul3A_105, %add3A_353 : vector<16xi32>
          %add3A_355 = arith.constant 16 : i32
          %add3A_356 = vector.broadcast %add3A_355 : i32 to vector<16xi32>
          %add3A_357 = arith.addi %and3A_52, %add3A_356 : vector<16xi32>
          %add3A_358 = arith.addi %mul3A_105, %add3A_357 : vector<16xi32>
          %add3A_359 = arith.constant 16 : i32
          %add3A_360 = vector.broadcast %add3A_359 : i32 to vector<16xi32>
          %add3A_361 = arith.addi %and3A_58, %add3A_360 : vector<16xi32>
          %add3A_362 = arith.addi %mul3A_105, %add3A_361 : vector<16xi32>
          %add3A_363 = arith.constant 16 : i32
          %add3A_364 = vector.broadcast %add3A_363 : i32 to vector<16xi32>
          %add3A_365 = arith.addi %and3A_64, %add3A_364 : vector<16xi32>
          %add3A_366 = arith.addi %mul3A_105, %add3A_365 : vector<16xi32>
          %add3A_367 = arith.constant 16 : i32
          %add3A_368 = vector.broadcast %add3A_367 : i32 to vector<16xi32>
          %add3A_369 = arith.addi %and3A_70, %add3A_368 : vector<16xi32>
          %add3A_370 = arith.addi %mul3A_105, %add3A_369 : vector<16xi32>
          %add3A_371 = arith.constant 16 : i32
          %add3A_372 = vector.broadcast %add3A_371 : i32 to vector<16xi32>
          %add3A_373 = arith.addi %and3A_76, %add3A_372 : vector<16xi32>
          %add3A_374 = arith.addi %mul3A_105, %add3A_373 : vector<16xi32>
          %add3A_375 = arith.constant 16 : i32
          %add3A_376 = vector.broadcast %add3A_375 : i32 to vector<16xi32>
          %add3A_377 = arith.addi %and3A_82, %add3A_376 : vector<16xi32>
          %add3A_378 = arith.addi %mul3A_105, %add3A_377 : vector<16xi32>
          %add3A_379 = arith.constant 16 : i32
          %add3A_380 = vector.broadcast %add3A_379 : i32 to vector<16xi32>
          %add3A_381 = arith.addi %and3A_88, %add3A_380 : vector<16xi32>
          %add3A_382 = arith.addi %mul3A_105, %add3A_381 : vector<16xi32>
          %add3A_383 = arith.constant 16 : i32
          %add3A_384 = vector.broadcast %add3A_383 : i32 to vector<16xi32>
          %add3A_385 = arith.addi %and3A_94, %add3A_384 : vector<16xi32>
          %add3A_386 = arith.addi %mul3A_105, %add3A_385 : vector<16xi32>
          %add3A_387 = arith.constant 16 : i32
          %add3A_388 = vector.broadcast %add3A_387 : i32 to vector<16xi32>
          %add3A_389 = arith.addi %and3A_100, %add3A_388 : vector<16xi32>
          %add3A_390 = arith.addi %mul3A_105, %add3A_389 : vector<16xi32>
          %scan3A_391 = arith.constant 0 : i32
          %scan3A_392 = arith.constant 0 : i32
          %scan3A_393 = arith.constant 16 : i32
          %scan3A_394 = arith.addi %scan3A_392, %scan3A_393 : i32
          %scan3A_395 = arith.constant 1 : i32
          scf.for %scan3A_644 = %scan3A_392 to %scan3A_394 step %scan3A_395  : i32 {
            %mul3A_645 = arith.constant 16 : i32
            %mul3A_646 = arith.muli %scan3A_644, %mul3A_645 : i32
            %add3A_647 = vector.broadcast %mul3A_646 : i32 to vector<16xi32>
            %add3A_648 = arith.addi %iota3A, %add3A_647 : vector<16xi32>
            %mul3A_649 = arith.constant 64 : i32
            %mul3A_650 = arith.muli %mul3A_646, %mul3A_649 : i32
            %gather3A = tpu.vector_load_idx %arg5[%add3A_281, %add3A_648] : memref<64x256xf32, #tpu.memory_space<vmem>>[vector<16xi32>, vector<16xi32>], vector<16xf32>,
            %gather3A_651 = tpu.vector_load_idx %arg5[%add3A_284, %add3A_648] : memref<64x256xf32, #tpu.memory_space<vmem>>[vector<16xi32>, vector<16xi32>], vector<16xf32>,
            %gather3A_652 = tpu.vector_load_idx %arg5[%add3A_287, %add3A_648] : memref<64x256xf32, #tpu.memory_space<vmem>>[vector<16xi32>, vector<16xi32>], vector<16xf32>,
            %gather3A_653 = tpu.vector_load_idx %arg5[%add3A_290, %add3A_648] : memref<64x256xf32, #tpu.memory_space<vmem>>[vector<16xi32>, vector<16xi32>], vector<16xf32>,
            %gather3A_654 = tpu.vector_load_idx %arg5[%add3A_293, %add3A_648] : memref<64x256xf32, #tpu.memory_space<vmem>>[vector<16xi32>, vector<16xi32>], vector<16xf32>,
            %gather3A_655 = tpu.vector_load_idx %arg5[%add3A_296, %add3A_648] : memref<64x256xf32, #tpu.memory_space<vmem>>[vector<16xi32>, vector<16xi32>], vector<16xf32>,
            %gather3A_656 = tpu.vector_load_idx %arg5[%add3A_299, %add3A_648] : memref<64x256xf32, #tpu.memory_space<vmem>>[vector<16xi32>, vector<16xi32>], vector<16xf32>,
            %gather3A_657 = tpu.vector_load_idx %arg5[%add3A_302, %add3A_648] : memref<64x256xf32, #tpu.memory_space<vmem>>[vector<16xi32>, vector<16xi32>], vector<16xf32>,
            %gather3A_658 = tpu.vector_load_idx %arg5[%add3A_305, %add3A_648] : memref<64x256xf32, #tpu.memory_space<vmem>>[vector<16xi32>, vector<16xi32>], vector<16xf32>,
            %gather3A_659 = tpu.vector_load_idx %arg5[%add3A_308, %add3A_648] : memref<64x256xf32, #tpu.memory_space<vmem>>[vector<16xi32>, vector<16xi32>], vector<16xf32>,
            %gather3A_660 = tpu.vector_load_idx %arg5[%add3A_311, %add3A_648] : memref<64x256xf32, #tpu.memory_space<vmem>>[vector<16xi32>, vector<16xi32>], vector<16xf32>,
            %gather3A_661 = tpu.vector_load_idx %arg5[%add3A_314, %add3A_648] : memref<64x256xf32, #tpu.memory_space<vmem>>[vector<16xi32>, vector<16xi32>], vector<16xf32>,
            %gather3A_662 = tpu.vector_load_idx %arg5[%add3A_317, %add3A_648] : memref<64x256xf32, #tpu.memory_space<vmem>>[vector<16xi32>, vector<16xi32>], vector<16xf32>,
            %gather3A_663 = tpu.vector_load_idx %arg5[%add3A_320, %add3A_648] : memref<64x256xf32, #tpu.memory_space<vmem>>[vector<16xi32>, vector<16xi32>], vector<16xf32>,
            %gather3A_664 = tpu.vector_load_idx %arg5[%add3A_323, %add3A_648] : memref<64x256xf32, #tpu.memory_space<vmem>>[vector<16xi32>, vector<16xi32>], vector<16xf32>,
            %gather3A_665 = tpu.vector_load_idx %arg5[%add3A_326, %add3A_648] : memref<64x256xf32, #tpu.memory_space<vmem>>[vector<16xi32>, vector<16xi32>], vector<16xf32>,
            %add3A_666 = vector.broadcast %mul3A_650 : i32 to vector<16xi32>
            %add3A_667 = arith.addi %add3A_330, %add3A_666 : vector<16xi32>
            tpu.vector_store_idx %arg7[%add3A_667], %gather3A : memref<16384xf32, #tpu.memory_space<vmem>>[vector<16xi32>], vector<16xf32>,
            %add3A_668 = vector.broadcast %mul3A_650 : i32 to vector<16xi32>
            %add3A_669 = arith.addi %add3A_334, %add3A_668 : vector<16xi32>
            tpu.vector_store_idx %arg7[%add3A_669], %gather3A_651 : memref<16384xf32, #tpu.memory_space<vmem>>[vector<16xi32>], vector<16xf32>,
            %add3A_670 = vector.broadcast %mul3A_650 : i32 to vector<16xi32>
            %add3A_671 = arith.addi %add3A_338, %add3A_670 : vector<16xi32>
            tpu.vector_store_idx %arg7[%add3A_671], %gather3A_652 : memref<16384xf32, #tpu.memory_space<vmem>>[vector<16xi32>], vector<16xf32>,
            %add3A_672 = vector.broadcast %mul3A_650 : i32 to vector<16xi32>
            %add3A_673 = arith.addi %add3A_342, %add3A_672 : vector<16xi32>
            tpu.vector_store_idx %arg7[%add3A_673], %gather3A_653 : memref<16384xf32, #tpu.memory_space<vmem>>[vector<16xi32>], vector<16xf32>,
            %add3A_674 = vector.broadcast %mul3A_650 : i32 to vector<16xi32>
            %add3A_675 = arith.addi %add3A_346, %add3A_674 : vector<16xi32>
            tpu.vector_store_idx %arg7[%add3A_675], %gather3A_654 : memref<16384xf32, #tpu.memory_space<vmem>>[vector<16xi32>], vector<16xf32>,
            %add3A_676 = vector.broadcast %mul3A_650 : i32 to vector<16xi32>
            %add3A_677 = arith.addi %add3A_350, %add3A_676 : vector<16xi32>
            tpu.vector_store_idx %arg7[%add3A_677], %gather3A_655 : memref<16384xf32, #tpu.memory_space<vmem>>[vector<16xi32>], vector<16xf32>,
            %add3A_678 = vector.broadcast %mul3A_650 : i32 to vector<16xi32>
            %add3A_679 = arith.addi %add3A_354, %add3A_678 : vector<16xi32>
            tpu.vector_store_idx %arg7[%add3A_679], %gather3A_656 : memref<16384xf32, #tpu.memory_space<vmem>>[vector<16xi32>], vector<16xf32>,
            %add3A_680 = vector.broadcast %mul3A_650 : i32 to vector<16xi32>
            %add3A_681 = arith.addi %add3A_358, %add3A_680 : vector<16xi32>
            tpu.vector_store_idx %arg7[%add3A_681], %gather3A_657 : memref<16384xf32, #tpu.memory_space<vmem>>[vector<16xi32>], vector<16xf32>,
            %add3A_682 = vector.broadcast %mul3A_650 : i32 to vector<16xi32>
            %add3A_683 = arith.addi %add3A_362, %add3A_682 : vector<16xi32>
            tpu.vector_store_idx %arg7[%add3A_683], %gather3A_658 : memref<16384xf32, #tpu.memory_space<vmem>>[vector<16xi32>], vector<16xf32>,
            %add3A_684 = vector.broadcast %mul3A_650 : i32 to vector<16xi32>
            %add3A_685 = arith.addi %add3A_366, %add3A_684 : vector<16xi32>
            tpu.vector_store_idx %arg7[%add3A_685], %gather3A_659 : memref<16384xf32, #tpu.memory_space<vmem>>[vector<16xi32>], vector<16xf32>,
            %add3A_686 = vector.broadcast %mul3A_650 : i32 to vector<16xi32>
            %add3A_687 = arith.addi %add3A_370, %add3A_686 : vector<16xi32>
            tpu.vector_store_idx %arg7[%add3A_687], %gather3A_660 : memref<16384xf32, #tpu.memory_space<vmem>>[vector<16xi32>], vector<16xf32>,
            %add3A_688 = vector.broadcast %mul3A_650 : i32 to vector<16xi32>
            %add3A_689 = arith.addi %add3A_374, %add3A_688 : vector<16xi32>
            tpu.vector_store_idx %arg7[%add3A_689], %gather3A_661 : memref<16384xf32, #tpu.memory_space<vmem>>[vector<16xi32>], vector<16xf32>,
            %add3A_690 = vector.broadcast %mul3A_650 : i32 to vector<16xi32>
            %add3A_691 = arith.addi %add3A_378, %add3A_690 : vector<16xi32>
            tpu.vector_store_idx %arg7[%add3A_691], %gather3A_662 : memref<16384xf32, #tpu.memory_space<vmem>>[vector<16xi32>], vector<16xf32>,
            %add3A_692 = vector.broadcast %mul3A_650 : i32 to vector<16xi32>
            %add3A_693 = arith.addi %add3A_382, %add3A_692 : vector<16xi32>
            tpu.vector_store_idx %arg7[%add3A_693], %gather3A_663 : memref<16384xf32, #tpu.memory_space<vmem>>[vector<16xi32>], vector<16xf32>,
            %add3A_694 = vector.broadcast %mul3A_650 : i32 to vector<16xi32>
            %add3A_695 = arith.addi %add3A_386, %add3A_694 : vector<16xi32>
            tpu.vector_store_idx %arg7[%add3A_695], %gather3A_664 : memref<16384xf32, #tpu.memory_space<vmem>>[vector<16xi32>], vector<16xf32>,
            %add3A_696 = vector.broadcast %mul3A_650 : i32 to vector<16xi32>
            %add3A_697 = arith.addi %add3A_390, %add3A_696 : vector<16xi32>
            tpu.vector_store_idx %arg7[%add3A_697], %gather3A_665 : memref<16384xf32, #tpu.memory_space<vmem>>[vector<16xi32>], vector<16xf32>,
          }
          %scan3A_396 = arith.constant 16 : i32
          %add3A_397 = arith.constant 32 : i32
          %add3A_398 = vector.broadcast %add3A_397 : i32 to vector<16xi32>
          %add3A_399 = arith.addi %and3A_10, %add3A_398 : vector<16xi32>
          %add3A_400 = arith.constant 32 : i32
          %add3A_401 = vector.broadcast %add3A_400 : i32 to vector<16xi32>
          %add3A_402 = arith.addi %and3A_16, %add3A_401 : vector<16xi32>
          %add3A_403 = arith.constant 32 : i32
          %add3A_404 = vector.broadcast %add3A_403 : i32 to vector<16xi32>
          %add3A_405 = arith.addi %and3A_22, %add3A_404 : vector<16xi32>
          %add3A_406 = arith.constant 32 : i32
          %add3A_407 = vector.broadcast %add3A_406 : i32 to vector<16xi32>
          %add3A_408 = arith.addi %and3A_28, %add3A_407 : vector<16xi32>
          %add3A_409 = arith.constant 32 : i32
          %add3A_410 = vector.broadcast %add3A_409 : i32 to vector<16xi32>
          %add3A_411 = arith.addi %and3A_34, %add3A_410 : vector<16xi32>
          %add3A_412 = arith.constant 32 : i32
          %add3A_413 = vector.broadcast %add3A_412 : i32 to vector<16xi32>
          %add3A_414 = arith.addi %and3A_40, %add3A_413 : vector<16xi32>
          %add3A_415 = arith.constant 32 : i32
          %add3A_416 = vector.broadcast %add3A_415 : i32 to vector<16xi32>
          %add3A_417 = arith.addi %and3A_46, %add3A_416 : vector<16xi32>
          %add3A_418 = arith.constant 32 : i32
          %add3A_419 = vector.broadcast %add3A_418 : i32 to vector<16xi32>
          %add3A_420 = arith.addi %and3A_52, %add3A_419 : vector<16xi32>
          %add3A_421 = arith.constant 32 : i32
          %add3A_422 = vector.broadcast %add3A_421 : i32 to vector<16xi32>
          %add3A_423 = arith.addi %and3A_58, %add3A_422 : vector<16xi32>
          %add3A_424 = arith.constant 32 : i32
          %add3A_425 = vector.broadcast %add3A_424 : i32 to vector<16xi32>
          %add3A_426 = arith.addi %and3A_64, %add3A_425 : vector<16xi32>
          %add3A_427 = arith.constant 32 : i32
          %add3A_428 = vector.broadcast %add3A_427 : i32 to vector<16xi32>
          %add3A_429 = arith.addi %and3A_70, %add3A_428 : vector<16xi32>
          %add3A_430 = arith.constant 32 : i32
          %add3A_431 = vector.broadcast %add3A_430 : i32 to vector<16xi32>
          %add3A_432 = arith.addi %and3A_76, %add3A_431 : vector<16xi32>
          %add3A_433 = arith.constant 32 : i32
          %add3A_434 = vector.broadcast %add3A_433 : i32 to vector<16xi32>
          %add3A_435 = arith.addi %and3A_82, %add3A_434 : vector<16xi32>
          %add3A_436 = arith.constant 32 : i32
          %add3A_437 = vector.broadcast %add3A_436 : i32 to vector<16xi32>
          %add3A_438 = arith.addi %and3A_88, %add3A_437 : vector<16xi32>
          %add3A_439 = arith.constant 32 : i32
          %add3A_440 = vector.broadcast %add3A_439 : i32 to vector<16xi32>
          %add3A_441 = arith.addi %and3A_94, %add3A_440 : vector<16xi32>
          %add3A_442 = arith.constant 32 : i32
          %add3A_443 = vector.broadcast %add3A_442 : i32 to vector<16xi32>
          %add3A_444 = arith.addi %and3A_100, %add3A_443 : vector<16xi32>
          %add3A_445 = arith.constant 32 : i32
          %add3A_446 = vector.broadcast %add3A_445 : i32 to vector<16xi32>
          %add3A_447 = arith.addi %and3A_10, %add3A_446 : vector<16xi32>
          %add3A_448 = arith.addi %mul3A_105, %add3A_447 : vector<16xi32>
          %add3A_449 = arith.constant 32 : i32
          %add3A_450 = vector.broadcast %add3A_449 : i32 to vector<16xi32>
          %add3A_451 = arith.addi %and3A_16, %add3A_450 : vector<16xi32>
          %add3A_452 = arith.addi %mul3A_105, %add3A_451 : vector<16xi32>
          %add3A_453 = arith.constant 32 : i32
          %add3A_454 = vector.broadcast %add3A_453 : i32 to vector<16xi32>
          %add3A_455 = arith.addi %and3A_22, %add3A_454 : vector<16xi32>
          %add3A_456 = arith.addi %mul3A_105, %add3A_455 : vector<16xi32>
          %add3A_457 = arith.constant 32 : i32
          %add3A_458 = vector.broadcast %add3A_457 : i32 to vector<16xi32>
          %add3A_459 = arith.addi %and3A_28, %add3A_458 : vector<16xi32>
          %add3A_460 = arith.addi %mul3A_105, %add3A_459 : vector<16xi32>
          %add3A_461 = arith.constant 32 : i32
          %add3A_462 = vector.broadcast %add3A_461 : i32 to vector<16xi32>
          %add3A_463 = arith.addi %and3A_34, %add3A_462 : vector<16xi32>
          %add3A_464 = arith.addi %mul3A_105, %add3A_463 : vector<16xi32>
          %add3A_465 = arith.constant 32 : i32
          %add3A_466 = vector.broadcast %add3A_465 : i32 to vector<16xi32>
          %add3A_467 = arith.addi %and3A_40, %add3A_466 : vector<16xi32>
          %add3A_468 = arith.addi %mul3A_105, %add3A_467 : vector<16xi32>
          %add3A_469 = arith.constant 32 : i32
          %add3A_470 = vector.broadcast %add3A_469 : i32 to vector<16xi32>
          %add3A_471 = arith.addi %and3A_46, %add3A_470 : vector<16xi32>
          %add3A_472 = arith.addi %mul3A_105, %add3A_471 : vector<16xi32>
          %add3A_473 = arith.constant 32 : i32
          %add3A_474 = vector.broadcast %add3A_473 : i32 to vector<16xi32>
          %add3A_475 = arith.addi %and3A_52, %add3A_474 : vector<16xi32>
          %add3A_476 = arith.addi %mul3A_105, %add3A_475 : vector<16xi32>
          %add3A_477 = arith.constant 32 : i32
          %add3A_478 = vector.broadcast %add3A_477 : i32 to vector<16xi32>
          %add3A_479 = arith.addi %and3A_58, %add3A_478 : vector<16xi32>
          %add3A_480 = arith.addi %mul3A_105, %add3A_479 : vector<16xi32>
          %add3A_481 = arith.constant 32 : i32
          %add3A_482 = vector.broadcast %add3A_481 : i32 to vector<16xi32>
          %add3A_483 = arith.addi %and3A_64, %add3A_482 : vector<16xi32>
          %add3A_484 = arith.addi %mul3A_105, %add3A_483 : vector<16xi32>
          %add3A_485 = arith.constant 32 : i32
          %add3A_486 = vector.broadcast %add3A_485 : i32 to vector<16xi32>
          %add3A_487 = arith.addi %and3A_70, %add3A_486 : vector<16xi32>
          %add3A_488 = arith.addi %mul3A_105, %add3A_487 : vector<16xi32>
          %add3A_489 = arith.constant 32 : i32
          %add3A_490 = vector.broadcast %add3A_489 : i32 to vector<16xi32>
          %add3A_491 = arith.addi %and3A_76, %add3A_490 : vector<16xi32>
          %add3A_492 = arith.addi %mul3A_105, %add3A_491 : vector<16xi32>
          %add3A_493 = arith.constant 32 : i32
          %add3A_494 = vector.broadcast %add3A_493 : i32 to vector<16xi32>
          %add3A_495 = arith.addi %and3A_82, %add3A_494 : vector<16xi32>
          %add3A_496 = arith.addi %mul3A_105, %add3A_495 : vector<16xi32>
          %add3A_497 = arith.constant 32 : i32
          %add3A_498 = vector.broadcast %add3A_497 : i32 to vector<16xi32>
          %add3A_499 = arith.addi %and3A_88, %add3A_498 : vector<16xi32>
          %add3A_500 = arith.addi %mul3A_105, %add3A_499 : vector<16xi32>
          %add3A_501 = arith.constant 32 : i32
          %add3A_502 = vector.broadcast %add3A_501 : i32 to vector<16xi32>
          %add3A_503 = arith.addi %and3A_94, %add3A_502 : vector<16xi32>
          %add3A_504 = arith.addi %mul3A_105, %add3A_503 : vector<16xi32>
          %add3A_505 = arith.constant 32 : i32
          %add3A_506 = vector.broadcast %add3A_505 : i32 to vector<16xi32>
          %add3A_507 = arith.addi %and3A_100, %add3A_506 : vector<16xi32>
          %add3A_508 = arith.addi %mul3A_105, %add3A_507 : vector<16xi32>
          %scan3A_509 = arith.constant 0 : i32
          %scan3A_510 = arith.constant 0 : i32
          %scan3A_511 = arith.constant 16 : i32
          %scan3A_512 = arith.addi %scan3A_510, %scan3A_511 : i32
          %scan3A_513 = arith.constant 1 : i32
          scf.for %scan3A_644 = %scan3A_510 to %scan3A_512 step %scan3A_513  : i32 {
            %mul3A_645 = arith.constant 16 : i32
            %mul3A_646 = arith.muli %scan3A_644, %mul3A_645 : i32
            %add3A_647 = vector.broadcast %mul3A_646 : i32 to vector<16xi32>
            %add3A_648 = arith.addi %iota3A, %add3A_647 : vector<16xi32>
            %mul3A_649 = arith.constant 64 : i32
            %mul3A_650 = arith.muli %mul3A_646, %mul3A_649 : i32
            %gather3A = tpu.vector_load_idx %arg5[%add3A_399, %add3A_648] : memref<64x256xf32, #tpu.memory_space<vmem>>[vector<16xi32>, vector<16xi32>], vector<16xf32>,
            %gather3A_651 = tpu.vector_load_idx %arg5[%add3A_402, %add3A_648] : memref<64x256xf32, #tpu.memory_space<vmem>>[vector<16xi32>, vector<16xi32>], vector<16xf32>,
            %gather3A_652 = tpu.vector_load_idx %arg5[%add3A_405, %add3A_648] : memref<64x256xf32, #tpu.memory_space<vmem>>[vector<16xi32>, vector<16xi32>], vector<16xf32>,
            %gather3A_653 = tpu.vector_load_idx %arg5[%add3A_408, %add3A_648] : memref<64x256xf32, #tpu.memory_space<vmem>>[vector<16xi32>, vector<16xi32>], vector<16xf32>,
            %gather3A_654 = tpu.vector_load_idx %arg5[%add3A_411, %add3A_648] : memref<64x256xf32, #tpu.memory_space<vmem>>[vector<16xi32>, vector<16xi32>], vector<16xf32>,
            %gather3A_655 = tpu.vector_load_idx %arg5[%add3A_414, %add3A_648] : memref<64x256xf32, #tpu.memory_space<vmem>>[vector<16xi32>, vector<16xi32>], vector<16xf32>,
            %gather3A_656 = tpu.vector_load_idx %arg5[%add3A_417, %add3A_648] : memref<64x256xf32, #tpu.memory_space<vmem>>[vector<16xi32>, vector<16xi32>], vector<16xf32>,
            %gather3A_657 = tpu.vector_load_idx %arg5[%add3A_420, %add3A_648] : memref<64x256xf32, #tpu.memory_space<vmem>>[vector<16xi32>, vector<16xi32>], vector<16xf32>,
            %gather3A_658 = tpu.vector_load_idx %arg5[%add3A_423, %add3A_648] : memref<64x256xf32, #tpu.memory_space<vmem>>[vector<16xi32>, vector<16xi32>], vector<16xf32>,
            %gather3A_659 = tpu.vector_load_idx %arg5[%add3A_426, %add3A_648] : memref<64x256xf32, #tpu.memory_space<vmem>>[vector<16xi32>, vector<16xi32>], vector<16xf32>,
            %gather3A_660 = tpu.vector_load_idx %arg5[%add3A_429, %add3A_648] : memref<64x256xf32, #tpu.memory_space<vmem>>[vector<16xi32>, vector<16xi32>], vector<16xf32>,
            %gather3A_661 = tpu.vector_load_idx %arg5[%add3A_432, %add3A_648] : memref<64x256xf32, #tpu.memory_space<vmem>>[vector<16xi32>, vector<16xi32>], vector<16xf32>,
            %gather3A_662 = tpu.vector_load_idx %arg5[%add3A_435, %add3A_648] : memref<64x256xf32, #tpu.memory_space<vmem>>[vector<16xi32>, vector<16xi32>], vector<16xf32>,
            %gather3A_663 = tpu.vector_load_idx %arg5[%add3A_438, %add3A_648] : memref<64x256xf32, #tpu.memory_space<vmem>>[vector<16xi32>, vector<16xi32>], vector<16xf32>,
            %gather3A_664 = tpu.vector_load_idx %arg5[%add3A_441, %add3A_648] : memref<64x256xf32, #tpu.memory_space<vmem>>[vector<16xi32>, vector<16xi32>], vector<16xf32>,
            %gather3A_665 = tpu.vector_load_idx %arg5[%add3A_444, %add3A_648] : memref<64x256xf32, #tpu.memory_space<vmem>>[vector<16xi32>, vector<16xi32>], vector<16xf32>,
            %add3A_666 = vector.broadcast %mul3A_650 : i32 to vector<16xi32>
            %add3A_667 = arith.addi %add3A_448, %add3A_666 : vector<16xi32>
            tpu.vector_store_idx %arg7[%add3A_667], %gather3A : memref<16384xf32, #tpu.memory_space<vmem>>[vector<16xi32>], vector<16xf32>,
            %add3A_668 = vector.broadcast %mul3A_650 : i32 to vector<16xi32>
            %add3A_669 = arith.addi %add3A_452, %add3A_668 : vector<16xi32>
            tpu.vector_store_idx %arg7[%add3A_669], %gather3A_651 : memref<16384xf32, #tpu.memory_space<vmem>>[vector<16xi32>], vector<16xf32>,
            %add3A_670 = vector.broadcast %mul3A_650 : i32 to vector<16xi32>
            %add3A_671 = arith.addi %add3A_456, %add3A_670 : vector<16xi32>
            tpu.vector_store_idx %arg7[%add3A_671], %gather3A_652 : memref<16384xf32, #tpu.memory_space<vmem>>[vector<16xi32>], vector<16xf32>,
            %add3A_672 = vector.broadcast %mul3A_650 : i32 to vector<16xi32>
            %add3A_673 = arith.addi %add3A_460, %add3A_672 : vector<16xi32>
            tpu.vector_store_idx %arg7[%add3A_673], %gather3A_653 : memref<16384xf32, #tpu.memory_space<vmem>>[vector<16xi32>], vector<16xf32>,
            %add3A_674 = vector.broadcast %mul3A_650 : i32 to vector<16xi32>
            %add3A_675 = arith.addi %add3A_464, %add3A_674 : vector<16xi32>
            tpu.vector_store_idx %arg7[%add3A_675], %gather3A_654 : memref<16384xf32, #tpu.memory_space<vmem>>[vector<16xi32>], vector<16xf32>,
            %add3A_676 = vector.broadcast %mul3A_650 : i32 to vector<16xi32>
            %add3A_677 = arith.addi %add3A_468, %add3A_676 : vector<16xi32>
            tpu.vector_store_idx %arg7[%add3A_677], %gather3A_655 : memref<16384xf32, #tpu.memory_space<vmem>>[vector<16xi32>], vector<16xf32>,
            %add3A_678 = vector.broadcast %mul3A_650 : i32 to vector<16xi32>
            %add3A_679 = arith.addi %add3A_472, %add3A_678 : vector<16xi32>
            tpu.vector_store_idx %arg7[%add3A_679], %gather3A_656 : memref<16384xf32, #tpu.memory_space<vmem>>[vector<16xi32>], vector<16xf32>,
            %add3A_680 = vector.broadcast %mul3A_650 : i32 to vector<16xi32>
            %add3A_681 = arith.addi %add3A_476, %add3A_680 : vector<16xi32>
            tpu.vector_store_idx %arg7[%add3A_681], %gather3A_657 : memref<16384xf32, #tpu.memory_space<vmem>>[vector<16xi32>], vector<16xf32>,
            %add3A_682 = vector.broadcast %mul3A_650 : i32 to vector<16xi32>
            %add3A_683 = arith.addi %add3A_480, %add3A_682 : vector<16xi32>
            tpu.vector_store_idx %arg7[%add3A_683], %gather3A_658 : memref<16384xf32, #tpu.memory_space<vmem>>[vector<16xi32>], vector<16xf32>,
            %add3A_684 = vector.broadcast %mul3A_650 : i32 to vector<16xi32>
            %add3A_685 = arith.addi %add3A_484, %add3A_684 : vector<16xi32>
            tpu.vector_store_idx %arg7[%add3A_685], %gather3A_659 : memref<16384xf32, #tpu.memory_space<vmem>>[vector<16xi32>], vector<16xf32>,
            %add3A_686 = vector.broadcast %mul3A_650 : i32 to vector<16xi32>
            %add3A_687 = arith.addi %add3A_488, %add3A_686 : vector<16xi32>
            tpu.vector_store_idx %arg7[%add3A_687], %gather3A_660 : memref<16384xf32, #tpu.memory_space<vmem>>[vector<16xi32>], vector<16xf32>,
            %add3A_688 = vector.broadcast %mul3A_650 : i32 to vector<16xi32>
            %add3A_689 = arith.addi %add3A_492, %add3A_688 : vector<16xi32>
            tpu.vector_store_idx %arg7[%add3A_689], %gather3A_661 : memref<16384xf32, #tpu.memory_space<vmem>>[vector<16xi32>], vector<16xf32>,
            %add3A_690 = vector.broadcast %mul3A_650 : i32 to vector<16xi32>
            %add3A_691 = arith.addi %add3A_496, %add3A_690 : vector<16xi32>
            tpu.vector_store_idx %arg7[%add3A_691], %gather3A_662 : memref<16384xf32, #tpu.memory_space<vmem>>[vector<16xi32>], vector<16xf32>,
            %add3A_692 = vector.broadcast %mul3A_650 : i32 to vector<16xi32>
            %add3A_693 = arith.addi %add3A_500, %add3A_692 : vector<16xi32>
            tpu.vector_store_idx %arg7[%add3A_693], %gather3A_663 : memref<16384xf32, #tpu.memory_space<vmem>>[vector<16xi32>], vector<16xf32>,
            %add3A_694 = vector.broadcast %mul3A_650 : i32 to vector<16xi32>
            %add3A_695 = arith.addi %add3A_504, %add3A_694 : vector<16xi32>
            tpu.vector_store_idx %arg7[%add3A_695], %gather3A_664 : memref<16384xf32, #tpu.memory_space<vmem>>[vector<16xi32>], vector<16xf32>,
            %add3A_696 = vector.broadcast %mul3A_650 : i32 to vector<16xi32>
            %add3A_697 = arith.addi %add3A_508, %add3A_696 : vector<16xi32>
            tpu.vector_store_idx %arg7[%add3A_697], %gather3A_665 : memref<16384xf32, #tpu.memory_space<vmem>>[vector<16xi32>], vector<16xf32>,
          }
          %scan3A_514 = arith.constant 16 : i32
          %add3A_515 = arith.constant 48 : i32
          %add3A_516 = vector.broadcast %add3A_515 : i32 to vector<16xi32>
          %add3A_517 = arith.addi %and3A_10, %add3A_516 : vector<16xi32>
          %add3A_518 = arith.constant 48 : i32
          %add3A_519 = vector.broadcast %add3A_518 : i32 to vector<16xi32>
          %add3A_520 = arith.addi %and3A_16, %add3A_519 : vector<16xi32>
          %add3A_521 = arith.constant 48 : i32
          %add3A_522 = vector.broadcast %add3A_521 : i32 to vector<16xi32>
          %add3A_523 = arith.addi %and3A_22, %add3A_522 : vector<16xi32>
          %add3A_524 = arith.constant 48 : i32
          %add3A_525 = vector.broadcast %add3A_524 : i32 to vector<16xi32>
          %add3A_526 = arith.addi %and3A_28, %add3A_525 : vector<16xi32>
          %add3A_527 = arith.constant 48 : i32
          %add3A_528 = vector.broadcast %add3A_527 : i32 to vector<16xi32>
          %add3A_529 = arith.addi %and3A_34, %add3A_528 : vector<16xi32>
          %add3A_530 = arith.constant 48 : i32
          %add3A_531 = vector.broadcast %add3A_530 : i32 to vector<16xi32>
          %add3A_532 = arith.addi %and3A_40, %add3A_531 : vector<16xi32>
          %add3A_533 = arith.constant 48 : i32
          %add3A_534 = vector.broadcast %add3A_533 : i32 to vector<16xi32>
          %add3A_535 = arith.addi %and3A_46, %add3A_534 : vector<16xi32>
          %add3A_536 = arith.constant 48 : i32
          %add3A_537 = vector.broadcast %add3A_536 : i32 to vector<16xi32>
          %add3A_538 = arith.addi %and3A_52, %add3A_537 : vector<16xi32>
          %add3A_539 = arith.constant 48 : i32
          %add3A_540 = vector.broadcast %add3A_539 : i32 to vector<16xi32>
          %add3A_541 = arith.addi %and3A_58, %add3A_540 : vector<16xi32>
          %add3A_542 = arith.constant 48 : i32
          %add3A_543 = vector.broadcast %add3A_542 : i32 to vector<16xi32>
          %add3A_544 = arith.addi %and3A_64, %add3A_543 : vector<16xi32>
          %add3A_545 = arith.constant 48 : i32
          %add3A_546 = vector.broadcast %add3A_545 : i32 to vector<16xi32>
          %add3A_547 = arith.addi %and3A_70, %add3A_546 : vector<16xi32>
          %add3A_548 = arith.constant 48 : i32
          %add3A_549 = vector.broadcast %add3A_548 : i32 to vector<16xi32>
          %add3A_550 = arith.addi %and3A_76, %add3A_549 : vector<16xi32>
          %add3A_551 = arith.constant 48 : i32
          %add3A_552 = vector.broadcast %add3A_551 : i32 to vector<16xi32>
          %add3A_553 = arith.addi %and3A_82, %add3A_552 : vector<16xi32>
          %add3A_554 = arith.constant 48 : i32
          %add3A_555 = vector.broadcast %add3A_554 : i32 to vector<16xi32>
          %add3A_556 = arith.addi %and3A_88, %add3A_555 : vector<16xi32>
          %add3A_557 = arith.constant 48 : i32
          %add3A_558 = vector.broadcast %add3A_557 : i32 to vector<16xi32>
          %add3A_559 = arith.addi %and3A_94, %add3A_558 : vector<16xi32>
          %add3A_560 = arith.constant 48 : i32
          %add3A_561 = vector.broadcast %add3A_560 : i32 to vector<16xi32>
          %add3A_562 = arith.addi %and3A_100, %add3A_561 : vector<16xi32>
          %add3A_563 = arith.constant 48 : i32
          %add3A_564 = vector.broadcast %add3A_563 : i32 to vector<16xi32>
          %add3A_565 = arith.addi %and3A_10, %add3A_564 : vector<16xi32>
          %add3A_566 = arith.addi %mul3A_105, %add3A_565 : vector<16xi32>
          %add3A_567 = arith.constant 48 : i32
          %add3A_568 = vector.broadcast %add3A_567 : i32 to vector<16xi32>
          %add3A_569 = arith.addi %and3A_16, %add3A_568 : vector<16xi32>
          %add3A_570 = arith.addi %mul3A_105, %add3A_569 : vector<16xi32>
          %add3A_571 = arith.constant 48 : i32
          %add3A_572 = vector.broadcast %add3A_571 : i32 to vector<16xi32>
          %add3A_573 = arith.addi %and3A_22, %add3A_572 : vector<16xi32>
          %add3A_574 = arith.addi %mul3A_105, %add3A_573 : vector<16xi32>
          %add3A_575 = arith.constant 48 : i32
          %add3A_576 = vector.broadcast %add3A_575 : i32 to vector<16xi32>
          %add3A_577 = arith.addi %and3A_28, %add3A_576 : vector<16xi32>
          %add3A_578 = arith.addi %mul3A_105, %add3A_577 : vector<16xi32>
          %add3A_579 = arith.constant 48 : i32
          %add3A_580 = vector.broadcast %add3A_579 : i32 to vector<16xi32>
          %add3A_581 = arith.addi %and3A_34, %add3A_580 : vector<16xi32>
          %add3A_582 = arith.addi %mul3A_105, %add3A_581 : vector<16xi32>
          %add3A_583 = arith.constant 48 : i32
          %add3A_584 = vector.broadcast %add3A_583 : i32 to vector<16xi32>
          %add3A_585 = arith.addi %and3A_40, %add3A_584 : vector<16xi32>
          %add3A_586 = arith.addi %mul3A_105, %add3A_585 : vector<16xi32>
          %add3A_587 = arith.constant 48 : i32
          %add3A_588 = vector.broadcast %add3A_587 : i32 to vector<16xi32>
          %add3A_589 = arith.addi %and3A_46, %add3A_588 : vector<16xi32>
          %add3A_590 = arith.addi %mul3A_105, %add3A_589 : vector<16xi32>
          %add3A_591 = arith.constant 48 : i32
          %add3A_592 = vector.broadcast %add3A_591 : i32 to vector<16xi32>
          %add3A_593 = arith.addi %and3A_52, %add3A_592 : vector<16xi32>
          %add3A_594 = arith.addi %mul3A_105, %add3A_593 : vector<16xi32>
          %add3A_595 = arith.constant 48 : i32
          %add3A_596 = vector.broadcast %add3A_595 : i32 to vector<16xi32>
          %add3A_597 = arith.addi %and3A_58, %add3A_596 : vector<16xi32>
          %add3A_598 = arith.addi %mul3A_105, %add3A_597 : vector<16xi32>
          %add3A_599 = arith.constant 48 : i32
          %add3A_600 = vector.broadcast %add3A_599 : i32 to vector<16xi32>
          %add3A_601 = arith.addi %and3A_64, %add3A_600 : vector<16xi32>
          %add3A_602 = arith.addi %mul3A_105, %add3A_601 : vector<16xi32>
          %add3A_603 = arith.constant 48 : i32
          %add3A_604 = vector.broadcast %add3A_603 : i32 to vector<16xi32>
          %add3A_605 = arith.addi %and3A_70, %add3A_604 : vector<16xi32>
          %add3A_606 = arith.addi %mul3A_105, %add3A_605 : vector<16xi32>
          %add3A_607 = arith.constant 48 : i32
          %add3A_608 = vector.broadcast %add3A_607 : i32 to vector<16xi32>
          %add3A_609 = arith.addi %and3A_76, %add3A_608 : vector<16xi32>
          %add3A_610 = arith.addi %mul3A_105, %add3A_609 : vector<16xi32>
          %add3A_611 = arith.constant 48 : i32
          %add3A_612 = vector.broadcast %add3A_611 : i32 to vector<16xi32>
          %add3A_613 = arith.addi %and3A_82, %add3A_612 : vector<16xi32>
          %add3A_614 = arith.addi %mul3A_105, %add3A_613 : vector<16xi32>
          %add3A_615 = arith.constant 48 : i32
          %add3A_616 = vector.broadcast %add3A_615 : i32 to vector<16xi32>
          %add3A_617 = arith.addi %and3A_88, %add3A_616 : vector<16xi32>
          %add3A_618 = arith.addi %mul3A_105, %add3A_617 : vector<16xi32>
          %add3A_619 = arith.constant 48 : i32
          %add3A_620 = vector.broadcast %add3A_619 : i32 to vector<16xi32>
          %add3A_621 = arith.addi %and3A_94, %add3A_620 : vector<16xi32>
          %add3A_622 = arith.addi %mul3A_105, %add3A_621 : vector<16xi32>
          %add3A_623 = arith.constant 48 : i32
          %add3A_624 = vector.broadcast %add3A_623 : i32 to vector<16xi32>
          %add3A_625 = arith.addi %and3A_100, %add3A_624 : vector<16xi32>
          %add3A_626 = arith.addi %mul3A_105, %add3A_625 : vector<16xi32>
          %scan3A_627 = arith.constant 0 : i32
          %scan3A_628 = arith.constant 0 : i32
          %scan3A_629 = arith.constant 16 : i32
          %scan3A_630 = arith.addi %scan3A_628, %scan3A_629 : i32
          %scan3A_631 = arith.constant 1 : i32
          scf.for %scan3A_644 = %scan3A_628 to %scan3A_630 step %scan3A_631  : i32 {
            %mul3A_645 = arith.constant 16 : i32
            %mul3A_646 = arith.muli %scan3A_644, %mul3A_645 : i32
            %add3A_647 = vector.broadcast %mul3A_646 : i32 to vector<16xi32>
            %add3A_648 = arith.addi %iota3A, %add3A_647 : vector<16xi32>
            %mul3A_649 = arith.constant 64 : i32
            %mul3A_650 = arith.muli %mul3A_646, %mul3A_649 : i32
            %gather3A = tpu.vector_load_idx %arg5[%add3A_517, %add3A_648] : memref<64x256xf32, #tpu.memory_space<vmem>>[vector<16xi32>, vector<16xi32>], vector<16xf32>,
            %gather3A_651 = tpu.vector_load_idx %arg5[%add3A_520, %add3A_648] : memref<64x256xf32, #tpu.memory_space<vmem>>[vector<16xi32>, vector<16xi32>], vector<16xf32>,
            %gather3A_652 = tpu.vector_load_idx %arg5[%add3A_523, %add3A_648] : memref<64x256xf32, #tpu.memory_space<vmem>>[vector<16xi32>, vector<16xi32>], vector<16xf32>,
            %gather3A_653 = tpu.vector_load_idx %arg5[%add3A_526, %add3A_648] : memref<64x256xf32, #tpu.memory_space<vmem>>[vector<16xi32>, vector<16xi32>], vector<16xf32>,
            %gather3A_654 = tpu.vector_load_idx %arg5[%add3A_529, %add3A_648] : memref<64x256xf32, #tpu.memory_space<vmem>>[vector<16xi32>, vector<16xi32>], vector<16xf32>,
            %gather3A_655 = tpu.vector_load_idx %arg5[%add3A_532, %add3A_648] : memref<64x256xf32, #tpu.memory_space<vmem>>[vector<16xi32>, vector<16xi32>], vector<16xf32>,
            %gather3A_656 = tpu.vector_load_idx %arg5[%add3A_535, %add3A_648] : memref<64x256xf32, #tpu.memory_space<vmem>>[vector<16xi32>, vector<16xi32>], vector<16xf32>,
            %gather3A_657 = tpu.vector_load_idx %arg5[%add3A_538, %add3A_648] : memref<64x256xf32, #tpu.memory_space<vmem>>[vector<16xi32>, vector<16xi32>], vector<16xf32>,
            %gather3A_658 = tpu.vector_load_idx %arg5[%add3A_541, %add3A_648] : memref<64x256xf32, #tpu.memory_space<vmem>>[vector<16xi32>, vector<16xi32>], vector<16xf32>,
            %gather3A_659 = tpu.vector_load_idx %arg5[%add3A_544, %add3A_648] : memref<64x256xf32, #tpu.memory_space<vmem>>[vector<16xi32>, vector<16xi32>], vector<16xf32>,
            %gather3A_660 = tpu.vector_load_idx %arg5[%add3A_547, %add3A_648] : memref<64x256xf32, #tpu.memory_space<vmem>>[vector<16xi32>, vector<16xi32>], vector<16xf32>,
            %gather3A_661 = tpu.vector_load_idx %arg5[%add3A_550, %add3A_648] : memref<64x256xf32, #tpu.memory_space<vmem>>[vector<16xi32>, vector<16xi32>], vector<16xf32>,
            %gather3A_662 = tpu.vector_load_idx %arg5[%add3A_553, %add3A_648] : memref<64x256xf32, #tpu.memory_space<vmem>>[vector<16xi32>, vector<16xi32>], vector<16xf32>,
            %gather3A_663 = tpu.vector_load_idx %arg5[%add3A_556, %add3A_648] : memref<64x256xf32, #tpu.memory_space<vmem>>[vector<16xi32>, vector<16xi32>], vector<16xf32>,
            %gather3A_664 = tpu.vector_load_idx %arg5[%add3A_559, %add3A_648] : memref<64x256xf32, #tpu.memory_space<vmem>>[vector<16xi32>, vector<16xi32>], vector<16xf32>,
            %gather3A_665 = tpu.vector_load_idx %arg5[%add3A_562, %add3A_648] : memref<64x256xf32, #tpu.memory_space<vmem>>[vector<16xi32>, vector<16xi32>], vector<16xf32>,
            %add3A_666 = vector.broadcast %mul3A_650 : i32 to vector<16xi32>
            %add3A_667 = arith.addi %add3A_566, %add3A_666 : vector<16xi32>
            tpu.vector_store_idx %arg7[%add3A_667], %gather3A : memref<16384xf32, #tpu.memory_space<vmem>>[vector<16xi32>], vector<16xf32>,
            %add3A_668 = vector.broadcast %mul3A_650 : i32 to vector<16xi32>
            %add3A_669 = arith.addi %add3A_570, %add3A_668 : vector<16xi32>
            tpu.vector_store_idx %arg7[%add3A_669], %gather3A_651 : memref<16384xf32, #tpu.memory_space<vmem>>[vector<16xi32>], vector<16xf32>,
            %add3A_670 = vector.broadcast %mul3A_650 : i32 to vector<16xi32>
            %add3A_671 = arith.addi %add3A_574, %add3A_670 : vector<16xi32>
            tpu.vector_store_idx %arg7[%add3A_671], %gather3A_652 : memref<16384xf32, #tpu.memory_space<vmem>>[vector<16xi32>], vector<16xf32>,
            %add3A_672 = vector.broadcast %mul3A_650 : i32 to vector<16xi32>
            %add3A_673 = arith.addi %add3A_578, %add3A_672 : vector<16xi32>
            tpu.vector_store_idx %arg7[%add3A_673], %gather3A_653 : memref<16384xf32, #tpu.memory_space<vmem>>[vector<16xi32>], vector<16xf32>,
            %add3A_674 = vector.broadcast %mul3A_650 : i32 to vector<16xi32>
            %add3A_675 = arith.addi %add3A_582, %add3A_674 : vector<16xi32>
            tpu.vector_store_idx %arg7[%add3A_675], %gather3A_654 : memref<16384xf32, #tpu.memory_space<vmem>>[vector<16xi32>], vector<16xf32>,
            %add3A_676 = vector.broadcast %mul3A_650 : i32 to vector<16xi32>
            %add3A_677 = arith.addi %add3A_586, %add3A_676 : vector<16xi32>
            tpu.vector_store_idx %arg7[%add3A_677], %gather3A_655 : memref<16384xf32, #tpu.memory_space<vmem>>[vector<16xi32>], vector<16xf32>,
            %add3A_678 = vector.broadcast %mul3A_650 : i32 to vector<16xi32>
            %add3A_679 = arith.addi %add3A_590, %add3A_678 : vector<16xi32>
            tpu.vector_store_idx %arg7[%add3A_679], %gather3A_656 : memref<16384xf32, #tpu.memory_space<vmem>>[vector<16xi32>], vector<16xf32>,
            %add3A_680 = vector.broadcast %mul3A_650 : i32 to vector<16xi32>
            %add3A_681 = arith.addi %add3A_594, %add3A_680 : vector<16xi32>
            tpu.vector_store_idx %arg7[%add3A_681], %gather3A_657 : memref<16384xf32, #tpu.memory_space<vmem>>[vector<16xi32>], vector<16xf32>,
            %add3A_682 = vector.broadcast %mul3A_650 : i32 to vector<16xi32>
            %add3A_683 = arith.addi %add3A_598, %add3A_682 : vector<16xi32>
            tpu.vector_store_idx %arg7[%add3A_683], %gather3A_658 : memref<16384xf32, #tpu.memory_space<vmem>>[vector<16xi32>], vector<16xf32>,
            %add3A_684 = vector.broadcast %mul3A_650 : i32 to vector<16xi32>
            %add3A_685 = arith.addi %add3A_602, %add3A_684 : vector<16xi32>
            tpu.vector_store_idx %arg7[%add3A_685], %gather3A_659 : memref<16384xf32, #tpu.memory_space<vmem>>[vector<16xi32>], vector<16xf32>,
            %add3A_686 = vector.broadcast %mul3A_650 : i32 to vector<16xi32>
            %add3A_687 = arith.addi %add3A_606, %add3A_686 : vector<16xi32>
            tpu.vector_store_idx %arg7[%add3A_687], %gather3A_660 : memref<16384xf32, #tpu.memory_space<vmem>>[vector<16xi32>], vector<16xf32>,
            %add3A_688 = vector.broadcast %mul3A_650 : i32 to vector<16xi32>
            %add3A_689 = arith.addi %add3A_610, %add3A_688 : vector<16xi32>
            tpu.vector_store_idx %arg7[%add3A_689], %gather3A_661 : memref<16384xf32, #tpu.memory_space<vmem>>[vector<16xi32>], vector<16xf32>,
            %add3A_690 = vector.broadcast %mul3A_650 : i32 to vector<16xi32>
            %add3A_691 = arith.addi %add3A_614, %add3A_690 : vector<16xi32>
            tpu.vector_store_idx %arg7[%add3A_691], %gather3A_662 : memref<16384xf32, #tpu.memory_space<vmem>>[vector<16xi32>], vector<16xf32>,
            %add3A_692 = vector.broadcast %mul3A_650 : i32 to vector<16xi32>
            %add3A_693 = arith.addi %add3A_618, %add3A_692 : vector<16xi32>
            tpu.vector_store_idx %arg7[%add3A_693], %gather3A_663 : memref<16384xf32, #tpu.memory_space<vmem>>[vector<16xi32>], vector<16xf32>,
            %add3A_694 = vector.broadcast %mul3A_650 : i32 to vector<16xi32>
            %add3A_695 = arith.addi %add3A_622, %add3A_694 : vector<16xi32>
            tpu.vector_store_idx %arg7[%add3A_695], %gather3A_664 : memref<16384xf32, #tpu.memory_space<vmem>>[vector<16xi32>], vector<16xf32>,
            %add3A_696 = vector.broadcast %mul3A_650 : i32 to vector<16xi32>
            %add3A_697 = arith.addi %add3A_626, %add3A_696 : vector<16xi32>
            tpu.vector_store_idx %arg7[%add3A_697], %gather3A_665 : memref<16384xf32, #tpu.memory_space<vmem>>[vector<16xi32>], vector<16xf32>,
          }
          %scan3A_632 = arith.constant 16 : i32
          %add3A_633 = arith.constant 2 : i32
          %add3A_634 = arith.addi %add3A_139, %add3A_633 : i32
          %lt3A_635 = arith.cmpi slt, %add3A_634, %min3A_5 : i32
          %convert_element_type3A_636 = arith.extui %lt3A_635 : i1 to i32
          %cond3A_637 = arith.constant 0 : i32
          %cond3A_638 = arith.cmpi ne, %convert_element_type3A_636, %cond3A_637 : i32
          scf.if %cond3A_638 {
            %add3A_644 = arith.constant 2 : i32
            %add3A_645 = arith.addi %add3A_139, %add3A_644 : i32
            %add3A_646 = arith.addi %mul3A_2, %add3A_645 : i32
            %mul3A_647 = arith.constant 256 : i32
            %mul3A_648 = arith.muli %add3A_646, %mul3A_647 : i32
            %dma_start3A_649 = arith.constant 0 : i32
            %dma_start3A_650 = tpu.memref_slice %arg2[%dma_start3A_649, %mul3A_648] : memref<64x1000000xf32, #tpu.memory_space<hbm>> -> memref<64x256xf32, #tpu.memory_space<hbm>>
            %dma_start3A_651 = arith.constant 0 : i32
            %dma_start3A_652 = tpu.memref_slice %arg2[%dma_start3A_651, %mul3A_648] : memref<64x1000000xf32, #tpu.memory_space<hbm>> -> memref<64x256xf32, #tpu.memory_space<hbm>>
            tpu.enqueue_dma source(%dma_start3A_652 : memref<64x256xf32, #tpu.memory_space<hbm>>) target(%arg5 : memref<64x256xf32, #tpu.memory_space<vmem>>) target_semaphore(%arg9 : memref<!tpu.dma_semaphore, #tpu.memory_space<semaphore_mem>>)
          } else {
          }
          %add3A_639 = arith.addi %mul3A_2, %add3A_139 : i32
          %mul3A_640 = arith.constant 16384 : i32
          %mul3A_641 = arith.muli %add3A_639, %mul3A_640 : i32
          %dma_start3A_642 = tpu.memref_slice %arg4[%mul3A_641] : memref<64000000xf32, #tpu.memory_space<hbm>> -> memref<16384xf32, #tpu.memory_space<hbm>>
          %dma_start3A_643 = tpu.memref_slice %arg4[%mul3A_641] : memref<64000000xf32, #tpu.memory_space<hbm>> -> memref<16384xf32, #tpu.memory_space<hbm>>
          tpu.enqueue_dma source(%arg7 : memref<16384xf32, #tpu.memory_space<vmem>>) target(%dma_start3A_643 : memref<16384xf32, #tpu.memory_space<hbm>>) target_semaphore(%arg11 : memref<!tpu.dma_semaphore, #tpu.memory_space<semaphore_mem>>)
        } else {
        }
        %mul3A_143 = arith.constant 2 : i32
        %mul3A_144 = arith.muli %mul3A_143, %scan3A_135 : i32
        %add3A_145 = arith.constant 1 : i32
        %add3A_146 = arith.addi %mul3A_144, %add3A_145 : i32
        %lt3A_147 = arith.cmpi slt, %add3A_146, %min3A_5 : i32
        %convert_element_type3A_148 = arith.extui %lt3A_147 : i1 to i32
        %cond3A_149 = arith.constant 0 : i32
        %cond3A_150 = arith.cmpi ne, %convert_element_type3A_148, %cond3A_149 : i32
        scf.if %cond3A_150 {
          %dma_wait3A_151 = arith.constant 0 : i32
          %dma_wait3A_152 = arith.constant 0 : i32
          %dma_wait3A_153 = tpu.memref_slice %arg2[%dma_wait3A_151, %dma_wait3A_152] : memref<64x1000000xf32, #tpu.memory_space<hbm>> -> memref<64x256xf32, #tpu.memory_space<hbm>>
          %dma_wait3A_154 = arith.constant 0 : i32
          %dma_wait3A_155 = arith.constant 0 : i32
          %dma_wait3A_156 = tpu.memref_slice %arg2[%dma_wait3A_154, %dma_wait3A_155] : memref<64x1000000xf32, #tpu.memory_space<hbm>> -> memref<64x256xf32, #tpu.memory_space<hbm>>
          tpu.wait_dma2 semaphore(%arg10 : memref<!tpu.dma_semaphore, #tpu.memory_space<semaphore_mem>>) src(%dma_wait3A_156 : memref<64x256xf32, #tpu.memory_space<hbm>>) dst(%arg6 : memref<64x256xf32, #tpu.memory_space<vmem>>)
          %ge3A = arith.constant 2 : i32
          %ge3A_157 = arith.cmpi sge, %add3A_146, %ge3A : i32
          %convert_element_type3A_158 = arith.extui %ge3A_157 : i1 to i32
          %cond3A_159 = arith.constant 0 : i32
          %cond3A_160 = arith.cmpi ne, %convert_element_type3A_158, %cond3A_159 : i32
          scf.if %cond3A_160 {
            %dma_wait3A_644 = arith.constant 0 : i32
            %dma_wait3A_645 = tpu.memref_slice %arg4[%dma_wait3A_644] : memref<64000000xf32, #tpu.memory_space<hbm>> -> memref<16384xf32, #tpu.memory_space<hbm>>
            %dma_wait3A_646 = arith.constant 0 : i32
            %dma_wait3A_647 = tpu.memref_slice %arg4[%dma_wait3A_646] : memref<64000000xf32, #tpu.memory_space<hbm>> -> memref<16384xf32, #tpu.memory_space<hbm>>
            tpu.wait_dma2 semaphore(%arg12 : memref<!tpu.dma_semaphore, #tpu.memory_space<semaphore_mem>>) src(%arg8 : memref<16384xf32, #tpu.memory_space<vmem>>) dst(%dma_wait3A_647 : memref<16384xf32, #tpu.memory_space<hbm>>)
          } else {
          }
          %add3A_161 = arith.constant 0 : i32
          %add3A_162 = vector.broadcast %add3A_161 : i32 to vector<16xi32>
          %add3A_163 = arith.addi %and3A_10, %add3A_162 : vector<16xi32>
          %add3A_164 = arith.constant 0 : i32
          %add3A_165 = vector.broadcast %add3A_164 : i32 to vector<16xi32>
          %add3A_166 = arith.addi %and3A_16, %add3A_165 : vector<16xi32>
          %add3A_167 = arith.constant 0 : i32
          %add3A_168 = vector.broadcast %add3A_167 : i32 to vector<16xi32>
          %add3A_169 = arith.addi %and3A_22, %add3A_168 : vector<16xi32>
          %add3A_170 = arith.constant 0 : i32
          %add3A_171 = vector.broadcast %add3A_170 : i32 to vector<16xi32>
          %add3A_172 = arith.addi %and3A_28, %add3A_171 : vector<16xi32>
          %add3A_173 = arith.constant 0 : i32
          %add3A_174 = vector.broadcast %add3A_173 : i32 to vector<16xi32>
          %add3A_175 = arith.addi %and3A_34, %add3A_174 : vector<16xi32>
          %add3A_176 = arith.constant 0 : i32
          %add3A_177 = vector.broadcast %add3A_176 : i32 to vector<16xi32>
          %add3A_178 = arith.addi %and3A_40, %add3A_177 : vector<16xi32>
          %add3A_179 = arith.constant 0 : i32
          %add3A_180 = vector.broadcast %add3A_179 : i32 to vector<16xi32>
          %add3A_181 = arith.addi %and3A_46, %add3A_180 : vector<16xi32>
          %add3A_182 = arith.constant 0 : i32
          %add3A_183 = vector.broadcast %add3A_182 : i32 to vector<16xi32>
          %add3A_184 = arith.addi %and3A_52, %add3A_183 : vector<16xi32>
          %add3A_185 = arith.constant 0 : i32
          %add3A_186 = vector.broadcast %add3A_185 : i32 to vector<16xi32>
          %add3A_187 = arith.addi %and3A_58, %add3A_186 : vector<16xi32>
          %add3A_188 = arith.constant 0 : i32
          %add3A_189 = vector.broadcast %add3A_188 : i32 to vector<16xi32>
          %add3A_190 = arith.addi %and3A_64, %add3A_189 : vector<16xi32>
          %add3A_191 = arith.constant 0 : i32
          %add3A_192 = vector.broadcast %add3A_191 : i32 to vector<16xi32>
          %add3A_193 = arith.addi %and3A_70, %add3A_192 : vector<16xi32>
          %add3A_194 = arith.constant 0 : i32
          %add3A_195 = vector.broadcast %add3A_194 : i32 to vector<16xi32>
          %add3A_196 = arith.addi %and3A_76, %add3A_195 : vector<16xi32>
          %add3A_197 = arith.constant 0 : i32
          %add3A_198 = vector.broadcast %add3A_197 : i32 to vector<16xi32>
          %add3A_199 = arith.addi %and3A_82, %add3A_198 : vector<16xi32>
          %add3A_200 = arith.constant 0 : i32
          %add3A_201 = vector.broadcast %add3A_200 : i32 to vector<16xi32>
          %add3A_202 = arith.addi %and3A_88, %add3A_201 : vector<16xi32>
          %add3A_203 = arith.constant 0 : i32
          %add3A_204 = vector.broadcast %add3A_203 : i32 to vector<16xi32>
          %add3A_205 = arith.addi %and3A_94, %add3A_204 : vector<16xi32>
          %add3A_206 = arith.constant 0 : i32
          %add3A_207 = vector.broadcast %add3A_206 : i32 to vector<16xi32>
          %add3A_208 = arith.addi %and3A_100, %add3A_207 : vector<16xi32>
          %add3A_209 = arith.constant 0 : i32
          %add3A_210 = vector.broadcast %add3A_209 : i32 to vector<16xi32>
          %add3A_211 = arith.addi %and3A_10, %add3A_210 : vector<16xi32>
          %add3A_212 = arith.addi %mul3A_105, %add3A_211 : vector<16xi32>
          %add3A_213 = arith.constant 0 : i32
          %add3A_214 = vector.broadcast %add3A_213 : i32 to vector<16xi32>
          %add3A_215 = arith.addi %and3A_16, %add3A_214 : vector<16xi32>
          %add3A_216 = arith.addi %mul3A_105, %add3A_215 : vector<16xi32>
          %add3A_217 = arith.constant 0 : i32
          %add3A_218 = vector.broadcast %add3A_217 : i32 to vector<16xi32>
          %add3A_219 = arith.addi %and3A_22, %add3A_218 : vector<16xi32>
          %add3A_220 = arith.addi %mul3A_105, %add3A_219 : vector<16xi32>
          %add3A_221 = arith.constant 0 : i32
          %add3A_222 = vector.broadcast %add3A_221 : i32 to vector<16xi32>
          %add3A_223 = arith.addi %and3A_28, %add3A_222 : vector<16xi32>
          %add3A_224 = arith.addi %mul3A_105, %add3A_223 : vector<16xi32>
          %add3A_225 = arith.constant 0 : i32
          %add3A_226 = vector.broadcast %add3A_225 : i32 to vector<16xi32>
          %add3A_227 = arith.addi %and3A_34, %add3A_226 : vector<16xi32>
          %add3A_228 = arith.addi %mul3A_105, %add3A_227 : vector<16xi32>
          %add3A_229 = arith.constant 0 : i32
          %add3A_230 = vector.broadcast %add3A_229 : i32 to vector<16xi32>
          %add3A_231 = arith.addi %and3A_40, %add3A_230 : vector<16xi32>
          %add3A_232 = arith.addi %mul3A_105, %add3A_231 : vector<16xi32>
          %add3A_233 = arith.constant 0 : i32
          %add3A_234 = vector.broadcast %add3A_233 : i32 to vector<16xi32>
          %add3A_235 = arith.addi %and3A_46, %add3A_234 : vector<16xi32>
          %add3A_236 = arith.addi %mul3A_105, %add3A_235 : vector<16xi32>
          %add3A_237 = arith.constant 0 : i32
          %add3A_238 = vector.broadcast %add3A_237 : i32 to vector<16xi32>
          %add3A_239 = arith.addi %and3A_52, %add3A_238 : vector<16xi32>
          %add3A_240 = arith.addi %mul3A_105, %add3A_239 : vector<16xi32>
          %add3A_241 = arith.constant 0 : i32
          %add3A_242 = vector.broadcast %add3A_241 : i32 to vector<16xi32>
          %add3A_243 = arith.addi %and3A_58, %add3A_242 : vector<16xi32>
          %add3A_244 = arith.addi %mul3A_105, %add3A_243 : vector<16xi32>
          %add3A_245 = arith.constant 0 : i32
          %add3A_246 = vector.broadcast %add3A_245 : i32 to vector<16xi32>
          %add3A_247 = arith.addi %and3A_64, %add3A_246 : vector<16xi32>
          %add3A_248 = arith.addi %mul3A_105, %add3A_247 : vector<16xi32>
          %add3A_249 = arith.constant 0 : i32
          %add3A_250 = vector.broadcast %add3A_249 : i32 to vector<16xi32>
          %add3A_251 = arith.addi %and3A_70, %add3A_250 : vector<16xi32>
          %add3A_252 = arith.addi %mul3A_105, %add3A_251 : vector<16xi32>
          %add3A_253 = arith.constant 0 : i32
          %add3A_254 = vector.broadcast %add3A_253 : i32 to vector<16xi32>
          %add3A_255 = arith.addi %and3A_76, %add3A_254 : vector<16xi32>
          %add3A_256 = arith.addi %mul3A_105, %add3A_255 : vector<16xi32>
          %add3A_257 = arith.constant 0 : i32
          %add3A_258 = vector.broadcast %add3A_257 : i32 to vector<16xi32>
          %add3A_259 = arith.addi %and3A_82, %add3A_258 : vector<16xi32>
          %add3A_260 = arith.addi %mul3A_105, %add3A_259 : vector<16xi32>
          %add3A_261 = arith.constant 0 : i32
          %add3A_262 = vector.broadcast %add3A_261 : i32 to vector<16xi32>
          %add3A_263 = arith.addi %and3A_88, %add3A_262 : vector<16xi32>
          %add3A_264 = arith.addi %mul3A_105, %add3A_263 : vector<16xi32>
          %add3A_265 = arith.constant 0 : i32
          %add3A_266 = vector.broadcast %add3A_265 : i32 to vector<16xi32>
          %add3A_267 = arith.addi %and3A_94, %add3A_266 : vector<16xi32>
          %add3A_268 = arith.addi %mul3A_105, %add3A_267 : vector<16xi32>
          %add3A_269 = arith.constant 0 : i32
          %add3A_270 = vector.broadcast %add3A_269 : i32 to vector<16xi32>
          %add3A_271 = arith.addi %and3A_100, %add3A_270 : vector<16xi32>
          %add3A_272 = arith.addi %mul3A_105, %add3A_271 : vector<16xi32>
          %scan3A_273 = arith.constant 0 : i32
          %scan3A_274 = arith.constant 0 : i32
          %scan3A_275 = arith.constant 16 : i32
          %scan3A_276 = arith.addi %scan3A_274, %scan3A_275 : i32
          %scan3A_277 = arith.constant 1 : i32
          scf.for %scan3A_644 = %scan3A_274 to %scan3A_276 step %scan3A_277  : i32 {
            %mul3A_645 = arith.constant 16 : i32
            %mul3A_646 = arith.muli %scan3A_644, %mul3A_645 : i32
            %add3A_647 = vector.broadcast %mul3A_646 : i32 to vector<16xi32>
            %add3A_648 = arith.addi %iota3A, %add3A_647 : vector<16xi32>
            %mul3A_649 = arith.constant 64 : i32
            %mul3A_650 = arith.muli %mul3A_646, %mul3A_649 : i32
            %gather3A = tpu.vector_load_idx %arg6[%add3A_163, %add3A_648] : memref<64x256xf32, #tpu.memory_space<vmem>>[vector<16xi32>, vector<16xi32>], vector<16xf32>,
            %gather3A_651 = tpu.vector_load_idx %arg6[%add3A_166, %add3A_648] : memref<64x256xf32, #tpu.memory_space<vmem>>[vector<16xi32>, vector<16xi32>], vector<16xf32>,
            %gather3A_652 = tpu.vector_load_idx %arg6[%add3A_169, %add3A_648] : memref<64x256xf32, #tpu.memory_space<vmem>>[vector<16xi32>, vector<16xi32>], vector<16xf32>,
            %gather3A_653 = tpu.vector_load_idx %arg6[%add3A_172, %add3A_648] : memref<64x256xf32, #tpu.memory_space<vmem>>[vector<16xi32>, vector<16xi32>], vector<16xf32>,
            %gather3A_654 = tpu.vector_load_idx %arg6[%add3A_175, %add3A_648] : memref<64x256xf32, #tpu.memory_space<vmem>>[vector<16xi32>, vector<16xi32>], vector<16xf32>,
            %gather3A_655 = tpu.vector_load_idx %arg6[%add3A_178, %add3A_648] : memref<64x256xf32, #tpu.memory_space<vmem>>[vector<16xi32>, vector<16xi32>], vector<16xf32>,
            %gather3A_656 = tpu.vector_load_idx %arg6[%add3A_181, %add3A_648] : memref<64x256xf32, #tpu.memory_space<vmem>>[vector<16xi32>, vector<16xi32>], vector<16xf32>,
            %gather3A_657 = tpu.vector_load_idx %arg6[%add3A_184, %add3A_648] : memref<64x256xf32, #tpu.memory_space<vmem>>[vector<16xi32>, vector<16xi32>], vector<16xf32>,
            %gather3A_658 = tpu.vector_load_idx %arg6[%add3A_187, %add3A_648] : memref<64x256xf32, #tpu.memory_space<vmem>>[vector<16xi32>, vector<16xi32>], vector<16xf32>,
            %gather3A_659 = tpu.vector_load_idx %arg6[%add3A_190, %add3A_648] : memref<64x256xf32, #tpu.memory_space<vmem>>[vector<16xi32>, vector<16xi32>], vector<16xf32>,
            %gather3A_660 = tpu.vector_load_idx %arg6[%add3A_193, %add3A_648] : memref<64x256xf32, #tpu.memory_space<vmem>>[vector<16xi32>, vector<16xi32>], vector<16xf32>,
            %gather3A_661 = tpu.vector_load_idx %arg6[%add3A_196, %add3A_648] : memref<64x256xf32, #tpu.memory_space<vmem>>[vector<16xi32>, vector<16xi32>], vector<16xf32>,
            %gather3A_662 = tpu.vector_load_idx %arg6[%add3A_199, %add3A_648] : memref<64x256xf32, #tpu.memory_space<vmem>>[vector<16xi32>, vector<16xi32>], vector<16xf32>,
            %gather3A_663 = tpu.vector_load_idx %arg6[%add3A_202, %add3A_648] : memref<64x256xf32, #tpu.memory_space<vmem>>[vector<16xi32>, vector<16xi32>], vector<16xf32>,
            %gather3A_664 = tpu.vector_load_idx %arg6[%add3A_205, %add3A_648] : memref<64x256xf32, #tpu.memory_space<vmem>>[vector<16xi32>, vector<16xi32>], vector<16xf32>,
            %gather3A_665 = tpu.vector_load_idx %arg6[%add3A_208, %add3A_648] : memref<64x256xf32, #tpu.memory_space<vmem>>[vector<16xi32>, vector<16xi32>], vector<16xf32>,
            %add3A_666 = vector.broadcast %mul3A_650 : i32 to vector<16xi32>
            %add3A_667 = arith.addi %add3A_212, %add3A_666 : vector<16xi32>
            tpu.vector_store_idx %arg8[%add3A_667], %gather3A : memref<16384xf32, #tpu.memory_space<vmem>>[vector<16xi32>], vector<16xf32>,
            %add3A_668 = vector.broadcast %mul3A_650 : i32 to vector<16xi32>
            %add3A_669 = arith.addi %add3A_216, %add3A_668 : vector<16xi32>
            tpu.vector_store_idx %arg8[%add3A_669], %gather3A_651 : memref<16384xf32, #tpu.memory_space<vmem>>[vector<16xi32>], vector<16xf32>,
            %add3A_670 = vector.broadcast %mul3A_650 : i32 to vector<16xi32>
            %add3A_671 = arith.addi %add3A_220, %add3A_670 : vector<16xi32>
            tpu.vector_store_idx %arg8[%add3A_671], %gather3A_652 : memref<16384xf32, #tpu.memory_space<vmem>>[vector<16xi32>], vector<16xf32>,
            %add3A_672 = vector.broadcast %mul3A_650 : i32 to vector<16xi32>
            %add3A_673 = arith.addi %add3A_224, %add3A_672 : vector<16xi32>
            tpu.vector_store_idx %arg8[%add3A_673], %gather3A_653 : memref<16384xf32, #tpu.memory_space<vmem>>[vector<16xi32>], vector<16xf32>,
            %add3A_674 = vector.broadcast %mul3A_650 : i32 to vector<16xi32>
            %add3A_675 = arith.addi %add3A_228, %add3A_674 : vector<16xi32>
            tpu.vector_store_idx %arg8[%add3A_675], %gather3A_654 : memref<16384xf32, #tpu.memory_space<vmem>>[vector<16xi32>], vector<16xf32>,
            %add3A_676 = vector.broadcast %mul3A_650 : i32 to vector<16xi32>
            %add3A_677 = arith.addi %add3A_232, %add3A_676 : vector<16xi32>
            tpu.vector_store_idx %arg8[%add3A_677], %gather3A_655 : memref<16384xf32, #tpu.memory_space<vmem>>[vector<16xi32>], vector<16xf32>,
            %add3A_678 = vector.broadcast %mul3A_650 : i32 to vector<16xi32>
            %add3A_679 = arith.addi %add3A_236, %add3A_678 : vector<16xi32>
            tpu.vector_store_idx %arg8[%add3A_679], %gather3A_656 : memref<16384xf32, #tpu.memory_space<vmem>>[vector<16xi32>], vector<16xf32>,
            %add3A_680 = vector.broadcast %mul3A_650 : i32 to vector<16xi32>
            %add3A_681 = arith.addi %add3A_240, %add3A_680 : vector<16xi32>
            tpu.vector_store_idx %arg8[%add3A_681], %gather3A_657 : memref<16384xf32, #tpu.memory_space<vmem>>[vector<16xi32>], vector<16xf32>,
            %add3A_682 = vector.broadcast %mul3A_650 : i32 to vector<16xi32>
            %add3A_683 = arith.addi %add3A_244, %add3A_682 : vector<16xi32>
            tpu.vector_store_idx %arg8[%add3A_683], %gather3A_658 : memref<16384xf32, #tpu.memory_space<vmem>>[vector<16xi32>], vector<16xf32>,
            %add3A_684 = vector.broadcast %mul3A_650 : i32 to vector<16xi32>
            %add3A_685 = arith.addi %add3A_248, %add3A_684 : vector<16xi32>
            tpu.vector_store_idx %arg8[%add3A_685], %gather3A_659 : memref<16384xf32, #tpu.memory_space<vmem>>[vector<16xi32>], vector<16xf32>,
            %add3A_686 = vector.broadcast %mul3A_650 : i32 to vector<16xi32>
            %add3A_687 = arith.addi %add3A_252, %add3A_686 : vector<16xi32>
            tpu.vector_store_idx %arg8[%add3A_687], %gather3A_660 : memref<16384xf32, #tpu.memory_space<vmem>>[vector<16xi32>], vector<16xf32>,
            %add3A_688 = vector.broadcast %mul3A_650 : i32 to vector<16xi32>
            %add3A_689 = arith.addi %add3A_256, %add3A_688 : vector<16xi32>
            tpu.vector_store_idx %arg8[%add3A_689], %gather3A_661 : memref<16384xf32, #tpu.memory_space<vmem>>[vector<16xi32>], vector<16xf32>,
            %add3A_690 = vector.broadcast %mul3A_650 : i32 to vector<16xi32>
            %add3A_691 = arith.addi %add3A_260, %add3A_690 : vector<16xi32>
            tpu.vector_store_idx %arg8[%add3A_691], %gather3A_662 : memref<16384xf32, #tpu.memory_space<vmem>>[vector<16xi32>], vector<16xf32>,
            %add3A_692 = vector.broadcast %mul3A_650 : i32 to vector<16xi32>
            %add3A_693 = arith.addi %add3A_264, %add3A_692 : vector<16xi32>
            tpu.vector_store_idx %arg8[%add3A_693], %gather3A_663 : memref<16384xf32, #tpu.memory_space<vmem>>[vector<16xi32>], vector<16xf32>,
            %add3A_694 = vector.broadcast %mul3A_650 : i32 to vector<16xi32>
            %add3A_695 = arith.addi %add3A_268, %add3A_694 : vector<16xi32>
            tpu.vector_store_idx %arg8[%add3A_695], %gather3A_664 : memref<16384xf32, #tpu.memory_space<vmem>>[vector<16xi32>], vector<16xf32>,
            %add3A_696 = vector.broadcast %mul3A_650 : i32 to vector<16xi32>
            %add3A_697 = arith.addi %add3A_272, %add3A_696 : vector<16xi32>
            tpu.vector_store_idx %arg8[%add3A_697], %gather3A_665 : memref<16384xf32, #tpu.memory_space<vmem>>[vector<16xi32>], vector<16xf32>,
          }
          %scan3A_278 = arith.constant 16 : i32
          %add3A_279 = arith.constant 16 : i32
          %add3A_280 = vector.broadcast %add3A_279 : i32 to vector<16xi32>
          %add3A_281 = arith.addi %and3A_10, %add3A_280 : vector<16xi32>
          %add3A_282 = arith.constant 16 : i32
          %add3A_283 = vector.broadcast %add3A_282 : i32 to vector<16xi32>
          %add3A_284 = arith.addi %and3A_16, %add3A_283 : vector<16xi32>
          %add3A_285 = arith.constant 16 : i32
          %add3A_286 = vector.broadcast %add3A_285 : i32 to vector<16xi32>
          %add3A_287 = arith.addi %and3A_22, %add3A_286 : vector<16xi32>
          %add3A_288 = arith.constant 16 : i32
          %add3A_289 = vector.broadcast %add3A_288 : i32 to vector<16xi32>
          %add3A_290 = arith.addi %and3A_28, %add3A_289 : vector<16xi32>
          %add3A_291 = arith.constant 16 : i32
          %add3A_292 = vector.broadcast %add3A_291 : i32 to vector<16xi32>
          %add3A_293 = arith.addi %and3A_34, %add3A_292 : vector<16xi32>
          %add3A_294 = arith.constant 16 : i32
          %add3A_295 = vector.broadcast %add3A_294 : i32 to vector<16xi32>
          %add3A_296 = arith.addi %and3A_40, %add3A_295 : vector<16xi32>
          %add3A_297 = arith.constant 16 : i32
          %add3A_298 = vector.broadcast %add3A_297 : i32 to vector<16xi32>
          %add3A_299 = arith.addi %and3A_46, %add3A_298 : vector<16xi32>
          %add3A_300 = arith.constant 16 : i32
          %add3A_301 = vector.broadcast %add3A_300 : i32 to vector<16xi32>
          %add3A_302 = arith.addi %and3A_52, %add3A_301 : vector<16xi32>
          %add3A_303 = arith.constant 16 : i32
          %add3A_304 = vector.broadcast %add3A_303 : i32 to vector<16xi32>
          %add3A_305 = arith.addi %and3A_58, %add3A_304 : vector<16xi32>
          %add3A_306 = arith.constant 16 : i32
          %add3A_307 = vector.broadcast %add3A_306 : i32 to vector<16xi32>
          %add3A_308 = arith.addi %and3A_64, %add3A_307 : vector<16xi32>
          %add3A_309 = arith.constant 16 : i32
          %add3A_310 = vector.broadcast %add3A_309 : i32 to vector<16xi32>
          %add3A_311 = arith.addi %and3A_70, %add3A_310 : vector<16xi32>
          %add3A_312 = arith.constant 16 : i32
          %add3A_313 = vector.broadcast %add3A_312 : i32 to vector<16xi32>
          %add3A_314 = arith.addi %and3A_76, %add3A_313 : vector<16xi32>
          %add3A_315 = arith.constant 16 : i32
          %add3A_316 = vector.broadcast %add3A_315 : i32 to vector<16xi32>
          %add3A_317 = arith.addi %and3A_82, %add3A_316 : vector<16xi32>
          %add3A_318 = arith.constant 16 : i32
          %add3A_319 = vector.broadcast %add3A_318 : i32 to vector<16xi32>
          %add3A_320 = arith.addi %and3A_88, %add3A_319 : vector<16xi32>
          %add3A_321 = arith.constant 16 : i32
          %add3A_322 = vector.broadcast %add3A_321 : i32 to vector<16xi32>
          %add3A_323 = arith.addi %and3A_94, %add3A_322 : vector<16xi32>
          %add3A_324 = arith.constant 16 : i32
          %add3A_325 = vector.broadcast %add3A_324 : i32 to vector<16xi32>
          %add3A_326 = arith.addi %and3A_100, %add3A_325 : vector<16xi32>
          %add3A_327 = arith.constant 16 : i32
          %add3A_328 = vector.broadcast %add3A_327 : i32 to vector<16xi32>
          %add3A_329 = arith.addi %and3A_10, %add3A_328 : vector<16xi32>
          %add3A_330 = arith.addi %mul3A_105, %add3A_329 : vector<16xi32>
          %add3A_331 = arith.constant 16 : i32
          %add3A_332 = vector.broadcast %add3A_331 : i32 to vector<16xi32>
          %add3A_333 = arith.addi %and3A_16, %add3A_332 : vector<16xi32>
          %add3A_334 = arith.addi %mul3A_105, %add3A_333 : vector<16xi32>
          %add3A_335 = arith.constant 16 : i32
          %add3A_336 = vector.broadcast %add3A_335 : i32 to vector<16xi32>
          %add3A_337 = arith.addi %and3A_22, %add3A_336 : vector<16xi32>
          %add3A_338 = arith.addi %mul3A_105, %add3A_337 : vector<16xi32>
          %add3A_339 = arith.constant 16 : i32
          %add3A_340 = vector.broadcast %add3A_339 : i32 to vector<16xi32>
          %add3A_341 = arith.addi %and3A_28, %add3A_340 : vector<16xi32>
          %add3A_342 = arith.addi %mul3A_105, %add3A_341 : vector<16xi32>
          %add3A_343 = arith.constant 16 : i32
          %add3A_344 = vector.broadcast %add3A_343 : i32 to vector<16xi32>
          %add3A_345 = arith.addi %and3A_34, %add3A_344 : vector<16xi32>
          %add3A_346 = arith.addi %mul3A_105, %add3A_345 : vector<16xi32>
          %add3A_347 = arith.constant 16 : i32
          %add3A_348 = vector.broadcast %add3A_347 : i32 to vector<16xi32>
          %add3A_349 = arith.addi %and3A_40, %add3A_348 : vector<16xi32>
          %add3A_350 = arith.addi %mul3A_105, %add3A_349 : vector<16xi32>
          %add3A_351 = arith.constant 16 : i32
          %add3A_352 = vector.broadcast %add3A_351 : i32 to vector<16xi32>
          %add3A_353 = arith.addi %and3A_46, %add3A_352 : vector<16xi32>
          %add3A_354 = arith.addi %mul3A_105, %add3A_353 : vector<16xi32>
          %add3A_355 = arith.constant 16 : i32
          %add3A_356 = vector.broadcast %add3A_355 : i32 to vector<16xi32>
          %add3A_357 = arith.addi %and3A_52, %add3A_356 : vector<16xi32>
          %add3A_358 = arith.addi %mul3A_105, %add3A_357 : vector<16xi32>
          %add3A_359 = arith.constant 16 : i32
          %add3A_360 = vector.broadcast %add3A_359 : i32 to vector<16xi32>
          %add3A_361 = arith.addi %and3A_58, %add3A_360 : vector<16xi32>
          %add3A_362 = arith.addi %mul3A_105, %add3A_361 : vector<16xi32>
          %add3A_363 = arith.constant 16 : i32
          %add3A_364 = vector.broadcast %add3A_363 : i32 to vector<16xi32>
          %add3A_365 = arith.addi %and3A_64, %add3A_364 : vector<16xi32>
          %add3A_366 = arith.addi %mul3A_105, %add3A_365 : vector<16xi32>
          %add3A_367 = arith.constant 16 : i32
          %add3A_368 = vector.broadcast %add3A_367 : i32 to vector<16xi32>
          %add3A_369 = arith.addi %and3A_70, %add3A_368 : vector<16xi32>
          %add3A_370 = arith.addi %mul3A_105, %add3A_369 : vector<16xi32>
          %add3A_371 = arith.constant 16 : i32
          %add3A_372 = vector.broadcast %add3A_371 : i32 to vector<16xi32>
          %add3A_373 = arith.addi %and3A_76, %add3A_372 : vector<16xi32>
          %add3A_374 = arith.addi %mul3A_105, %add3A_373 : vector<16xi32>
          %add3A_375 = arith.constant 16 : i32
          %add3A_376 = vector.broadcast %add3A_375 : i32 to vector<16xi32>
          %add3A_377 = arith.addi %and3A_82, %add3A_376 : vector<16xi32>
          %add3A_378 = arith.addi %mul3A_105, %add3A_377 : vector<16xi32>
          %add3A_379 = arith.constant 16 : i32
          %add3A_380 = vector.broadcast %add3A_379 : i32 to vector<16xi32>
          %add3A_381 = arith.addi %and3A_88, %add3A_380 : vector<16xi32>
          %add3A_382 = arith.addi %mul3A_105, %add3A_381 : vector<16xi32>
          %add3A_383 = arith.constant 16 : i32
          %add3A_384 = vector.broadcast %add3A_383 : i32 to vector<16xi32>
          %add3A_385 = arith.addi %and3A_94, %add3A_384 : vector<16xi32>
          %add3A_386 = arith.addi %mul3A_105, %add3A_385 : vector<16xi32>
          %add3A_387 = arith.constant 16 : i32
          %add3A_388 = vector.broadcast %add3A_387 : i32 to vector<16xi32>
          %add3A_389 = arith.addi %and3A_100, %add3A_388 : vector<16xi32>
          %add3A_390 = arith.addi %mul3A_105, %add3A_389 : vector<16xi32>
          %scan3A_391 = arith.constant 0 : i32
          %scan3A_392 = arith.constant 0 : i32
          %scan3A_393 = arith.constant 16 : i32
          %scan3A_394 = arith.addi %scan3A_392, %scan3A_393 : i32
          %scan3A_395 = arith.constant 1 : i32
          scf.for %scan3A_644 = %scan3A_392 to %scan3A_394 step %scan3A_395  : i32 {
            %mul3A_645 = arith.constant 16 : i32
            %mul3A_646 = arith.muli %scan3A_644, %mul3A_645 : i32
            %add3A_647 = vector.broadcast %mul3A_646 : i32 to vector<16xi32>
            %add3A_648 = arith.addi %iota3A, %add3A_647 : vector<16xi32>
            %mul3A_649 = arith.constant 64 : i32
            %mul3A_650 = arith.muli %mul3A_646, %mul3A_649 : i32
            %gather3A = tpu.vector_load_idx %arg6[%add3A_281, %add3A_648] : memref<64x256xf32, #tpu.memory_space<vmem>>[vector<16xi32>, vector<16xi32>], vector<16xf32>,
            %gather3A_651 = tpu.vector_load_idx %arg6[%add3A_284, %add3A_648] : memref<64x256xf32, #tpu.memory_space<vmem>>[vector<16xi32>, vector<16xi32>], vector<16xf32>,
            %gather3A_652 = tpu.vector_load_idx %arg6[%add3A_287, %add3A_648] : memref<64x256xf32, #tpu.memory_space<vmem>>[vector<16xi32>, vector<16xi32>], vector<16xf32>,
            %gather3A_653 = tpu.vector_load_idx %arg6[%add3A_290, %add3A_648] : memref<64x256xf32, #tpu.memory_space<vmem>>[vector<16xi32>, vector<16xi32>], vector<16xf32>,
            %gather3A_654 = tpu.vector_load_idx %arg6[%add3A_293, %add3A_648] : memref<64x256xf32, #tpu.memory_space<vmem>>[vector<16xi32>, vector<16xi32>], vector<16xf32>,
            %gather3A_655 = tpu.vector_load_idx %arg6[%add3A_296, %add3A_648] : memref<64x256xf32, #tpu.memory_space<vmem>>[vector<16xi32>, vector<16xi32>], vector<16xf32>,
            %gather3A_656 = tpu.vector_load_idx %arg6[%add3A_299, %add3A_648] : memref<64x256xf32, #tpu.memory_space<vmem>>[vector<16xi32>, vector<16xi32>], vector<16xf32>,
            %gather3A_657 = tpu.vector_load_idx %arg6[%add3A_302, %add3A_648] : memref<64x256xf32, #tpu.memory_space<vmem>>[vector<16xi32>, vector<16xi32>], vector<16xf32>,
            %gather3A_658 = tpu.vector_load_idx %arg6[%add3A_305, %add3A_648] : memref<64x256xf32, #tpu.memory_space<vmem>>[vector<16xi32>, vector<16xi32>], vector<16xf32>,
            %gather3A_659 = tpu.vector_load_idx %arg6[%add3A_308, %add3A_648] : memref<64x256xf32, #tpu.memory_space<vmem>>[vector<16xi32>, vector<16xi32>], vector<16xf32>,
            %gather3A_660 = tpu.vector_load_idx %arg6[%add3A_311, %add3A_648] : memref<64x256xf32, #tpu.memory_space<vmem>>[vector<16xi32>, vector<16xi32>], vector<16xf32>,
            %gather3A_661 = tpu.vector_load_idx %arg6[%add3A_314, %add3A_648] : memref<64x256xf32, #tpu.memory_space<vmem>>[vector<16xi32>, vector<16xi32>], vector<16xf32>,
            %gather3A_662 = tpu.vector_load_idx %arg6[%add3A_317, %add3A_648] : memref<64x256xf32, #tpu.memory_space<vmem>>[vector<16xi32>, vector<16xi32>], vector<16xf32>,
            %gather3A_663 = tpu.vector_load_idx %arg6[%add3A_320, %add3A_648] : memref<64x256xf32, #tpu.memory_space<vmem>>[vector<16xi32>, vector<16xi32>], vector<16xf32>,
            %gather3A_664 = tpu.vector_load_idx %arg6[%add3A_323, %add3A_648] : memref<64x256xf32, #tpu.memory_space<vmem>>[vector<16xi32>, vector<16xi32>], vector<16xf32>,
            %gather3A_665 = tpu.vector_load_idx %arg6[%add3A_326, %add3A_648] : memref<64x256xf32, #tpu.memory_space<vmem>>[vector<16xi32>, vector<16xi32>], vector<16xf32>,
            %add3A_666 = vector.broadcast %mul3A_650 : i32 to vector<16xi32>
            %add3A_667 = arith.addi %add3A_330, %add3A_666 : vector<16xi32>
            tpu.vector_store_idx %arg8[%add3A_667], %gather3A : memref<16384xf32, #tpu.memory_space<vmem>>[vector<16xi32>], vector<16xf32>,
            %add3A_668 = vector.broadcast %mul3A_650 : i32 to vector<16xi32>
            %add3A_669 = arith.addi %add3A_334, %add3A_668 : vector<16xi32>
            tpu.vector_store_idx %arg8[%add3A_669], %gather3A_651 : memref<16384xf32, #tpu.memory_space<vmem>>[vector<16xi32>], vector<16xf32>,
            %add3A_670 = vector.broadcast %mul3A_650 : i32 to vector<16xi32>
            %add3A_671 = arith.addi %add3A_338, %add3A_670 : vector<16xi32>
            tpu.vector_store_idx %arg8[%add3A_671], %gather3A_652 : memref<16384xf32, #tpu.memory_space<vmem>>[vector<16xi32>], vector<16xf32>,
            %add3A_672 = vector.broadcast %mul3A_650 : i32 to vector<16xi32>
            %add3A_673 = arith.addi %add3A_342, %add3A_672 : vector<16xi32>
            tpu.vector_store_idx %arg8[%add3A_673], %gather3A_653 : memref<16384xf32, #tpu.memory_space<vmem>>[vector<16xi32>], vector<16xf32>,
            %add3A_674 = vector.broadcast %mul3A_650 : i32 to vector<16xi32>
            %add3A_675 = arith.addi %add3A_346, %add3A_674 : vector<16xi32>
            tpu.vector_store_idx %arg8[%add3A_675], %gather3A_654 : memref<16384xf32, #tpu.memory_space<vmem>>[vector<16xi32>], vector<16xf32>,
            %add3A_676 = vector.broadcast %mul3A_650 : i32 to vector<16xi32>
            %add3A_677 = arith.addi %add3A_350, %add3A_676 : vector<16xi32>
            tpu.vector_store_idx %arg8[%add3A_677], %gather3A_655 : memref<16384xf32, #tpu.memory_space<vmem>>[vector<16xi32>], vector<16xf32>,
            %add3A_678 = vector.broadcast %mul3A_650 : i32 to vector<16xi32>
            %add3A_679 = arith.addi %add3A_354, %add3A_678 : vector<16xi32>
            tpu.vector_store_idx %arg8[%add3A_679], %gather3A_656 : memref<16384xf32, #tpu.memory_space<vmem>>[vector<16xi32>], vector<16xf32>,
            %add3A_680 = vector.broadcast %mul3A_650 : i32 to vector<16xi32>
            %add3A_681 = arith.addi %add3A_358, %add3A_680 : vector<16xi32>
            tpu.vector_store_idx %arg8[%add3A_681], %gather3A_657 : memref<16384xf32, #tpu.memory_space<vmem>>[vector<16xi32>], vector<16xf32>,
            %add3A_682 = vector.broadcast %mul3A_650 : i32 to vector<16xi32>
            %add3A_683 = arith.addi %add3A_362, %add3A_682 : vector<16xi32>
            tpu.vector_store_idx %arg8[%add3A_683], %gather3A_658 : memref<16384xf32, #tpu.memory_space<vmem>>[vector<16xi32>], vector<16xf32>,
            %add3A_684 = vector.broadcast %mul3A_650 : i32 to vector<16xi32>
            %add3A_685 = arith.addi %add3A_366, %add3A_684 : vector<16xi32>
            tpu.vector_store_idx %arg8[%add3A_685], %gather3A_659 : memref<16384xf32, #tpu.memory_space<vmem>>[vector<16xi32>], vector<16xf32>,
            %add3A_686 = vector.broadcast %mul3A_650 : i32 to vector<16xi32>
            %add3A_687 = arith.addi %add3A_370, %add3A_686 : vector<16xi32>
            tpu.vector_store_idx %arg8[%add3A_687], %gather3A_660 : memref<16384xf32, #tpu.memory_space<vmem>>[vector<16xi32>], vector<16xf32>,
            %add3A_688 = vector.broadcast %mul3A_650 : i32 to vector<16xi32>
            %add3A_689 = arith.addi %add3A_374, %add3A_688 : vector<16xi32>
            tpu.vector_store_idx %arg8[%add3A_689], %gather3A_661 : memref<16384xf32, #tpu.memory_space<vmem>>[vector<16xi32>], vector<16xf32>,
            %add3A_690 = vector.broadcast %mul3A_650 : i32 to vector<16xi32>
            %add3A_691 = arith.addi %add3A_378, %add3A_690 : vector<16xi32>
            tpu.vector_store_idx %arg8[%add3A_691], %gather3A_662 : memref<16384xf32, #tpu.memory_space<vmem>>[vector<16xi32>], vector<16xf32>,
            %add3A_692 = vector.broadcast %mul3A_650 : i32 to vector<16xi32>
            %add3A_693 = arith.addi %add3A_382, %add3A_692 : vector<16xi32>
            tpu.vector_store_idx %arg8[%add3A_693], %gather3A_663 : memref<16384xf32, #tpu.memory_space<vmem>>[vector<16xi32>], vector<16xf32>,
            %add3A_694 = vector.broadcast %mul3A_650 : i32 to vector<16xi32>
            %add3A_695 = arith.addi %add3A_386, %add3A_694 : vector<16xi32>
            tpu.vector_store_idx %arg8[%add3A_695], %gather3A_664 : memref<16384xf32, #tpu.memory_space<vmem>>[vector<16xi32>], vector<16xf32>,
            %add3A_696 = vector.broadcast %mul3A_650 : i32 to vector<16xi32>
            %add3A_697 = arith.addi %add3A_390, %add3A_696 : vector<16xi32>
            tpu.vector_store_idx %arg8[%add3A_697], %gather3A_665 : memref<16384xf32, #tpu.memory_space<vmem>>[vector<16xi32>], vector<16xf32>,
          }
          %scan3A_396 = arith.constant 16 : i32
          %add3A_397 = arith.constant 32 : i32
          %add3A_398 = vector.broadcast %add3A_397 : i32 to vector<16xi32>
          %add3A_399 = arith.addi %and3A_10, %add3A_398 : vector<16xi32>
          %add3A_400 = arith.constant 32 : i32
          %add3A_401 = vector.broadcast %add3A_400 : i32 to vector<16xi32>
          %add3A_402 = arith.addi %and3A_16, %add3A_401 : vector<16xi32>
          %add3A_403 = arith.constant 32 : i32
          %add3A_404 = vector.broadcast %add3A_403 : i32 to vector<16xi32>
          %add3A_405 = arith.addi %and3A_22, %add3A_404 : vector<16xi32>
          %add3A_406 = arith.constant 32 : i32
          %add3A_407 = vector.broadcast %add3A_406 : i32 to vector<16xi32>
          %add3A_408 = arith.addi %and3A_28, %add3A_407 : vector<16xi32>
          %add3A_409 = arith.constant 32 : i32
          %add3A_410 = vector.broadcast %add3A_409 : i32 to vector<16xi32>
          %add3A_411 = arith.addi %and3A_34, %add3A_410 : vector<16xi32>
          %add3A_412 = arith.constant 32 : i32
          %add3A_413 = vector.broadcast %add3A_412 : i32 to vector<16xi32>
          %add3A_414 = arith.addi %and3A_40, %add3A_413 : vector<16xi32>
          %add3A_415 = arith.constant 32 : i32
          %add3A_416 = vector.broadcast %add3A_415 : i32 to vector<16xi32>
          %add3A_417 = arith.addi %and3A_46, %add3A_416 : vector<16xi32>
          %add3A_418 = arith.constant 32 : i32
          %add3A_419 = vector.broadcast %add3A_418 : i32 to vector<16xi32>
          %add3A_420 = arith.addi %and3A_52, %add3A_419 : vector<16xi32>
          %add3A_421 = arith.constant 32 : i32
          %add3A_422 = vector.broadcast %add3A_421 : i32 to vector<16xi32>
          %add3A_423 = arith.addi %and3A_58, %add3A_422 : vector<16xi32>
          %add3A_424 = arith.constant 32 : i32
          %add3A_425 = vector.broadcast %add3A_424 : i32 to vector<16xi32>
          %add3A_426 = arith.addi %and3A_64, %add3A_425 : vector<16xi32>
          %add3A_427 = arith.constant 32 : i32
          %add3A_428 = vector.broadcast %add3A_427 : i32 to vector<16xi32>
          %add3A_429 = arith.addi %and3A_70, %add3A_428 : vector<16xi32>
          %add3A_430 = arith.constant 32 : i32
          %add3A_431 = vector.broadcast %add3A_430 : i32 to vector<16xi32>
          %add3A_432 = arith.addi %and3A_76, %add3A_431 : vector<16xi32>
          %add3A_433 = arith.constant 32 : i32
          %add3A_434 = vector.broadcast %add3A_433 : i32 to vector<16xi32>
          %add3A_435 = arith.addi %and3A_82, %add3A_434 : vector<16xi32>
          %add3A_436 = arith.constant 32 : i32
          %add3A_437 = vector.broadcast %add3A_436 : i32 to vector<16xi32>
          %add3A_438 = arith.addi %and3A_88, %add3A_437 : vector<16xi32>
          %add3A_439 = arith.constant 32 : i32
          %add3A_440 = vector.broadcast %add3A_439 : i32 to vector<16xi32>
          %add3A_441 = arith.addi %and3A_94, %add3A_440 : vector<16xi32>
          %add3A_442 = arith.constant 32 : i32
          %add3A_443 = vector.broadcast %add3A_442 : i32 to vector<16xi32>
          %add3A_444 = arith.addi %and3A_100, %add3A_443 : vector<16xi32>
          %add3A_445 = arith.constant 32 : i32
          %add3A_446 = vector.broadcast %add3A_445 : i32 to vector<16xi32>
          %add3A_447 = arith.addi %and3A_10, %add3A_446 : vector<16xi32>
          %add3A_448 = arith.addi %mul3A_105, %add3A_447 : vector<16xi32>
          %add3A_449 = arith.constant 32 : i32
          %add3A_450 = vector.broadcast %add3A_449 : i32 to vector<16xi32>
          %add3A_451 = arith.addi %and3A_16, %add3A_450 : vector<16xi32>
          %add3A_452 = arith.addi %mul3A_105, %add3A_451 : vector<16xi32>
          %add3A_453 = arith.constant 32 : i32
          %add3A_454 = vector.broadcast %add3A_453 : i32 to vector<16xi32>
          %add3A_455 = arith.addi %and3A_22, %add3A_454 : vector<16xi32>
          %add3A_456 = arith.addi %mul3A_105, %add3A_455 : vector<16xi32>
          %add3A_457 = arith.constant 32 : i32
          %add3A_458 = vector.broadcast %add3A_457 : i32 to vector<16xi32>
          %add3A_459 = arith.addi %and3A_28, %add3A_458 : vector<16xi32>
          %add3A_460 = arith.addi %mul3A_105, %add3A_459 : vector<16xi32>
          %add3A_461 = arith.constant 32 : i32
          %add3A_462 = vector.broadcast %add3A_461 : i32 to vector<16xi32>
          %add3A_463 = arith.addi %and3A_34, %add3A_462 : vector<16xi32>
          %add3A_464 = arith.addi %mul3A_105, %add3A_463 : vector<16xi32>
          %add3A_465 = arith.constant 32 : i32
          %add3A_466 = vector.broadcast %add3A_465 : i32 to vector<16xi32>
          %add3A_467 = arith.addi %and3A_40, %add3A_466 : vector<16xi32>
          %add3A_468 = arith.addi %mul3A_105, %add3A_467 : vector<16xi32>
          %add3A_469 = arith.constant 32 : i32
          %add3A_470 = vector.broadcast %add3A_469 : i32 to vector<16xi32>
          %add3A_471 = arith.addi %and3A_46, %add3A_470 : vector<16xi32>
          %add3A_472 = arith.addi %mul3A_105, %add3A_471 : vector<16xi32>
          %add3A_473 = arith.constant 32 : i32
          %add3A_474 = vector.broadcast %add3A_473 : i32 to vector<16xi32>
          %add3A_475 = arith.addi %and3A_52, %add3A_474 : vector<16xi32>
          %add3A_476 = arith.addi %mul3A_105, %add3A_475 : vector<16xi32>
          %add3A_477 = arith.constant 32 : i32
          %add3A_478 = vector.broadcast %add3A_477 : i32 to vector<16xi32>
          %add3A_479 = arith.addi %and3A_58, %add3A_478 : vector<16xi32>
          %add3A_480 = arith.addi %mul3A_105, %add3A_479 : vector<16xi32>
          %add3A_481 = arith.constant 32 : i32
          %add3A_482 = vector.broadcast %add3A_481 : i32 to vector<16xi32>
          %add3A_483 = arith.addi %and3A_64, %add3A_482 : vector<16xi32>
          %add3A_484 = arith.addi %mul3A_105, %add3A_483 : vector<16xi32>
          %add3A_485 = arith.constant 32 : i32
          %add3A_486 = vector.broadcast %add3A_485 : i32 to vector<16xi32>
          %add3A_487 = arith.addi %and3A_70, %add3A_486 : vector<16xi32>
          %add3A_488 = arith.addi %mul3A_105, %add3A_487 : vector<16xi32>
          %add3A_489 = arith.constant 32 : i32
          %add3A_490 = vector.broadcast %add3A_489 : i32 to vector<16xi32>
          %add3A_491 = arith.addi %and3A_76, %add3A_490 : vector<16xi32>
          %add3A_492 = arith.addi %mul3A_105, %add3A_491 : vector<16xi32>
          %add3A_493 = arith.constant 32 : i32
          %add3A_494 = vector.broadcast %add3A_493 : i32 to vector<16xi32>
          %add3A_495 = arith.addi %and3A_82, %add3A_494 : vector<16xi32>
          %add3A_496 = arith.addi %mul3A_105, %add3A_495 : vector<16xi32>
          %add3A_497 = arith.constant 32 : i32
          %add3A_498 = vector.broadcast %add3A_497 : i32 to vector<16xi32>
          %add3A_499 = arith.addi %and3A_88, %add3A_498 : vector<16xi32>
          %add3A_500 = arith.addi %mul3A_105, %add3A_499 : vector<16xi32>
          %add3A_501 = arith.constant 32 : i32
          %add3A_502 = vector.broadcast %add3A_501 : i32 to vector<16xi32>
          %add3A_503 = arith.addi %and3A_94, %add3A_502 : vector<16xi32>
          %add3A_504 = arith.addi %mul3A_105, %add3A_503 : vector<16xi32>
          %add3A_505 = arith.constant 32 : i32
          %add3A_506 = vector.broadcast %add3A_505 : i32 to vector<16xi32>
          %add3A_507 = arith.addi %and3A_100, %add3A_506 : vector<16xi32>
          %add3A_508 = arith.addi %mul3A_105, %add3A_507 : vector<16xi32>
          %scan3A_509 = arith.constant 0 : i32
          %scan3A_510 = arith.constant 0 : i32
          %scan3A_511 = arith.constant 16 : i32
          %scan3A_512 = arith.addi %scan3A_510, %scan3A_511 : i32
          %scan3A_513 = arith.constant 1 : i32
          scf.for %scan3A_644 = %scan3A_510 to %scan3A_512 step %scan3A_513  : i32 {
            %mul3A_645 = arith.constant 16 : i32
            %mul3A_646 = arith.muli %scan3A_644, %mul3A_645 : i32
            %add3A_647 = vector.broadcast %mul3A_646 : i32 to vector<16xi32>
            %add3A_648 = arith.addi %iota3A, %add3A_647 : vector<16xi32>
            %mul3A_649 = arith.constant 64 : i32
            %mul3A_650 = arith.muli %mul3A_646, %mul3A_649 : i32
            %gather3A = tpu.vector_load_idx %arg6[%add3A_399, %add3A_648] : memref<64x256xf32, #tpu.memory_space<vmem>>[vector<16xi32>, vector<16xi32>], vector<16xf32>,
            %gather3A_651 = tpu.vector_load_idx %arg6[%add3A_402, %add3A_648] : memref<64x256xf32, #tpu.memory_space<vmem>>[vector<16xi32>, vector<16xi32>], vector<16xf32>,
            %gather3A_652 = tpu.vector_load_idx %arg6[%add3A_405, %add3A_648] : memref<64x256xf32, #tpu.memory_space<vmem>>[vector<16xi32>, vector<16xi32>], vector<16xf32>,
            %gather3A_653 = tpu.vector_load_idx %arg6[%add3A_408, %add3A_648] : memref<64x256xf32, #tpu.memory_space<vmem>>[vector<16xi32>, vector<16xi32>], vector<16xf32>,
            %gather3A_654 = tpu.vector_load_idx %arg6[%add3A_411, %add3A_648] : memref<64x256xf32, #tpu.memory_space<vmem>>[vector<16xi32>, vector<16xi32>], vector<16xf32>,
            %gather3A_655 = tpu.vector_load_idx %arg6[%add3A_414, %add3A_648] : memref<64x256xf32, #tpu.memory_space<vmem>>[vector<16xi32>, vector<16xi32>], vector<16xf32>,
            %gather3A_656 = tpu.vector_load_idx %arg6[%add3A_417, %add3A_648] : memref<64x256xf32, #tpu.memory_space<vmem>>[vector<16xi32>, vector<16xi32>], vector<16xf32>,
            %gather3A_657 = tpu.vector_load_idx %arg6[%add3A_420, %add3A_648] : memref<64x256xf32, #tpu.memory_space<vmem>>[vector<16xi32>, vector<16xi32>], vector<16xf32>,
            %gather3A_658 = tpu.vector_load_idx %arg6[%add3A_423, %add3A_648] : memref<64x256xf32, #tpu.memory_space<vmem>>[vector<16xi32>, vector<16xi32>], vector<16xf32>,
            %gather3A_659 = tpu.vector_load_idx %arg6[%add3A_426, %add3A_648] : memref<64x256xf32, #tpu.memory_space<vmem>>[vector<16xi32>, vector<16xi32>], vector<16xf32>,
            %gather3A_660 = tpu.vector_load_idx %arg6[%add3A_429, %add3A_648] : memref<64x256xf32, #tpu.memory_space<vmem>>[vector<16xi32>, vector<16xi32>], vector<16xf32>,
            %gather3A_661 = tpu.vector_load_idx %arg6[%add3A_432, %add3A_648] : memref<64x256xf32, #tpu.memory_space<vmem>>[vector<16xi32>, vector<16xi32>], vector<16xf32>,
            %gather3A_662 = tpu.vector_load_idx %arg6[%add3A_435, %add3A_648] : memref<64x256xf32, #tpu.memory_space<vmem>>[vector<16xi32>, vector<16xi32>], vector<16xf32>,
            %gather3A_663 = tpu.vector_load_idx %arg6[%add3A_438, %add3A_648] : memref<64x256xf32, #tpu.memory_space<vmem>>[vector<16xi32>, vector<16xi32>], vector<16xf32>,
            %gather3A_664 = tpu.vector_load_idx %arg6[%add3A_441, %add3A_648] : memref<64x256xf32, #tpu.memory_space<vmem>>[vector<16xi32>, vector<16xi32>], vector<16xf32>,
            %gather3A_665 = tpu.vector_load_idx %arg6[%add3A_444, %add3A_648] : memref<64x256xf32, #tpu.memory_space<vmem>>[vector<16xi32>, vector<16xi32>], vector<16xf32>,
            %add3A_666 = vector.broadcast %mul3A_650 : i32 to vector<16xi32>
            %add3A_667 = arith.addi %add3A_448, %add3A_666 : vector<16xi32>
            tpu.vector_store_idx %arg8[%add3A_667], %gather3A : memref<16384xf32, #tpu.memory_space<vmem>>[vector<16xi32>], vector<16xf32>,
            %add3A_668 = vector.broadcast %mul3A_650 : i32 to vector<16xi32>
            %add3A_669 = arith.addi %add3A_452, %add3A_668 : vector<16xi32>
            tpu.vector_store_idx %arg8[%add3A_669], %gather3A_651 : memref<16384xf32, #tpu.memory_space<vmem>>[vector<16xi32>], vector<16xf32>,
            %add3A_670 = vector.broadcast %mul3A_650 : i32 to vector<16xi32>
            %add3A_671 = arith.addi %add3A_456, %add3A_670 : vector<16xi32>
            tpu.vector_store_idx %arg8[%add3A_671], %gather3A_652 : memref<16384xf32, #tpu.memory_space<vmem>>[vector<16xi32>], vector<16xf32>,
            %add3A_672 = vector.broadcast %mul3A_650 : i32 to vector<16xi32>
            %add3A_673 = arith.addi %add3A_460, %add3A_672 : vector<16xi32>
            tpu.vector_store_idx %arg8[%add3A_673], %gather3A_653 : memref<16384xf32, #tpu.memory_space<vmem>>[vector<16xi32>], vector<16xf32>,
            %add3A_674 = vector.broadcast %mul3A_650 : i32 to vector<16xi32>
            %add3A_675 = arith.addi %add3A_464, %add3A_674 : vector<16xi32>
            tpu.vector_store_idx %arg8[%add3A_675], %gather3A_654 : memref<16384xf32, #tpu.memory_space<vmem>>[vector<16xi32>], vector<16xf32>,
            %add3A_676 = vector.broadcast %mul3A_650 : i32 to vector<16xi32>
            %add3A_677 = arith.addi %add3A_468, %add3A_676 : vector<16xi32>
            tpu.vector_store_idx %arg8[%add3A_677], %gather3A_655 : memref<16384xf32, #tpu.memory_space<vmem>>[vector<16xi32>], vector<16xf32>,
            %add3A_678 = vector.broadcast %mul3A_650 : i32 to vector<16xi32>
            %add3A_679 = arith.addi %add3A_472, %add3A_678 : vector<16xi32>
            tpu.vector_store_idx %arg8[%add3A_679], %gather3A_656 : memref<16384xf32, #tpu.memory_space<vmem>>[vector<16xi32>], vector<16xf32>,
            %add3A_680 = vector.broadcast %mul3A_650 : i32 to vector<16xi32>
            %add3A_681 = arith.addi %add3A_476, %add3A_680 : vector<16xi32>
            tpu.vector_store_idx %arg8[%add3A_681], %gather3A_657 : memref<16384xf32, #tpu.memory_space<vmem>>[vector<16xi32>], vector<16xf32>,
            %add3A_682 = vector.broadcast %mul3A_650 : i32 to vector<16xi32>
            %add3A_683 = arith.addi %add3A_480, %add3A_682 : vector<16xi32>
            tpu.vector_store_idx %arg8[%add3A_683], %gather3A_658 : memref<16384xf32, #tpu.memory_space<vmem>>[vector<16xi32>], vector<16xf32>,
            %add3A_684 = vector.broadcast %mul3A_650 : i32 to vector<16xi32>
            %add3A_685 = arith.addi %add3A_484, %add3A_684 : vector<16xi32>
            tpu.vector_store_idx %arg8[%add3A_685], %gather3A_659 : memref<16384xf32, #tpu.memory_space<vmem>>[vector<16xi32>], vector<16xf32>,
            %add3A_686 = vector.broadcast %mul3A_650 : i32 to vector<16xi32>
            %add3A_687 = arith.addi %add3A_488, %add3A_686 : vector<16xi32>
            tpu.vector_store_idx %arg8[%add3A_687], %gather3A_660 : memref<16384xf32, #tpu.memory_space<vmem>>[vector<16xi32>], vector<16xf32>,
            %add3A_688 = vector.broadcast %mul3A_650 : i32 to vector<16xi32>
            %add3A_689 = arith.addi %add3A_492, %add3A_688 : vector<16xi32>
            tpu.vector_store_idx %arg8[%add3A_689], %gather3A_661 : memref<16384xf32, #tpu.memory_space<vmem>>[vector<16xi32>], vector<16xf32>,
            %add3A_690 = vector.broadcast %mul3A_650 : i32 to vector<16xi32>
            %add3A_691 = arith.addi %add3A_496, %add3A_690 : vector<16xi32>
            tpu.vector_store_idx %arg8[%add3A_691], %gather3A_662 : memref<16384xf32, #tpu.memory_space<vmem>>[vector<16xi32>], vector<16xf32>,
            %add3A_692 = vector.broadcast %mul3A_650 : i32 to vector<16xi32>
            %add3A_693 = arith.addi %add3A_500, %add3A_692 : vector<16xi32>
            tpu.vector_store_idx %arg8[%add3A_693], %gather3A_663 : memref<16384xf32, #tpu.memory_space<vmem>>[vector<16xi32>], vector<16xf32>,
            %add3A_694 = vector.broadcast %mul3A_650 : i32 to vector<16xi32>
            %add3A_695 = arith.addi %add3A_504, %add3A_694 : vector<16xi32>
            tpu.vector_store_idx %arg8[%add3A_695], %gather3A_664 : memref<16384xf32, #tpu.memory_space<vmem>>[vector<16xi32>], vector<16xf32>,
            %add3A_696 = vector.broadcast %mul3A_650 : i32 to vector<16xi32>
            %add3A_697 = arith.addi %add3A_508, %add3A_696 : vector<16xi32>
            tpu.vector_store_idx %arg8[%add3A_697], %gather3A_665 : memref<16384xf32, #tpu.memory_space<vmem>>[vector<16xi32>], vector<16xf32>,
          }
          %scan3A_514 = arith.constant 16 : i32
          %add3A_515 = arith.constant 48 : i32
          %add3A_516 = vector.broadcast %add3A_515 : i32 to vector<16xi32>
          %add3A_517 = arith.addi %and3A_10, %add3A_516 : vector<16xi32>
          %add3A_518 = arith.constant 48 : i32
          %add3A_519 = vector.broadcast %add3A_518 : i32 to vector<16xi32>
          %add3A_520 = arith.addi %and3A_16, %add3A_519 : vector<16xi32>
          %add3A_521 = arith.constant 48 : i32
          %add3A_522 = vector.broadcast %add3A_521 : i32 to vector<16xi32>
          %add3A_523 = arith.addi %and3A_22, %add3A_522 : vector<16xi32>
          %add3A_524 = arith.constant 48 : i32
          %add3A_525 = vector.broadcast %add3A_524 : i32 to vector<16xi32>
          %add3A_526 = arith.addi %and3A_28, %add3A_525 : vector<16xi32>
          %add3A_527 = arith.constant 48 : i32
          %add3A_528 = vector.broadcast %add3A_527 : i32 to vector<16xi32>
          %add3A_529 = arith.addi %and3A_34, %add3A_528 : vector<16xi32>
          %add3A_530 = arith.constant 48 : i32
          %add3A_531 = vector.broadcast %add3A_530 : i32 to vector<16xi32>
          %add3A_532 = arith.addi %and3A_40, %add3A_531 : vector<16xi32>
          %add3A_533 = arith.constant 48 : i32
          %add3A_534 = vector.broadcast %add3A_533 : i32 to vector<16xi32>
          %add3A_535 = arith.addi %and3A_46, %add3A_534 : vector<16xi32>
          %add3A_536 = arith.constant 48 : i32
          %add3A_537 = vector.broadcast %add3A_536 : i32 to vector<16xi32>
          %add3A_538 = arith.addi %and3A_52, %add3A_537 : vector<16xi32>
          %add3A_539 = arith.constant 48 : i32
          %add3A_540 = vector.broadcast %add3A_539 : i32 to vector<16xi32>
          %add3A_541 = arith.addi %and3A_58, %add3A_540 : vector<16xi32>
          %add3A_542 = arith.constant 48 : i32
          %add3A_543 = vector.broadcast %add3A_542 : i32 to vector<16xi32>
          %add3A_544 = arith.addi %and3A_64, %add3A_543 : vector<16xi32>
          %add3A_545 = arith.constant 48 : i32
          %add3A_546 = vector.broadcast %add3A_545 : i32 to vector<16xi32>
          %add3A_547 = arith.addi %and3A_70, %add3A_546 : vector<16xi32>
          %add3A_548 = arith.constant 48 : i32
          %add3A_549 = vector.broadcast %add3A_548 : i32 to vector<16xi32>
          %add3A_550 = arith.addi %and3A_76, %add3A_549 : vector<16xi32>
          %add3A_551 = arith.constant 48 : i32
          %add3A_552 = vector.broadcast %add3A_551 : i32 to vector<16xi32>
          %add3A_553 = arith.addi %and3A_82, %add3A_552 : vector<16xi32>
          %add3A_554 = arith.constant 48 : i32
          %add3A_555 = vector.broadcast %add3A_554 : i32 to vector<16xi32>
          %add3A_556 = arith.addi %and3A_88, %add3A_555 : vector<16xi32>
          %add3A_557 = arith.constant 48 : i32
          %add3A_558 = vector.broadcast %add3A_557 : i32 to vector<16xi32>
          %add3A_559 = arith.addi %and3A_94, %add3A_558 : vector<16xi32>
          %add3A_560 = arith.constant 48 : i32
          %add3A_561 = vector.broadcast %add3A_560 : i32 to vector<16xi32>
          %add3A_562 = arith.addi %and3A_100, %add3A_561 : vector<16xi32>
          %add3A_563 = arith.constant 48 : i32
          %add3A_564 = vector.broadcast %add3A_563 : i32 to vector<16xi32>
          %add3A_565 = arith.addi %and3A_10, %add3A_564 : vector<16xi32>
          %add3A_566 = arith.addi %mul3A_105, %add3A_565 : vector<16xi32>
          %add3A_567 = arith.constant 48 : i32
          %add3A_568 = vector.broadcast %add3A_567 : i32 to vector<16xi32>
          %add3A_569 = arith.addi %and3A_16, %add3A_568 : vector<16xi32>
          %add3A_570 = arith.addi %mul3A_105, %add3A_569 : vector<16xi32>
          %add3A_571 = arith.constant 48 : i32
          %add3A_572 = vector.broadcast %add3A_571 : i32 to vector<16xi32>
          %add3A_573 = arith.addi %and3A_22, %add3A_572 : vector<16xi32>
          %add3A_574 = arith.addi %mul3A_105, %add3A_573 : vector<16xi32>
          %add3A_575 = arith.constant 48 : i32
          %add3A_576 = vector.broadcast %add3A_575 : i32 to vector<16xi32>
          %add3A_577 = arith.addi %and3A_28, %add3A_576 : vector<16xi32>
          %add3A_578 = arith.addi %mul3A_105, %add3A_577 : vector<16xi32>
          %add3A_579 = arith.constant 48 : i32
          %add3A_580 = vector.broadcast %add3A_579 : i32 to vector<16xi32>
          %add3A_581 = arith.addi %and3A_34, %add3A_580 : vector<16xi32>
          %add3A_582 = arith.addi %mul3A_105, %add3A_581 : vector<16xi32>
          %add3A_583 = arith.constant 48 : i32
          %add3A_584 = vector.broadcast %add3A_583 : i32 to vector<16xi32>
          %add3A_585 = arith.addi %and3A_40, %add3A_584 : vector<16xi32>
          %add3A_586 = arith.addi %mul3A_105, %add3A_585 : vector<16xi32>
          %add3A_587 = arith.constant 48 : i32
          %add3A_588 = vector.broadcast %add3A_587 : i32 to vector<16xi32>
          %add3A_589 = arith.addi %and3A_46, %add3A_588 : vector<16xi32>
          %add3A_590 = arith.addi %mul3A_105, %add3A_589 : vector<16xi32>
          %add3A_591 = arith.constant 48 : i32
          %add3A_592 = vector.broadcast %add3A_591 : i32 to vector<16xi32>
          %add3A_593 = arith.addi %and3A_52, %add3A_592 : vector<16xi32>
          %add3A_594 = arith.addi %mul3A_105, %add3A_593 : vector<16xi32>
          %add3A_595 = arith.constant 48 : i32
          %add3A_596 = vector.broadcast %add3A_595 : i32 to vector<16xi32>
          %add3A_597 = arith.addi %and3A_58, %add3A_596 : vector<16xi32>
          %add3A_598 = arith.addi %mul3A_105, %add3A_597 : vector<16xi32>
          %add3A_599 = arith.constant 48 : i32
          %add3A_600 = vector.broadcast %add3A_599 : i32 to vector<16xi32>
          %add3A_601 = arith.addi %and3A_64, %add3A_600 : vector<16xi32>
          %add3A_602 = arith.addi %mul3A_105, %add3A_601 : vector<16xi32>
          %add3A_603 = arith.constant 48 : i32
          %add3A_604 = vector.broadcast %add3A_603 : i32 to vector<16xi32>
          %add3A_605 = arith.addi %and3A_70, %add3A_604 : vector<16xi32>
          %add3A_606 = arith.addi %mul3A_105, %add3A_605 : vector<16xi32>
          %add3A_607 = arith.constant 48 : i32
          %add3A_608 = vector.broadcast %add3A_607 : i32 to vector<16xi32>
          %add3A_609 = arith.addi %and3A_76, %add3A_608 : vector<16xi32>
          %add3A_610 = arith.addi %mul3A_105, %add3A_609 : vector<16xi32>
          %add3A_611 = arith.constant 48 : i32
          %add3A_612 = vector.broadcast %add3A_611 : i32 to vector<16xi32>
          %add3A_613 = arith.addi %and3A_82, %add3A_612 : vector<16xi32>
          %add3A_614 = arith.addi %mul3A_105, %add3A_613 : vector<16xi32>
          %add3A_615 = arith.constant 48 : i32
          %add3A_616 = vector.broadcast %add3A_615 : i32 to vector<16xi32>
          %add3A_617 = arith.addi %and3A_88, %add3A_616 : vector<16xi32>
          %add3A_618 = arith.addi %mul3A_105, %add3A_617 : vector<16xi32>
          %add3A_619 = arith.constant 48 : i32
          %add3A_620 = vector.broadcast %add3A_619 : i32 to vector<16xi32>
          %add3A_621 = arith.addi %and3A_94, %add3A_620 : vector<16xi32>
          %add3A_622 = arith.addi %mul3A_105, %add3A_621 : vector<16xi32>
          %add3A_623 = arith.constant 48 : i32
          %add3A_624 = vector.broadcast %add3A_623 : i32 to vector<16xi32>
          %add3A_625 = arith.addi %and3A_100, %add3A_624 : vector<16xi32>
          %add3A_626 = arith.addi %mul3A_105, %add3A_625 : vector<16xi32>
          %scan3A_627 = arith.constant 0 : i32
          %scan3A_628 = arith.constant 0 : i32
          %scan3A_629 = arith.constant 16 : i32
          %scan3A_630 = arith.addi %scan3A_628, %scan3A_629 : i32
          %scan3A_631 = arith.constant 1 : i32
          scf.for %scan3A_644 = %scan3A_628 to %scan3A_630 step %scan3A_631  : i32 {
            %mul3A_645 = arith.constant 16 : i32
            %mul3A_646 = arith.muli %scan3A_644, %mul3A_645 : i32
            %add3A_647 = vector.broadcast %mul3A_646 : i32 to vector<16xi32>
            %add3A_648 = arith.addi %iota3A, %add3A_647 : vector<16xi32>
            %mul3A_649 = arith.constant 64 : i32
            %mul3A_650 = arith.muli %mul3A_646, %mul3A_649 : i32
            %gather3A = tpu.vector_load_idx %arg6[%add3A_517, %add3A_648] : memref<64x256xf32, #tpu.memory_space<vmem>>[vector<16xi32>, vector<16xi32>], vector<16xf32>,
            %gather3A_651 = tpu.vector_load_idx %arg6[%add3A_520, %add3A_648] : memref<64x256xf32, #tpu.memory_space<vmem>>[vector<16xi32>, vector<16xi32>], vector<16xf32>,
            %gather3A_652 = tpu.vector_load_idx %arg6[%add3A_523, %add3A_648] : memref<64x256xf32, #tpu.memory_space<vmem>>[vector<16xi32>, vector<16xi32>], vector<16xf32>,
            %gather3A_653 = tpu.vector_load_idx %arg6[%add3A_526, %add3A_648] : memref<64x256xf32, #tpu.memory_space<vmem>>[vector<16xi32>, vector<16xi32>], vector<16xf32>,
            %gather3A_654 = tpu.vector_load_idx %arg6[%add3A_529, %add3A_648] : memref<64x256xf32, #tpu.memory_space<vmem>>[vector<16xi32>, vector<16xi32>], vector<16xf32>,
            %gather3A_655 = tpu.vector_load_idx %arg6[%add3A_532, %add3A_648] : memref<64x256xf32, #tpu.memory_space<vmem>>[vector<16xi32>, vector<16xi32>], vector<16xf32>,
            %gather3A_656 = tpu.vector_load_idx %arg6[%add3A_535, %add3A_648] : memref<64x256xf32, #tpu.memory_space<vmem>>[vector<16xi32>, vector<16xi32>], vector<16xf32>,
            %gather3A_657 = tpu.vector_load_idx %arg6[%add3A_538, %add3A_648] : memref<64x256xf32, #tpu.memory_space<vmem>>[vector<16xi32>, vector<16xi32>], vector<16xf32>,
            %gather3A_658 = tpu.vector_load_idx %arg6[%add3A_541, %add3A_648] : memref<64x256xf32, #tpu.memory_space<vmem>>[vector<16xi32>, vector<16xi32>], vector<16xf32>,
            %gather3A_659 = tpu.vector_load_idx %arg6[%add3A_544, %add3A_648] : memref<64x256xf32, #tpu.memory_space<vmem>>[vector<16xi32>, vector<16xi32>], vector<16xf32>,
            %gather3A_660 = tpu.vector_load_idx %arg6[%add3A_547, %add3A_648] : memref<64x256xf32, #tpu.memory_space<vmem>>[vector<16xi32>, vector<16xi32>], vector<16xf32>,
            %gather3A_661 = tpu.vector_load_idx %arg6[%add3A_550, %add3A_648] : memref<64x256xf32, #tpu.memory_space<vmem>>[vector<16xi32>, vector<16xi32>], vector<16xf32>,
            %gather3A_662 = tpu.vector_load_idx %arg6[%add3A_553, %add3A_648] : memref<64x256xf32, #tpu.memory_space<vmem>>[vector<16xi32>, vector<16xi32>], vector<16xf32>,
            %gather3A_663 = tpu.vector_load_idx %arg6[%add3A_556, %add3A_648] : memref<64x256xf32, #tpu.memory_space<vmem>>[vector<16xi32>, vector<16xi32>], vector<16xf32>,
            %gather3A_664 = tpu.vector_load_idx %arg6[%add3A_559, %add3A_648] : memref<64x256xf32, #tpu.memory_space<vmem>>[vector<16xi32>, vector<16xi32>], vector<16xf32>,
            %gather3A_665 = tpu.vector_load_idx %arg6[%add3A_562, %add3A_648] : memref<64x256xf32, #tpu.memory_space<vmem>>[vector<16xi32>, vector<16xi32>], vector<16xf32>,
            %add3A_666 = vector.broadcast %mul3A_650 : i32 to vector<16xi32>
            %add3A_667 = arith.addi %add3A_566, %add3A_666 : vector<16xi32>
            tpu.vector_store_idx %arg8[%add3A_667], %gather3A : memref<16384xf32, #tpu.memory_space<vmem>>[vector<16xi32>], vector<16xf32>,
            %add3A_668 = vector.broadcast %mul3A_650 : i32 to vector<16xi32>
            %add3A_669 = arith.addi %add3A_570, %add3A_668 : vector<16xi32>
            tpu.vector_store_idx %arg8[%add3A_669], %gather3A_651 : memref<16384xf32, #tpu.memory_space<vmem>>[vector<16xi32>], vector<16xf32>,
            %add3A_670 = vector.broadcast %mul3A_650 : i32 to vector<16xi32>
            %add3A_671 = arith.addi %add3A_574, %add3A_670 : vector<16xi32>
            tpu.vector_store_idx %arg8[%add3A_671], %gather3A_652 : memref<16384xf32, #tpu.memory_space<vmem>>[vector<16xi32>], vector<16xf32>,
            %add3A_672 = vector.broadcast %mul3A_650 : i32 to vector<16xi32>
            %add3A_673 = arith.addi %add3A_578, %add3A_672 : vector<16xi32>
            tpu.vector_store_idx %arg8[%add3A_673], %gather3A_653 : memref<16384xf32, #tpu.memory_space<vmem>>[vector<16xi32>], vector<16xf32>,
            %add3A_674 = vector.broadcast %mul3A_650 : i32 to vector<16xi32>
            %add3A_675 = arith.addi %add3A_582, %add3A_674 : vector<16xi32>
            tpu.vector_store_idx %arg8[%add3A_675], %gather3A_654 : memref<16384xf32, #tpu.memory_space<vmem>>[vector<16xi32>], vector<16xf32>,
            %add3A_676 = vector.broadcast %mul3A_650 : i32 to vector<16xi32>
            %add3A_677 = arith.addi %add3A_586, %add3A_676 : vector<16xi32>
            tpu.vector_store_idx %arg8[%add3A_677], %gather3A_655 : memref<16384xf32, #tpu.memory_space<vmem>>[vector<16xi32>], vector<16xf32>,
            %add3A_678 = vector.broadcast %mul3A_650 : i32 to vector<16xi32>
            %add3A_679 = arith.addi %add3A_590, %add3A_678 : vector<16xi32>
            tpu.vector_store_idx %arg8[%add3A_679], %gather3A_656 : memref<16384xf32, #tpu.memory_space<vmem>>[vector<16xi32>], vector<16xf32>,
            %add3A_680 = vector.broadcast %mul3A_650 : i32 to vector<16xi32>
            %add3A_681 = arith.addi %add3A_594, %add3A_680 : vector<16xi32>
            tpu.vector_store_idx %arg8[%add3A_681], %gather3A_657 : memref<16384xf32, #tpu.memory_space<vmem>>[vector<16xi32>], vector<16xf32>,
            %add3A_682 = vector.broadcast %mul3A_650 : i32 to vector<16xi32>
            %add3A_683 = arith.addi %add3A_598, %add3A_682 : vector<16xi32>
            tpu.vector_store_idx %arg8[%add3A_683], %gather3A_658 : memref<16384xf32, #tpu.memory_space<vmem>>[vector<16xi32>], vector<16xf32>,
            %add3A_684 = vector.broadcast %mul3A_650 : i32 to vector<16xi32>
            %add3A_685 = arith.addi %add3A_602, %add3A_684 : vector<16xi32>
            tpu.vector_store_idx %arg8[%add3A_685], %gather3A_659 : memref<16384xf32, #tpu.memory_space<vmem>>[vector<16xi32>], vector<16xf32>,
            %add3A_686 = vector.broadcast %mul3A_650 : i32 to vector<16xi32>
            %add3A_687 = arith.addi %add3A_606, %add3A_686 : vector<16xi32>
            tpu.vector_store_idx %arg8[%add3A_687], %gather3A_660 : memref<16384xf32, #tpu.memory_space<vmem>>[vector<16xi32>], vector<16xf32>,
            %add3A_688 = vector.broadcast %mul3A_650 : i32 to vector<16xi32>
            %add3A_689 = arith.addi %add3A_610, %add3A_688 : vector<16xi32>
            tpu.vector_store_idx %arg8[%add3A_689], %gather3A_661 : memref<16384xf32, #tpu.memory_space<vmem>>[vector<16xi32>], vector<16xf32>,
            %add3A_690 = vector.broadcast %mul3A_650 : i32 to vector<16xi32>
            %add3A_691 = arith.addi %add3A_614, %add3A_690 : vector<16xi32>
            tpu.vector_store_idx %arg8[%add3A_691], %gather3A_662 : memref<16384xf32, #tpu.memory_space<vmem>>[vector<16xi32>], vector<16xf32>,
            %add3A_692 = vector.broadcast %mul3A_650 : i32 to vector<16xi32>
            %add3A_693 = arith.addi %add3A_618, %add3A_692 : vector<16xi32>
            tpu.vector_store_idx %arg8[%add3A_693], %gather3A_663 : memref<16384xf32, #tpu.memory_space<vmem>>[vector<16xi32>], vector<16xf32>,
            %add3A_694 = vector.broadcast %mul3A_650 : i32 to vector<16xi32>
            %add3A_695 = arith.addi %add3A_622, %add3A_694 : vector<16xi32>
            tpu.vector_store_idx %arg8[%add3A_695], %gather3A_664 : memref<16384xf32, #tpu.memory_space<vmem>>[vector<16xi32>], vector<16xf32>,
            %add3A_696 = vector.broadcast %mul3A_650 : i32 to vector<16xi32>
            %add3A_697 = arith.addi %add3A_626, %add3A_696 : vector<16xi32>
            tpu.vector_store_idx %arg8[%add3A_697], %gather3A_665 : memref<16384xf32, #tpu.memory_space<vmem>>[vector<16xi32>], vector<16xf32>,
          }
          %scan3A_632 = arith.constant 16 : i32
          %add3A_633 = arith.constant 2 : i32
          %add3A_634 = arith.addi %add3A_146, %add3A_633 : i32
          %lt3A_635 = arith.cmpi slt, %add3A_634, %min3A_5 : i32
          %convert_element_type3A_636 = arith.extui %lt3A_635 : i1 to i32
          %cond3A_637 = arith.constant 0 : i32
          %cond3A_638 = arith.cmpi ne, %convert_element_type3A_636, %cond3A_637 : i32
          scf.if %cond3A_638 {
            %add3A_644 = arith.constant 2 : i32
            %add3A_645 = arith.addi %add3A_146, %add3A_644 : i32
            %add3A_646 = arith.addi %mul3A_2, %add3A_645 : i32
            %mul3A_647 = arith.constant 256 : i32
            %mul3A_648 = arith.muli %add3A_646, %mul3A_647 : i32
            %dma_start3A_649 = arith.constant 0 : i32
            %dma_start3A_650 = tpu.memref_slice %arg2[%dma_start3A_649, %mul3A_648] : memref<64x1000000xf32, #tpu.memory_space<hbm>> -> memref<64x256xf32, #tpu.memory_space<hbm>>
            %dma_start3A_651 = arith.constant 0 : i32
            %dma_start3A_652 = tpu.memref_slice %arg2[%dma_start3A_651, %mul3A_648] : memref<64x1000000xf32, #tpu.memory_space<hbm>> -> memref<64x256xf32, #tpu.memory_space<hbm>>
            tpu.enqueue_dma source(%dma_start3A_652 : memref<64x256xf32, #tpu.memory_space<hbm>>) target(%arg6 : memref<64x256xf32, #tpu.memory_space<vmem>>) target_semaphore(%arg10 : memref<!tpu.dma_semaphore, #tpu.memory_space<semaphore_mem>>)
          } else {
          }
          %add3A_639 = arith.addi %mul3A_2, %add3A_146 : i32
          %mul3A_640 = arith.constant 16384 : i32
          %mul3A_641 = arith.muli %add3A_639, %mul3A_640 : i32
          %dma_start3A_642 = tpu.memref_slice %arg4[%mul3A_641] : memref<64000000xf32, #tpu.memory_space<hbm>> -> memref<16384xf32, #tpu.memory_space<hbm>>
          %dma_start3A_643 = tpu.memref_slice %arg4[%mul3A_641] : memref<64000000xf32, #tpu.memory_space<hbm>> -> memref<16384xf32, #tpu.memory_space<hbm>>
          tpu.enqueue_dma source(%arg8 : memref<16384xf32, #tpu.memory_space<vmem>>) target(%dma_start3A_643 : memref<16384xf32, #tpu.memory_space<hbm>>) target_semaphore(%arg12 : memref<!tpu.dma_semaphore, #tpu.memory_space<semaphore_mem>>)
        } else {
        }
      }
      %scan3A_126 = arith.constant 62 : i32
      %gt3A_127 = arith.constant 1 : i32
      %gt3A_128 = arith.cmpi sgt, %min3A_5, %gt3A_127 : i32
      %convert_element_type3A_129 = arith.extui %gt3A_128 : i1 to i32
      %cond3A_130 = arith.constant 0 : i32
      %cond3A_131 = arith.cmpi ne, %convert_element_type3A_129, %cond3A_130 : i32
      scf.if %cond3A_131 {
        %dma_wait3A_135 = arith.constant 0 : i32
        %dma_wait3A_136 = tpu.memref_slice %arg4[%dma_wait3A_135] : memref<64000000xf32, #tpu.memory_space<hbm>> -> memref<16384xf32, #tpu.memory_space<hbm>>
        %dma_wait3A_137 = arith.constant 0 : i32
        %dma_wait3A_138 = tpu.memref_slice %arg4[%dma_wait3A_137] : memref<64000000xf32, #tpu.memory_space<hbm>> -> memref<16384xf32, #tpu.memory_space<hbm>>
        tpu.wait_dma2 semaphore(%arg12 : memref<!tpu.dma_semaphore, #tpu.memory_space<semaphore_mem>>) src(%arg8 : memref<16384xf32, #tpu.memory_space<vmem>>) dst(%dma_wait3A_138 : memref<16384xf32, #tpu.memory_space<hbm>>)
      } else {
      }
      %dma_wait3A = arith.constant 0 : i32
      %dma_wait3A_132 = tpu.memref_slice %arg4[%dma_wait3A] : memref<64000000xf32, #tpu.memory_space<hbm>> -> memref<16384xf32, #tpu.memory_space<hbm>>
      %dma_wait3A_133 = arith.constant 0 : i32
      %dma_wait3A_134 = tpu.memref_slice %arg4[%dma_wait3A_133] : memref<64000000xf32, #tpu.memory_space<hbm>> -> memref<16384xf32, #tpu.memory_space<hbm>>
      tpu.wait_dma2 semaphore(%arg11 : memref<!tpu.dma_semaphore, #tpu.memory_space<semaphore_mem>>) src(%arg7 : memref<16384xf32, #tpu.memory_space<vmem>>) dst(%dma_wait3A_134 : memref<16384xf32, #tpu.memory_space<hbm>>)
    } else {
    }
    return
  }
}

</mosaic_0001>

<sc_bundles>
// kernel: _detile_table.3.cloned.1.call-start
scs
__scs_entry_jumppad:
0x0: {  	(pc) =	sbr.rel $0x88, $3  }
0x1: {  	(tag) =	ssettag $0x0;
	lr =	simm.s32 $0x1  }
0x2: {  	[smem:$0x3F9F] =	sst lr;
	_ =	strace $0xD0000000  }
0x3: {  	_ = 	snop  }
0x4: {  	_ = 	snop  }
0x5: {  	_ = 	snop  }
0x6: {  	_ = 	snop  }
0x7: {  	_ = 	snop  }
__scs_overlays_trampoline_lowered:
0x8: {  	[smem:$0x3FAE] =	sst s0  }
0x9: {  	[smem:$0x3FAF] =	sst s1  }
0xa: {  	[smem:$0x3FB0] =	sst s2  }
0xb: {  	[smem:$0x3FB1] =	sst s3  }
0xc: {  	[smem:$0x3FB2] =	sst s4  }
0xd: {  	[smem:$0x3FB3] =	sst s5  }
0xe: {  	[smem:$0x3FB4] =	sst s6  }
0xf: {  	[smem:$0x3FB5] =	sst s7  }
0x10: {  	[smem:$0x3FB6] =	sst s8  }
0x11: {  	[smem:$0x3FB7] =	sst s9;
	s0 =	simm.s32 @!p0 $0x0  }
0x12: {  	s1 =	sld [smem:$0x3F9D];
	s0 =	simm.s32 @p0 $0x1  }
0x13: {  	[smem:$0x3FB8] =	sst s0;
	s0 =	simm.s32 @!p1 $0x0  }
0x14: {  	s2 =	sld [smem:$0x3F9C];
	s0 =	simm.s32 @p1 $0x1  }
0x15: {  	[smem:$0x3FB9] =	sst s0;
	s0 =	simm.s32 @!p2 $0x0  }
0x16: {  	s3 =	sld [smem:$0x3FDB];
	s0 =	simm.s32 @p2 $0x1  }
0x17: {  	s4 =	simm.s32 $0x1BF5;
	[smem:$0x3FBB] =	sst s0  }
0x18: {  	s0 =	sld [smem:$0x3F9E];
	_ =	swait.ge [sflag:s4], $0x0  }
0x19: {  	s7 =	sld [smem:$0x3F9F]  }
0x1a: {  	s8 =	sadd.s32 $0xFFFFE003, lr  }
0x1b: {  	s9 =	sadd.s32 $0xFFFFFEF7, lr;
	s5 =	simm.s32 $0xFFFFFFFF;
	p2 =	slt.u32 s8, $0xFFFFF086  }
0x1c: {  	p1 =	slt.u32 s9, $0xF7A;
	s5 =	simm.s32 @!p2 $0x0  }
0x1d: {  	s5 =	simm.s32 @p1 $0x1;
	p0 =	seq.s32 s7, s2  }
0x1e: {  	s7 =	smul.u32 @!p0 $0xF7A, s2;
	p2 =	seq.s32 @!p0 s5, $0x0  }
0x1f: {  	s9 =	smul.u32 $0xF7A, s1;
	s8 =	simm.s32 @!p0 $0x1BF5;
	p2 =	por !p2, p0  }
0x20: {  	[sflag:s8] =	ssyncset.s32 @!p0 $0xFFFFF086;
	s6 =	sadd.s32 @!p0 s3, s7;
	s7 =	simm.s32 @!p0 $0x108  }
0x21: {  	s3 =	sadd.s32 s3, s9;
	s6 =	sadd.s32 @!p0 $0x88, s6;
	s7 =	simm.s32 @p2 $0x1082  }
0x22: {  	[simem:s7], [sflag:s8] =	dma.local @!p0 [hbm:s6], $0xF7A  }
0x23: {  	s9 =	sor.u32 $0xD0000000, s2;
	s6 =	simm.s32 $0x108;
	_ =	swait.ge @!p0 [sflag:s8], $0x0  }
0x24: {  	s3 =	sadd.s32 $0x88, s3;
	s6 =	simm.s32 @!p1 $0x1082;
	[sflag:s4] =	ssyncset.s32 $0xFFFFF086  }
0x25: {  	[simem:s6], [sflag:s4] =	dma.local [hbm:s3], $0xF7A  }
0x26: {  	[smem:$0x3F9F] =	sst s1;
	(tag) =	ssettag s2;
	_ =	strace s9  }
0x27: {  	s1 =	sld [smem:$0x3FAF]  }
0x28: {  	s2 =	sld [smem:$0x3FB0]  }
0x29: {  	s4 =	sld [smem:$0x3FB2]  }
0x2a: {  	p0 =	seq.s32 s5, $0x0;
	s5 =	sld [smem:$0x3FB3]  }
0x2b: {  	s6 =	sld [smem:$0x3FB4]  }
0x2c: {  	s7 =	sld [smem:$0x3FB5]  }
0x2d: {  	s3 =	simm.s32 $0x108;
	s8 =	sld [smem:$0x3FB6]  }
0x2e: {  	s3 =	simm.s32 @!p0 $0x1082;
	s9 =	sld [smem:$0x3FB7]  }
0x2f: {  	lr =	sadd.s32 s0, s3;
	s0 =	sld [smem:$0x3FAE]  }
0x30: {  	s3 =	sld [smem:$0x3FB1]  }
0x31: {  	[smem:$0x3FBA] =	sst s10  }
0x32: {  	s10 =	sld [smem:$0x3FB8];
	_ =	sdelay $0x3  }
0x33: {  	p0 =	seq.s32 s10, $0x1;
	s10 =	sld [smem:$0x3FBA];
	_ =	sdelay $0x3  }
0x34: {  	[smem:$0x3FBA] =	sst s10  }
0x35: {  	s10 =	sld [smem:$0x3FB9];
	_ =	sdelay $0x3  }
0x36: {  	p1 =	seq.s32 s10, $0x1;
	s10 =	sld [smem:$0x3FBA];
	_ =	sdelay $0x3  }
0x37: {  	[smem:$0x3FBA] =	sst s10  }
0x38: {  	s10 =	sld [smem:$0x3FBB]  }
0x39: {  	_ = 	snop;
	(pc) =	sbr.ind lr, $3  }
0x3a: {  	_ = 	snop  }
0x3b: {  	_ = 	snop  }
0x3c: {  	p2 =	seq.s32 s10, $0x1;
	s10 =	sld [smem:$0x3FBA]  }
0x3d: {  	_ =	shalt  }
0x3e: {  	_ =	shalt  }
0x3f: {  	_ =	shalt  }
0x40: {  	_ =	shalt  }
0x41: {  	_ =	shalt  }
0x42: {  	_ =	shalt  }
0x43: {  	_ =	shalt  }
0x44: {  	_ =	shalt  }
0x45: {  	_ =	shalt  }
0x46: {  	_ =	shalt  }
0x47: {  	_ =	shalt  }
0x48: {  	_ =	shalt  }
0x49: {  	_ =	shalt  }
0x4a: {  	_ =	shalt  }
0x4b: {  	_ =	shalt  }
0x4c: {  	_ =	shalt  }
0x4d: {  	_ =	shalt  }
0x4e: {  	_ =	shalt  }
0x4f: {  	_ =	shalt  }
0x50: {  	_ =	shalt  }
0x51: {  	_ =	shalt  }
0x52: {  	_ =	shalt  }
0x53: {  	_ =	shalt  }
0x54: {  	_ =	shalt  }
0x55: {  	_ =	shalt  }
0x56: {  	_ =	shalt  }
0x57: {  	_ =	shalt  }
0x58: {  	_ =	shalt  }
0x59: {  	_ =	shalt  }
0x5a: {  	_ =	shalt  }
0x5b: {  	_ =	shalt  }
0x5c: {  	_ =	shalt  }
0x5d: {  	_ =	shalt  }
0x5e: {  	_ =	shalt  }
0x5f: {  	_ =	shalt  }
0x60: {  	_ =	shalt  }
0x61: {  	_ =	shalt  }
0x62: {  	_ =	shalt  }
0x63: {  	_ =	shalt  }
0x64: {  	_ =	shalt  }
0x65: {  	_ =	shalt  }
0x66: {  	_ =	shalt  }
0x67: {  	_ =	shalt  }
0x68: {  	_ =	shalt  }
0x69: {  	_ =	shalt  }
0x6a: {  	_ =	shalt  }
0x6b: {  	_ =	shalt  }
0x6c: {  	_ =	shalt  }
0x6d: {  	_ =	shalt  }
0x6e: {  	_ =	shalt  }
0x6f: {  	_ =	shalt  }
0x70: {  	_ =	shalt  }
0x71: {  	_ =	shalt  }
0x72: {  	_ =	shalt  }
0x73: {  	_ =	shalt  }
0x74: {  	_ =	shalt  }
0x75: {  	_ =	shalt  }
0x76: {  	_ =	shalt  }
0x77: {  	_ =	shalt  }
0x78: {  	_ =	shalt  }
0x79: {  	_ =	shalt  }
0x7a: {  	_ =	shalt  }
0x7b: {  	_ =	shalt  }
0x7c: {  	_ =	shalt  }
0x7d: {  	_ =	shalt  }
0x7e: {  	_ =	shalt  }
0x7f: {  	_ =	shalt  }
0x80: {  	_ =	shalt  }
0x81: {  	_ =	shalt  }
0x82: {  	_ =	shalt  }
0x83: {  	_ =	shalt  }
0x84: {  	_ =	shalt  }
0x85: {  	_ =	shalt  }
0x86: {  	_ =	shalt  }
0x87: {  	_ =	shalt  }
.Lfunc_end0:
.L_simem_size_0:
called_computation_lowered:
.L_overlay_start_0:
0x88: {  	s2 =	sld [smem:$0x3FD9]  }
0x89: {  	s3 =	sld [smem:$0x3FFE];
	_ =	sdelay $0x1  }
0x8a: {  	s1 =	srdreg.scid  }
0x8b: {  	s0 =	sand.u32 $0x1, s1  }
0x8c: {  	s18 =	sshll.u32 s0, $0xA;
	s2 =	sadd.s32 s3, s2  }
0x8d: {  	s2 =	sadd.s32 s2, s18  }
0x8e: {  	[smem:$0x3FC6] =	sst s2  }
0x8f: {  	_ = 	snop  }
0x90: {  	s2 =	sld [smem:$0x3FC9]  }
0x91: {  	s19 =	sld [smem:$0x3FC8]  }
0x92: {  	s4 =	sld [smem:$0x3FD0];
	(tm) =	ssettm $0x1  }
0x93: {  	s5 =	sld [smem:$0x3FFB];
	_ =	sdelay $0x3  }
0x94: {  	_ =	strace s5  }
0x95: {  	s5 =	sld [smem:$0x3FFC];
	_ =	sdelay $0x3  }
0x96: {  	_ =	strace s5  }
0x97: {  	s5 =	sld [smem:$0x3FFD];
	_ =	sdelay $0x3  }
0x98: {  	_ =	strace s5  }
0x99: {  	_ =	strace $0x8FFFFFFF  }
0x9a: {  	s20 =	sld [smem:$0x3FDB];
	_ =	sdelay $0x1  }
0x9b: {  	s6 =	simm.s32 $_scs_section_size  }
0x9c: {  	s7 =	simm.s32 $_size__tile_overlayer_lowered;
	s8 =	simm.s32 $_tile_overlayer_lowered  }
0x9d: {  	s23 =	simm.s32 $0x1BFF;
	s22 =	sshll.u32 s8, $0x1;
	s5 =	sadd.s32 s6, s20  }
0x9e: {  	s9 =	simm.s32 $0x0;
	s21 =	sshll.u32 s7, $0x1;
	s7 =	sadd.s32 s22, s5  }
0x9f: {  	[timem:s9], [sflag:s23] =	dma.local [hbm:s7], s21  }
0xa0: {  	_ =	swait.ge [sflag:s23], s21  }
0xa1: {  	s6 =	ssub.s32 $0x0, s21;
	[sflag:s23] =	ssyncset.done $0x0  }
0xa2: {  	[sflag:s23] =	ssyncadd.s32 s6;
	_ =	sdelay $0x1  }
0xa3: {  	s24 =	simm.s32 $0x1B8B  }
0xa4: {  	_ =	swait.ge [sflag:s24], $0x1  }
0xa5: {  	[sflag:s24] =	ssyncset.done $0x0  }
0xa6: {  	s25 =	simm.s32 $0x1B8E;
	[sflag:s24] =	ssyncadd.s32 $0xFFFFFFFF  }
0xa7: {  	s26 =	simm.s32 $execute0_lowered;
	[smem:$0x3FD2] =	sst s25  }
0xa8: {  	s6 =	sshll.u32 s26, $0x1;
	_ =	strace $0x80000046;
	[dreg:$0x1] =	wrdreg $0xFFFFFFFF  }
0xa9: {  	s28 =	simm.s32 $_size_execute0_lowered;
	s5 =	sadd.s32 s5, s6;
	[dreg:$0x0] =	wrdreg $0x0  }
0xaa: {  	s6 =	sshll.u32 s28, $0x1;
	[dreg:$0x2] =	wrdreg s5  }
0xab: {  	[dreg:$0x3] =	wrdreg s6  }
0xac: {  	[dreg:$0x4] =	wrdreg $0xC0  }
0xad: {  	_ =	task [dreg:s9], $0x5FFFF  }
0xae: {  	[dreg:$0x1] =	wrdreg $0xFFFFFFFF  }
0xaf: {  	[dreg:$0x0] =	wrdreg $0x60  }
0xb0: {  	[dreg:$0x2] =	wrdreg s2  }
0xb1: {  	[dreg:$0x3] =	wrdreg s19  }
0xb2: {  	[dreg:$0x4] =	wrdreg s4  }
0xb3: {  	[dreg:$0x5] =	wrdreg $0x9  }
0xb4: {  	_ =	task.clear_ibuf [dreg:s9], $0x6FFFF;
	_ =	strace $0x90000046  }
0xb5: {  	s29 =	simm.s32 $0x9;
	_ =	strace $0x80000048  }
0xb6: {  	_ =	swait.ge [sflag:s29], $0x1  }
0xb7: {  	[sflag:s29] =	ssyncadd.s32 $0xFFFFFFFF  }
0xb8: {  	_ =	strace $0x90000048  }
0xb9: {  	_ =	sfence  }
0xba: {  	s30 =	sld [smem:$0x0];
	_ =	sdelay $0x2  }
0xbb: {  	s31 =	sshll.u32 s1, $0xD;
	s1 =	sshrl.u32 s1, $0x2  }
0xbc: {  	s3 =	sand.u32 $0x4000, s31;
	s1 =	sadd.s32 s1, s30  }
0xbd: {  	s0 =	sor.u32 s3, s0;
	s1 =	sshll.u32 s1, $0x11  }
0xbe: {  	s0 =	sor.u32 s1, s0  }
0xbf: {  	s0 =	sadd.s32 $0x8F2B, s0  }
0xc0: {  	[sflag:s0] =	ssyncadd.remote.s32 $0x1  }
0xc1: {  	_ =	sfence.sel $0xFFFF  }
0xc2: {  	[dreg:$0x0] =	wrdreg $0xFFFFFFFF;
	(pc) =	sbr.abs _section_cstart, $3  }
0xc3: {  	[dreg:$0x1] =	wrdreg $0xFFFFFFFF  }
0xc4: {  	_ =	task.clear_ibuf [dreg:s9], $0x2FFFF;
	_ =	strace $0x9FFFFFFF  }
0xc5: {  	(tm) =	ssettm $0x7FFFFFFF  }
tec
execute0_lowered:
.L_overlay_start_1:
0x0: {  	(tag) =	ssettag $0x1  }
0x1: {  	vm4 =	vcmask $0x300  }
0x2: {  	v0 =	vimm.s32 $0xB80;
	vm3 =	vcmask $0x704;
	v1 =	vimm.s32 $0x0  }
0x3: {  	vm2 =	vcmask $0xB08;
	vm1 =	vcmask $0xF0C;
	v41 =	vimm.s32 $0x80  }
0x4: {  	v43 =	vimm.s32 $0x100;
	v2 =	vimm.s32 $0x180;
	v47 =	vimm.s32 $0x200  }
0x5: {  	v49 =	vimm.s32 $0x280;
	v50 =	vimm.s32 $0x300;
	v54 =	vimm.s32 $0x380  }
0x6: {  	v56 =	vimm.s32 $0x800;
	v57 =	vimm.s32 $0x880;
	v61 =	vimm.s32 $0x900  }
0x7: {  	v63 =	vimm.s32 $0x980;
	v32 =	vimm.s32 $0xA00;
	vm0 =	vcmask $0xF00  }
0x8: {  	v3 =	vimm.s32 $0xC7864504;
	v4 =	vimm.s32 $0x2080;
	v5 =	vimm.s32 $0x2100  }
0x9: {  	v6 =	vimm.s32 $0x2180;
	v7 =	vimm.s32 $0x2200;
	v8 =	vimm.s32 $0x2280  }
0xa: {  	v9 =	vimm.s32 $0x2300;
	v10 =	vimm.s32 $0x2380;
	v11 =	vimm.s32 $0x2800  }
0xb: {  	v12 =	vimm.s32 $0x2880;
	v13 =	vimm.s32 $0x2900;
	v14 =	vimm.s32 $0x2980  }
0xc: {  	v15 =	vimm.s32 $0x2A00;
	v16 =	vimm.s32 $0x2A80;
	v17 =	vimm.s32 $0x2B00  }
0xd: {  	v18 =	vimm.s32 $0x3B80;
	v19 =	vimm.s32 $0x3000;
	v20 =	vimm.s32 $0x3080  }
0xe: {  	v21 =	vimm.s32 $0x3100;
	v22 =	vimm.s32 $0x3180;
	v23 =	vimm.s32 $0x3200  }
0xf: {  	v24 =	vimm.s32 $0x3280;
	v25 =	vimm.s32 $0x3300;
	v26 =	vimm.s32 $0x3380  }
0x10: {  	v27 =	vimm.s32 $0x3800;
	v28 =	vimm.s32 $0x3880;
	v29 =	vimm.s32 $0x3900  }
0x11: {  	v30 =	vimm.s32 $0x3980;
	v31 =	vimm.s32 $0x3A00;
	v0 =	vsel vm4, $0x0, v0  }
0x12: {  	v1 =	vsel vm4, $0x80, v1;
	v42 =	vsel vm4, $0x100, v41;
	v2 =	vsel vm4, $0x200, v2  }
0x13: {  	v48 =	vsel vm4, $0x280, v47;
	v55 =	vsel vm4, $0x800, v54;
	v62 =	vsel vm4, $0x980, v61  }
0x14: {  	v54 =	vimm.s32 $0xC5844302;
	v61 =	vimm.s32 $0xC6854403;
	v3 =	vunpack.c.0.s8.s32 v3  }
0x15: {  	v4 =	vsel vm4, $0x2100, v4;
	v5 =	vsel vm4, $0x2180, v5;
	v6 =	vsel vm4, $0x2200, v6  }
0x16: {  	v7 =	vsel vm4, $0x2280, v7;
	v8 =	vsel vm4, $0x2300, v8;
	v9 =	vsel vm4, $0x2380, v9  }
0x17: {  	v10 =	vsel vm4, $0x2800, v10;
	v11 =	vsel vm4, $0x2880, v11;
	v12 =	vsel vm4, $0x2900, v12  }
0x18: {  	v13 =	vsel vm4, $0x2980, v13;
	v14 =	vsel vm4, $0x2A00, v14;
	v15 =	vsel vm4, $0x2A80, v15  }
0x19: {  	v16 =	vsel vm4, $0x2B00, v16;
	v17 =	vsel vm4, $0x2B80, v17;
	v18 =	vsel vm4, $0x3000, v18  }
0x1a: {  	v19 =	vsel vm4, $0x3080, v19;
	v20 =	vsel vm4, $0x3100, v20;
	v21 =	vsel vm4, $0x3180, v21  }
0x1b: {  	v22 =	vsel vm4, $0x3200, v22;
	v23 =	vsel vm4, $0x3280, v23;
	v24 =	vsel vm4, $0x3300, v24  }
0x1c: {  	v25 =	vsel vm4, $0x3380, v25;
	v26 =	vsel vm4, $0x3800, v26;
	v27 =	vsel vm4, $0x3880, v27  }
0x1d: {  	v28 =	vsel vm4, $0x3900, v28;
	v29 =	vsel vm4, $0x3980, v29;
	v30 =	vsel vm4, $0x3A00, v30  }
0x1e: {  	v31 =	vsel vm4, $0x3A80, v31;
	v0 =	vsel vm3, $0x80, v0;
	v1 =	vsel vm3, $0x100, v1  }
0x1f: {  	v45 =	vsel vm3, $0x280, v2;
	v2 =	vsel vm4, $0x380, v50;
	v4 =	vsel vm3, $0x2180, v4  }
0x20: {  	v5 =	vsel vm3, $0x2200, v5;
	v6 =	vsel vm3, $0x2280, v6;
	v7 =	vsel vm3, $0x2300, v7  }
0x21: {  	v8 =	vsel vm3, $0x2380, v8;
	v9 =	vsel vm3, $0x2800, v9;
	v10 =	vsel vm3, $0x2880, v10  }
0x22: {  	v11 =	vsel vm3, $0x2900, v11;
	v12 =	vsel vm3, $0x2980, v12;
	v13 =	vsel vm3, $0x2A00, v13  }
0x23: {  	v14 =	vsel vm3, $0x2A80, v14;
	v15 =	vsel vm3, $0x2B00, v15;
	v16 =	vsel vm3, $0x2B80, v16  }
0x24: {  	v17 =	vsel vm3, $0x2000, v17;
	v0 =	vsel vm2, $0x100, v0;
	v40 =	vsel vm2, $0x180, v1  }
0x25: {  	v1 =	vsel vm4, $0x180, v43;
	v46 =	vsel vm2, $0x300, v45;
	v52 =	vsel vm3, $0x800, v2  }
0x26: {  	v2 =	vsel vm4, $0x900, v57;
	v4 =	vsel vm2, $0x2200, v4;
	v5 =	vsel vm2, $0x2280, v5  }
0x27: {  	v9 =	vsel vm2, $0x2880, v9;
	v13 =	vsel vm2, $0x2A80, v13;
	v35 =	vsel vm1, $0x180, v0  }
0x28: {  	v36 =	vsel vm1, $0x200, v40;
	v0 =	vsel vm3, $0x180, v42;
	v1 =	vsel vm3, $0x200, v1  }
0x29: {  	v39 =	vsel vm1, $0x380, v46;
	v53 =	vsel vm2, $0x880, v52;
	v59 =	vsel vm3, $0x980, v2  }
0x2a: {  	v2 =	vsel vm4, $0xA80, v32;
	v52 =	vimm.s32 $0xC4834201;
	v32 =	vand.u32 $0xFF, v3  }
0x2b: {  	v3 =	vimm.s32 $0xCC8B4A09;
	v0 =	vsel vm2, $0x200, v0;
	v44 =	vsel vm2, $0x280, v1  }
0x2c: {  	v1 =	vsel vm4, $0x300, v49;
	v42 =	vsel vm1, $0x900, v53;
	v60 =	vsel vm2, $0xA00, v59  }
0x2d: {  	v34 =	vsel vm3, $0xB00, v2;
	v49 =	vimm.s32 $0xA80;
	v2 =	vunpack.c.0.s8.s32 v52  }
0x2e: {  	v52 =	vimm.s32 $0xCD8C4B0A;
	v37 =	vsel vm1, $0x280, v0;
	v38 =	vsel vm1, $0x300, v44  }
0x2f: {  	v0 =	vsel vm3, $0x300, v48;
	v1 =	vsel vm3, $0x380, v1;
	v45 =	vsel vm1, $0xA80, v60  }
0x30: {  	v48 =	vsel vm2, $0xB80, v34;
	v50 =	vsel vm4, $0xB00, v49;
	v34 =	vimm.s32 $0xCA894807  }
0x31: {  	v49 =	vimm.s32 $0xCB8A4908;
	v0 =	vsel vm2, $0x380, v0;
	v51 =	vsel vm2, $0x800, v1  }
0x32: {  	v1 =	vsel vm4, $0x880, v56;
	v60 =	vand.u32 $0xFF, v2;
	v2 =	vunpack.c.0.s8.s32 v61  }
0x33: {  	v40 =	vsel vm1, $0x800, v0;
	v41 =	vsel vm1, $0x880, v51;
	v0 =	vsel vm3, $0x880, v55  }
0x34: {  	v1 =	vsel vm3, $0x900, v1;
	v55 =	vsel vm1, $0x0, v48;
	v51 =	vimm.s32 $0xB00  }
0x35: {  	v59 =	vnsel vm0, $0x3C0, v60;
	v48 =	vunpack.c.0.s8.s32 v34;
	v0 =	vsel vm2, $0x900, v0  }
0x36: {  	v58 =	vsel vm2, $0x980, v1;
	v1 =	vsel vm4, $0xA00, v63;
	v63 =	vand.u32 $0xFF, v2  }
0x37: {  	v2 =	vunpack.c.0.s8.s32 v49;
	v43 =	vsel vm1, $0x980, v0;
	v44 =	vsel vm1, $0xA00, v58  }
0x38: {  	v0 =	vsel vm3, $0xA00, v62;
	v1 =	vsel vm3, $0xA80, v1;
	v62 =	vimm.s32 $0xC8874605  }
0x39: {  	v61 =	vnsel vm0, $0x3C2, v63;
	v0 =	vsel vm2, $0xA80, v0;
	v33 =	vsel vm2, $0xB00, v1  }
0x3a: {  	v1 =	vsel vm4, $0xB80, v51;
	v51 =	vand.u32 $0xFF, v2;
	v2 =	vunpack.c.0.s8.s32 v52  }
0x3b: {  	v46 =	vsel vm1, $0xB00, v0;
	v47 =	vsel vm1, $0xB80, v33;
	v0 =	vsel vm3, $0xB80, v50  }
0x3c: {  	v1 =	vsel vm3, $0x0, v1;
	v33 =	vimm.s32 $0xC9884706;
	v50 =	vunpack.c.0.s8.s32 v3  }
0x3d: {  	v3 =	vimm.s32 $0xCE8D4C0B;
	v0 =	vsel vm2, $0x0, v0;
	v53 =	vsel vm2, $0x80, v1  }
0x3e: {  	v1 =	vunpack.c.0.s8.s32 v54;
	v54 =	vunpack.c.0.s8.s32 v3;
	v57 =	vand.u32 $0xFF, v2  }
0x3f: {  	v3 =	vimm.s32 $0xC08F4E0D;
	v56 =	vsel vm1, $0x80, v0;
	v58 =	vsel vm1, $0x100, v53  }
0x40: {  	v0 =	vunpack.c.0.s8.s32 v62;
	v62 =	vnsel vm0, $0x3C3, v32;
	v32 =	vimm.s32 $0xCF8E4D0C  }
0x41: {  	v3 =	vunpack.c.0.s8.s32 v3;
	v1 =	vand.u32 $0xFF, v1;
	v2 =	vunpack.c.0.s8.s32 v32  }
0x42: {  	v32 =	vimm.s32 $0x1080;
	v60 =	vnsel vm0, $0x3C1, v1;
	v0 =	vand.u32 $0xFF, v0  }
0x43: {  	v1 =	vunpack.c.0.s8.s32 v33;
	v33 =	vimm.s32 $0xC1804F0E;
	v63 =	vnsel vm0, $0x3C4, v0  }
0x44: {  	v0 =	vand.u32 $0xFF, v48;
	v34 =	vand.u32 $0xFF, v2;
	v48 =	vand.u32 $0xFF, v3  }
0x45: {  	v3 =	vimm.s32 $0xD5945312;
	v1 =	vand.u32 $0xFF, v1;
	v0 =	vnsel vm0, $0x3C6, v0  }
0x46: {  	v49 =	vnsel vm0, $0x3CC, v48;
	v48 =	vimm.s32 $0x1180;
	v1 =	vnsel vm0, $0x3C5, v1;
	[tilespmem:$0x1CBB0] =	vst v0  }
0x47: {  	v3 =	vunpack.c.0.s8.s32 v3;
	v0 =	vnsel vm0, $0x3C7, v51;
	[tilespmem:$0x1CBA0] =	vst v1;
	v1 =	vand.u32 $0xFF, v50  }
0x48: {  	[tilespmem:$0x1CBC0] =	vst v0;
	v0 =	vand.u32 $0xFF, v54;
	v53 =	vnsel vm0, $0x3C8, v1;
	v1 =	vnsel vm0, $0x3C9, v57  }
0x49: {  	v51 =	vimm.s32 $0x1B80;
	v50 =	vimm.s32 $0xC281400F;
	v0 =	vnsel vm0, $0x3CA, v0;
	[tilespmem:$0x1CBE0] =	vst v1  }
0x4a: {  	v52 =	vsel vm4, $0x1000, v51;
	[tilespmem:$0x1CBF0] =	vst v0;
	v0 =	vunpack.c.0.s8.s32 v33;
	v1 =	vnsel vm0, $0x3CB, v34  }
0x4b: {  	[tilespmem:$0x1CBD0] =	vst v53;
	v53 =	vimm.s32 $0x1000;
	v33 =	vsel vm4, $0x1100, v32;
	v34 =	vimm.s32 $0x1100  }
0x4c: {  	[tilespmem:$0x1CC00] =	vst v1;
	v1 =	vunpack.c.0.s8.s32 v50;
	v2 =	vsel vm4, $0x1080, v53;
	v0 =	vand.u32 $0xFF, v0  }
0x4d: {  	v54 =	vsel vm3, $0x1100, v2;
	v2 =	vsel vm4, $0x1200, v48;
	v48 =	vimm.s32 $0x1380  }
0x4e: {  	v0 =	vnsel vm0, $0x3CD, v0;
	v1 =	vand.u32 $0xFF, v1;
	v57 =	vsel vm2, $0x1180, v54  }
0x4f: {  	v50 =	vsel vm3, $0x1280, v2;
	v54 =	vimm.s32 $0x1280;
	[tilespmem:$0x1CC20] =	vst v0;
	v0 =	vsel vm3, $0x1080, v52  }
0x50: {  	v1 =	vnsel vm0, $0x3CE, v1;
	v51 =	vsel vm2, $0x1300, v50;
	v52 =	vimm.s32 $0x1200  }
0x51: {  	v50 =	vimm.s32 $0x1800;
	[tilespmem:$0x1CC30] =	vst v1;
	v0 =	vsel vm2, $0x1100, v0;
	v1 =	vsel vm4, $0x1180, v34  }
0x52: {  	[tilespmem:$0x1CC10] =	vst v49;
	v53 =	vsel vm4, $0x1280, v52;
	v0 =	vsel vm1, $0x1180, v0;
	v1 =	vsel vm3, $0x1200, v1  }
0x53: {  	[tilespmem:$0x1CC40] =	vst v0;
	v0 =	vsel vm1, $0x1200, v57;
	v49 =	vsel vm2, $0x1280, v1;
	v1 =	vsel vm4, $0x1300, v54  }
0x54: {  	v57 =	vimm.s32 $0x1300;
	[tilespmem:$0x1CC50] =	vst v0;
	v0 =	vsel vm3, $0x1180, v33;
	v1 =	vsel vm3, $0x1380, v1  }
0x55: {  	v2 =	vsel vm4, $0x1380, v57;
	v57 =	vimm.s32 $0x1900;
	v0 =	vsel vm2, $0x1200, v0  }
0x56: {  	v32 =	vsel vm2, $0x1800, v1;
	v33 =	vsel vm3, $0x1800, v2;
	v1 =	vsel vm4, $0x1880, v50  }
0x57: {  	v0 =	vsel vm1, $0x1280, v0;
	v34 =	vsel vm2, $0x1880, v33;
	v1 =	vsel vm3, $0x1900, v1  }
0x58: {  	v33 =	vimm.s32 $0x1980;
	[tilespmem:$0x1CC60] =	vst v0;
	v0 =	vsel vm1, $0x1300, v49;
	v49 =	vsel vm4, $0x1800, v48  }
0x59: {  	v52 =	vsel vm2, $0x1980, v1;
	v1 =	vsel vm4, $0x1A00, v33;
	v33 =	vand.u32 $0xFF, v3  }
0x5a: {  	v3 =	vimm.s32 $0xD9985716;
	[tilespmem:$0x1CC70] =	vst v0;
	v0 =	vsel vm1, $0x1380, v51;
	v51 =	vimm.s32 $0x1880  }
0x5b: {  	v1 =	vsel vm3, $0x1A80, v1;
	v3 =	vunpack.c.0.s8.s32 v3;
	[tilespmem:$0x1CC80] =	vst v0;
	v0 =	vsel vm3, $0x1300, v53  }
0x5c: {  	v2 =	vsel vm4, $0x1900, v51;
	v48 =	vsel vm2, $0x1B00, v1;
	v51 =	vimm.s32 $0x1A80  }
0x5d: {  	v0 =	vsel vm2, $0x1380, v0;
	v53 =	vsel vm3, $0x1980, v2;
	v3 =	vand.u32 $0xFF, v3  }
0x5e: {  	v0 =	vsel vm1, $0x1800, v0;
	v54 =	vsel vm2, $0x1A00, v53;
	v53 =	vimm.s32 $0x1B00  }
0x5f: {  	[tilespmem:$0x1CC90] =	vst v0;
	v0 =	vsel vm1, $0x1880, v32;
	v32 =	vsel vm4, $0x1980, v57;
	v1 =	vsel vm4, $0x1B80, v53  }
0x60: {  	[tilespmem:$0x1CCA0] =	vst v0;
	v0 =	vsel vm1, $0x1900, v34;
	v34 =	vimm.s32 $0x1A00;
	v1 =	vsel vm3, $0x1000, v1  }
0x61: {  	[tilespmem:$0x1CCB0] =	vst v0;
	v0 =	vsel vm3, $0x1880, v49;
	v2 =	vsel vm4, $0x1A80, v34;
	v1 =	vsel vm2, $0x1080, v1  }
0x62: {  	v34 =	vimm.s32 $0xD6955413;
	v0 =	vsel vm2, $0x1900, v0;
	v49 =	vsel vm3, $0x1B00, v2  }
0x63: {  	v0 =	vsel vm1, $0x1980, v0;
	v50 =	vsel vm2, $0x1B80, v49;
	v49 =	vimm.s32 $0xD7965514  }
0x64: {  	v57 =	vsel vm1, $0x1100, v1;
	[tilespmem:$0x1CCC0] =	vst v0;
	v0 =	vsel vm1, $0x1A00, v52;
	v1 =	vunpack.c.0.s8.s32 v49  }
0x65: {  	v52 =	vsel vm4, $0x1B00, v51;
	[tilespmem:$0x1CCD0] =	vst v0;
	v0 =	vsel vm1, $0x1A80, v54;
	v54 =	vimm.s32 $0xD4935211  }
0x66: {  	[tilespmem:$0x1CCE0] =	vst v0;
	v0 =	vsel vm3, $0x1A00, v32;
	v2 =	vunpack.c.0.s8.s32 v54;
	v51 =	vand.u32 $0xFF, v1  }
0x67: {  	v54 =	vnsel vm0, $0x3D5, v3;
	v3 =	vimm.s32 $0xDD9C5B1A;
	v0 =	vsel vm2, $0x1A80, v0  }
0x68: {  	[tilespmem:$0x1CD90] =	vst v54;
	v54 =	vimm.s32 $0xD1905F1E;
	v0 =	vsel vm1, $0x1B00, v0;
	v32 =	vand.u32 $0xFF, v2  }
0x69: {  	[tilespmem:$0x1CCF0] =	vst v0;
	v0 =	vsel vm1, $0x1B80, v48;
	v48 =	vunpack.c.0.s8.s32 v34;
	v34 =	vunpack.c.0.s8.s32 v3  }
0x6a: {  	v3 =	vimm.s32 $0xDE9D5C1B;
	[tilespmem:$0x1CD00] =	vst v0;
	v0 =	vsel vm1, $0x1000, v50;
	v50 =	vimm.s32 $0xD8975615  }
0x6b: {  	v3 =	vunpack.c.0.s8.s32 v3;
	[tilespmem:$0x1CD10] =	vst v0;
	v0 =	vsel vm3, $0x1B80, v52;
	v2 =	vunpack.c.0.s8.s32 v50  }
0x6c: {  	v52 =	vimm.s32 $0xDA995817;
	v50 =	vimm.s32 $0xDF9E5D1C;
	v0 =	vsel vm2, $0x1000, v0  }
0x6d: {  	[tilespmem:$0x1CD30] =	vst v57;
	v1 =	vunpack.c.0.s8.s32 v52;
	v0 =	vsel vm1, $0x1080, v0;
	v2 =	vand.u32 $0xFF, v2  }
0x6e: {  	v49 =	vand.u32 $0xFF, v3;
	[tilespmem:$0x1CD20] =	vst v0;
	v0 =	vnsel vm0, $0x3D0, v32;
	v53 =	vnsel vm0, $0x3D4, v2  }
0x6f: {  	v57 =	vand.u32 $0xFF, v1;
	v32 =	vimm.s32 $0xDB9A5918;
	[tilespmem:$0x1CD40] =	vst v0;
	v0 =	vnsel vm0, $0x3D1, v33  }
0x70: {  	v33 =	vimm.s32 $0xDC9B5A19;
	v1 =	vunpack.c.0.s8.s32 v32;
	[tilespmem:$0x1CD50] =	vst v0;
	v0 =	vand.u32 $0xFF, v48  }
0x71: {  	[tilespmem:$0x1CD80] =	vst v53;
	v2 =	vunpack.c.0.s8.s32 v33;
	v33 =	vimm.s32 $0x3B00;
	v0 =	vnsel vm0, $0x3D2, v0  }
0x72: {  	v1 =	vand.u32 $0xFF, v1;
	v33 =	vsel vm4, $0x3B80, v33;
	[tilespmem:$0x1CD60] =	vst v0;
	v0 =	vnsel vm0, $0x3D3, v51  }
0x73: {  	v2 =	vand.u32 $0xFF, v2;
	v1 =	vnsel vm0, $0x3D7, v1;
	v51 =	vimm.s32 $0x2B80;
	[tilespmem:$0x1CD70] =	vst v0  }
0x74: {  	v33 =	vsel vm3, $0x3000, v33;
	v0 =	vnsel vm0, $0x3D6, v57;
	[tilespmem:$0x1CDB0] =	vst v1;
	v48 =	vnsel vm0, $0x3D8, v2  }
0x75: {  	v2 =	vsel vm4, $0x2000, v51;
	[tilespmem:$0x1CDA0] =	vst v0;
	v0 =	vand.u32 $0xFF, v34;
	v34 =	vimm.s32 $0xD09F5E1D  }
0x76: {  	[tilespmem:$0x1CDC0] =	vst v48;
	v2 =	vsel vm3, $0x2080, v2;
	v0 =	vnsel vm0, $0x3D9, v0;
	v53 =	vunpack.c.0.s8.s32 v34  }
0x77: {  	v34 =	vunpack.c.0.s8.s32 v54;
	v54 =	vsel vm2, $0x3080, v33;
	v33 =	vsel vm1, $0x2300, v5;
	[tilespmem:$0x1CDD0] =	vst v0  }
0x78: {  	v1 =	vunpack.c.0.s8.s32 v50;
	v2 =	vsel vm2, $0x2100, v2;
	v0 =	vnsel vm0, $0x3DA, v49;
	[tilespmem:$0x1CE60] =	vst v33  }
0x79: {  	v3 =	vimm.s32 $0x2000;
	v32 =	vimm.s32 $0x3A80;
	v2 =	vsel vm1, $0x2180, v2;
	[tilespmem:$0x1CDE0] =	vst v0  }
0x7a: {  	v32 =	vsel vm4, $0x3B00, v32;
	v52 =	vand.u32 $0xFF, v1;
	v33 =	vsel vm1, $0x2900, v9;
	[tilespmem:$0x1CE30] =	vst v2  }
0x7b: {  	v3 =	vsel vm4, $0x2080, v3;
	v32 =	vsel vm3, $0x3B80, v32;
	v0 =	vnsel vm0, $0x3DB, v52;
	[tilespmem:$0x1CEA0] =	vst v33  }
0x7c: {  	v57 =	vand.u32 $0xFF, v53;
	v53 =	vsel vm2, $0x3000, v32;
	v32 =	vsel vm1, $0x2280, v4;
	[tilespmem:$0x1CDF0] =	vst v0  }
0x7d: {  	v18 =	vsel vm3, $0x3080, v18;
	v3 =	vsel vm3, $0x2100, v3;
	v33 =	vsel vm1, $0x2B00, v13;
	[tilespmem:$0x1CE50] =	vst v32  }
0x7e: {  	v19 =	vsel vm3, $0x3100, v19;
	v3 =	vsel vm2, $0x2180, v3;
	v0 =	vnsel vm0, $0x3DC, v57;
	[tilespmem:$0x1CEE0] =	vst v33  }
0x7f: {  	v20 =	vsel vm3, $0x3180, v20;
	v8 =	vsel vm2, $0x2800, v8;
	v57 =	vsel vm1, $0x2200, v3;
	[tilespmem:$0x1CE00] =	vst v0  }
0x80: {  	v21 =	vsel vm3, $0x3200, v21;
	v17 =	vsel vm2, $0x2080, v17;
	v32 =	vsel vm1, $0x2880, v8;
	[tilespmem:$0x1CE40] =	vst v57  }
0x81: {  	v22 =	vsel vm3, $0x3280, v22;
	v6 =	vsel vm2, $0x2300, v6;
	v33 =	vsel vm1, $0x2100, v17;
	[tilespmem:$0x1CE90] =	vst v32  }
0x82: {  	v7 =	vsel vm2, $0x2380, v7;
	v0 =	vand.u32 $0xFF, v34;
	v34 =	vsel vm1, $0x2380, v6;
	[tilespmem:$0x1CF20] =	vst v33  }
0x83: {  	v23 =	vsel vm3, $0x3300, v23;
	v12 =	vsel vm2, $0x2A00, v12;
	v57 =	vsel vm1, $0x2800, v7;
	[tilespmem:$0x1CE70] =	vst v34  }
0x84: {  	v24 =	vsel vm3, $0x3380, v24;
	v21 =	vsel vm2, $0x3280, v21;
	v32 =	vsel vm1, $0x2A80, v12;
	[tilespmem:$0x1CE80] =	vst v57  }
0x85: {  	v25 =	vsel vm3, $0x3800, v25;
	v10 =	vsel vm2, $0x2900, v10;
	v33 =	vsel vm1, $0x3300, v21;
	[tilespmem:$0x1CED0] =	vst v32  }
0x86: {  	v26 =	vsel vm3, $0x3880, v26;
	v11 =	vsel vm2, $0x2980, v11;
	v34 =	vsel vm1, $0x2980, v10;
	[tilespmem:$0x1D050] =	vst v33  }
0x87: {  	v27 =	vsel vm3, $0x3900, v27;
	v16 =	vsel vm2, $0x2000, v16;
	v57 =	vsel vm1, $0x2A00, v11;
	[tilespmem:$0x1CEB0] =	vst v34  }
0x88: {  	v28 =	vsel vm3, $0x3980, v28;
	v14 =	vsel vm2, $0x2B00, v14;
	v32 =	vsel vm1, $0x2080, v16;
	[tilespmem:$0x1CEC0] =	vst v57  }
0x89: {  	v29 =	vsel vm3, $0x3A00, v29;
	v15 =	vsel vm2, $0x2B80, v15;
	v34 =	vsel vm1, $0x2B80, v14;
	[tilespmem:$0x1CF10] =	vst v32  }
0x8a: {  	v30 =	vsel vm3, $0x3A80, v30;
	v20 =	vsel vm2, $0x3200, v20;
	v57 =	vsel vm1, $0x2000, v15;
	[tilespmem:$0x1CEF0] =	vst v34  }
0x8b: {  	v31 =	vsel vm3, $0x3B00, v31;
	v18 =	vsel vm2, $0x3100, v18;
	v32 =	vsel vm1, $0x3280, v20;
	[tilespmem:$0x1CF00] =	vst v57  }
0x8c: {  	v19 =	vsel vm2, $0x3180, v19;
	v22 =	vsel vm2, $0x3300, v22;
	v34 =	vsel vm1, $0x3180, v18;
	[tilespmem:$0x1D040] =	vst v32  }
0x8d: {  	v23 =	vsel vm2, $0x3380, v23;
	v24 =	vsel vm2, $0x3800, v24;
	v57 =	vsel vm1, $0x3200, v19;
	[tilespmem:$0x1D020] =	vst v34  }
0x8e: {  	v25 =	vsel vm2, $0x3880, v25;
	v26 =	vsel vm2, $0x3900, v26;
	[tilespmem:$0x1D030] =	vst v57;
	v34 =	vsel vm1, $0x3380, v22  }
0x8f: {  	v50 =	vsel vm2, $0x3A80, v29;
	v51 =	vsel vm2, $0x3B00, v30;
	v57 =	vsel vm1, $0x3800, v23;
	[tilespmem:$0x1D060] =	vst v34  }
0x90: {  	v48 =	vsel vm2, $0x3980, v27;
	v27 =	vimm.s32 $0xD291501F;
	v32 =	vsel vm1, $0x3880, v24;
	[tilespmem:$0x1D070] =	vst v57  }
0x91: {  	v50 =	vsel vm1, $0x3B00, v50;
	v1 =	vunpack.c.0.s8.s32 v27;
	v33 =	vsel vm1, $0x3900, v25;
	[tilespmem:$0x1D080] =	vst v32  }
0x92: {  	v51 =	vsel vm1, $0x3B80, v51;
	v48 =	vsel vm1, $0x3A00, v48;
	v49 =	vsel vm2, $0x3A00, v28;
	[tilespmem:$0x1D090] =	vst v33  }
0x93: {  	v52 =	vsel vm2, $0x3B80, v31;
	v49 =	vsel vm1, $0x3A80, v49;
	v1 =	vand.u32 $0xFF, v1;
	[tilespmem:$0x1D0B0] =	vst v48  }
0x94: {  	v3 =	vimm.s32 $0xE6A56423;
	v1 =	vnsel vm0, $0x3DE, v1;
	v0 =	vnsel vm0, $0x3DD, v0;
	[tilespmem:$0x1D0C0] =	vst v49  }
0x95: {  	v34 =	vsel vm1, $0x3980, v26;
	[tilespmem:$0x1D0D0] =	vst v50;
	v57 =	vsel vm1, $0x3000, v52;
	v32 =	vsel vm1, $0x3080, v53  }
0x96: {  	[tilespmem:$0x1D0E0] =	vst v51;
	v33 =	vsel vm1, $0x3100, v54;
	v49 =	vimm.s32 $0xE5A46322;
	v52 =	vimm.s32 $0xE7A66524  }
0x97: {  	v50 =	vunpack.c.0.s8.s32 v3;
	v3 =	vimm.s32 $0xE8A76625;
	[tilespmem:$0x1D0A0] =	vst v34;
	v34 =	vimm.s32 $0xE4A36221  }
0x98: {  	[tilespmem:$0x1D100] =	vst v32;
	v2 =	vunpack.c.0.s8.s32 v49;
	v54 =	vunpack.c.0.s8.s32 v3;
	v32 =	vimm.s32 $0xE9A86726  }
0x99: {  	[tilespmem:$0x1D110] =	vst v33;
	v3 =	vimm.s32 $0xEAA96827;
	v33 =	vimm.s32 $0xEBAA6928;
	v48 =	vunpack.c.0.s8.s32 v34  }
0x9a: {  	[tilespmem:$0x1CE20] =	vst v1;
	v1 =	vand.u32 $0xFF, v50;
	v3 =	vunpack.c.0.s8.s32 v3;
	v50 =	vimm.s32 $0xECAB6A29  }
0x9b: {  	[tilespmem:$0x1CE10] =	vst v0;
	v51 =	vand.u32 $0xFF, v2;
	v2 =	vunpack.c.0.s8.s32 v52;
	v53 =	vnsel vm0, $0x3E2, v1  }
0x9c: {  	v0 =	vand.u32 $0xFF, v48;
	[tilespmem:$0x1CF50] =	vst v53;
	v48 =	vand.u32 $0xFF, v3;
	v53 =	vimm.s32 $0xEEAD6C2B  }
0x9d: {  	[tilespmem:$0x1D0F0] =	vst v57;
	v3 =	vimm.s32 $0xEFAE6D2C;
	v0 =	vnsel vm0, $0x3E0, v0;
	v57 =	vand.u32 $0xFF, v2  }
0x9e: {  	v2 =	vunpack.c.0.s8.s32 v32;
	v49 =	vnsel vm0, $0x3E6, v48;
	v32 =	vimm.s32 $0xE0AF6E2D;
	[tilespmem:$0x1CF30] =	vst v0  }
0x9f: {  	v0 =	vnsel vm0, $0x3E1, v51;
	v1 =	vnsel vm0, $0x3E3, v57;
	[tilespmem:$0x1CF90] =	vst v49;
	v51 =	vimm.s32 $0xEDAC6B2A  }
0xa0: {  	v49 =	vimm.s32 $0xE2A1602F;
	[tilespmem:$0x1CF40] =	vst v0;
	v0 =	vand.u32 $0xFF, v54;
	v34 =	vand.u32 $0xFF, v2  }
0xa1: {  	[tilespmem:$0x1CF60] =	vst v1;
	v2 =	vunpack.c.0.s8.s32 v53;
	v54 =	vunpack.c.0.s8.s32 v3;
	v0 =	vnsel vm0, $0x3E4, v0  }
0xa2: {  	v3 =	vimm.s32 $0xE1A06F2E;
	v1 =	vnsel vm0, $0x3E5, v34;
	[tilespmem:$0x1CF70] =	vst v0;
	v0 =	vunpack.c.0.s8.s32 v33  }
0xa3: {  	v52 =	vunpack.c.0.s8.s32 v51;
	v34 =	vunpack.c.0.s8.s32 v3;
	[tilespmem:$0x1CF80] =	vst v1;
	v1 =	vunpack.c.0.s8.s32 v50  }
0xa4: {  	v57 =	vand.u32 $0xFF, v2;
	v2 =	vunpack.c.0.s8.s32 v32;
	v0 =	vand.u32 $0xFF, v0  }
0xa5: {  	v3 =	vimm.s32 $0xF4B37231;
	v1 =	vand.u32 $0xFF, v1;
	v0 =	vnsel vm0, $0x3E7, v0  }
0xa6: {  	v48 =	vand.u32 $0xFF, v2;
	v1 =	vnsel vm0, $0x3E8, v1;
	[tilespmem:$0x1CFA0] =	vst v0;
	v0 =	vand.u32 $0xFF, v52  }
0xa7: {  	v2 =	vunpack.c.0.s8.s32 v49;
	[tilespmem:$0x1CFB0] =	vst v1;
	v1 =	vand.u32 $0xFF, v54;
	v0 =	vnsel vm0, $0x3E9, v0  }
0xa8: {  	v3 =	vunpack.c.0.s8.s32 v3;
	v50 =	vimm.s32 $0xF5B47332;
	v33 =	vnsel vm0, $0x3EB, v1;
	[tilespmem:$0x1CFC0] =	vst v0  }
0xa9: {  	v49 =	vimm.s32 $0xFAB97837;
	v51 =	vand.u32 $0xFF, v2;
	v1 =	vnsel vm0, $0x3EC, v48;
	[tilespmem:$0x1CFE0] =	vst v33  }
0xaa: {  	v52 =	vand.u32 $0xFF, v3;
	v54 =	vimm.s32 $0xF6B57433;
	v0 =	vnsel vm0, $0x3EA, v57;
	[tilespmem:$0x1CFF0] =	vst v1  }
0xab: {  	v3 =	vimm.s32 $0xF9B87736;
	v53 =	vnsel vm0, $0x3F0, v52;
	v1 =	vnsel vm0, $0x3EE, v51;
	[tilespmem:$0x1CFD0] =	vst v0  }
0xac: {  	v33 =	vimm.s32 $0xF8B77635;
	v0 =	vand.u32 $0xFF, v34;
	[tilespmem:$0x1D010] =	vst v1;
	v1 =	vunpack.c.0.s8.s32 v54  }
0xad: {  	v2 =	vunpack.c.0.s8.s32 v33;
	v34 =	vunpack.c.0.s8.s32 v3;
	v3 =	vimm.s32 $0xFBBA7938  }
0xae: {  	v52 =	vimm.s32 $0xFCBB7A39;
	v0 =	vnsel vm0, $0x3ED, v0;
	v51 =	vunpack.c.0.s8.s32 v3  }
0xaf: {  	[tilespmem:$0x1D120] =	vst v53;
	v1 =	vand.u32 $0xFF, v1;
	v48 =	vand.u32 $0xFF, v2;
	v2 =	vunpack.c.0.s8.s32 v49  }
0xb0: {  	v3 =	vimm.s32 $0xFDBC7B3A;
	[tilespmem:$0x1D000] =	vst v0;
	v0 =	vunpack.c.0.s8.s32 v50;
	v1 =	vnsel vm0, $0x3F2, v1  }
0xb1: {  	v53 =	vunpack.c.0.s8.s32 v3;
	[tilespmem:$0x1D140] =	vst v1;
	v1 =	vand.u32 $0xFF, v34;
	v4 =	vand.u32 $0xFF, v2  }
0xb2: {  	v50 =	vnsel vm0, $0x3F5, v1;
	v1 =	vunpack.c.0.s8.s32 v52;
	v3 =	vnsel vm0, $0x3F6, v4  }
0xb3: {  	[tilespmem:$0x1D180] =	vst v3;
	v3 =	vimm.s32 $0xF2B1703F  }
0xb4: {  	v1 =	vand.u32 $0xFF, v1;
	v3 =	vunpack.c.0.s8.s32 v3  }
0xb5: {  	v33 =	vimm.s32 $0xF1B07F3E;
	v1 =	vnsel vm0, $0x3F8, v1  }
0xb6: {  	[tilespmem:$0x1D1A0] =	vst v1;
	v1 =	vunpack.c.0.s8.s32 v33;
	v3 =	vand.u32 $0xFF, v3  }
0xb7: {  	v57 =	vimm.s32 $0xF7B67534;
	[tilespmem:$0x1D170] =	vst v50;
	v50 =	vnsel vm0, $0x3FE, v3  }
0xb8: {  	v32 =	vunpack.c.0.s8.s32 v57;
	v0 =	vand.u32 $0xFF, v0;
	v1 =	vand.u32 $0xFF, v1;
	[tilespmem:$0x1D200] =	vst v50  }
0xb9: {  	v0 =	vnsel vm0, $0x3F1, v0;
	v49 =	vnsel vm0, $0x3FD, v1;
	v1 =	vld [tilespmem:$0x1D200]  }
0xba: {  	[tilespmem:$0x1D130] =	vst v0;
	v0 =	vand.u32 $0xFF, v32  }
0xbb: {  	v0 =	vnsel vm0, $0x3F3, v0  }
0xbc: {  	vm5 =	vcmask $0x1310;
	[tilespmem:$0x1D150] =	vst v0;
	v0 =	vnsel vm0, $0x3F4, v48  }
0xbd: {  	[tilespmem:$0x1D160] =	vst v0;
	v0 =	vand.u32 $0xFF, v51;
	v51 =	vsel vm5, $0x200, v35  }
0xbe: {  	[tilespmem:$0x1D210] =	vst v51;
	v1 =	vsel vm5, $0x133, v1  }
0xbf: {  	v54 =	vimm.s32 $0xFEBD7C3B;
	v0 =	vnsel vm0, $0x3F7, v0;
	[tilespmem:$0x1D5D0] =	vst v1;
	v1 =	vld [tilespmem:$0x1D210]  }
0xc0: {  	[tilespmem:$0x1D190] =	vst v0;
	v0 =	vunpack.c.0.s8.s32 v54;
	_ =	sdelay $0x1  }
0xc1: {  	v52 =	vsel vm5, $0x280, v36;
	v0 =	vand.u32 $0xFF, v0  }
0xc2: {  	vm6 =	vcmask $0x1714;
	[tilespmem:$0x1D220] =	vst v52;
	v0 =	vnsel vm0, $0x3FA, v0  }
0xc3: {  	[tilespmem:$0x1D1C0] =	vst v0;
	v0 =	vld [tilespmem:$0x1CE50];
	v1 =	vsel vm6, $0x280, v1  }
0xc4: {  	[tilespmem:$0x1D5E0] =	vst v1;
	v1 =	vld [tilespmem:$0x1D220];
	_ =	sdelay $0x3  }
0xc5: {  	v0 =	vsel vm5, $0x2300, v0  }
0xc6: {  	[tilespmem:$0x1D230] =	vst v0;
	v0 =	vld [tilespmem:$0x1CE60];
	v1 =	vsel vm6, $0x300, v1  }
0xc7: {  	[tilespmem:$0x1D5F0] =	vst v1;
	v1 =	vld [tilespmem:$0x1D230];
	_ =	sdelay $0x3  }
0xc8: {  	v0 =	vsel vm5, $0x2380, v0  }
0xc9: {  	[tilespmem:$0x1D240] =	vst v0;
	v0 =	vld [tilespmem:$0x1CE70];
	v1 =	vsel vm6, $0x2380, v1  }
0xca: {  	[tilespmem:$0x1D600] =	vst v1;
	v1 =	vld [tilespmem:$0x1D240];
	_ =	sdelay $0x3  }
0xcb: {  	v0 =	vsel vm5, $0x2800, v0  }
0xcc: {  	[tilespmem:$0x1D250] =	vst v0;
	v0 =	vld [tilespmem:$0x1CE80];
	v1 =	vsel vm6, $0x2800, v1  }
0xcd: {  	[tilespmem:$0x1D610] =	vst v1;
	v1 =	vld [tilespmem:$0x1D250];
	_ =	sdelay $0x3  }
0xce: {  	v0 =	vsel vm5, $0x2880, v0  }
0xcf: {  	[tilespmem:$0x1D260] =	vst v0;
	v0 =	vld [tilespmem:$0x1CE90];
	v1 =	vsel vm6, $0x2880, v1  }
0xd0: {  	[tilespmem:$0x1D620] =	vst v1;
	v1 =	vld [tilespmem:$0x1D260];
	_ =	sdelay $0x3  }
0xd1: {  	v0 =	vsel vm5, $0x2900, v0  }
0xd2: {  	[tilespmem:$0x1D270] =	vst v0;
	v0 =	vld [tilespmem:$0x1CEA0];
	v1 =	vsel vm6, $0x2900, v1  }
0xd3: {  	[tilespmem:$0x1D630] =	vst v1;
	v1 =	vld [tilespmem:$0x1D270];
	_ =	sdelay $0x3  }
0xd4: {  	v0 =	vsel vm5, $0x2980, v0  }
0xd5: {  	[tilespmem:$0x1D280] =	vst v0;
	v0 =	vld [tilespmem:$0x1CEB0];
	v1 =	vsel vm6, $0x2980, v1  }
0xd6: {  	[tilespmem:$0x1D640] =	vst v1;
	v1 =	vld [tilespmem:$0x1D280];
	_ =	sdelay $0x3  }
0xd7: {  	v0 =	vsel vm5, $0x2A00, v0  }
0xd8: {  	[tilespmem:$0x1D290] =	vst v0;
	v0 =	vld [tilespmem:$0x1CEC0];
	v1 =	vsel vm6, $0x2A00, v1  }
0xd9: {  	[tilespmem:$0x1D650] =	vst v1;
	v1 =	vld [tilespmem:$0x1D290];
	_ =	sdelay $0x3  }
0xda: {  	v0 =	vsel vm5, $0x2A80, v0  }
0xdb: {  	[tilespmem:$0x1D2A0] =	vst v0;
	v0 =	vld [tilespmem:$0x1CED0];
	v1 =	vsel vm6, $0x2A80, v1  }
0xdc: {  	[tilespmem:$0x1D660] =	vst v1;
	v1 =	vld [tilespmem:$0x1D2A0];
	_ =	sdelay $0x3  }
0xdd: {  	v0 =	vsel vm5, $0x2B00, v0  }
0xde: {  	[tilespmem:$0x1D2B0] =	vst v0;
	v0 =	vld [tilespmem:$0x1CEE0];
	v1 =	vsel vm6, $0x2B00, v1  }
0xdf: {  	[tilespmem:$0x1D670] =	vst v1;
	v1 =	vld [tilespmem:$0x1D2B0];
	_ =	sdelay $0x3  }
0xe0: {  	v0 =	vsel vm5, $0x2B80, v0  }
0xe1: {  	[tilespmem:$0x1D2C0] =	vst v0;
	v0 =	vld [tilespmem:$0x1CEF0];
	v1 =	vsel vm6, $0x2B80, v1  }
0xe2: {  	[tilespmem:$0x1D680] =	vst v1;
	v1 =	vld [tilespmem:$0x1D2C0];
	_ =	sdelay $0x3  }
0xe3: {  	v0 =	vsel vm5, $0x2000, v0  }
0xe4: {  	[tilespmem:$0x1D2D0] =	vst v0;
	v0 =	vld [tilespmem:$0x1CF00];
	v1 =	vsel vm6, $0x2000, v1  }
0xe5: {  	[tilespmem:$0x1D690] =	vst v1;
	v1 =	vld [tilespmem:$0x1D2D0];
	_ =	sdelay $0x3  }
0xe6: {  	v0 =	vsel vm5, $0x2080, v0  }
0xe7: {  	[tilespmem:$0x1D2E0] =	vst v0;
	v0 =	vld [tilespmem:$0x1CF10];
	v1 =	vsel vm6, $0x2080, v1  }
0xe8: {  	[tilespmem:$0x1D6A0] =	vst v1;
	v1 =	vld [tilespmem:$0x1D2E0];
	_ =	sdelay $0x3  }
0xe9: {  	v0 =	vsel vm5, $0x2100, v0  }
0xea: {  	[tilespmem:$0x1D2F0] =	vst v0;
	v0 =	vld [tilespmem:$0x1CF20];
	v1 =	vsel vm6, $0x2100, v1  }
0xeb: {  	[tilespmem:$0x1D6B0] =	vst v1;
	v1 =	vld [tilespmem:$0x1D2F0];
	_ =	sdelay $0x3  }
0xec: {  	v0 =	vsel vm5, $0x2180, v0  }
0xed: {  	[tilespmem:$0x1D300] =	vst v0;
	v0 =	vld [tilespmem:$0x1CF30];
	v1 =	vsel vm6, $0x2180, v1  }
0xee: {  	[tilespmem:$0x1D6C0] =	vst v1;
	v1 =	vld [tilespmem:$0x1D300];
	_ =	sdelay $0x3  }
0xef: {  	v0 =	vsel vm5, $0x125, v0  }
0xf0: {  	[tilespmem:$0x1D310] =	vst v0;
	v0 =	vld [tilespmem:$0x1CF40];
	v1 =	vsel vm6, $0x2200, v1  }
0xf1: {  	[tilespmem:$0x1D6D0] =	vst v1;
	v1 =	vld [tilespmem:$0x1D310];
	_ =	sdelay $0x3  }
0xf2: {  	v0 =	vsel vm5, $0x126, v0  }
0xf3: {  	[tilespmem:$0x1D320] =	vst v0;
	v0 =	vld [tilespmem:$0x1CF50];
	v1 =	vsel vm6, $0x166, v1  }
0xf4: {  	[tilespmem:$0x1D6E0] =	vst v1;
	v1 =	vld [tilespmem:$0x1D320];
	_ =	sdelay $0x3  }
0xf5: {  	v0 =	vsel vm5, $0x127, v0  }
0xf6: {  	[tilespmem:$0x1D330] =	vst v0;
	v0 =	vld [tilespmem:$0x1CF60];
	v1 =	vsel vm6, $0x167, v1  }
0xf7: {  	[tilespmem:$0x1D6F0] =	vst v1;
	v1 =	vld [tilespmem:$0x1D330];
	_ =	sdelay $0x3  }
0xf8: {  	v0 =	vsel vm5, $0x128, v0  }
0xf9: {  	[tilespmem:$0x1D340] =	vst v0;
	v0 =	vld [tilespmem:$0x1CF70];
	v1 =	vsel vm6, $0x168, v1  }
0xfa: {  	[tilespmem:$0x1D700] =	vst v1;
	v1 =	vld [tilespmem:$0x1D340];
	_ =	sdelay $0x3  }
0xfb: {  	v0 =	vsel vm5, $0x129, v0  }
0xfc: {  	[tilespmem:$0x1D350] =	vst v0;
	v0 =	vld [tilespmem:$0x1CF80];
	v1 =	vsel vm6, $0x169, v1  }
0xfd: {  	[tilespmem:$0x1D710] =	vst v1;
	v1 =	vld [tilespmem:$0x1D350];
	_ =	sdelay $0x3  }
0xfe: {  	v0 =	vsel vm5, $0x12A, v0  }
0xff: {  	[tilespmem:$0x1D360] =	vst v0;
	v0 =	vld [tilespmem:$0x1CF90];
	v1 =	vsel vm6, $0x16A, v1  }
0x100: {  	[tilespmem:$0x1D720] =	vst v1;
	v1 =	vld [tilespmem:$0x1D360];
	_ =	sdelay $0x3  }
0x101: {  	v0 =	vsel vm5, $0x12B, v0  }
0x102: {  	[tilespmem:$0x1D370] =	vst v0;
	v0 =	vld [tilespmem:$0x1CFA0];
	v1 =	vsel vm6, $0x16B, v1  }
0x103: {  	[tilespmem:$0x1D730] =	vst v1;
	v1 =	vld [tilespmem:$0x1D370];
	_ =	sdelay $0x3  }
0x104: {  	v0 =	vsel vm5, $0x12C, v0  }
0x105: {  	[tilespmem:$0x1D380] =	vst v0;
	v0 =	vld [tilespmem:$0x1CFB0];
	v1 =	vsel vm6, $0x16C, v1  }
0x106: {  	[tilespmem:$0x1D740] =	vst v1;
	v1 =	vld [tilespmem:$0x1D380];
	_ =	sdelay $0x3  }
0x107: {  	v0 =	vsel vm5, $0x12D, v0  }
0x108: {  	[tilespmem:$0x1D390] =	vst v0;
	v0 =	vld [tilespmem:$0x1CFC0];
	v1 =	vsel vm6, $0x16D, v1  }
0x109: {  	[tilespmem:$0x1D750] =	vst v1;
	v1 =	vld [tilespmem:$0x1D390];
	_ =	sdelay $0x3  }
0x10a: {  	v0 =	vsel vm5, $0x12E, v0  }
0x10b: {  	[tilespmem:$0x1D3A0] =	vst v0;
	v0 =	vld [tilespmem:$0x1CFD0];
	v1 =	vsel vm6, $0x16E, v1  }
0x10c: {  	[tilespmem:$0x1D760] =	vst v1;
	v1 =	vld [tilespmem:$0x1D3A0];
	_ =	sdelay $0x3  }
0x10d: {  	v0 =	vsel vm5, $0x12F, v0  }
0x10e: {  	[tilespmem:$0x1D3B0] =	vst v0;
	v0 =	vld [tilespmem:$0x1CFE0];
	v1 =	vsel vm6, $0x16F, v1  }
0x10f: {  	[tilespmem:$0x1D770] =	vst v1;
	v1 =	vld [tilespmem:$0x1D3B0];
	_ =	sdelay $0x3  }
0x110: {  	v0 =	vsel vm5, $0x120, v0  }
0x111: {  	[tilespmem:$0x1D3C0] =	vst v0;
	v0 =	vld [tilespmem:$0x1CFF0];
	v1 =	vsel vm6, $0x160, v1  }
0x112: {  	[tilespmem:$0x1D780] =	vst v1;
	v1 =	vld [tilespmem:$0x1D3C0];
	_ =	sdelay $0x3  }
0x113: {  	v0 =	vsel vm5, $0x121, v0  }
0x114: {  	[tilespmem:$0x1D3D0] =	vst v0;
	v0 =	vld [tilespmem:$0x1D000];
	v1 =	vsel vm6, $0x161, v1  }
0x115: {  	[tilespmem:$0x1D790] =	vst v1;
	v1 =	vld [tilespmem:$0x1D3D0];
	_ =	sdelay $0x3  }
0x116: {  	v0 =	vsel vm5, $0x122, v0  }
0x117: {  	[tilespmem:$0x1D3E0] =	vst v0;
	v0 =	vld [tilespmem:$0x1D010];
	v1 =	vsel vm6, $0x162, v1  }
0x118: {  	[tilespmem:$0x1D7A0] =	vst v1;
	v1 =	vld [tilespmem:$0x1D3E0];
	_ =	sdelay $0x3  }
0x119: {  	v0 =	vsel vm5, $0x123, v0  }
0x11a: {  	[tilespmem:$0x1D3F0] =	vst v0;
	v0 =	vld [tilespmem:$0x1D020];
	v1 =	vsel vm6, $0x163, v1  }
0x11b: {  	[tilespmem:$0x1D7B0] =	vst v1;
	v1 =	vld [tilespmem:$0x1D3F0];
	_ =	sdelay $0x3  }
0x11c: {  	v0 =	vsel vm5, $0x3200, v0  }
0x11d: {  	[tilespmem:$0x1D400] =	vst v0;
	v0 =	vld [tilespmem:$0x1D030];
	v1 =	vsel vm6, $0x164, v1  }
0x11e: {  	[tilespmem:$0x1D7C0] =	vst v1;
	v1 =	vld [tilespmem:$0x1D400];
	_ =	sdelay $0x3  }
0x11f: {  	v0 =	vsel vm5, $0x3280, v0  }
0x120: {  	[tilespmem:$0x1D410] =	vst v0;
	v0 =	vld [tilespmem:$0x1D040];
	v1 =	vsel vm6, $0x3280, v1  }
0x121: {  	[tilespmem:$0x1D7D0] =	vst v1;
	v1 =	vld [tilespmem:$0x1D410];
	_ =	sdelay $0x3  }
0x122: {  	v0 =	vsel vm5, $0x3300, v0  }
0x123: {  	[tilespmem:$0x1D420] =	vst v0;
	v0 =	vld [tilespmem:$0x1D050];
	v1 =	vsel vm6, $0x3300, v1  }
0x124: {  	[tilespmem:$0x1D7E0] =	vst v1;
	v1 =	vld [tilespmem:$0x1D420];
	_ =	sdelay $0x3  }
0x125: {  	v0 =	vsel vm5, $0x3380, v0  }
0x126: {  	[tilespmem:$0x1D430] =	vst v0;
	v0 =	vld [tilespmem:$0x1D060];
	v1 =	vsel vm6, $0x3380, v1  }
0x127: {  	[tilespmem:$0x1D7F0] =	vst v1;
	v1 =	vld [tilespmem:$0x1D430];
	_ =	sdelay $0x3  }
0x128: {  	v0 =	vsel vm5, $0x3800, v0  }
0x129: {  	[tilespmem:$0x1D440] =	vst v0;
	v0 =	vld [tilespmem:$0x1D070];
	v1 =	vsel vm6, $0x3800, v1  }
0x12a: {  	[tilespmem:$0x1D800] =	vst v1;
	v1 =	vld [tilespmem:$0x1D440];
	_ =	sdelay $0x3  }
0x12b: {  	v0 =	vsel vm5, $0x3880, v0  }
0x12c: {  	[tilespmem:$0x1D450] =	vst v0;
	v0 =	vld [tilespmem:$0x1D080];
	v1 =	vsel vm6, $0x3880, v1  }
0x12d: {  	[tilespmem:$0x1D810] =	vst v1;
	v1 =	vld [tilespmem:$0x1D450];
	_ =	sdelay $0x3  }
0x12e: {  	v0 =	vsel vm5, $0x3900, v0  }
0x12f: {  	[tilespmem:$0x1D460] =	vst v0;
	v0 =	vld [tilespmem:$0x1D090];
	v1 =	vsel vm6, $0x3900, v1  }
0x130: {  	[tilespmem:$0x1D820] =	vst v1;
	v1 =	vld [tilespmem:$0x1D460];
	_ =	sdelay $0x3  }
0x131: {  	v0 =	vsel vm5, $0x3980, v0  }
0x132: {  	[tilespmem:$0x1D470] =	vst v0;
	v0 =	vld [tilespmem:$0x1D0A0];
	v1 =	vsel vm6, $0x3980, v1  }
0x133: {  	[tilespmem:$0x1D830] =	vst v1;
	v1 =	vld [tilespmem:$0x1D470];
	_ =	sdelay $0x3  }
0x134: {  	v0 =	vsel vm5, $0x3A00, v0  }
0x135: {  	[tilespmem:$0x1D480] =	vst v0;
	v0 =	vld [tilespmem:$0x1D0B0];
	v1 =	vsel vm6, $0x3A00, v1  }
0x136: {  	[tilespmem:$0x1D840] =	vst v1;
	v1 =	vld [tilespmem:$0x1D480];
	_ =	sdelay $0x3  }
0x137: {  	v0 =	vsel vm5, $0x3A80, v0  }
0x138: {  	[tilespmem:$0x1D490] =	vst v0;
	v0 =	vld [tilespmem:$0x1D0C0];
	v1 =	vsel vm6, $0x3A80, v1  }
0x139: {  	[tilespmem:$0x1D850] =	vst v1;
	v1 =	vld [tilespmem:$0x1D490];
	_ =	sdelay $0x3  }
0x13a: {  	v0 =	vsel vm5, $0x3B00, v0  }
0x13b: {  	[tilespmem:$0x1D4A0] =	vst v0;
	v0 =	vld [tilespmem:$0x1D0D0];
	v1 =	vsel vm6, $0x3B00, v1  }
0x13c: {  	[tilespmem:$0x1D860] =	vst v1;
	v1 =	vld [tilespmem:$0x1D4A0];
	_ =	sdelay $0x3  }
0x13d: {  	v0 =	vsel vm5, $0x3B80, v0  }
0x13e: {  	[tilespmem:$0x1D4B0] =	vst v0;
	v0 =	vld [tilespmem:$0x1D0E0];
	v1 =	vsel vm6, $0x3B80, v1  }
0x13f: {  	[tilespmem:$0x1D870] =	vst v1;
	v1 =	vld [tilespmem:$0x1D4B0];
	_ =	sdelay $0x3  }
0x140: {  	v0 =	vsel vm5, $0x3000, v0  }
0x141: {  	[tilespmem:$0x1D4C0] =	vst v0;
	v0 =	vld [tilespmem:$0x1D0F0];
	v1 =	vsel vm6, $0x3000, v1  }
0x142: {  	[tilespmem:$0x1D880] =	vst v1;
	v1 =	vld [tilespmem:$0x1D4C0];
	_ =	sdelay $0x3  }
0x143: {  	v0 =	vsel vm5, $0x3080, v0  }
0x144: {  	[tilespmem:$0x1D4D0] =	vst v0;
	v0 =	vld [tilespmem:$0x1D100];
	v1 =	vsel vm6, $0x3080, v1  }
0x145: {  	[tilespmem:$0x1D890] =	vst v1;
	v1 =	vld [tilespmem:$0x1D4D0];
	_ =	sdelay $0x3  }
0x146: {  	v0 =	vsel vm5, $0x3100, v0  }
0x147: {  	[tilespmem:$0x1D4E0] =	vst v0;
	v0 =	vld [tilespmem:$0x1D110];
	v1 =	vsel vm6, $0x3100, v1  }
0x148: {  	[tilespmem:$0x1D8A0] =	vst v1;
	v1 =	vld [tilespmem:$0x1D4E0];
	_ =	sdelay $0x3  }
0x149: {  	v0 =	vsel vm5, $0x3180, v0  }
0x14a: {  	[tilespmem:$0x1D4F0] =	vst v0;
	v0 =	vld [tilespmem:$0x1D120];
	v1 =	vsel vm6, $0x3180, v1  }
0x14b: {  	[tilespmem:$0x1D8B0] =	vst v1;
	v1 =	vld [tilespmem:$0x1D4F0];
	_ =	sdelay $0x3  }
0x14c: {  	v0 =	vsel vm5, $0x135, v0  }
0x14d: {  	[tilespmem:$0x1D500] =	vst v0;
	v0 =	vld [tilespmem:$0x1D130];
	v1 =	vsel vm6, $0x3200, v1  }
0x14e: {  	[tilespmem:$0x1D8C0] =	vst v1;
	v1 =	vld [tilespmem:$0x1D500];
	_ =	sdelay $0x3  }
0x14f: {  	v0 =	vsel vm5, $0x136, v0  }
0x150: {  	[tilespmem:$0x1D510] =	vst v0;
	v0 =	vld [tilespmem:$0x1D140];
	v1 =	vsel vm6, $0x176, v1  }
0x151: {  	[tilespmem:$0x1D8D0] =	vst v1;
	v1 =	vld [tilespmem:$0x1D510];
	_ =	sdelay $0x3  }
0x152: {  	v0 =	vsel vm5, $0x137, v0  }
0x153: {  	[tilespmem:$0x1D520] =	vst v0;
	v0 =	vld [tilespmem:$0x1D150];
	v1 =	vsel vm6, $0x177, v1  }
0x154: {  	[tilespmem:$0x1D8E0] =	vst v1;
	v1 =	vld [tilespmem:$0x1D520];
	_ =	sdelay $0x3  }
0x155: {  	v0 =	vsel vm5, $0x138, v0  }
0x156: {  	[tilespmem:$0x1D530] =	vst v0;
	v0 =	vld [tilespmem:$0x1D160];
	v1 =	vsel vm6, $0x178, v1  }
0x157: {  	[tilespmem:$0x1D8F0] =	vst v1;
	v1 =	vld [tilespmem:$0x1D530];
	_ =	sdelay $0x3  }
0x158: {  	v0 =	vsel vm5, $0x139, v0  }
0x159: {  	[tilespmem:$0x1D540] =	vst v0;
	v0 =	vld [tilespmem:$0x1D170];
	v1 =	vsel vm6, $0x179, v1  }
0x15a: {  	[tilespmem:$0x1D900] =	vst v1;
	v1 =	vld [tilespmem:$0x1D540];
	_ =	sdelay $0x3  }
0x15b: {  	v0 =	vsel vm5, $0x13A, v0  }
0x15c: {  	[tilespmem:$0x1D550] =	vst v0;
	v0 =	vld [tilespmem:$0x1D180];
	v1 =	vsel vm6, $0x17A, v1  }
0x15d: {  	[tilespmem:$0x1D910] =	vst v1;
	v1 =	vld [tilespmem:$0x1D550];
	_ =	sdelay $0x3  }
0x15e: {  	v0 =	vsel vm5, $0x13B, v0  }
0x15f: {  	[tilespmem:$0x1D560] =	vst v0;
	v0 =	vld [tilespmem:$0x1D190];
	v1 =	vsel vm6, $0x17B, v1  }
0x160: {  	[tilespmem:$0x1D920] =	vst v1;
	v1 =	vld [tilespmem:$0x1D560];
	_ =	sdelay $0x3  }
0x161: {  	v0 =	vsel vm5, $0x13C, v0  }
0x162: {  	[tilespmem:$0x1D570] =	vst v0;
	v0 =	vld [tilespmem:$0x1D1A0];
	v1 =	vsel vm6, $0x17C, v1  }
0x163: {  	[tilespmem:$0x1D930] =	vst v1;
	v1 =	vld [tilespmem:$0x1D570];
	_ =	sdelay $0x1  }
0x164: {  	v2 =	vand.u32 $0xFF, v53  }
0x165: {  	v57 =	vnsel vm0, $0x3F9, v2  }
0x166: {  	[tilespmem:$0x1D1B0] =	vst v57;
	v0 =	vsel vm5, $0x13D, v0  }
0x167: {  	[tilespmem:$0x1D580] =	vst v0;
	v0 =	vld [tilespmem:$0x1D1B0];
	v1 =	vsel vm6, $0x17D, v1  }
0x168: {  	[tilespmem:$0x1D940] =	vst v1;
	v1 =	vld [tilespmem:$0x1D580];
	_ =	sdelay $0x3  }
0x169: {  	v0 =	vsel vm5, $0x13E, v0  }
0x16a: {  	v32 =	vimm.s32 $0xFFBE7D3C;
	[tilespmem:$0x1D590] =	vst v0;
	v0 =	vld [tilespmem:$0x1D1C0];
	v1 =	vsel vm6, $0x17E, v1  }
0x16b: {  	v2 =	vunpack.c.0.s8.s32 v32;
	[tilespmem:$0x1D950] =	vst v1;
	v1 =	vld [tilespmem:$0x1D590];
	_ =	sdelay $0x1  }
0x16c: {  	v2 =	vand.u32 $0xFF, v2  }
0x16d: {  	v34 =	vnsel vm0, $0x3FB, v2  }
0x16e: {  	[tilespmem:$0x1D1D0] =	vst v34;
	v0 =	vsel vm5, $0x13F, v0  }
0x16f: {  	v57 =	vimm.s32 $0xF0BF7E3D;
	[tilespmem:$0x1D5A0] =	vst v0;
	v0 =	vld [tilespmem:$0x1D1D0];
	v1 =	vsel vm6, $0x17F, v1  }
0x170: {  	v57 =	vunpack.c.0.s8.s32 v57;
	[tilespmem:$0x1D960] =	vst v1;
	v1 =	vld [tilespmem:$0x1D5A0];
	_ =	sdelay $0x1  }
0x171: {  	v57 =	vand.u32 $0xFF, v57  }
0x172: {  	v48 =	vnsel vm0, $0x3FC, v57  }
0x173: {  	[tilespmem:$0x1D1E0] =	vst v48;
	v0 =	vsel vm5, $0x130, v0  }
0x174: {  	[tilespmem:$0x1D5B0] =	vst v0;
	v0 =	vld [tilespmem:$0x1D1E0];
	v1 =	vsel vm6, $0x170, v1  }
0x175: {  	[tilespmem:$0x1D970] =	vst v1;
	v1 =	vld [tilespmem:$0x1D5B0];
	_ =	sdelay $0x3  }
0x176: {  	v0 =	vsel vm5, $0x131, v0  }
0x177: {  	[tilespmem:$0x1D5C0] =	vst v0;
	v1 =	vsel vm6, $0x171, v1  }
0x178: {  	[tilespmem:$0x1D980] =	vst v1;
	v1 =	vld [tilespmem:$0x1D5C0];
	_ =	sdelay $0x4  }
0x179: {  	v1 =	vsel vm6, $0x172, v1  }
0x17a: {  	[tilespmem:$0x1D990] =	vst v1;
	v1 =	vld [tilespmem:$0x1D5E0];
	_ =	sdelay $0x3  }
0x17b: {  	vm7 =	vcmask $0x1B18  }
0x17c: {  	v1 =	vsel vm7, $0x300, v1  }
0x17d: {  	[tilespmem:$0x1D9B0] =	vst v1;
	v1 =	vld [tilespmem:$0x1D5F0];
	_ =	sdelay $0x4  }
0x17e: {  	v1 =	vsel vm7, $0x380, v1  }
0x17f: {  	[tilespmem:$0x1D9C0] =	vst v1;
	v1 =	vld [tilespmem:$0x1D600];
	_ =	sdelay $0x4  }
0x180: {  	v1 =	vsel vm7, $0x2800, v1  }
0x181: {  	[tilespmem:$0x1D9D0] =	vst v1;
	v1 =	vld [tilespmem:$0x1D610];
	_ =	sdelay $0x4  }
0x182: {  	v1 =	vsel vm7, $0x2880, v1  }
0x183: {  	[tilespmem:$0x1D9E0] =	vst v1;
	v1 =	vld [tilespmem:$0x1D620];
	_ =	sdelay $0x4  }
0x184: {  	v1 =	vsel vm7, $0x2900, v1  }
0x185: {  	[tilespmem:$0x1D9F0] =	vst v1;
	v1 =	vld [tilespmem:$0x1D630];
	_ =	sdelay $0x4  }
0x186: {  	v1 =	vsel vm7, $0x2980, v1  }
0x187: {  	[tilespmem:$0x1DA00] =	vst v1;
	v1 =	vld [tilespmem:$0x1D640];
	_ =	sdelay $0x4  }
0x188: {  	v1 =	vsel vm7, $0x2A00, v1  }
0x189: {  	[tilespmem:$0x1DA10] =	vst v1;
	v1 =	vld [tilespmem:$0x1D650];
	_ =	sdelay $0x4  }
0x18a: {  	v1 =	vsel vm7, $0x2A80, v1  }
0x18b: {  	[tilespmem:$0x1DA20] =	vst v1;
	v1 =	vld [tilespmem:$0x1D660];
	_ =	sdelay $0x4  }
0x18c: {  	v1 =	vsel vm7, $0x2B00, v1  }
0x18d: {  	[tilespmem:$0x1DA30] =	vst v1;
	v1 =	vld [tilespmem:$0x1D670];
	_ =	sdelay $0x4  }
0x18e: {  	v1 =	vsel vm7, $0x2B80, v1  }
0x18f: {  	[tilespmem:$0x1DA40] =	vst v1;
	v1 =	vld [tilespmem:$0x1D680];
	_ =	sdelay $0x4  }
0x190: {  	v1 =	vsel vm7, $0x2000, v1  }
0x191: {  	[tilespmem:$0x1DA50] =	vst v1;
	v1 =	vld [tilespmem:$0x1D690];
	_ =	sdelay $0x4  }
0x192: {  	v1 =	vsel vm7, $0x2080, v1  }
0x193: {  	[tilespmem:$0x1DA60] =	vst v1;
	v1 =	vld [tilespmem:$0x1D6A0];
	_ =	sdelay $0x4  }
0x194: {  	v1 =	vsel vm7, $0x2100, v1  }
0x195: {  	[tilespmem:$0x1DA70] =	vst v1;
	v1 =	vld [tilespmem:$0x1D6B0];
	_ =	sdelay $0x4  }
0x196: {  	v1 =	vsel vm7, $0x2180, v1  }
0x197: {  	[tilespmem:$0x1DA80] =	vst v1;
	v1 =	vld [tilespmem:$0x1D6C0];
	_ =	sdelay $0x4  }
0x198: {  	v1 =	vsel vm7, $0x2200, v1  }
0x199: {  	[tilespmem:$0x1DA90] =	vst v1;
	v1 =	vld [tilespmem:$0x1D6D0];
	_ =	sdelay $0x4  }
0x19a: {  	v1 =	vsel vm7, $0x2280, v1  }
0x19b: {  	[tilespmem:$0x1DAA0] =	vst v1;
	v1 =	vld [tilespmem:$0x1D6E0];
	_ =	sdelay $0x4  }
0x19c: {  	v1 =	vsel vm7, $0x1A7, v1  }
0x19d: {  	[tilespmem:$0x1DAB0] =	vst v1;
	v1 =	vld [tilespmem:$0x1D6F0];
	_ =	sdelay $0x4  }
0x19e: {  	v1 =	vsel vm7, $0x1A8, v1  }
0x19f: {  	[tilespmem:$0x1DAC0] =	vst v1;
	v1 =	vld [tilespmem:$0x1D700];
	_ =	sdelay $0x4  }
0x1a0: {  	v1 =	vsel vm7, $0x1A9, v1  }
0x1a1: {  	[tilespmem:$0x1DAD0] =	vst v1;
	v1 =	vld [tilespmem:$0x1D710];
	_ =	sdelay $0x4  }
0x1a2: {  	v1 =	vsel vm7, $0x1AA, v1  }
0x1a3: {  	[tilespmem:$0x1DAE0] =	vst v1;
	v1 =	vld [tilespmem:$0x1D720];
	_ =	sdelay $0x4  }
0x1a4: {  	v1 =	vsel vm7, $0x1AB, v1  }
0x1a5: {  	[tilespmem:$0x1DAF0] =	vst v1;
	v1 =	vld [tilespmem:$0x1D730];
	_ =	sdelay $0x4  }
0x1a6: {  	v1 =	vsel vm7, $0x1AC, v1  }
0x1a7: {  	[tilespmem:$0x1DB00] =	vst v1;
	v1 =	vld [tilespmem:$0x1D740];
	_ =	sdelay $0x4  }
0x1a8: {  	v1 =	vsel vm7, $0x1AD, v1  }
0x1a9: {  	[tilespmem:$0x1DB10] =	vst v1;
	v1 =	vld [tilespmem:$0x1D750];
	_ =	sdelay $0x4  }
0x1aa: {  	v1 =	vsel vm7, $0x1AE, v1  }
0x1ab: {  	[tilespmem:$0x1DB20] =	vst v1;
	v1 =	vld [tilespmem:$0x1D760];
	_ =	sdelay $0x4  }
0x1ac: {  	v1 =	vsel vm7, $0x1AF, v1  }
0x1ad: {  	[tilespmem:$0x1DB30] =	vst v1;
	v1 =	vld [tilespmem:$0x1D770];
	_ =	sdelay $0x4  }
0x1ae: {  	v1 =	vsel vm7, $0x1A0, v1  }
0x1af: {  	[tilespmem:$0x1DB40] =	vst v1;
	v1 =	vld [tilespmem:$0x1D780];
	_ =	sdelay $0x4  }
0x1b0: {  	v1 =	vsel vm7, $0x1A1, v1  }
0x1b1: {  	[tilespmem:$0x1DB50] =	vst v1;
	v1 =	vld [tilespmem:$0x1D790];
	_ =	sdelay $0x4  }
0x1b2: {  	v1 =	vsel vm7, $0x1A2, v1  }
0x1b3: {  	[tilespmem:$0x1DB60] =	vst v1;
	v1 =	vld [tilespmem:$0x1D7A0];
	_ =	sdelay $0x4  }
0x1b4: {  	v1 =	vsel vm7, $0x1A3, v1  }
0x1b5: {  	[tilespmem:$0x1DB70] =	vst v1;
	v1 =	vld [tilespmem:$0x1D7B0];
	_ =	sdelay $0x4  }
0x1b6: {  	v1 =	vsel vm7, $0x1A4, v1  }
0x1b7: {  	[tilespmem:$0x1DB80] =	vst v1;
	v1 =	vld [tilespmem:$0x1D7C0];
	_ =	sdelay $0x4  }
0x1b8: {  	v1 =	vsel vm7, $0x1A5, v1  }
0x1b9: {  	[tilespmem:$0x1DB90] =	vst v1;
	v1 =	vld [tilespmem:$0x1D7D0];
	_ =	sdelay $0x4  }
0x1ba: {  	v1 =	vsel vm7, $0x3300, v1  }
0x1bb: {  	[tilespmem:$0x1DBA0] =	vst v1;
	v1 =	vld [tilespmem:$0x1D7E0];
	_ =	sdelay $0x4  }
0x1bc: {  	v1 =	vsel vm7, $0x3380, v1  }
0x1bd: {  	[tilespmem:$0x1DBB0] =	vst v1;
	v1 =	vld [tilespmem:$0x1D7F0];
	_ =	sdelay $0x2  }
0x1be: {  	[tilespmem:$0x1D1F0] =	vst v49  }
0x1bf: {  	v0 =	vld [tilespmem:$0x1D1F0]  }
0x1c0: {  	v1 =	vsel vm7, $0x3800, v1  }
0x1c1: {  	[tilespmem:$0x1DBC0] =	vst v1;
	v1 =	vld [tilespmem:$0x1D800];
	_ =	sdelay $0x2  }
0x1c2: {  	v0 =	vsel vm5, $0x132, v0  }
0x1c3: {  	v0 =	vsel vm6, $0x173, v0  }
0x1c4: {  	[tilespmem:$0x1D9A0] =	vst v0;
	v0 =	vld [tilespmem:$0x1D5D0];
	v1 =	vsel vm7, $0x3880, v1  }
0x1c5: {  	[tilespmem:$0x1DBD0] =	vst v1;
	v1 =	vld [tilespmem:$0x1D810];
	_ =	sdelay $0x4  }
0x1c6: {  	v0 =	vsel vm6, $0x174, v0;
	v1 =	vsel vm7, $0x3900, v1  }
0x1c7: {  	v0 =	vsel vm7, $0x1B5, v0;
	[tilespmem:$0x1DBE0] =	vst v1;
	v1 =	vld [tilespmem:$0x1D820]  }
0x1c8: {  	[tilespmem:$0x1DD80] =	vst v0;
	v0 =	vld [tilespmem:$0x1D9B0];
	_ =	sdelay $0x3  }
0x1c9: {  	vm8 =	vcmask $0x1F1C;
	v1 =	vsel vm7, $0x3980, v1  }
0x1ca: {  	v0 =	vsel vm8, $0x380, v0;
	[tilespmem:$0x1DBF0] =	vst v1;
	v1 =	vld [tilespmem:$0x1D830]  }
0x1cb: {  	[tilespmem:$0x1DD90] =	vst v0;
	v0 =	vld [tilespmem:$0x1D9C0];
	_ =	sdelay $0x3  }
0x1cc: {  	v1 =	vsel vm7, $0x3A00, v1  }
0x1cd: {  	v0 =	vsel vm8, $0x800, v0;
	[tilespmem:$0x1DC00] =	vst v1;
	v1 =	vld [tilespmem:$0x1D840]  }
0x1ce: {  	[tilespmem:$0x1DDA0] =	vst v0;
	v0 =	vld [tilespmem:$0x1D9D0];
	_ =	sdelay $0x3  }
0x1cf: {  	v1 =	vsel vm7, $0x3A80, v1  }
0x1d0: {  	v0 =	vsel vm8, $0x2880, v0;
	[tilespmem:$0x1DC10] =	vst v1;
	v1 =	vld [tilespmem:$0x1D850]  }
0x1d1: {  	[tilespmem:$0x1DDB0] =	vst v0;
	v0 =	vld [tilespmem:$0x1D9E0];
	_ =	sdelay $0x3  }
0x1d2: {  	v1 =	vsel vm7, $0x3B00, v1  }
0x1d3: {  	v0 =	vsel vm8, $0x2900, v0;
	[tilespmem:$0x1DC20] =	vst v1;
	v1 =	vld [tilespmem:$0x1D860]  }
0x1d4: {  	[tilespmem:$0x1DDC0] =	vst v0;
	v0 =	vld [tilespmem:$0x1D9F0];
	_ =	sdelay $0x3  }
0x1d5: {  	v1 =	vsel vm7, $0x3B80, v1  }
0x1d6: {  	v0 =	vsel vm8, $0x2980, v0;
	[tilespmem:$0x1DC30] =	vst v1;
	v1 =	vld [tilespmem:$0x1D870]  }
0x1d7: {  	[tilespmem:$0x1DDD0] =	vst v0;
	v0 =	vld [tilespmem:$0x1DA00];
	_ =	sdelay $0x3  }
0x1d8: {  	v1 =	vsel vm7, $0x3000, v1  }
0x1d9: {  	v0 =	vsel vm8, $0x2A00, v0;
	[tilespmem:$0x1DC40] =	vst v1;
	v1 =	vld [tilespmem:$0x1D880]  }
0x1da: {  	[tilespmem:$0x1DDE0] =	vst v0;
	v0 =	vld [tilespmem:$0x1DA10];
	_ =	sdelay $0x3  }
0x1db: {  	v1 =	vsel vm7, $0x3080, v1  }
0x1dc: {  	v0 =	vsel vm8, $0x2A80, v0;
	[tilespmem:$0x1DC50] =	vst v1;
	v1 =	vld [tilespmem:$0x1D890]  }
0x1dd: {  	[tilespmem:$0x1DDF0] =	vst v0;
	v0 =	vld [tilespmem:$0x1DA20];
	_ =	sdelay $0x3  }
0x1de: {  	v1 =	vsel vm7, $0x3100, v1  }
0x1df: {  	v0 =	vsel vm8, $0x2B00, v0;
	[tilespmem:$0x1DC60] =	vst v1;
	v1 =	vld [tilespmem:$0x1D8A0]  }
0x1e0: {  	[tilespmem:$0x1DE00] =	vst v0;
	v0 =	vld [tilespmem:$0x1DA30];
	_ =	sdelay $0x3  }
0x1e1: {  	v1 =	vsel vm7, $0x3180, v1  }
0x1e2: {  	v0 =	vsel vm8, $0x2B80, v0;
	[tilespmem:$0x1DC70] =	vst v1;
	v1 =	vld [tilespmem:$0x1D8B0]  }
0x1e3: {  	[tilespmem:$0x1DE10] =	vst v0;
	v0 =	vld [tilespmem:$0x1DA40];
	_ =	sdelay $0x3  }
0x1e4: {  	v1 =	vsel vm7, $0x3200, v1  }
0x1e5: {  	v0 =	vsel vm8, $0x2000, v0;
	[tilespmem:$0x1DC80] =	vst v1;
	v1 =	vld [tilespmem:$0x1D8C0]  }
0x1e6: {  	[tilespmem:$0x1DE20] =	vst v0;
	v0 =	vld [tilespmem:$0x1DA50];
	_ =	sdelay $0x3  }
0x1e7: {  	v1 =	vsel vm7, $0x3280, v1  }
0x1e8: {  	v0 =	vsel vm8, $0x2080, v0;
	[tilespmem:$0x1DC90] =	vst v1;
	v1 =	vld [tilespmem:$0x1D8D0]  }
0x1e9: {  	[tilespmem:$0x1DE30] =	vst v0;
	v0 =	vld [tilespmem:$0x1DA60];
	_ =	sdelay $0x3  }
0x1ea: {  	v1 =	vsel vm7, $0x1B7, v1  }
0x1eb: {  	v0 =	vsel vm8, $0x2100, v0;
	[tilespmem:$0x1DCA0] =	vst v1;
	v1 =	vld [tilespmem:$0x1D8E0]  }
0x1ec: {  	[tilespmem:$0x1DE40] =	vst v0;
	v0 =	vld [tilespmem:$0x1DA70];
	_ =	sdelay $0x3  }
0x1ed: {  	v1 =	vsel vm7, $0x1B8, v1  }
0x1ee: {  	v0 =	vsel vm8, $0x2180, v0;
	[tilespmem:$0x1DCB0] =	vst v1;
	v1 =	vld [tilespmem:$0x1D8F0]  }
0x1ef: {  	[tilespmem:$0x1DE50] =	vst v0;
	v0 =	vld [tilespmem:$0x1DA80];
	_ =	sdelay $0x3  }
0x1f0: {  	v1 =	vsel vm7, $0x1B9, v1  }
0x1f1: {  	v0 =	vsel vm8, $0x2200, v0;
	[tilespmem:$0x1DCC0] =	vst v1;
	v1 =	vld [tilespmem:$0x1D900]  }
0x1f2: {  	[tilespmem:$0x1DE60] =	vst v0;
	v0 =	vld [tilespmem:$0x1DA90];
	_ =	sdelay $0x3  }
0x1f3: {  	v13 =	vsel vm5, $0x80, v55;
	v55 =	vld [tilespmem:$0x1CBC0];
	v1 =	vsel vm7, $0x1BA, v1  }
0x1f4: {  	v0 =	vsel vm8, $0x2280, v0;
	[tilespmem:$0x1DCD0] =	vst v1;
	v1 =	vld [tilespmem:$0x1D910]  }
0x1f5: {  	[tilespmem:$0x1DE70] =	vst v0;
	v0 =	vld [tilespmem:$0x1DAA0]  }
0x1f6: {  	v14 =	vsel vm5, $0x100, v56;
	v56 =	vld [tilespmem:$0x1CBD0]  }
0x1f7: {  	v15 =	vsel vm5, $0x180, v58;
	v58 =	vld [tilespmem:$0x1CBF0]  }
0x1f8: {  	v16 =	vsel vm5, $0x105, v59;
	v59 =	vld [tilespmem:$0x1CC00]  }
0x1f9: {  	v17 =	vsel vm5, $0x106, v60;
	v60 =	vld [tilespmem:$0x1CC10];
	v1 =	vsel vm7, $0x1BB, v1  }
0x1fa: {  	v0 =	vsel vm8, $0x2300, v0;
	[tilespmem:$0x1DCE0] =	vst v1;
	v1 =	vld [tilespmem:$0x1D920]  }
0x1fb: {  	[tilespmem:$0x1DE80] =	vst v0;
	v0 =	vld [tilespmem:$0x1DAB0]  }
0x1fc: {  	v18 =	vsel vm5, $0x107, v61;
	v61 =	vld [tilespmem:$0x1CC20]  }
0x1fd: {  	v19 =	vsel vm5, $0x108, v62;
	v62 =	vld [tilespmem:$0x1CC30]  }
0x1fe: {  	v20 =	vsel vm5, $0x109, v63;
	v63 =	vld [tilespmem:$0x1CC40]  }
0x1ff: {  	v5 =	vsel vm5, $0x880, v40;
	v40 =	vld [tilespmem:$0x1CCD0];
	v1 =	vsel vm7, $0x1BC, v1  }
0x200: {  	v0 =	vsel vm8, $0x1E8, v0;
	[tilespmem:$0x1DCF0] =	vst v1;
	v1 =	vld [tilespmem:$0x1D930]  }
0x201: {  	[tilespmem:$0x1DE90] =	vst v0;
	v0 =	vld [tilespmem:$0x1DAC0]  }
0x202: {  	v6 =	vsel vm5, $0x900, v41;
	v41 =	vld [tilespmem:$0x1CCE0]  }
0x203: {  	v7 =	vsel vm5, $0x980, v42;
	v42 =	vld [tilespmem:$0x1CCF0]  }
0x204: {  	v8 =	vsel vm5, $0xA00, v43;
	v43 =	vld [tilespmem:$0x1CD00]  }
0x205: {  	v9 =	vsel vm5, $0xA80, v44;
	v44 =	vld [tilespmem:$0x1CD10];
	v1 =	vsel vm7, $0x1BD, v1  }
0x206: {  	v0 =	vsel vm8, $0x1E9, v0;
	[tilespmem:$0x1DD00] =	vst v1;
	v1 =	vld [tilespmem:$0x1D940]  }
0x207: {  	[tilespmem:$0x1DEA0] =	vst v0;
	v0 =	vld [tilespmem:$0x1DAD0]  }
0x208: {  	v10 =	vsel vm5, $0xB00, v45;
	v45 =	vld [tilespmem:$0x1CD20]  }
0x209: {  	v11 =	vsel vm5, $0xB80, v46;
	v46 =	vld [tilespmem:$0x1CD30]  }
0x20a: {  	v12 =	vsel vm5, $0x0, v47;
	v47 =	vld [tilespmem:$0x1CD40]  }
0x20b: {  	v23 =	vsel vm5, $0x10C, v55;
	v55 =	vld [tilespmem:$0x1CDC0];
	v1 =	vsel vm7, $0x1BE, v1  }
0x20c: {  	v0 =	vsel vm8, $0x1EA, v0;
	[tilespmem:$0x1DD10] =	vst v1;
	v1 =	vld [tilespmem:$0x1D950]  }
0x20d: {  	[tilespmem:$0x1DEB0] =	vst v0;
	v0 =	vld [tilespmem:$0x1DAE0]  }
0x20e: {  	v24 =	vsel vm5, $0x10D, v56;
	v56 =	vld [tilespmem:$0x1CDD0]  }
0x20f: {  	v26 =	vsel vm5, $0x10F, v58;
	v58 =	vld [tilespmem:$0x1CDF0]  }
0x210: {  	v27 =	vsel vm5, $0x100, v59;
	v59 =	vld [tilespmem:$0x1CE00]  }
0x211: {  	v28 =	vsel vm5, $0x101, v60;
	v60 =	vld [tilespmem:$0x1CE10];
	v1 =	vsel vm7, $0x1BF, v1  }
0x212: {  	v0 =	vsel vm8, $0x1EB, v0;
	[tilespmem:$0x1DD20] =	vst v1;
	v1 =	vld [tilespmem:$0x1D960]  }
0x213: {  	[tilespmem:$0x1DEC0] =	vst v0;
	v0 =	vld [tilespmem:$0x1DAF0]  }
0x214: {  	v29 =	vsel vm5, $0x102, v61;
	v61 =	vld [tilespmem:$0x1CE20]  }
0x215: {  	v30 =	vsel vm5, $0x103, v62;
	v62 =	vld [tilespmem:$0x1CE30]  }
0x216: {  	v31 =	vsel vm5, $0x1200, v63;
	v63 =	vld [tilespmem:$0x1CE40]  }
0x217: {  	v53 =	vld [tilespmem:$0x1CBA0];
	v1 =	vsel vm7, $0x1B0, v1  }
0x218: {  	v0 =	vsel vm8, $0x1EC, v0;
	[tilespmem:$0x1DD30] =	vst v1;
	v1 =	vld [tilespmem:$0x1D970]  }
0x219: {  	[tilespmem:$0x1DED0] =	vst v0;
	v0 =	vld [tilespmem:$0x1DB00]  }
0x21a: {  	v36 =	vld [tilespmem:$0x1CC90]  }
0x21b: {  	v4 =	vsel vm5, $0x800, v39;
	v39 =	vld [tilespmem:$0x1CCC0]  }
0x21c: {  	v52 =	vld [tilespmem:$0x1CD90]  }
0x21d: {  	v32 =	vld [tilespmem:$0x1CC50];
	v1 =	vsel vm7, $0x1B1, v1  }
0x21e: {  	v0 =	vsel vm8, $0x1ED, v0;
	[tilespmem:$0x1DD40] =	vst v1;
	v1 =	vld [tilespmem:$0x1D980]  }
0x21f: {  	[tilespmem:$0x1DEE0] =	vst v0;
	v0 =	vld [tilespmem:$0x1DB10]  }
0x220: {  	v33 =	vld [tilespmem:$0x1CC60]  }
0x221: {  	v35 =	vld [tilespmem:$0x1CC80]  }
0x222: {  	v21 =	vsel vm5, $0x10A, v53;
	v53 =	vld [tilespmem:$0x1CDA0]  }
0x223: {  	v57 =	vld [tilespmem:$0x1CBE0];
	v1 =	vsel vm7, $0x1B2, v1  }
0x224: {  	v0 =	vsel vm8, $0x1EE, v0;
	[tilespmem:$0x1DD50] =	vst v1;
	v1 =	vld [tilespmem:$0x1D990]  }
0x225: {  	[tilespmem:$0x1DEF0] =	vst v0;
	v0 =	vld [tilespmem:$0x1DB20]  }
0x226: {  	v2 =	vsel vm5, $0x300, v37;
	v37 =	vld [tilespmem:$0x1CCA0]  }
0x227: {  	v3 =	vsel vm5, $0x380, v38;
	v38 =	vld [tilespmem:$0x1CCB0]  }
0x228: {  	v51 =	vld [tilespmem:$0x1CD80]  }
0x229: {  	v54 =	vld [tilespmem:$0x1CBB0];
	v1 =	vsel vm7, $0x1B3, v1  }
0x22a: {  	v0 =	vsel vm8, $0x1EF, v0;
	[tilespmem:$0x1DD60] =	vst v1;
	v1 =	vld [tilespmem:$0x1D9A0]  }
0x22b: {  	[tilespmem:$0x1DF00] =	vst v0;
	v0 =	vld [tilespmem:$0x1DB30]  }
0x22c: {  	v34 =	vld [tilespmem:$0x1CC70]  }
0x22d: {  	v48 =	vld [tilespmem:$0x1CD50]  }
0x22e: {  	v50 =	vld [tilespmem:$0x1CD70]  }
0x22f: {  	v49 =	vld [tilespmem:$0x1CD60];
	v1 =	vsel vm7, $0x1B4, v1  }
0x230: {  	v25 =	vsel vm5, $0x10E, v57;
	v57 =	vld [tilespmem:$0x1CDE0];
	v0 =	vsel vm8, $0x1E0, v0;
	[tilespmem:$0x1DD70] =	vst v1  }
0x231: {  	v22 =	vsel vm5, $0x10B, v54;
	v54 =	vld [tilespmem:$0x1CDB0];
	[tilespmem:$0x1DF10] =	vst v0  }
0x232: {  	v1 =	vld [tilespmem:$0x1DD80];
	_ =	sdelay $0x4  }
0x233: {  	v1 =	vsel vm8, $0x1F6, v1  }
0x234: {  	[tilespmem:$0x1E150] =	vst v1;
	v1 =	vld [tilespmem:$0x1DD90];
	_ =	sdelay $0x3  }
0x235: {  	vm9 =	vcmask $0x2320  }
0x236: {  	v1 =	vsel vm9, $0x800, v1  }
0x237: {  	[tilespmem:$0x1E160] =	vst v1;
	v1 =	vld [tilespmem:$0x1DDA0];
	_ =	sdelay $0x4  }
0x238: {  	v1 =	vsel vm9, $0x880, v1  }
0x239: {  	[tilespmem:$0x1E170] =	vst v1;
	v1 =	vld [tilespmem:$0x1DDB0];
	_ =	sdelay $0x4  }
0x23a: {  	v1 =	vsel vm9, $0x2900, v1  }
0x23b: {  	[tilespmem:$0x1E180] =	vst v1;
	v1 =	vld [tilespmem:$0x1DDC0];
	_ =	sdelay $0x4  }
0x23c: {  	v1 =	vsel vm9, $0x2980, v1  }
0x23d: {  	[tilespmem:$0x1E190] =	vst v1;
	v1 =	vld [tilespmem:$0x1DDD0];
	_ =	sdelay $0x4  }
0x23e: {  	v1 =	vsel vm9, $0x2A00, v1  }
0x23f: {  	[tilespmem:$0x1E1A0] =	vst v1;
	v1 =	vld [tilespmem:$0x1DDE0];
	_ =	sdelay $0x4  }
0x240: {  	v1 =	vsel vm9, $0x2A80, v1  }
0x241: {  	[tilespmem:$0x1E1B0] =	vst v1;
	v1 =	vld [tilespmem:$0x1DDF0];
	_ =	sdelay $0x4  }
0x242: {  	v1 =	vsel vm9, $0x2B00, v1  }
0x243: {  	[tilespmem:$0x1E1C0] =	vst v1;
	v1 =	vld [tilespmem:$0x1DE00];
	_ =	sdelay $0x4  }
0x244: {  	v1 =	vsel vm9, $0x2B80, v1  }
0x245: {  	[tilespmem:$0x1E1D0] =	vst v1;
	v1 =	vld [tilespmem:$0x1DE10];
	_ =	sdelay $0x4  }
0x246: {  	v1 =	vsel vm9, $0x2000, v1  }
0x247: {  	[tilespmem:$0x1E1E0] =	vst v1;
	v1 =	vld [tilespmem:$0x1DE20];
	_ =	sdelay $0x4  }
0x248: {  	v1 =	vsel vm9, $0x2080, v1  }
0x249: {  	[tilespmem:$0x1E1F0] =	vst v1;
	v1 =	vld [tilespmem:$0x1DE30];
	_ =	sdelay $0x4  }
0x24a: {  	v1 =	vsel vm9, $0x2100, v1  }
0x24b: {  	[tilespmem:$0x1E200] =	vst v1;
	v1 =	vld [tilespmem:$0x1DE40];
	_ =	sdelay $0x4  }
0x24c: {  	v1 =	vsel vm9, $0x2180, v1  }
0x24d: {  	[tilespmem:$0x1E210] =	vst v1;
	v1 =	vld [tilespmem:$0x1DE50];
	_ =	sdelay $0x4  }
0x24e: {  	v1 =	vsel vm9, $0x2200, v1  }
0x24f: {  	[tilespmem:$0x1E220] =	vst v1;
	v1 =	vld [tilespmem:$0x1DE60];
	_ =	sdelay $0x4  }
0x250: {  	v1 =	vsel vm9, $0x2280, v1  }
0x251: {  	[tilespmem:$0x1E230] =	vst v1;
	v1 =	vld [tilespmem:$0x1DE70];
	_ =	sdelay $0x4  }
0x252: {  	v1 =	vsel vm9, $0x2300, v1  }
0x253: {  	[tilespmem:$0x1E240] =	vst v1;
	v1 =	vld [tilespmem:$0x1DE80];
	_ =	sdelay $0x4  }
0x254: {  	v1 =	vsel vm9, $0x2380, v1  }
0x255: {  	[tilespmem:$0x1E250] =	vst v1;
	v1 =	vld [tilespmem:$0x1DE90];
	_ =	sdelay $0x4  }
0x256: {  	v1 =	vsel vm9, $0x229, v1  }
0x257: {  	[tilespmem:$0x1E260] =	vst v1;
	v1 =	vld [tilespmem:$0x1DEA0];
	_ =	sdelay $0x4  }
0x258: {  	v1 =	vsel vm9, $0x22A, v1  }
0x259: {  	[tilespmem:$0x1E270] =	vst v1;
	v1 =	vld [tilespmem:$0x1DEB0];
	_ =	sdelay $0x4  }
0x25a: {  	v1 =	vsel vm9, $0x22B, v1  }
0x25b: {  	[tilespmem:$0x1E280] =	vst v1;
	v1 =	vld [tilespmem:$0x1DEC0];
	_ =	sdelay $0x4  }
0x25c: {  	v1 =	vsel vm9, $0x22C, v1  }
0x25d: {  	[tilespmem:$0x1E290] =	vst v1;
	v1 =	vld [tilespmem:$0x1DED0];
	_ =	sdelay $0x4  }
0x25e: {  	v1 =	vsel vm9, $0x22D, v1  }
0x25f: {  	[tilespmem:$0x1E2A0] =	vst v1;
	v1 =	vld [tilespmem:$0x1DEE0];
	_ =	sdelay $0x4  }
0x260: {  	v1 =	vsel vm9, $0x22E, v1  }
0x261: {  	[tilespmem:$0x1E2B0] =	vst v1;
	v1 =	vld [tilespmem:$0x1DEF0];
	_ =	sdelay $0x4  }
0x262: {  	v1 =	vsel vm9, $0x22F, v1  }
0x263: {  	[tilespmem:$0x1E2C0] =	vst v1;
	v1 =	vld [tilespmem:$0x1DF00];
	_ =	sdelay $0x4  }
0x264: {  	v0 =	vld [tilespmem:$0x1DB40];
	v1 =	vsel vm9, $0x220, v1  }
0x265: {  	[tilespmem:$0x1E2D0] =	vst v1;
	v1 =	vld [tilespmem:$0x1DF10];
	_ =	sdelay $0x3  }
0x266: {  	v0 =	vsel vm8, $0x1E1, v0  }
0x267: {  	[tilespmem:$0x1DF20] =	vst v0;
	v0 =	vld [tilespmem:$0x1DB50];
	v1 =	vsel vm9, $0x221, v1  }
0x268: {  	[tilespmem:$0x1E2E0] =	vst v1;
	v1 =	vld [tilespmem:$0x1DF20];
	_ =	sdelay $0x3  }
0x269: {  	v0 =	vsel vm8, $0x1E2, v0  }
0x26a: {  	[tilespmem:$0x1DF30] =	vst v0;
	v0 =	vld [tilespmem:$0x1DB60];
	v1 =	vsel vm9, $0x222, v1  }
0x26b: {  	[tilespmem:$0x1E2F0] =	vst v1;
	v1 =	vld [tilespmem:$0x1DF30];
	_ =	sdelay $0x3  }
0x26c: {  	v0 =	vsel vm8, $0x1E3, v0  }
0x26d: {  	[tilespmem:$0x1DF40] =	vst v0;
	v0 =	vld [tilespmem:$0x1DB70];
	v1 =	vsel vm9, $0x223, v1  }
0x26e: {  	[tilespmem:$0x1E300] =	vst v1;
	v1 =	vld [tilespmem:$0x1DF40];
	_ =	sdelay $0x3  }
0x26f: {  	v0 =	vsel vm8, $0x1E4, v0  }
0x270: {  	[tilespmem:$0x1DF50] =	vst v0;
	v0 =	vld [tilespmem:$0x1DB80];
	v1 =	vsel vm9, $0x224, v1  }
0x271: {  	[tilespmem:$0x1E310] =	vst v1;
	v1 =	vld [tilespmem:$0x1DF50];
	_ =	sdelay $0x3  }
0x272: {  	v0 =	vsel vm8, $0x1E5, v0  }
0x273: {  	[tilespmem:$0x1DF60] =	vst v0;
	v0 =	vld [tilespmem:$0x1DB90];
	v1 =	vsel vm9, $0x225, v1  }
0x274: {  	[tilespmem:$0x1E320] =	vst v1;
	v1 =	vld [tilespmem:$0x1DF60];
	_ =	sdelay $0x3  }
0x275: {  	v0 =	vsel vm8, $0x1E6, v0  }
0x276: {  	[tilespmem:$0x1DF70] =	vst v0;
	v0 =	vld [tilespmem:$0x1DBA0];
	v1 =	vsel vm9, $0x226, v1  }
0x277: {  	[tilespmem:$0x1E330] =	vst v1;
	v1 =	vld [tilespmem:$0x1DF70];
	_ =	sdelay $0x3  }
0x278: {  	v0 =	vsel vm8, $0x3380, v0  }
0x279: {  	[tilespmem:$0x1DF80] =	vst v0;
	v0 =	vld [tilespmem:$0x1DBB0];
	v1 =	vsel vm9, $0x227, v1  }
0x27a: {  	[tilespmem:$0x1E340] =	vst v1;
	v1 =	vld [tilespmem:$0x1DF80];
	_ =	sdelay $0x3  }
0x27b: {  	v0 =	vsel vm8, $0x3800, v0  }
0x27c: {  	[tilespmem:$0x1DF90] =	vst v0;
	v0 =	vld [tilespmem:$0x1DBC0];
	v1 =	vsel vm9, $0x3800, v1  }
0x27d: {  	[tilespmem:$0x1E350] =	vst v1;
	v1 =	vld [tilespmem:$0x1DF90];
	_ =	sdelay $0x3  }
0x27e: {  	v0 =	vsel vm8, $0x3880, v0  }
0x27f: {  	[tilespmem:$0x1DFA0] =	vst v0;
	v0 =	vld [tilespmem:$0x1DBD0];
	v1 =	vsel vm9, $0x3880, v1  }
0x280: {  	[tilespmem:$0x1E360] =	vst v1;
	v1 =	vld [tilespmem:$0x1DFA0];
	_ =	sdelay $0x3  }
0x281: {  	v0 =	vsel vm8, $0x3900, v0  }
0x282: {  	[tilespmem:$0x1DFB0] =	vst v0;
	v0 =	vld [tilespmem:$0x1DBE0];
	v1 =	vsel vm9, $0x3900, v1  }
0x283: {  	[tilespmem:$0x1E370] =	vst v1;
	v1 =	vld [tilespmem:$0x1DFB0];
	_ =	sdelay $0x3  }
0x284: {  	v0 =	vsel vm8, $0x3980, v0  }
0x285: {  	[tilespmem:$0x1DFC0] =	vst v0;
	v0 =	vld [tilespmem:$0x1DBF0];
	v1 =	vsel vm9, $0x3980, v1  }
0x286: {  	[tilespmem:$0x1E380] =	vst v1;
	v1 =	vld [tilespmem:$0x1DFC0];
	_ =	sdelay $0x3  }
0x287: {  	v0 =	vsel vm8, $0x3A00, v0  }
0x288: {  	[tilespmem:$0x1DFD0] =	vst v0;
	v0 =	vld [tilespmem:$0x1DC00];
	v1 =	vsel vm9, $0x3A00, v1  }
0x289: {  	[tilespmem:$0x1E390] =	vst v1;
	v1 =	vld [tilespmem:$0x1DFD0];
	_ =	sdelay $0x3  }
0x28a: {  	v0 =	vsel vm8, $0x3A80, v0  }
0x28b: {  	[tilespmem:$0x1DFE0] =	vst v0;
	v0 =	vld [tilespmem:$0x1DC10];
	v1 =	vsel vm9, $0x3A80, v1  }
0x28c: {  	[tilespmem:$0x1E3A0] =	vst v1;
	v1 =	vld [tilespmem:$0x1DFE0];
	_ =	sdelay $0x3  }
0x28d: {  	v0 =	vsel vm8, $0x3B00, v0  }
0x28e: {  	[tilespmem:$0x1DFF0] =	vst v0;
	v0 =	vld [tilespmem:$0x1DC20];
	v1 =	vsel vm9, $0x3B00, v1  }
0x28f: {  	[tilespmem:$0x1E3B0] =	vst v1;
	v1 =	vld [tilespmem:$0x1DFF0];
	_ =	sdelay $0x3  }
0x290: {  	v0 =	vsel vm8, $0x3B80, v0  }
0x291: {  	[tilespmem:$0x1E000] =	vst v0;
	v0 =	vld [tilespmem:$0x1DC30];
	v1 =	vsel vm9, $0x3B80, v1  }
0x292: {  	[tilespmem:$0x1E3C0] =	vst v1;
	v1 =	vld [tilespmem:$0x1E000];
	_ =	sdelay $0x3  }
0x293: {  	v0 =	vsel vm8, $0x3000, v0  }
0x294: {  	[tilespmem:$0x1E010] =	vst v0;
	v0 =	vld [tilespmem:$0x1DC40];
	v1 =	vsel vm9, $0x3000, v1  }
0x295: {  	[tilespmem:$0x1E3D0] =	vst v1;
	v1 =	vld [tilespmem:$0x1E010];
	_ =	sdelay $0x3  }
0x296: {  	v0 =	vsel vm8, $0x3080, v0  }
0x297: {  	[tilespmem:$0x1E020] =	vst v0;
	v0 =	vld [tilespmem:$0x1DC50];
	v1 =	vsel vm9, $0x3080, v1  }
0x298: {  	[tilespmem:$0x1E3E0] =	vst v1;
	v1 =	vld [tilespmem:$0x1E020];
	_ =	sdelay $0x3  }
0x299: {  	v0 =	vsel vm8, $0x3100, v0  }
0x29a: {  	[tilespmem:$0x1E030] =	vst v0;
	v0 =	vld [tilespmem:$0x1DC60];
	v1 =	vsel vm9, $0x3100, v1  }
0x29b: {  	[tilespmem:$0x1E3F0] =	vst v1;
	v1 =	vld [tilespmem:$0x1E030];
	_ =	sdelay $0x3  }
0x29c: {  	v0 =	vsel vm8, $0x3180, v0  }
0x29d: {  	[tilespmem:$0x1E040] =	vst v0;
	v0 =	vld [tilespmem:$0x1DC70];
	v1 =	vsel vm9, $0x3180, v1  }
0x29e: {  	[tilespmem:$0x1E400] =	vst v1;
	v1 =	vld [tilespmem:$0x1E040];
	_ =	sdelay $0x3  }
0x29f: {  	v0 =	vsel vm8, $0x3200, v0  }
0x2a0: {  	[tilespmem:$0x1E050] =	vst v0;
	v0 =	vld [tilespmem:$0x1DC80];
	v1 =	vsel vm9, $0x3200, v1  }
0x2a1: {  	[tilespmem:$0x1E410] =	vst v1;
	v1 =	vld [tilespmem:$0x1E050];
	_ =	sdelay $0x3  }
0x2a2: {  	v0 =	vsel vm8, $0x3280, v0  }
0x2a3: {  	[tilespmem:$0x1E060] =	vst v0;
	v0 =	vld [tilespmem:$0x1DC90];
	v1 =	vsel vm9, $0x3280, v1  }
0x2a4: {  	[tilespmem:$0x1E420] =	vst v1;
	v1 =	vld [tilespmem:$0x1E060];
	_ =	sdelay $0x3  }
0x2a5: {  	v0 =	vsel vm8, $0x3300, v0  }
0x2a6: {  	[tilespmem:$0x1E070] =	vst v0;
	v0 =	vld [tilespmem:$0x1DCA0];
	v1 =	vsel vm9, $0x3300, v1  }
0x2a7: {  	[tilespmem:$0x1E430] =	vst v1;
	v1 =	vld [tilespmem:$0x1E070];
	_ =	sdelay $0x3  }
0x2a8: {  	v0 =	vsel vm8, $0x1F8, v0  }
0x2a9: {  	[tilespmem:$0x1E080] =	vst v0;
	v0 =	vld [tilespmem:$0x1DCB0];
	v1 =	vsel vm9, $0x3380, v1  }
0x2aa: {  	[tilespmem:$0x1E440] =	vst v1;
	v1 =	vld [tilespmem:$0x1E080];
	_ =	sdelay $0x3  }
0x2ab: {  	v0 =	vsel vm8, $0x1F9, v0  }
0x2ac: {  	[tilespmem:$0x1E090] =	vst v0;
	v0 =	vld [tilespmem:$0x1DCC0];
	v1 =	vsel vm9, $0x239, v1  }
0x2ad: {  	[tilespmem:$0x1E450] =	vst v1;
	v1 =	vld [tilespmem:$0x1E090];
	_ =	sdelay $0x3  }
0x2ae: {  	v0 =	vsel vm8, $0x1FA, v0  }
0x2af: {  	[tilespmem:$0x1E0A0] =	vst v0;
	v0 =	vld [tilespmem:$0x1DCD0];
	v1 =	vsel vm9, $0x23A, v1  }
0x2b0: {  	[tilespmem:$0x1E460] =	vst v1;
	v1 =	vld [tilespmem:$0x1E0A0];
	_ =	sdelay $0x3  }
0x2b1: {  	v0 =	vsel vm8, $0x1FB, v0  }
0x2b2: {  	[tilespmem:$0x1E0B0] =	vst v0;
	v0 =	vld [tilespmem:$0x1DCE0];
	v1 =	vsel vm9, $0x23B, v1  }
0x2b3: {  	[tilespmem:$0x1E470] =	vst v1;
	v1 =	vld [tilespmem:$0x1E0B0];
	_ =	sdelay $0x3  }
0x2b4: {  	v0 =	vsel vm8, $0x1FC, v0  }
0x2b5: {  	[tilespmem:$0x1E0C0] =	vst v0;
	v0 =	vld [tilespmem:$0x1DCF0];
	v1 =	vsel vm9, $0x23C, v1  }
0x2b6: {  	[tilespmem:$0x1E480] =	vst v1;
	v1 =	vld [tilespmem:$0x1E0C0];
	_ =	sdelay $0x3  }
0x2b7: {  	v0 =	vsel vm8, $0x1FD, v0  }
0x2b8: {  	[tilespmem:$0x1E0D0] =	vst v0;
	v0 =	vld [tilespmem:$0x1DD00];
	v1 =	vsel vm9, $0x23D, v1  }
0x2b9: {  	[tilespmem:$0x1E490] =	vst v1;
	v1 =	vld [tilespmem:$0x1E0D0];
	_ =	sdelay $0x3  }
0x2ba: {  	v0 =	vsel vm8, $0x1FE, v0  }
0x2bb: {  	[tilespmem:$0x1E0E0] =	vst v0;
	v0 =	vld [tilespmem:$0x1DD10];
	v1 =	vsel vm9, $0x23E, v1  }
0x2bc: {  	[tilespmem:$0x1E4A0] =	vst v1;
	v1 =	vld [tilespmem:$0x1E0E0];
	_ =	sdelay $0x3  }
0x2bd: {  	v0 =	vsel vm8, $0x1FF, v0  }
0x2be: {  	[tilespmem:$0x1E0F0] =	vst v0;
	v0 =	vld [tilespmem:$0x1DD20];
	v1 =	vsel vm9, $0x23F, v1  }
0x2bf: {  	[tilespmem:$0x1E4B0] =	vst v1;
	v1 =	vld [tilespmem:$0x1E0F0];
	_ =	sdelay $0x3  }
0x2c0: {  	v0 =	vsel vm8, $0x1F0, v0  }
0x2c1: {  	[tilespmem:$0x1E100] =	vst v0;
	v0 =	vld [tilespmem:$0x1DD30];
	v1 =	vsel vm9, $0x230, v1  }
0x2c2: {  	[tilespmem:$0x1E4C0] =	vst v1;
	v1 =	vld [tilespmem:$0x1E100];
	_ =	sdelay $0x3  }
0x2c3: {  	v0 =	vsel vm8, $0x1F1, v0  }
0x2c4: {  	[tilespmem:$0x1E110] =	vst v0;
	v0 =	vld [tilespmem:$0x1DD40];
	v1 =	vsel vm9, $0x231, v1  }
0x2c5: {  	[tilespmem:$0x1E4D0] =	vst v1;
	v1 =	vld [tilespmem:$0x1E110];
	_ =	sdelay $0x3  }
0x2c6: {  	v0 =	vsel vm8, $0x1F2, v0  }
0x2c7: {  	[tilespmem:$0x1E120] =	vst v0;
	v0 =	vld [tilespmem:$0x1DD50];
	v1 =	vsel vm9, $0x232, v1  }
0x2c8: {  	[tilespmem:$0x1E4E0] =	vst v1;
	v1 =	vld [tilespmem:$0x1E120];
	_ =	sdelay $0x3  }
0x2c9: {  	v0 =	vsel vm8, $0x1F3, v0  }
0x2ca: {  	[tilespmem:$0x1E130] =	vst v0;
	v0 =	vld [tilespmem:$0x1DD60];
	v1 =	vsel vm9, $0x233, v1  }
0x2cb: {  	[tilespmem:$0x1E4F0] =	vst v1;
	v1 =	vld [tilespmem:$0x1E130];
	_ =	sdelay $0x3  }
0x2cc: {  	v0 =	vsel vm8, $0x1F4, v0  }
0x2cd: {  	[tilespmem:$0x1E140] =	vst v0;
	v1 =	vsel vm9, $0x234, v1  }
0x2ce: {  	[tilespmem:$0x1E500] =	vst v1;
	v1 =	vld [tilespmem:$0x1E140];
	_ =	sdelay $0x4  }
0x2cf: {  	v1 =	vsel vm9, $0x235, v1  }
0x2d0: {  	[tilespmem:$0x1E510] =	vst v1;
	v1 =	vld [tilespmem:$0x1E160];
	_ =	sdelay $0x3  }
0x2d1: {  	vm10 =	vcmask $0x2724  }
0x2d2: {  	v1 =	vsel vm10, $0x880, v1  }
0x2d3: {  	[tilespmem:$0x1E530] =	vst v1;
	v1 =	vld [tilespmem:$0x1E170];
	_ =	sdelay $0x4  }
0x2d4: {  	v1 =	vsel vm10, $0x900, v1  }
0x2d5: {  	[tilespmem:$0x1E540] =	vst v1;
	v1 =	vld [tilespmem:$0x1E180];
	_ =	sdelay $0x4  }
0x2d6: {  	v1 =	vsel vm10, $0x2980, v1  }
0x2d7: {  	[tilespmem:$0x1E550] =	vst v1;
	v1 =	vld [tilespmem:$0x1E190];
	_ =	sdelay $0x4  }
0x2d8: {  	v1 =	vsel vm10, $0x2A00, v1  }
0x2d9: {  	[tilespmem:$0x1E560] =	vst v1;
	v1 =	vld [tilespmem:$0x1E1A0];
	_ =	sdelay $0x4  }
0x2da: {  	v1 =	vsel vm10, $0x2A80, v1  }
0x2db: {  	[tilespmem:$0x1E570] =	vst v1;
	v1 =	vld [tilespmem:$0x1E1B0];
	_ =	sdelay $0x4  }
0x2dc: {  	v1 =	vsel vm10, $0x2B00, v1  }
0x2dd: {  	[tilespmem:$0x1E580] =	vst v1;
	v1 =	vld [tilespmem:$0x1E1C0];
	_ =	sdelay $0x4  }
0x2de: {  	v1 =	vsel vm10, $0x2B80, v1  }
0x2df: {  	[tilespmem:$0x1E590] =	vst v1;
	v1 =	vld [tilespmem:$0x1E1D0];
	_ =	sdelay $0x4  }
0x2e0: {  	v1 =	vsel vm10, $0x2000, v1  }
0x2e1: {  	[tilespmem:$0x1E5A0] =	vst v1;
	v1 =	vld [tilespmem:$0x1E1E0];
	_ =	sdelay $0x4  }
0x2e2: {  	v1 =	vsel vm10, $0x2080, v1  }
0x2e3: {  	[tilespmem:$0x1E5B0] =	vst v1;
	v1 =	vld [tilespmem:$0x1E1F0];
	_ =	sdelay $0x4  }
0x2e4: {  	v1 =	vsel vm10, $0x2100, v1  }
0x2e5: {  	[tilespmem:$0x1E5C0] =	vst v1;
	v1 =	vld [tilespmem:$0x1E200];
	_ =	sdelay $0x4  }
0x2e6: {  	v1 =	vsel vm10, $0x2180, v1  }
0x2e7: {  	[tilespmem:$0x1E5D0] =	vst v1;
	v1 =	vld [tilespmem:$0x1E210];
	_ =	sdelay $0x4  }
0x2e8: {  	v1 =	vsel vm10, $0x2200, v1  }
0x2e9: {  	[tilespmem:$0x1E5E0] =	vst v1;
	v1 =	vld [tilespmem:$0x1E220];
	_ =	sdelay $0x4  }
0x2ea: {  	v1 =	vsel vm10, $0x2280, v1  }
0x2eb: {  	[tilespmem:$0x1E5F0] =	vst v1;
	v1 =	vld [tilespmem:$0x1E230];
	_ =	sdelay $0x4  }
0x2ec: {  	v1 =	vsel vm10, $0x2300, v1  }
0x2ed: {  	[tilespmem:$0x1E600] =	vst v1;
	v1 =	vld [tilespmem:$0x1E240];
	_ =	sdelay $0x4  }
0x2ee: {  	v1 =	vsel vm10, $0x2380, v1  }
0x2ef: {  	[tilespmem:$0x1E610] =	vst v1;
	v1 =	vld [tilespmem:$0x1E250];
	_ =	sdelay $0x4  }
0x2f0: {  	v1 =	vsel vm10, $0x2800, v1  }
0x2f1: {  	[tilespmem:$0x1E620] =	vst v1;
	v1 =	vld [tilespmem:$0x1E260];
	_ =	sdelay $0x4  }
0x2f2: {  	v1 =	vsel vm10, $0x26A, v1  }
0x2f3: {  	[tilespmem:$0x1E630] =	vst v1;
	v1 =	vld [tilespmem:$0x1E270];
	_ =	sdelay $0x4  }
0x2f4: {  	v1 =	vsel vm10, $0x26B, v1  }
0x2f5: {  	[tilespmem:$0x1E640] =	vst v1;
	v1 =	vld [tilespmem:$0x1E280];
	_ =	sdelay $0x4  }
0x2f6: {  	v1 =	vsel vm10, $0x26C, v1  }
0x2f7: {  	[tilespmem:$0x1E650] =	vst v1;
	v1 =	vld [tilespmem:$0x1E290];
	_ =	sdelay $0x4  }
0x2f8: {  	v1 =	vsel vm10, $0x26D, v1  }
0x2f9: {  	[tilespmem:$0x1E660] =	vst v1;
	v1 =	vld [tilespmem:$0x1E2A0];
	_ =	sdelay $0x4  }
0x2fa: {  	v1 =	vsel vm10, $0x26E, v1  }
0x2fb: {  	[tilespmem:$0x1E670] =	vst v1;
	v1 =	vld [tilespmem:$0x1E2B0];
	_ =	sdelay $0x4  }
0x2fc: {  	v1 =	vsel vm10, $0x26F, v1  }
0x2fd: {  	[tilespmem:$0x1E680] =	vst v1;
	v1 =	vld [tilespmem:$0x1E2C0];
	_ =	sdelay $0x4  }
0x2fe: {  	v1 =	vsel vm10, $0x260, v1  }
0x2ff: {  	[tilespmem:$0x1E690] =	vst v1;
	v1 =	vld [tilespmem:$0x1E2D0];
	_ =	sdelay $0x4  }
0x300: {  	v1 =	vsel vm10, $0x261, v1  }
0x301: {  	[tilespmem:$0x1E6A0] =	vst v1;
	v1 =	vld [tilespmem:$0x1E2E0];
	_ =	sdelay $0x4  }
0x302: {  	v1 =	vsel vm10, $0x262, v1  }
0x303: {  	[tilespmem:$0x1E6B0] =	vst v1;
	v1 =	vld [tilespmem:$0x1E2F0];
	_ =	sdelay $0x4  }
0x304: {  	v1 =	vsel vm10, $0x263, v1  }
0x305: {  	[tilespmem:$0x1E6C0] =	vst v1;
	v1 =	vld [tilespmem:$0x1E300];
	_ =	sdelay $0x4  }
0x306: {  	v1 =	vsel vm10, $0x264, v1  }
0x307: {  	[tilespmem:$0x1E6D0] =	vst v1;
	v1 =	vld [tilespmem:$0x1E310];
	_ =	sdelay $0x4  }
0x308: {  	v1 =	vsel vm10, $0x265, v1  }
0x309: {  	[tilespmem:$0x1E6E0] =	vst v1;
	v1 =	vld [tilespmem:$0x1E320];
	_ =	sdelay $0x2  }
0x30a: {  	v0 =	vld [tilespmem:$0x1DD70];
	_ =	sdelay $0x1  }
0x30b: {  	v1 =	vsel vm10, $0x266, v1  }
0x30c: {  	[tilespmem:$0x1E6F0] =	vst v1;
	v1 =	vld [tilespmem:$0x1E330];
	_ =	sdelay $0x1  }
0x30d: {  	v0 =	vsel vm8, $0x1F5, v0  }
0x30e: {  	v0 =	vsel vm9, $0x236, v0  }
0x30f: {  	[tilespmem:$0x1E520] =	vst v0;
	v0 =	vld [tilespmem:$0x1E150]  }
0x310: {  	v1 =	vsel vm10, $0x267, v1  }
0x311: {  	[tilespmem:$0x1E700] =	vst v1;
	v1 =	vld [tilespmem:$0x1E340];
	_ =	sdelay $0x2  }
0x312: {  	v0 =	vsel vm9, $0x237, v0  }
0x313: {  	v0 =	vsel vm10, $0x278, v0  }
0x314: {  	[tilespmem:$0x1E900] =	vst v0;
	v0 =	vld [tilespmem:$0x1E530];
	v1 =	vsel vm10, $0x268, v1  }
0x315: {  	[tilespmem:$0x1E710] =	vst v1;
	v1 =	vld [tilespmem:$0x1E350];
	_ =	sdelay $0x2  }
0x316: {  	vm11 =	vcmask $0x2B28  }
0x317: {  	v0 =	vsel vm11, $0x900, v0  }
0x318: {  	[tilespmem:$0x1E910] =	vst v0;
	v0 =	vld [tilespmem:$0x1E540];
	v1 =	vsel vm10, $0x3880, v1  }
0x319: {  	[tilespmem:$0x1E720] =	vst v1;
	v1 =	vld [tilespmem:$0x1E360];
	_ =	sdelay $0x3  }
0x31a: {  	v0 =	vsel vm11, $0x980, v0  }
0x31b: {  	[tilespmem:$0x1E920] =	vst v0;
	v0 =	vld [tilespmem:$0x1E550];
	v1 =	vsel vm10, $0x3900, v1  }
0x31c: {  	[tilespmem:$0x1E730] =	vst v1;
	v1 =	vld [tilespmem:$0x1E370];
	_ =	sdelay $0x3  }
0x31d: {  	v0 =	vsel vm11, $0x2A00, v0  }
0x31e: {  	[tilespmem:$0x1E930] =	vst v0;
	v0 =	vld [tilespmem:$0x1E560];
	v1 =	vsel vm10, $0x3980, v1  }
0x31f: {  	[tilespmem:$0x1E740] =	vst v1;
	v1 =	vld [tilespmem:$0x1E380];
	_ =	sdelay $0x3  }
0x320: {  	v0 =	vsel vm11, $0x2A80, v0  }
0x321: {  	[tilespmem:$0x1E940] =	vst v0;
	v0 =	vld [tilespmem:$0x1E570];
	v1 =	vsel vm10, $0x3A00, v1  }
0x322: {  	[tilespmem:$0x1E750] =	vst v1;
	v1 =	vld [tilespmem:$0x1E390];
	_ =	sdelay $0x3  }
0x323: {  	v0 =	vsel vm11, $0x2B00, v0  }
0x324: {  	[tilespmem:$0x1E950] =	vst v0;
	v0 =	vld [tilespmem:$0x1E580];
	v1 =	vsel vm10, $0x3A80, v1  }
0x325: {  	[tilespmem:$0x1E760] =	vst v1;
	v1 =	vld [tilespmem:$0x1E3A0];
	_ =	sdelay $0x3  }
0x326: {  	v0 =	vsel vm11, $0x2B80, v0  }
0x327: {  	[tilespmem:$0x1E960] =	vst v0;
	v0 =	vld [tilespmem:$0x1E590];
	v1 =	vsel vm10, $0x3B00, v1  }
0x328: {  	[tilespmem:$0x1E770] =	vst v1;
	v1 =	vld [tilespmem:$0x1E3B0];
	_ =	sdelay $0x3  }
0x329: {  	v0 =	vsel vm11, $0x2000, v0  }
0x32a: {  	[tilespmem:$0x1E970] =	vst v0;
	v0 =	vld [tilespmem:$0x1E5A0];
	v1 =	vsel vm10, $0x3B80, v1  }
0x32b: {  	[tilespmem:$0x1E780] =	vst v1;
	v1 =	vld [tilespmem:$0x1E3C0];
	_ =	sdelay $0x3  }
0x32c: {  	v0 =	vsel vm11, $0x2080, v0  }
0x32d: {  	[tilespmem:$0x1E980] =	vst v0;
	v0 =	vld [tilespmem:$0x1E5B0];
	v1 =	vsel vm10, $0x3000, v1  }
0x32e: {  	[tilespmem:$0x1E790] =	vst v1;
	v1 =	vld [tilespmem:$0x1E3D0];
	_ =	sdelay $0x3  }
0x32f: {  	v0 =	vsel vm11, $0x2100, v0  }
0x330: {  	[tilespmem:$0x1E990] =	vst v0;
	v0 =	vld [tilespmem:$0x1E5C0];
	v1 =	vsel vm10, $0x3080, v1  }
0x331: {  	[tilespmem:$0x1E7A0] =	vst v1;
	v1 =	vld [tilespmem:$0x1E3E0];
	_ =	sdelay $0x3  }
0x332: {  	v0 =	vsel vm11, $0x2180, v0  }
0x333: {  	[tilespmem:$0x1E9A0] =	vst v0;
	v0 =	vld [tilespmem:$0x1E5D0];
	v1 =	vsel vm10, $0x3100, v1  }
0x334: {  	[tilespmem:$0x1E7B0] =	vst v1;
	v1 =	vld [tilespmem:$0x1E3F0];
	_ =	sdelay $0x3  }
0x335: {  	v0 =	vsel vm11, $0x2200, v0  }
0x336: {  	[tilespmem:$0x1E9B0] =	vst v0;
	v0 =	vld [tilespmem:$0x1E5E0];
	v1 =	vsel vm10, $0x3180, v1  }
0x337: {  	[tilespmem:$0x1E7C0] =	vst v1;
	v1 =	vld [tilespmem:$0x1E400];
	_ =	sdelay $0x3  }
0x338: {  	v0 =	vsel vm11, $0x2280, v0  }
0x339: {  	[tilespmem:$0x1E9C0] =	vst v0;
	v0 =	vld [tilespmem:$0x1E5F0];
	v1 =	vsel vm10, $0x3200, v1  }
0x33a: {  	[tilespmem:$0x1E7D0] =	vst v1;
	v1 =	vld [tilespmem:$0x1E410];
	_ =	sdelay $0x3  }
0x33b: {  	v0 =	vsel vm11, $0x2300, v0  }
0x33c: {  	[tilespmem:$0x1E9D0] =	vst v0;
	v0 =	vld [tilespmem:$0x1E600];
	v1 =	vsel vm10, $0x3280, v1  }
0x33d: {  	[tilespmem:$0x1E7E0] =	vst v1;
	v1 =	vld [tilespmem:$0x1E420];
	_ =	sdelay $0x3  }
0x33e: {  	v0 =	vsel vm11, $0x2380, v0  }
0x33f: {  	[tilespmem:$0x1E9E0] =	vst v0;
	v0 =	vld [tilespmem:$0x1E610];
	v1 =	vsel vm10, $0x3300, v1  }
0x340: {  	[tilespmem:$0x1E7F0] =	vst v1;
	v1 =	vld [tilespmem:$0x1E430];
	_ =	sdelay $0x3  }
0x341: {  	v0 =	vsel vm11, $0x2800, v0  }
0x342: {  	[tilespmem:$0x1E9F0] =	vst v0;
	v0 =	vld [tilespmem:$0x1E620];
	v1 =	vsel vm10, $0x3380, v1  }
0x343: {  	[tilespmem:$0x1E800] =	vst v1;
	v1 =	vld [tilespmem:$0x1E440];
	_ =	sdelay $0x3  }
0x344: {  	v0 =	vsel vm11, $0x2880, v0  }
0x345: {  	[tilespmem:$0x1EA00] =	vst v0;
	v0 =	vld [tilespmem:$0x1E630];
	v1 =	vsel vm10, $0x3800, v1  }
0x346: {  	[tilespmem:$0x1E810] =	vst v1;
	v1 =	vld [tilespmem:$0x1E450];
	_ =	sdelay $0x3  }
0x347: {  	v0 =	vsel vm11, $0x2AB, v0  }
0x348: {  	[tilespmem:$0x1EA10] =	vst v0;
	v0 =	vld [tilespmem:$0x1E640];
	v1 =	vsel vm10, $0x27A, v1  }
0x349: {  	[tilespmem:$0x1E820] =	vst v1;
	v1 =	vld [tilespmem:$0x1E460];
	_ =	sdelay $0x3  }
0x34a: {  	v0 =	vsel vm11, $0x2AC, v0  }
0x34b: {  	[tilespmem:$0x1EA20] =	vst v0;
	v0 =	vld [tilespmem:$0x1E650];
	v1 =	vsel vm10, $0x27B, v1  }
0x34c: {  	[tilespmem:$0x1E830] =	vst v1;
	v1 =	vld [tilespmem:$0x1E470];
	_ =	sdelay $0x3  }
0x34d: {  	v0 =	vsel vm11, $0x2AD, v0  }
0x34e: {  	[tilespmem:$0x1EA30] =	vst v0;
	v0 =	vld [tilespmem:$0x1E660];
	v1 =	vsel vm10, $0x27C, v1  }
0x34f: {  	[tilespmem:$0x1E840] =	vst v1;
	v1 =	vld [tilespmem:$0x1E480];
	_ =	sdelay $0x3  }
0x350: {  	v0 =	vsel vm11, $0x2AE, v0  }
0x351: {  	[tilespmem:$0x1EA40] =	vst v0;
	v0 =	vld [tilespmem:$0x1E670];
	v1 =	vsel vm10, $0x27D, v1  }
0x352: {  	[tilespmem:$0x1E850] =	vst v1;
	v1 =	vld [tilespmem:$0x1E490];
	_ =	sdelay $0x3  }
0x353: {  	v0 =	vsel vm11, $0x2AF, v0  }
0x354: {  	[tilespmem:$0x1EA50] =	vst v0;
	v0 =	vld [tilespmem:$0x1E680];
	v1 =	vsel vm10, $0x27E, v1  }
0x355: {  	[tilespmem:$0x1E860] =	vst v1;
	v1 =	vld [tilespmem:$0x1E4A0];
	_ =	sdelay $0x3  }
0x356: {  	v0 =	vsel vm11, $0x2A0, v0  }
0x357: {  	[tilespmem:$0x1EA60] =	vst v0;
	v0 =	vld [tilespmem:$0x1E690];
	v1 =	vsel vm10, $0x27F, v1  }
0x358: {  	[tilespmem:$0x1E870] =	vst v1;
	v1 =	vld [tilespmem:$0x1E4B0];
	_ =	sdelay $0x3  }
0x359: {  	v0 =	vsel vm11, $0x2A1, v0  }
0x35a: {  	[tilespmem:$0x1EA70] =	vst v0;
	v0 =	vld [tilespmem:$0x1E6A0];
	v1 =	vsel vm10, $0x270, v1  }
0x35b: {  	[tilespmem:$0x1E880] =	vst v1;
	v1 =	vld [tilespmem:$0x1E4C0];
	_ =	sdelay $0x3  }
0x35c: {  	v0 =	vsel vm11, $0x2A2, v0  }
0x35d: {  	[tilespmem:$0x1EA80] =	vst v0;
	v0 =	vld [tilespmem:$0x1E6B0];
	v1 =	vsel vm10, $0x271, v1  }
0x35e: {  	[tilespmem:$0x1E890] =	vst v1;
	v1 =	vld [tilespmem:$0x1E4D0];
	_ =	sdelay $0x3  }
0x35f: {  	v0 =	vsel vm11, $0x2A3, v0  }
0x360: {  	[tilespmem:$0x1EA90] =	vst v0;
	v0 =	vld [tilespmem:$0x1E6C0];
	v1 =	vsel vm10, $0x272, v1  }
0x361: {  	[tilespmem:$0x1E8A0] =	vst v1;
	v1 =	vld [tilespmem:$0x1E4E0];
	_ =	sdelay $0x3  }
0x362: {  	v0 =	vsel vm11, $0x2A4, v0  }
0x363: {  	[tilespmem:$0x1EAA0] =	vst v0;
	v0 =	vld [tilespmem:$0x1E6D0];
	v1 =	vsel vm10, $0x273, v1  }
0x364: {  	[tilespmem:$0x1E8B0] =	vst v1;
	v1 =	vld [tilespmem:$0x1E4F0];
	_ =	sdelay $0x3  }
0x365: {  	v0 =	vsel vm11, $0x2A5, v0  }
0x366: {  	[tilespmem:$0x1EAB0] =	vst v0;
	v0 =	vld [tilespmem:$0x1E6E0];
	v1 =	vsel vm10, $0x274, v1  }
0x367: {  	[tilespmem:$0x1E8C0] =	vst v1;
	v1 =	vld [tilespmem:$0x1E500];
	_ =	sdelay $0x3  }
0x368: {  	v0 =	vsel vm11, $0x2A6, v0  }
0x369: {  	[tilespmem:$0x1EAC0] =	vst v0;
	v0 =	vld [tilespmem:$0x1E6F0];
	v1 =	vsel vm10, $0x275, v1  }
0x36a: {  	[tilespmem:$0x1E8D0] =	vst v1;
	v1 =	vld [tilespmem:$0x1E510];
	_ =	sdelay $0x3  }
0x36b: {  	v0 =	vsel vm11, $0x2A7, v0  }
0x36c: {  	[tilespmem:$0x1EAD0] =	vst v0;
	v0 =	vld [tilespmem:$0x1E700];
	v1 =	vsel vm10, $0x276, v1  }
0x36d: {  	[tilespmem:$0x1E8E0] =	vst v1;
	v1 =	vld [tilespmem:$0x1E520];
	_ =	sdelay $0x3  }
0x36e: {  	v0 =	vsel vm11, $0x2A8, v0  }
0x36f: {  	[tilespmem:$0x1EAE0] =	vst v0;
	v0 =	vld [tilespmem:$0x1E710];
	v1 =	vsel vm10, $0x277, v1  }
0x370: {  	[tilespmem:$0x1E8F0] =	vst v1;
	v1 =	vld [tilespmem:$0x1E900];
	_ =	sdelay $0x3  }
0x371: {  	v0 =	vsel vm11, $0x2A9, v0  }
0x372: {  	[tilespmem:$0x1EAF0] =	vst v0;
	v0 =	vld [tilespmem:$0x1E720];
	v1 =	vsel vm11, $0x2B9, v1  }
0x373: {  	[tilespmem:$0x1ECD0] =	vst v1;
	v1 =	vld [tilespmem:$0x1E910];
	_ =	sdelay $0x3  }
0x374: {  	vm12 =	vcmask $0x2F2C;
	v0 =	vsel vm11, $0x3900, v0  }
0x375: {  	[tilespmem:$0x1EB00] =	vst v0;
	v0 =	vld [tilespmem:$0x1E730];
	v1 =	vsel vm12, $0x980, v1  }
0x376: {  	[tilespmem:$0x1ECE0] =	vst v1;
	v1 =	vld [tilespmem:$0x1E920];
	_ =	sdelay $0x3  }
0x377: {  	v0 =	vsel vm11, $0x3980, v0  }
0x378: {  	[tilespmem:$0x1EB10] =	vst v0;
	v0 =	vld [tilespmem:$0x1E740];
	v1 =	vsel vm12, $0xA00, v1  }
0x379: {  	[tilespmem:$0x1ECF0] =	vst v1;
	v1 =	vld [tilespmem:$0x1E930];
	_ =	sdelay $0x3  }
0x37a: {  	v0 =	vsel vm11, $0x3A00, v0  }
0x37b: {  	[tilespmem:$0x1EB20] =	vst v0;
	v0 =	vld [tilespmem:$0x1E750];
	v1 =	vsel vm12, $0x2A80, v1  }
0x37c: {  	[tilespmem:$0x1ED00] =	vst v1;
	v1 =	vld [tilespmem:$0x1E940];
	_ =	sdelay $0x3  }
0x37d: {  	v0 =	vsel vm11, $0x3A80, v0  }
0x37e: {  	[tilespmem:$0x1EB30] =	vst v0;
	v0 =	vld [tilespmem:$0x1E760];
	v1 =	vsel vm12, $0x2B00, v1  }
0x37f: {  	[tilespmem:$0x1ED10] =	vst v1;
	v1 =	vld [tilespmem:$0x1E950];
	_ =	sdelay $0x3  }
0x380: {  	v0 =	vsel vm11, $0x3B00, v0  }
0x381: {  	[tilespmem:$0x1EB40] =	vst v0;
	v0 =	vld [tilespmem:$0x1E770];
	v1 =	vsel vm12, $0x2B80, v1  }
0x382: {  	[tilespmem:$0x1ED20] =	vst v1;
	v1 =	vld [tilespmem:$0x1E960];
	_ =	sdelay $0x3  }
0x383: {  	v0 =	vsel vm11, $0x3B80, v0  }
0x384: {  	[tilespmem:$0x1EB50] =	vst v0;
	v0 =	vld [tilespmem:$0x1E780];
	v1 =	vsel vm12, $0x2000, v1  }
0x385: {  	[tilespmem:$0x1ED30] =	vst v1;
	v1 =	vld [tilespmem:$0x1E970];
	_ =	sdelay $0x3  }
0x386: {  	v0 =	vsel vm11, $0x3000, v0  }
0x387: {  	[tilespmem:$0x1EB60] =	vst v0;
	v0 =	vld [tilespmem:$0x1E790];
	v1 =	vsel vm12, $0x2080, v1  }
0x388: {  	[tilespmem:$0x1ED40] =	vst v1;
	v1 =	vld [tilespmem:$0x1E980];
	_ =	sdelay $0x3  }
0x389: {  	v0 =	vsel vm11, $0x3080, v0  }
0x38a: {  	[tilespmem:$0x1EB70] =	vst v0;
	v0 =	vld [tilespmem:$0x1E7A0];
	v1 =	vsel vm12, $0x2100, v1  }
0x38b: {  	[tilespmem:$0x1ED50] =	vst v1;
	v1 =	vld [tilespmem:$0x1E990];
	_ =	sdelay $0x3  }
0x38c: {  	v0 =	vsel vm11, $0x3100, v0  }
0x38d: {  	[tilespmem:$0x1EB80] =	vst v0;
	v0 =	vld [tilespmem:$0x1E7B0];
	v1 =	vsel vm12, $0x2180, v1  }
0x38e: {  	[tilespmem:$0x1ED60] =	vst v1;
	v1 =	vld [tilespmem:$0x1E9A0];
	_ =	sdelay $0x3  }
0x38f: {  	v0 =	vsel vm11, $0x3180, v0  }
0x390: {  	[tilespmem:$0x1EB90] =	vst v0;
	v0 =	vld [tilespmem:$0x1E7C0];
	v1 =	vsel vm12, $0x2200, v1  }
0x391: {  	[tilespmem:$0x1ED70] =	vst v1;
	v1 =	vld [tilespmem:$0x1E9B0];
	_ =	sdelay $0x3  }
0x392: {  	v0 =	vsel vm11, $0x3200, v0  }
0x393: {  	[tilespmem:$0x1EBA0] =	vst v0;
	v0 =	vld [tilespmem:$0x1E7D0];
	v1 =	vsel vm12, $0x2280, v1  }
0x394: {  	[tilespmem:$0x1ED80] =	vst v1;
	v1 =	vld [tilespmem:$0x1E9C0];
	_ =	sdelay $0x3  }
0x395: {  	v0 =	vsel vm11, $0x3280, v0  }
0x396: {  	[tilespmem:$0x1EBB0] =	vst v0;
	v0 =	vld [tilespmem:$0x1E7E0];
	v1 =	vsel vm12, $0x2300, v1  }
0x397: {  	[tilespmem:$0x1ED90] =	vst v1;
	v1 =	vld [tilespmem:$0x1E9D0];
	_ =	sdelay $0x3  }
0x398: {  	v0 =	vsel vm11, $0x3300, v0  }
0x399: {  	[tilespmem:$0x1EBC0] =	vst v0;
	v0 =	vld [tilespmem:$0x1E7F0];
	v1 =	vsel vm12, $0x2380, v1  }
0x39a: {  	[tilespmem:$0x1EDA0] =	vst v1;
	v1 =	vld [tilespmem:$0x1E9E0];
	_ =	sdelay $0x3  }
0x39b: {  	v0 =	vsel vm11, $0x3380, v0  }
0x39c: {  	[tilespmem:$0x1EBD0] =	vst v0;
	v0 =	vld [tilespmem:$0x1E800];
	v1 =	vsel vm12, $0x2800, v1  }
0x39d: {  	[tilespmem:$0x1EDB0] =	vst v1;
	v1 =	vld [tilespmem:$0x1E9F0];
	_ =	sdelay $0x3  }
0x39e: {  	v0 =	vsel vm11, $0x3800, v0  }
0x39f: {  	[tilespmem:$0x1EBE0] =	vst v0;
	v0 =	vld [tilespmem:$0x1E810];
	v1 =	vsel vm12, $0x2880, v1  }
0x3a0: {  	[tilespmem:$0x1EDC0] =	vst v1;
	v1 =	vld [tilespmem:$0x1EA00];
	_ =	sdelay $0x3  }
0x3a1: {  	v0 =	vsel vm11, $0x3880, v0  }
0x3a2: {  	[tilespmem:$0x1EBF0] =	vst v0;
	v0 =	vld [tilespmem:$0x1E820];
	v1 =	vsel vm12, $0x2900, v1  }
0x3a3: {  	[tilespmem:$0x1EDD0] =	vst v1;
	v1 =	vld [tilespmem:$0x1EA10];
	_ =	sdelay $0x3  }
0x3a4: {  	v0 =	vsel vm11, $0x2BB, v0  }
0x3a5: {  	[tilespmem:$0x1EC00] =	vst v0;
	v0 =	vld [tilespmem:$0x1E830];
	v1 =	vsel vm12, $0x2EC, v1  }
0x3a6: {  	[tilespmem:$0x1EDE0] =	vst v1;
	v1 =	vld [tilespmem:$0x1EA20];
	_ =	sdelay $0x3  }
0x3a7: {  	v0 =	vsel vm11, $0x2BC, v0  }
0x3a8: {  	[tilespmem:$0x1EC10] =	vst v0;
	v0 =	vld [tilespmem:$0x1E840];
	v1 =	vsel vm12, $0x2ED, v1  }
0x3a9: {  	[tilespmem:$0x1EDF0] =	vst v1;
	v1 =	vld [tilespmem:$0x1EA30];
	_ =	sdelay $0x3  }
0x3aa: {  	v0 =	vsel vm11, $0x2BD, v0  }
0x3ab: {  	[tilespmem:$0x1EC20] =	vst v0;
	v0 =	vld [tilespmem:$0x1E850];
	v1 =	vsel vm12, $0x2EE, v1  }
0x3ac: {  	[tilespmem:$0x1EE00] =	vst v1;
	v1 =	vld [tilespmem:$0x1EA40];
	_ =	sdelay $0x3  }
0x3ad: {  	v0 =	vsel vm11, $0x2BE, v0  }
0x3ae: {  	[tilespmem:$0x1EC30] =	vst v0;
	v0 =	vld [tilespmem:$0x1E860];
	v1 =	vsel vm12, $0x2EF, v1  }
0x3af: {  	[tilespmem:$0x1EE10] =	vst v1;
	v1 =	vld [tilespmem:$0x1EA50];
	_ =	sdelay $0x3  }
0x3b0: {  	v0 =	vsel vm11, $0x2BF, v0  }
0x3b1: {  	[tilespmem:$0x1EC40] =	vst v0;
	v0 =	vld [tilespmem:$0x1E870];
	v1 =	vsel vm12, $0x2E0, v1  }
0x3b2: {  	[tilespmem:$0x1EE20] =	vst v1;
	v1 =	vld [tilespmem:$0x1EA60];
	_ =	sdelay $0x3  }
0x3b3: {  	v0 =	vsel vm11, $0x2B0, v0  }
0x3b4: {  	[tilespmem:$0x1EC50] =	vst v0;
	v0 =	vld [tilespmem:$0x1E880];
	v1 =	vsel vm12, $0x2E1, v1  }
0x3b5: {  	[tilespmem:$0x1EE30] =	vst v1;
	v1 =	vld [tilespmem:$0x1EA70];
	_ =	sdelay $0x3  }
0x3b6: {  	v0 =	vsel vm11, $0x2B1, v0  }
0x3b7: {  	[tilespmem:$0x1EC60] =	vst v0;
	v0 =	vld [tilespmem:$0x1E890];
	v1 =	vsel vm12, $0x2E2, v1  }
0x3b8: {  	[tilespmem:$0x1EE40] =	vst v1;
	v1 =	vld [tilespmem:$0x1EA80];
	_ =	sdelay $0x3  }
0x3b9: {  	v0 =	vsel vm11, $0x2B2, v0  }
0x3ba: {  	[tilespmem:$0x1EC70] =	vst v0;
	v0 =	vld [tilespmem:$0x1E8A0];
	v1 =	vsel vm12, $0x2E3, v1  }
0x3bb: {  	[tilespmem:$0x1EE50] =	vst v1;
	v1 =	vld [tilespmem:$0x1EA90];
	_ =	sdelay $0x3  }
0x3bc: {  	v0 =	vsel vm11, $0x2B3, v0  }
0x3bd: {  	[tilespmem:$0x1EC80] =	vst v0;
	v0 =	vld [tilespmem:$0x1E8B0];
	v1 =	vsel vm12, $0x2E4, v1  }
0x3be: {  	[tilespmem:$0x1EE60] =	vst v1;
	v1 =	vld [tilespmem:$0x1EAA0];
	_ =	sdelay $0x3  }
0x3bf: {  	v0 =	vsel vm11, $0x2B4, v0  }
0x3c0: {  	[tilespmem:$0x1EC90] =	vst v0;
	v0 =	vld [tilespmem:$0x1E8C0];
	v1 =	vsel vm12, $0x2E5, v1  }
0x3c1: {  	[tilespmem:$0x1EE70] =	vst v1;
	v1 =	vld [tilespmem:$0x1EAB0];
	_ =	sdelay $0x3  }
0x3c2: {  	v0 =	vsel vm11, $0x2B5, v0  }
0x3c3: {  	[tilespmem:$0x1ECA0] =	vst v0;
	v0 =	vld [tilespmem:$0x1E8D0];
	v1 =	vsel vm12, $0x2E6, v1  }
0x3c4: {  	[tilespmem:$0x1EE80] =	vst v1;
	v1 =	vld [tilespmem:$0x1EAC0];
	_ =	sdelay $0x3  }
0x3c5: {  	v0 =	vsel vm11, $0x2B6, v0  }
0x3c6: {  	[tilespmem:$0x1ECB0] =	vst v0;
	v0 =	vld [tilespmem:$0x1E8E0];
	v1 =	vsel vm12, $0x2E7, v1  }
0x3c7: {  	[tilespmem:$0x1EE90] =	vst v1;
	v1 =	vld [tilespmem:$0x1EAD0];
	_ =	sdelay $0x3  }
0x3c8: {  	v0 =	vsel vm11, $0x2B7, v0  }
0x3c9: {  	[tilespmem:$0x1ECC0] =	vst v0;
	v1 =	vsel vm12, $0x2E8, v1  }
0x3ca: {  	v0 =	vld [tilespmem:$0x1E8F0];
	[tilespmem:$0x1EEA0] =	vst v1  }
0x3cb: {  	v1 =	vld [tilespmem:$0x1EAE0];
	_ =	sdelay $0x4  }
0x3cc: {  	v1 =	vsel vm12, $0x2E9, v1  }
0x3cd: {  	[tilespmem:$0x1EEB0] =	vst v1;
	v1 =	vld [tilespmem:$0x1EAF0];
	_ =	sdelay $0x4  }
0x3ce: {  	v1 =	vsel vm12, $0x2EA, v1  }
0x3cf: {  	[tilespmem:$0x1EEC0] =	vst v1;
	v1 =	vld [tilespmem:$0x1EB00];
	_ =	sdelay $0x4  }
0x3d0: {  	v1 =	vsel vm12, $0x3980, v1  }
0x3d1: {  	[tilespmem:$0x1EED0] =	vst v1;
	v1 =	vld [tilespmem:$0x1EB10];
	_ =	sdelay $0x4  }
0x3d2: {  	v1 =	vsel vm12, $0x3A00, v1  }
0x3d3: {  	[tilespmem:$0x1EEE0] =	vst v1;
	v1 =	vld [tilespmem:$0x1EB20];
	_ =	sdelay $0x4  }
0x3d4: {  	v1 =	vsel vm12, $0x3A80, v1  }
0x3d5: {  	[tilespmem:$0x1EEF0] =	vst v1;
	v1 =	vld [tilespmem:$0x1EB30];
	_ =	sdelay $0x4  }
0x3d6: {  	v1 =	vsel vm12, $0x3B00, v1  }
0x3d7: {  	[tilespmem:$0x1EF00] =	vst v1;
	v1 =	vld [tilespmem:$0x1EB40];
	_ =	sdelay $0x4  }
0x3d8: {  	v1 =	vsel vm12, $0x3B80, v1  }
0x3d9: {  	[tilespmem:$0x1EF10] =	vst v1;
	v1 =	vld [tilespmem:$0x1EB50];
	_ =	sdelay $0x4  }
0x3da: {  	v1 =	vsel vm12, $0x3000, v1  }
0x3db: {  	[tilespmem:$0x1EF20] =	vst v1;
	v1 =	vld [tilespmem:$0x1EB60];
	_ =	sdelay $0x4  }
0x3dc: {  	v1 =	vsel vm12, $0x3080, v1  }
0x3dd: {  	[tilespmem:$0x1EF30] =	vst v1;
	v1 =	vld [tilespmem:$0x1EB70];
	_ =	sdelay $0x4  }
0x3de: {  	v1 =	vsel vm12, $0x3100, v1  }
0x3df: {  	[tilespmem:$0x1EF40] =	vst v1;
	v1 =	vld [tilespmem:$0x1EB80];
	_ =	sdelay $0x4  }
0x3e0: {  	v1 =	vsel vm12, $0x3180, v1  }
0x3e1: {  	[tilespmem:$0x1EF50] =	vst v1;
	v1 =	vld [tilespmem:$0x1EB90];
	_ =	sdelay $0x4  }
0x3e2: {  	v1 =	vsel vm12, $0x3200, v1  }
0x3e3: {  	[tilespmem:$0x1EF60] =	vst v1;
	v1 =	vld [tilespmem:$0x1EBA0];
	_ =	sdelay $0x4  }
0x3e4: {  	v1 =	vsel vm12, $0x3280, v1  }
0x3e5: {  	[tilespmem:$0x1EF70] =	vst v1;
	v1 =	vld [tilespmem:$0x1EBB0];
	_ =	sdelay $0x4  }
0x3e6: {  	v1 =	vsel vm12, $0x3300, v1  }
0x3e7: {  	[tilespmem:$0x1EF80] =	vst v1;
	v1 =	vld [tilespmem:$0x1EBC0];
	_ =	sdelay $0x4  }
0x3e8: {  	v1 =	vsel vm12, $0x3380, v1  }
0x3e9: {  	[tilespmem:$0x1EF90] =	vst v1;
	v1 =	vld [tilespmem:$0x1EBD0];
	_ =	sdelay $0x4  }
0x3ea: {  	v1 =	vsel vm12, $0x3800, v1  }
0x3eb: {  	[tilespmem:$0x1EFA0] =	vst v1;
	v1 =	vld [tilespmem:$0x1EBE0];
	_ =	sdelay $0x4  }
0x3ec: {  	v1 =	vsel vm12, $0x3880, v1  }
0x3ed: {  	[tilespmem:$0x1EFB0] =	vst v1;
	v1 =	vld [tilespmem:$0x1EBF0];
	_ =	sdelay $0x4  }
0x3ee: {  	v1 =	vsel vm12, $0x3900, v1  }
0x3ef: {  	[tilespmem:$0x1EFC0] =	vst v1;
	v1 =	vld [tilespmem:$0x1EC00];
	_ =	sdelay $0x4  }
0x3f0: {  	v1 =	vsel vm12, $0x2FC, v1  }
0x3f1: {  	[tilespmem:$0x1EFD0] =	vst v1;
	v1 =	vld [tilespmem:$0x1EC10];
	_ =	sdelay $0x4  }
0x3f2: {  	v1 =	vsel vm12, $0x2FD, v1  }
0x3f3: {  	[tilespmem:$0x1EFE0] =	vst v1;
	v1 =	vld [tilespmem:$0x1EC20];
	_ =	sdelay $0x4  }
0x3f4: {  	v1 =	vsel vm12, $0x2FE, v1  }
0x3f5: {  	[tilespmem:$0x1EFF0] =	vst v1;
	v1 =	vld [tilespmem:$0x1EC30];
	_ =	sdelay $0x4  }
0x3f6: {  	v1 =	vsel vm12, $0x2FF, v1  }
0x3f7: {  	[tilespmem:$0x1F000] =	vst v1;
	v1 =	vld [tilespmem:$0x1EC40];
	_ =	sdelay $0x4  }
0x3f8: {  	v1 =	vsel vm12, $0x2F0, v1  }
0x3f9: {  	[tilespmem:$0x1F010] =	vst v1;
	v1 =	vld [tilespmem:$0x1EC50];
	_ =	sdelay $0x4  }
0x3fa: {  	v1 =	vsel vm12, $0x2F1, v1  }
0x3fb: {  	[tilespmem:$0x1F020] =	vst v1;
	v1 =	vld [tilespmem:$0x1EC60];
	_ =	sdelay $0x4  }
0x3fc: {  	v1 =	vsel vm12, $0x2F2, v1  }
0x3fd: {  	[tilespmem:$0x1F030] =	vst v1;
	v1 =	vld [tilespmem:$0x1EC70];
	_ =	sdelay $0x4  }
0x3fe: {  	v1 =	vsel vm12, $0x2F3, v1  }
0x3ff: {  	[tilespmem:$0x1F040] =	vst v1;
	v1 =	vld [tilespmem:$0x1EC80];
	_ =	sdelay $0x4  }
0x400: {  	v1 =	vsel vm12, $0x2F4, v1  }
0x401: {  	[tilespmem:$0x1F050] =	vst v1;
	v1 =	vld [tilespmem:$0x1EC90];
	_ =	sdelay $0x4  }
0x402: {  	v1 =	vsel vm12, $0x2F5, v1  }
0x403: {  	[tilespmem:$0x1F060] =	vst v1;
	v1 =	vld [tilespmem:$0x1ECA0];
	_ =	sdelay $0x4  }
0x404: {  	v1 =	vsel vm12, $0x2F6, v1  }
0x405: {  	[tilespmem:$0x1F070] =	vst v1;
	v1 =	vld [tilespmem:$0x1ECB0];
	_ =	sdelay $0x4  }
0x406: {  	v1 =	vsel vm12, $0x2F7, v1  }
0x407: {  	[tilespmem:$0x1F080] =	vst v1;
	v1 =	vld [tilespmem:$0x1ECC0];
	_ =	sdelay $0x4  }
0x408: {  	v1 =	vsel vm12, $0x2F8, v1  }
0x409: {  	[tilespmem:$0x1F090] =	vst v1;
	v1 =	vld [tilespmem:$0x1ECE0];
	_ =	sdelay $0x3  }
0x40a: {  	vm13 =	vcmask $0x3330  }
0x40b: {  	v1 =	vsel vm13, $0xA00, v1  }
0x40c: {  	[tilespmem:$0x1F0B0] =	vst v1;
	v1 =	vld [tilespmem:$0x1ECF0];
	_ =	sdelay $0x3  }
0x40d: {  	vm14 =	vcmask $0x3734  }
0x40e: {  	v16 =	vsel vm6, $0x146, v16;
	v20 =	vsel vm6, $0x14A, v20;
	v1 =	vsel vm13, $0xA80, v1  }
0x40f: {  	v16 =	vsel vm7, $0x187, v16;
	v20 =	vsel vm7, $0x18B, v20;
	v41 =	vsel vm5, $0x1B00, v41;
	[tilespmem:$0x1F0C0] =	vst v1;
	v1 =	vld [tilespmem:$0x1ED00]  }
0x410: {  	v16 =	vsel vm8, $0x1C8, v16;
	v20 =	vsel vm8, $0x1CC, v20;
	v41 =	vsel vm6, $0x1B80, v41  }
0x411: {  	v16 =	vsel vm9, $0x209, v16;
	v20 =	vsel vm9, $0x20D, v20;
	v41 =	vsel vm7, $0x1000, v41  }
0x412: {  	v16 =	vsel vm10, $0x24A, v16;
	v20 =	vsel vm10, $0x24E, v20;
	v41 =	vsel vm8, $0x1080, v41  }
0x413: {  	v16 =	vsel vm11, $0x28B, v16;
	v20 =	vsel vm11, $0x28F, v20;
	v41 =	vsel vm9, $0x1100, v41  }
0x414: {  	v16 =	vsel vm12, $0x2CC, v16;
	v41 =	vsel vm10, $0x1180, v41;
	v1 =	vsel vm13, $0x2B00, v1  }
0x415: {  	v20 =	vsel vm12, $0x2C0, v20;
	v16 =	vsel vm13, $0x30D, v16;
	v41 =	vsel vm11, $0x1200, v41;
	[tilespmem:$0x1F0D0] =	vst v1;
	v1 =	vld [tilespmem:$0x1ED10]  }
0x416: {  	v20 =	vsel vm13, $0x301, v20;
	v16 =	vsel vm14, $0x34E, v16;
	v41 =	vsel vm12, $0x1280, v41  }
0x417: {  	v41 =	vsel vm13, $0x1300, v41;
	[tilespmem:$0x1F490] =	vst v16;
	v16 =	vsel vm14, $0x342, v20  }
0x418: {  	[tilespmem:$0x1F4A0] =	vst v16;
	v16 =	vsel vm14, $0x1380, v41  }
0x419: {  	[tilespmem:$0x1F550] =	vst v16;
	v16 =	vld [tilespmem:$0x1F0D0]  }
0x41a: {  	v1 =	vsel vm13, $0x2B80, v1  }
0x41b: {  	[tilespmem:$0x1F0E0] =	vst v1;
	v1 =	vld [tilespmem:$0x1ED20];
	_ =	sdelay $0x2  }
0x41c: {  	v16 =	vsel vm14, $0x2B80, v16  }
0x41d: {  	[tilespmem:$0x1F6D0] =	vst v16;
	v16 =	vld [tilespmem:$0x1F0E0]  }
0x41e: {  	v1 =	vsel vm13, $0x2000, v1  }
0x41f: {  	[tilespmem:$0x1F0F0] =	vst v1;
	v1 =	vld [tilespmem:$0x1ED30];
	_ =	sdelay $0x2  }
0x420: {  	v16 =	vsel vm14, $0x2000, v16  }
0x421: {  	[tilespmem:$0x1F6F0] =	vst v16;
	v16 =	vld [tilespmem:$0x1F0F0]  }
0x422: {  	v1 =	vsel vm13, $0x2080, v1  }
0x423: {  	[tilespmem:$0x1F100] =	vst v1;
	v1 =	vld [tilespmem:$0x1ED40];
	_ =	sdelay $0x2  }
0x424: {  	v16 =	vsel vm14, $0x2080, v16  }
0x425: {  	[tilespmem:$0x1F710] =	vst v16;
	v16 =	vld [tilespmem:$0x1F100]  }
0x426: {  	v1 =	vsel vm13, $0x2100, v1  }
0x427: {  	[tilespmem:$0x1F110] =	vst v1;
	v1 =	vld [tilespmem:$0x1ED50];
	_ =	sdelay $0x2  }
0x428: {  	v16 =	vsel vm14, $0x2100, v16  }
0x429: {  	[tilespmem:$0x1F730] =	vst v16;
	v16 =	vld [tilespmem:$0x1F110]  }
0x42a: {  	v1 =	vsel vm13, $0x2180, v1  }
0x42b: {  	[tilespmem:$0x1F120] =	vst v1;
	v1 =	vld [tilespmem:$0x1ED60];
	_ =	sdelay $0x2  }
0x42c: {  	v16 =	vsel vm14, $0x2180, v16  }
0x42d: {  	[tilespmem:$0x1F750] =	vst v16;
	v16 =	vld [tilespmem:$0x1F120]  }
0x42e: {  	v1 =	vsel vm13, $0x2200, v1  }
0x42f: {  	[tilespmem:$0x1F130] =	vst v1;
	v1 =	vld [tilespmem:$0x1ED70];
	_ =	sdelay $0x2  }
0x430: {  	v16 =	vsel vm14, $0x2200, v16  }
0x431: {  	[tilespmem:$0x1F770] =	vst v16;
	v16 =	vld [tilespmem:$0x1F130]  }
0x432: {  	v1 =	vsel vm13, $0x2280, v1  }
0x433: {  	[tilespmem:$0x1F140] =	vst v1;
	v1 =	vld [tilespmem:$0x1ED80];
	_ =	sdelay $0x2  }
0x434: {  	v16 =	vsel vm14, $0x2280, v16  }
0x435: {  	[tilespmem:$0x1F790] =	vst v16;
	v16 =	vld [tilespmem:$0x1F140]  }
0x436: {  	v1 =	vsel vm13, $0x2300, v1  }
0x437: {  	[tilespmem:$0x1F150] =	vst v1;
	v1 =	vld [tilespmem:$0x1ED90];
	_ =	sdelay $0x2  }
0x438: {  	v16 =	vsel vm14, $0x2300, v16  }
0x439: {  	[tilespmem:$0x1F7B0] =	vst v16;
	v16 =	vld [tilespmem:$0x1F150]  }
0x43a: {  	v1 =	vsel vm13, $0x2380, v1  }
0x43b: {  	[tilespmem:$0x1F160] =	vst v1;
	v1 =	vld [tilespmem:$0x1EDA0];
	_ =	sdelay $0x2  }
0x43c: {  	v16 =	vsel vm14, $0x2380, v16  }
0x43d: {  	[tilespmem:$0x1F7D0] =	vst v16;
	v16 =	vld [tilespmem:$0x1F160]  }
0x43e: {  	v1 =	vsel vm13, $0x2800, v1  }
0x43f: {  	[tilespmem:$0x1F170] =	vst v1;
	v1 =	vld [tilespmem:$0x1EDB0];
	_ =	sdelay $0x2  }
0x440: {  	v16 =	vsel vm14, $0x2800, v16  }
0x441: {  	[tilespmem:$0x1F7F0] =	vst v16;
	v16 =	vld [tilespmem:$0x1F170]  }
0x442: {  	v1 =	vsel vm13, $0x2880, v1  }
0x443: {  	[tilespmem:$0x1F180] =	vst v1;
	v1 =	vld [tilespmem:$0x1EDC0];
	_ =	sdelay $0x2  }
0x444: {  	v16 =	vsel vm14, $0x2880, v16  }
0x445: {  	[tilespmem:$0x1F810] =	vst v16;
	v16 =	vld [tilespmem:$0x1F180]  }
0x446: {  	v1 =	vsel vm13, $0x2900, v1  }
0x447: {  	[tilespmem:$0x1F190] =	vst v1;
	v1 =	vld [tilespmem:$0x1EDD0];
	_ =	sdelay $0x2  }
0x448: {  	v16 =	vsel vm14, $0x2900, v16  }
0x449: {  	[tilespmem:$0x1F830] =	vst v16;
	v16 =	vld [tilespmem:$0x1F190]  }
0x44a: {  	v1 =	vsel vm13, $0x2980, v1  }
0x44b: {  	[tilespmem:$0x1F1A0] =	vst v1;
	v1 =	vld [tilespmem:$0x1EDE0];
	_ =	sdelay $0x2  }
0x44c: {  	v16 =	vsel vm14, $0x2980, v16  }
0x44d: {  	[tilespmem:$0x1F850] =	vst v16;
	v16 =	vld [tilespmem:$0x1F1A0]  }
0x44e: {  	v1 =	vsel vm13, $0x32D, v1  }
0x44f: {  	[tilespmem:$0x1F1B0] =	vst v1;
	v1 =	vld [tilespmem:$0x1EDF0];
	_ =	sdelay $0x2  }
0x450: {  	v16 =	vsel vm14, $0x2A00, v16  }
0x451: {  	[tilespmem:$0x1F870] =	vst v16;
	v16 =	vld [tilespmem:$0x1F1B0]  }
0x452: {  	v1 =	vsel vm13, $0x32E, v1  }
0x453: {  	[tilespmem:$0x1F1C0] =	vst v1;
	v1 =	vld [tilespmem:$0x1EE00];
	_ =	sdelay $0x2  }
0x454: {  	v16 =	vsel vm14, $0x36E, v16  }
0x455: {  	[tilespmem:$0x1F890] =	vst v16;
	v16 =	vld [tilespmem:$0x1F1C0]  }
0x456: {  	v1 =	vsel vm13, $0x32F, v1  }
0x457: {  	[tilespmem:$0x1F1D0] =	vst v1;
	v1 =	vld [tilespmem:$0x1EE10];
	_ =	sdelay $0x2  }
0x458: {  	v16 =	vsel vm14, $0x36F, v16  }
0x459: {  	[tilespmem:$0x1F8B0] =	vst v16;
	v16 =	vld [tilespmem:$0x1F1D0]  }
0x45a: {  	v1 =	vsel vm13, $0x320, v1  }
0x45b: {  	[tilespmem:$0x1F1E0] =	vst v1;
	v1 =	vld [tilespmem:$0x1EE20];
	_ =	sdelay $0x2  }
0x45c: {  	v16 =	vsel vm14, $0x360, v16  }
0x45d: {  	[tilespmem:$0x1F8D0] =	vst v16;
	v16 =	vld [tilespmem:$0x1F1E0]  }
0x45e: {  	v1 =	vsel vm13, $0x321, v1  }
0x45f: {  	[tilespmem:$0x1F1F0] =	vst v1;
	v1 =	vld [tilespmem:$0x1EE30];
	_ =	sdelay $0x2  }
0x460: {  	v16 =	vsel vm14, $0x361, v16  }
0x461: {  	[tilespmem:$0x1F8F0] =	vst v16;
	v16 =	vld [tilespmem:$0x1F1F0]  }
0x462: {  	v1 =	vsel vm13, $0x322, v1  }
0x463: {  	[tilespmem:$0x1F200] =	vst v1;
	v1 =	vld [tilespmem:$0x1EE40];
	_ =	sdelay $0x2  }
0x464: {  	v16 =	vsel vm14, $0x362, v16  }
0x465: {  	[tilespmem:$0x1F910] =	vst v16;
	v16 =	vld [tilespmem:$0x1F200]  }
0x466: {  	v1 =	vsel vm13, $0x323, v1  }
0x467: {  	[tilespmem:$0x1F210] =	vst v1;
	v1 =	vld [tilespmem:$0x1EE50];
	_ =	sdelay $0x2  }
0x468: {  	v16 =	vsel vm14, $0x363, v16  }
0x469: {  	[tilespmem:$0x1F930] =	vst v16;
	v16 =	vld [tilespmem:$0x1F210]  }
0x46a: {  	v1 =	vsel vm13, $0x324, v1  }
0x46b: {  	[tilespmem:$0x1F220] =	vst v1;
	v1 =	vld [tilespmem:$0x1EE60];
	_ =	sdelay $0x2  }
0x46c: {  	v16 =	vsel vm14, $0x364, v16  }
0x46d: {  	[tilespmem:$0x1F950] =	vst v16;
	v16 =	vld [tilespmem:$0x1F220]  }
0x46e: {  	v1 =	vsel vm13, $0x325, v1  }
0x46f: {  	[tilespmem:$0x1F230] =	vst v1;
	v1 =	vld [tilespmem:$0x1EE70];
	_ =	sdelay $0x2  }
0x470: {  	v16 =	vsel vm14, $0x365, v16  }
0x471: {  	[tilespmem:$0x1F970] =	vst v16;
	v16 =	vld [tilespmem:$0x1F230]  }
0x472: {  	v1 =	vsel vm13, $0x326, v1  }
0x473: {  	[tilespmem:$0x1F240] =	vst v1;
	v1 =	vld [tilespmem:$0x1EE80];
	_ =	sdelay $0x2  }
0x474: {  	v16 =	vsel vm14, $0x366, v16  }
0x475: {  	[tilespmem:$0x1F990] =	vst v16;
	v16 =	vld [tilespmem:$0x1F240]  }
0x476: {  	v1 =	vsel vm13, $0x327, v1  }
0x477: {  	[tilespmem:$0x1F250] =	vst v1;
	v1 =	vld [tilespmem:$0x1EE90];
	_ =	sdelay $0x2  }
0x478: {  	v16 =	vsel vm14, $0x367, v16  }
0x479: {  	[tilespmem:$0x1F9B0] =	vst v16;
	v16 =	vld [tilespmem:$0x1F250]  }
0x47a: {  	v1 =	vsel vm13, $0x328, v1  }
0x47b: {  	[tilespmem:$0x1F260] =	vst v1;
	v1 =	vld [tilespmem:$0x1EEA0];
	_ =	sdelay $0x2  }
0x47c: {  	v16 =	vsel vm14, $0x368, v16  }
0x47d: {  	[tilespmem:$0x1F9D0] =	vst v16;
	v16 =	vld [tilespmem:$0x1F260]  }
0x47e: {  	v1 =	vsel vm13, $0x329, v1  }
0x47f: {  	[tilespmem:$0x1F270] =	vst v1;
	v1 =	vld [tilespmem:$0x1EEB0];
	_ =	sdelay $0x2  }
0x480: {  	v16 =	vsel vm14, $0x369, v16  }
0x481: {  	[tilespmem:$0x1F9F0] =	vst v16;
	v16 =	vld [tilespmem:$0x1F270]  }
0x482: {  	v1 =	vsel vm13, $0x32A, v1  }
0x483: {  	vm15 =	vcmask $0x3B38;
	v5 =	vsel vm6, $0x900, v5;
	v9 =	vsel vm6, $0xB00, v9;
	[tilespmem:$0x1F280] =	vst v1;
	v1 =	vld [tilespmem:$0x1EEC0]  }
0x484: {  	v5 =	vsel vm7, $0x980, v5;
	v13 =	vsel vm6, $0x100, v13;
	v9 =	vsel vm7, $0xB80, v9  }
0x485: {  	v5 =	vsel vm8, $0xA00, v5;
	v8 =	vsel vm6, $0xA80, v8;
	v17 =	vsel vm6, $0x147, v17  }
0x486: {  	v13 =	vsel vm7, $0x180, v13;
	v9 =	vsel vm8, $0x0, v9;
	v16 =	vsel vm14, $0x36A, v16  }
0x487: {  	v5 =	vsel vm9, $0xA80, v5;
	v6 =	vsel vm6, $0x980, v6;
	v7 =	vsel vm6, $0xA00, v7;
	[tilespmem:$0x1FA10] =	vst v16;
	v16 =	vld [tilespmem:$0x1F280]  }
0x488: {  	v12 =	vsel vm6, $0x80, v12;
	v8 =	vsel vm7, $0xB00, v8;
	v1 =	vsel vm13, $0x32B, v1  }
0x489: {  	v17 =	vsel vm7, $0x188, v17;
	v13 =	vsel vm8, $0x200, v13;
	v9 =	vsel vm9, $0x80, v9;
	[tilespmem:$0x1F290] =	vst v1;
	v1 =	vld [tilespmem:$0x1EED0]  }
0x48a: {  	v5 =	vsel vm10, $0xB00, v5;
	v10 =	vsel vm6, $0xB80, v10;
	v11 =	vsel vm6, $0x0, v11  }
0x48b: {  	v6 =	vsel vm7, $0xA00, v6;
	v7 =	vsel vm7, $0xA80, v7;
	v12 =	vsel vm7, $0x100, v12  }
0x48c: {  	v8 =	vsel vm8, $0xB80, v8;
	v17 =	vsel vm8, $0x1C9, v17;
	v16 =	vsel vm14, $0x36B, v16  }
0x48d: {  	v13 =	vsel vm9, $0x280, v13;
	v9 =	vsel vm10, $0x100, v9;
	v5 =	vsel vm11, $0xB80, v5;
	[tilespmem:$0x1FA30] =	vst v16;
	v16 =	vld [tilespmem:$0x1F290]  }
0x48e: {  	v14 =	vsel vm6, $0x180, v14;
	v15 =	vsel vm6, $0x200, v15;
	v1 =	vsel vm13, $0x3A00, v1  }
0x48f: {  	v10 =	vsel vm7, $0x0, v10;
	v11 =	vsel vm7, $0x80, v11;
	v6 =	vsel vm8, $0xA80, v6;
	[tilespmem:$0x1F2A0] =	vst v1;
	v1 =	vld [tilespmem:$0x1EEE0]  }
0x490: {  	v7 =	vsel vm8, $0xB00, v7;
	v12 =	vsel vm8, $0x180, v12;
	v8 =	vsel vm9, $0x0, v8  }
0x491: {  	v17 =	vsel vm9, $0x20A, v17;
	v13 =	vsel vm10, $0x300, v13;
	v9 =	vsel vm11, $0x180, v9  }
0x492: {  	v5 =	vsel vm12, $0x0, v5;
	v18 =	vsel vm6, $0x148, v18;
	v16 =	vsel vm14, $0x36C, v16  }
0x493: {  	v19 =	vsel vm6, $0x149, v19;
	v14 =	vsel vm7, $0x200, v14;
	v15 =	vsel vm7, $0x280, v15;
	[tilespmem:$0x1FA50] =	vst v16;
	v16 =	vld [tilespmem:$0x1F2A0]  }
0x494: {  	v10 =	vsel vm8, $0x80, v10;
	v11 =	vsel vm8, $0x100, v11;
	v1 =	vsel vm13, $0x3A80, v1  }
0x495: {  	v6 =	vsel vm9, $0xB00, v6;
	v7 =	vsel vm9, $0xB80, v7;
	v12 =	vsel vm9, $0x200, v12;
	[tilespmem:$0x1F2B0] =	vst v1;
	v1 =	vld [tilespmem:$0x1EEF0]  }
0x496: {  	v8 =	vsel vm10, $0x80, v8;
	v17 =	vsel vm10, $0x24B, v17;
	v40 =	vsel vm5, $0x1A80, v40  }
0x497: {  	v42 =	vsel vm5, $0x1B80, v42;
	v43 =	vsel vm5, $0x1000, v43;
	v44 =	vsel vm5, $0x1080, v44  }
0x498: {  	v45 =	vsel vm5, $0x1100, v45;
	v46 =	vsel vm5, $0x1180, v46;
	v16 =	vsel vm14, $0x3A80, v16  }
0x499: {  	v47 =	vsel vm5, $0x115, v47;
	v23 =	vsel vm6, $0x14D, v23;
	v24 =	vsel vm6, $0x14E, v24;
	[tilespmem:$0x1FA70] =	vst v16;
	v16 =	vld [tilespmem:$0x1F2B0]  }
0x49a: {  	v26 =	vsel vm6, $0x140, v26;
	v27 =	vsel vm6, $0x141, v27;
	v1 =	vsel vm13, $0x3B00, v1  }
0x49b: {  	v28 =	vsel vm6, $0x142, v28;
	v29 =	vsel vm6, $0x143, v29;
	v30 =	vsel vm6, $0x144, v30;
	[tilespmem:$0x1F2C0] =	vst v1;
	v1 =	vld [tilespmem:$0x1EF00]  }
0x49c: {  	v31 =	vsel vm6, $0x1280, v31;
	v40 =	vsel vm6, $0x1B00, v40;
	v42 =	vsel vm6, $0x1000, v42  }
0x49d: {  	v43 =	vsel vm6, $0x1080, v43;
	v44 =	vsel vm6, $0x1100, v44;
	v45 =	vsel vm6, $0x1180, v45  }
0x49e: {  	v46 =	vsel vm6, $0x1200, v46;
	v47 =	vsel vm6, $0x156, v47;
	v16 =	vsel vm14, $0x3B00, v16  }
0x49f: {  	v23 =	vsel vm7, $0x18E, v23;
	v24 =	vsel vm7, $0x18F, v24;
	v26 =	vsel vm7, $0x181, v26;
	[tilespmem:$0x1FA90] =	vst v16;
	v16 =	vld [tilespmem:$0x1F2C0]  }
0x4a0: {  	v27 =	vsel vm7, $0x182, v27;
	v28 =	vsel vm7, $0x183, v28;
	v1 =	vsel vm13, $0x3B80, v1  }
0x4a1: {  	v29 =	vsel vm7, $0x184, v29;
	v30 =	vsel vm7, $0x185, v30;
	v31 =	vsel vm7, $0x1300, v31;
	[tilespmem:$0x1F2D0] =	vst v1;
	v1 =	vld [tilespmem:$0x1EF10]  }
0x4a2: {  	v40 =	vsel vm7, $0x1B80, v40;
	v42 =	vsel vm7, $0x1080, v42;
	v43 =	vsel vm7, $0x1100, v43  }
0x4a3: {  	v44 =	vsel vm7, $0x1180, v44;
	v45 =	vsel vm7, $0x1200, v45;
	v46 =	vsel vm7, $0x1280, v46  }
0x4a4: {  	v47 =	vsel vm7, $0x197, v47;
	v23 =	vsel vm8, $0x1CF, v23;
	v16 =	vsel vm14, $0x3B80, v16  }
0x4a5: {  	v24 =	vsel vm8, $0x1C0, v24;
	v26 =	vsel vm8, $0x1C2, v26;
	v27 =	vsel vm8, $0x1C3, v27;
	[tilespmem:$0x1FAB0] =	vst v16;
	v16 =	vld [tilespmem:$0x1F2D0]  }
0x4a6: {  	v28 =	vsel vm8, $0x1C4, v28;
	v29 =	vsel vm8, $0x1C5, v29;
	v1 =	vsel vm13, $0x3000, v1  }
0x4a7: {  	v30 =	vsel vm8, $0x1C6, v30;
	v31 =	vsel vm8, $0x1380, v31;
	v40 =	vsel vm8, $0x1000, v40;
	[tilespmem:$0x1F2E0] =	vst v1;
	v1 =	vld [tilespmem:$0x1EF20]  }
0x4a8: {  	v42 =	vsel vm8, $0x1100, v42;
	v43 =	vsel vm8, $0x1180, v43;
	v44 =	vsel vm8, $0x1200, v44  }
0x4a9: {  	v45 =	vsel vm8, $0x1280, v45;
	v46 =	vsel vm8, $0x1300, v46;
	v47 =	vsel vm8, $0x1D8, v47  }
0x4aa: {  	v23 =	vsel vm9, $0x200, v23;
	v24 =	vsel vm9, $0x201, v24;
	v16 =	vsel vm14, $0x3000, v16  }
0x4ab: {  	v26 =	vsel vm9, $0x203, v26;
	v27 =	vsel vm9, $0x204, v27;
	v28 =	vsel vm9, $0x205, v28;
	[tilespmem:$0x1FAD0] =	vst v16;
	v16 =	vld [tilespmem:$0x1F2E0]  }
0x4ac: {  	v29 =	vsel vm9, $0x206, v29;
	v30 =	vsel vm9, $0x207, v30;
	v1 =	vsel vm13, $0x3080, v1  }
0x4ad: {  	v31 =	vsel vm9, $0x1800, v31;
	v40 =	vsel vm9, $0x1080, v40;
	v42 =	vsel vm9, $0x1180, v42;
	[tilespmem:$0x1F2F0] =	vst v1;
	v1 =	vld [tilespmem:$0x1EF30]  }
0x4ae: {  	v43 =	vsel vm9, $0x1200, v43;
	v44 =	vsel vm9, $0x1280, v44;
	v45 =	vsel vm9, $0x1300, v45  }
0x4af: {  	v46 =	vsel vm9, $0x1380, v46;
	v47 =	vsel vm9, $0x219, v47;
	v55 =	vsel vm5, $0x11D, v55  }
0x4b0: {  	v56 =	vsel vm5, $0x11E, v56;
	v58 =	vsel vm5, $0x110, v58;
	v16 =	vsel vm14, $0x3080, v16  }
0x4b1: {  	v59 =	vsel vm5, $0x111, v59;
	v60 =	vsel vm5, $0x112, v60;
	v61 =	vsel vm5, $0x113, v61;
	[tilespmem:$0x1FAF0] =	vst v16;
	v16 =	vld [tilespmem:$0x1F2F0]  }
0x4b2: {  	v62 =	vsel vm5, $0x2200, v62;
	v63 =	vsel vm5, $0x2280, v63;
	v1 =	vsel vm13, $0x3100, v1  }
0x4b3: {  	v23 =	vsel vm10, $0x241, v23;
	v24 =	vsel vm10, $0x242, v24;
	v26 =	vsel vm10, $0x244, v26;
	[tilespmem:$0x1F300] =	vst v1;
	v1 =	vld [tilespmem:$0x1EF40]  }
0x4b4: {  	v27 =	vsel vm10, $0x245, v27;
	v28 =	vsel vm10, $0x246, v28;
	v29 =	vsel vm10, $0x247, v29  }
0x4b5: {  	v30 =	vsel vm10, $0x248, v30;
	v31 =	vsel vm10, $0x1880, v31;
	v40 =	vsel vm10, $0x1100, v40  }
0x4b6: {  	v42 =	vsel vm10, $0x1200, v42;
	v43 =	vsel vm10, $0x1280, v43;
	v16 =	vsel vm14, $0x3100, v16  }
0x4b7: {  	v44 =	vsel vm10, $0x1300, v44;
	v45 =	vsel vm10, $0x1380, v45;
	v46 =	vsel vm10, $0x1800, v46;
	[tilespmem:$0x1FB10] =	vst v16;
	v16 =	vld [tilespmem:$0x1F300]  }
0x4b8: {  	v47 =	vsel vm10, $0x25A, v47;
	v55 =	vsel vm6, $0x15E, v55;
	v1 =	vsel vm13, $0x3180, v1  }
0x4b9: {  	v56 =	vsel vm6, $0x15F, v56;
	v58 =	vsel vm6, $0x151, v58;
	v59 =	vsel vm6, $0x152, v59;
	[tilespmem:$0x1F310] =	vst v1;
	v1 =	vld [tilespmem:$0x1EF50]  }
0x4ba: {  	v60 =	vsel vm6, $0x153, v60;
	v61 =	vsel vm6, $0x154, v61;
	v62 =	vsel vm6, $0x2280, v62  }
0x4bb: {  	v63 =	vsel vm6, $0x2300, v63;
	v23 =	vsel vm11, $0x282, v23;
	v24 =	vsel vm11, $0x283, v24  }
0x4bc: {  	v26 =	vsel vm11, $0x285, v26;
	v27 =	vsel vm11, $0x286, v27;
	v16 =	vsel vm14, $0x3180, v16  }
0x4bd: {  	v28 =	vsel vm11, $0x287, v28;
	v29 =	vsel vm11, $0x288, v29;
	v30 =	vsel vm11, $0x289, v30;
	[tilespmem:$0x1FB30] =	vst v16;
	v16 =	vld [tilespmem:$0x1F310]  }
0x4be: {  	v31 =	vsel vm11, $0x1900, v31;
	v40 =	vsel vm11, $0x1180, v40;
	v1 =	vsel vm13, $0x3200, v1  }
0x4bf: {  	v42 =	vsel vm11, $0x1280, v42;
	v43 =	vsel vm11, $0x1300, v43;
	v44 =	vsel vm11, $0x1380, v44;
	[tilespmem:$0x1F320] =	vst v1;
	v1 =	vld [tilespmem:$0x1EF60]  }
0x4c0: {  	v45 =	vsel vm11, $0x1800, v45;
	v46 =	vsel vm11, $0x1880, v46;
	v47 =	vsel vm11, $0x29B, v47  }
0x4c1: {  	v55 =	vsel vm7, $0x19F, v55;
	v56 =	vsel vm7, $0x190, v56;
	v58 =	vsel vm7, $0x192, v58  }
0x4c2: {  	v59 =	vsel vm7, $0x193, v59;
	v60 =	vsel vm7, $0x194, v60;
	v16 =	vsel vm14, $0x3200, v16  }
0x4c3: {  	v61 =	vsel vm7, $0x195, v61;
	v62 =	vsel vm7, $0x2300, v62;
	v63 =	vsel vm7, $0x2380, v63;
	[tilespmem:$0x1FB50] =	vst v16;
	v16 =	vld [tilespmem:$0x1F320]  }
0x4c4: {  	v23 =	vsel vm12, $0x2C3, v23;
	v24 =	vsel vm12, $0x2C4, v24;
	v1 =	vsel vm13, $0x3280, v1  }
0x4c5: {  	v26 =	vsel vm12, $0x2C6, v26;
	v27 =	vsel vm12, $0x2C7, v27;
	v28 =	vsel vm12, $0x2C8, v28;
	[tilespmem:$0x1F330] =	vst v1;
	v1 =	vld [tilespmem:$0x1EF70]  }
0x4c6: {  	v29 =	vsel vm12, $0x2C9, v29;
	v30 =	vsel vm12, $0x2CA, v30;
	v31 =	vsel vm12, $0x1980, v31  }
0x4c7: {  	v40 =	vsel vm12, $0x1200, v40;
	v42 =	vsel vm12, $0x1300, v42;
	v43 =	vsel vm12, $0x1380, v43  }
0x4c8: {  	v44 =	vsel vm12, $0x1800, v44;
	v45 =	vsel vm12, $0x1880, v45;
	v16 =	vsel vm14, $0x3280, v16  }
0x4c9: {  	v46 =	vsel vm12, $0x1900, v46;
	v47 =	vsel vm12, $0x2DC, v47;
	v55 =	vsel vm8, $0x1D0, v55;
	[tilespmem:$0x1FB70] =	vst v16;
	v16 =	vld [tilespmem:$0x1F330]  }
0x4ca: {  	v56 =	vsel vm8, $0x1D1, v56;
	v58 =	vsel vm8, $0x1D3, v58;
	v1 =	vsel vm13, $0x3300, v1  }
0x4cb: {  	v59 =	vsel vm8, $0x1D4, v59;
	v60 =	vsel vm8, $0x1D5, v60;
	v61 =	vsel vm8, $0x1D6, v61;
	[tilespmem:$0x1F340] =	vst v1;
	v1 =	vld [tilespmem:$0x1EF80]  }
0x4cc: {  	v62 =	vsel vm8, $0x2380, v62;
	v63 =	vsel vm8, $0x2800, v63;
	v23 =	vsel vm13, $0x304, v23  }
0x4cd: {  	v24 =	vsel vm13, $0x305, v24;
	v26 =	vsel vm13, $0x307, v26;
	v27 =	vsel vm13, $0x308, v27  }
0x4ce: {  	v28 =	vsel vm13, $0x309, v28;
	v29 =	vsel vm13, $0x30A, v29;
	v16 =	vsel vm14, $0x3300, v16  }
0x4cf: {  	v30 =	vsel vm13, $0x30B, v30;
	v31 =	vsel vm13, $0x1A00, v31;
	v40 =	vsel vm13, $0x1280, v40;
	[tilespmem:$0x1FB90] =	vst v16;
	v16 =	vld [tilespmem:$0x1F340]  }
0x4d0: {  	v42 =	vsel vm13, $0x1380, v42;
	v43 =	vsel vm13, $0x1800, v43;
	v1 =	vsel vm13, $0x3380, v1  }
0x4d1: {  	v44 =	vsel vm13, $0x1880, v44;
	v45 =	vsel vm13, $0x1900, v45;
	v46 =	vsel vm13, $0x1980, v46;
	[tilespmem:$0x1F350] =	vst v1;
	v1 =	vld [tilespmem:$0x1EF90]  }
0x4d2: {  	v47 =	vsel vm13, $0x31D, v47;
	v55 =	vsel vm9, $0x211, v55;
	v56 =	vsel vm9, $0x212, v56  }
0x4d3: {  	v58 =	vsel vm9, $0x214, v58;
	v59 =	vsel vm9, $0x215, v59;
	v60 =	vsel vm9, $0x216, v60  }
0x4d4: {  	v61 =	vsel vm9, $0x217, v61;
	v62 =	vsel vm9, $0x2800, v62;
	v16 =	vsel vm14, $0x3380, v16  }
0x4d5: {  	v63 =	vsel vm9, $0x2880, v63;
	v23 =	vsel vm14, $0x345, v23;
	v24 =	vsel vm14, $0x346, v24;
	[tilespmem:$0x1FBB0] =	vst v16;
	v16 =	vld [tilespmem:$0x1F350]  }
0x4d6: {  	v26 =	vsel vm14, $0x348, v26;
	v27 =	vsel vm14, $0x349, v27;
	v1 =	vsel vm13, $0x3800, v1  }
0x4d7: {  	v28 =	vsel vm14, $0x34A, v28;
	v29 =	vsel vm14, $0x34B, v29;
	v30 =	vsel vm14, $0x34C, v30;
	[tilespmem:$0x1F360] =	vst v1;
	v1 =	vld [tilespmem:$0x1EFA0]  }
0x4d8: {  	v31 =	vsel vm14, $0x1A80, v31;
	v40 =	vsel vm14, $0x1300, v40;
	v42 =	vsel vm14, $0x1800, v42  }
0x4d9: {  	v43 =	vsel vm14, $0x1880, v43;
	v44 =	vsel vm14, $0x1900, v44;
	v45 =	vsel vm14, $0x1980, v45  }
0x4da: {  	v46 =	vsel vm14, $0x1A00, v46;
	v47 =	vsel vm14, $0x35E, v47;
	v16 =	vsel vm14, $0x3800, v16  }
0x4db: {  	v55 =	vsel vm10, $0x252, v55;
	v56 =	vsel vm10, $0x253, v56;
	v58 =	vsel vm10, $0x255, v58;
	[tilespmem:$0x1FBD0] =	vst v16;
	v16 =	vld [tilespmem:$0x1F360]  }
0x4dc: {  	v59 =	vsel vm10, $0x256, v59;
	v60 =	vsel vm10, $0x257, v60;
	v1 =	vsel vm13, $0x3880, v1  }
0x4dd: {  	v61 =	vsel vm10, $0x258, v61;
	v62 =	vsel vm10, $0x2880, v62;
	v63 =	vsel vm10, $0x2900, v63;
	[tilespmem:$0x1F370] =	vst v1;
	v1 =	vld [tilespmem:$0x1EFB0]  }
0x4de: {  	v42 =	vsel vm15, $0x1880, v42;
	v43 =	vsel vm15, $0x1900, v43;
	v44 =	vsel vm15, $0x1980, v44  }
0x4df: {  	v45 =	vsel vm15, $0x1A00, v45;
	v55 =	vsel vm11, $0x293, v55;
	v56 =	vsel vm11, $0x294, v56  }
0x4e0: {  	v58 =	vsel vm11, $0x296, v58;
	v59 =	vsel vm11, $0x297, v59;
	v16 =	vsel vm14, $0x3880, v16  }
0x4e1: {  	v60 =	vsel vm11, $0x298, v60;
	v61 =	vsel vm11, $0x299, v61;
	v62 =	vsel vm11, $0x2900, v62;
	[tilespmem:$0x1FBF0] =	vst v16;
	v16 =	vld [tilespmem:$0x1F370]  }
0x4e2: {  	v63 =	vsel vm11, $0x2980, v63;
	v55 =	vsel vm12, $0x2D4, v55;
	v1 =	vsel vm13, $0x3900, v1  }
0x4e3: {  	v56 =	vsel vm12, $0x2D5, v56;
	v58 =	vsel vm12, $0x2D7, v58;
	v59 =	vsel vm12, $0x2D8, v59;
	[tilespmem:$0x1F380] =	vst v1;
	v1 =	vld [tilespmem:$0x1EFC0]  }
0x4e4: {  	v60 =	vsel vm12, $0x2D9, v60;
	v61 =	vsel vm12, $0x2DA, v61;
	v62 =	vsel vm12, $0x2980, v62  }
0x4e5: {  	v63 =	vsel vm12, $0x2A00, v63;
	v55 =	vsel vm13, $0x315, v55;
	v56 =	vsel vm13, $0x316, v56  }
0x4e6: {  	v58 =	vsel vm13, $0x318, v58;
	v59 =	vsel vm13, $0x319, v59;
	v16 =	vsel vm14, $0x3900, v16  }
0x4e7: {  	v60 =	vsel vm13, $0x31A, v60;
	v61 =	vsel vm13, $0x31B, v61;
	v63 =	vsel vm13, $0x2A80, v63;
	[tilespmem:$0x1FC10] =	vst v16;
	v16 =	vld [tilespmem:$0x1F380]  }
0x4e8: {  	v55 =	vsel vm14, $0x356, v55;
	v56 =	vsel vm14, $0x357, v56;
	v1 =	vsel vm13, $0x3980, v1  }
0x4e9: {  	v58 =	vsel vm14, $0x359, v58;
	v59 =	vsel vm14, $0x35A, v59;
	v60 =	vsel vm14, $0x35B, v60;
	[tilespmem:$0x1F390] =	vst v1;
	v1 =	vld [tilespmem:$0x1EFD0]  }
0x4ea: {  	v61 =	vsel vm14, $0x35C, v61;
	v63 =	vsel vm14, $0x2B00, v63;
	v36 =	vsel vm5, $0x1880, v36  }
0x4eb: {  	v39 =	vsel vm5, $0x1A00, v39;
	v21 =	vsel vm6, $0x14B, v21;
	v52 =	vsel vm5, $0x11A, v52  }
0x4ec: {  	v2 =	vsel vm6, $0x380, v2;
	v3 =	vsel vm6, $0x800, v3;
	v16 =	vsel vm14, $0x3980, v16  }
0x4ed: {  	v36 =	vsel vm6, $0x1900, v36;
	v39 =	vsel vm6, $0x1A80, v39;
	v21 =	vsel vm7, $0x18C, v21;
	[tilespmem:$0x1FC30] =	vst v16;
	v16 =	vld [tilespmem:$0x1F390]  }
0x4ee: {  	v32 =	vsel vm5, $0x1280, v32;
	v52 =	vsel vm6, $0x15B, v52;
	v1 =	vsel vm13, $0x33D, v1  }
0x4ef: {  	v2 =	vsel vm7, $0x800, v2;
	v3 =	vsel vm7, $0x880, v3;
	v36 =	vsel vm7, $0x1980, v36;
	[tilespmem:$0x1F3A0] =	vst v1;
	v1 =	vld [tilespmem:$0x1EFE0]  }
0x4f0: {  	v39 =	vsel vm7, $0x1B00, v39;
	v21 =	vsel vm8, $0x1CD, v21;
	v32 =	vsel vm6, $0x1300, v32  }
0x4f1: {  	v52 =	vsel vm7, $0x19C, v52;
	v2 =	vsel vm8, $0x880, v2;
	v3 =	vsel vm8, $0x900, v3  }
0x4f2: {  	v36 =	vsel vm8, $0x1A00, v36;
	v39 =	vsel vm8, $0x1B80, v39;
	v16 =	vsel vm14, $0x3A00, v16  }
0x4f3: {  	v21 =	vsel vm9, $0x20E, v21;
	v33 =	vsel vm5, $0x1300, v33;
	v35 =	vsel vm5, $0x1800, v35;
	[tilespmem:$0x1FC50] =	vst v16;
	v16 =	vld [tilespmem:$0x1F3A0]  }
0x4f4: {  	v53 =	vsel vm5, $0x11B, v53;
	v32 =	vsel vm7, $0x1380, v32;
	v1 =	vsel vm13, $0x33E, v1  }
0x4f5: {  	v52 =	vsel vm8, $0x1DD, v52;
	v2 =	vsel vm9, $0x900, v2;
	v3 =	vsel vm9, $0x980, v3;
	[tilespmem:$0x1F3B0] =	vst v1;
	v1 =	vld [tilespmem:$0x1EFF0]  }
0x4f6: {  	v36 =	vsel vm9, $0x1A80, v36;
	v39 =	vsel vm9, $0x1000, v39;
	v21 =	vsel vm10, $0x24F, v21  }
0x4f7: {  	v37 =	vsel vm5, $0x1900, v37;
	v38 =	vsel vm5, $0x1980, v38;
	v51 =	vsel vm5, $0x119, v51  }
0x4f8: {  	v33 =	vsel vm6, $0x1380, v33;
	v35 =	vsel vm6, $0x1880, v35;
	v16 =	vsel vm14, $0x37E, v16  }
0x4f9: {  	v53 =	vsel vm6, $0x15C, v53;
	v32 =	vsel vm8, $0x1800, v32;
	v52 =	vsel vm9, $0x21E, v52;
	[tilespmem:$0x1FC70] =	vst v16;
	v16 =	vld [tilespmem:$0x1F3B0]  }
0x4fa: {  	v2 =	vsel vm10, $0x980, v2;
	v3 =	vsel vm10, $0xA00, v3;
	v1 =	vsel vm13, $0x33F, v1  }
0x4fb: {  	v36 =	vsel vm10, $0x1B00, v36;
	v39 =	vsel vm10, $0x1080, v39;
	v21 =	vsel vm11, $0x280, v21;
	[tilespmem:$0x1F3C0] =	vst v1;
	v1 =	vld [tilespmem:$0x1F000]  }
0x4fc: {  	v34 =	vsel vm5, $0x1380, v34;
	v48 =	vsel vm5, $0x116, v48;
	v50 =	vsel vm5, $0x118, v50  }
0x4fd: {  	v25 =	vsel vm6, $0x14F, v25;
	v37 =	vsel vm6, $0x1980, v37;
	v38 =	vsel vm6, $0x1A00, v38  }
0x4fe: {  	v51 =	vsel vm6, $0x15A, v51;
	v33 =	vsel vm7, $0x1800, v33;
	v16 =	vsel vm14, $0x37F, v16  }
0x4ff: {  	v35 =	vsel vm7, $0x1900, v35;
	v53 =	vsel vm7, $0x19D, v53;
	v32 =	vsel vm9, $0x1880, v32;
	[tilespmem:$0x1FC90] =	vst v16;
	v16 =	vld [tilespmem:$0x1F3C0]  }
0x500: {  	v52 =	vsel vm10, $0x25F, v52;
	v2 =	vsel vm11, $0xA00, v2;
	v1 =	vsel vm13, $0x330, v1  }
0x501: {  	v3 =	vsel vm11, $0xA80, v3;
	v36 =	vsel vm11, $0x1B80, v36;
	v39 =	vsel vm11, $0x1100, v39;
	[tilespmem:$0x1F3D0] =	vst v1;
	v1 =	vld [tilespmem:$0x1F010]  }
0x502: {  	v21 =	vsel vm12, $0x2C1, v21;
	v22 =	vsel vm6, $0x14C, v22;
	v34 =	vsel vm6, $0x1800, v34  }
0x503: {  	v48 =	vsel vm6, $0x157, v48;
	v50 =	vsel vm6, $0x159, v50;
	v25 =	vsel vm7, $0x180, v25  }
0x504: {  	v37 =	vsel vm7, $0x1A00, v37;
	v38 =	vsel vm7, $0x1A80, v38;
	v16 =	vsel vm14, $0x370, v16  }
0x505: {  	v51 =	vsel vm7, $0x19B, v51;
	v33 =	vsel vm8, $0x1880, v33;
	v35 =	vsel vm8, $0x1980, v35;
	[tilespmem:$0x1FCB0] =	vst v16;
	v16 =	vld [tilespmem:$0x1F3D0]  }
0x506: {  	v53 =	vsel vm8, $0x1DE, v53;
	v32 =	vsel vm10, $0x1900, v32;
	v1 =	vsel vm13, $0x331, v1  }
0x507: {  	v52 =	vsel vm11, $0x290, v52;
	v2 =	vsel vm12, $0xA80, v2;
	v3 =	vsel vm12, $0xB00, v3;
	[tilespmem:$0x1F3E0] =	vst v1;
	v1 =	vld [tilespmem:$0x1F020]  }
0x508: {  	v36 =	vsel vm12, $0x1000, v36;
	v39 =	vsel vm12, $0x1180, v39;
	v21 =	vsel vm13, $0x302, v21  }
0x509: {  	v49 =	vsel vm5, $0x117, v49;
	v22 =	vsel vm7, $0x18D, v22;
	v34 =	vsel vm7, $0x1880, v34  }
0x50a: {  	v48 =	vsel vm7, $0x198, v48;
	v50 =	vsel vm7, $0x19A, v50;
	v16 =	vsel vm14, $0x371, v16  }
0x50b: {  	v25 =	vsel vm8, $0x1C1, v25;
	v37 =	vsel vm8, $0x1A80, v37;
	v38 =	vsel vm8, $0x1B00, v38;
	[tilespmem:$0x1FCD0] =	vst v16;
	v16 =	vld [tilespmem:$0x1F3E0]  }
0x50c: {  	v51 =	vsel vm8, $0x1DC, v51;
	v33 =	vsel vm9, $0x1900, v33;
	v1 =	vsel vm13, $0x332, v1  }
0x50d: {  	v35 =	vsel vm9, $0x1A00, v35;
	v53 =	vsel vm9, $0x21F, v53;
	v32 =	vsel vm11, $0x1980, v32;
	[tilespmem:$0x1F3F0] =	vst v1;
	v1 =	vld [tilespmem:$0x1F030]  }
0x50e: {  	v52 =	vsel vm12, $0x2D1, v52;
	v2 =	vsel vm13, $0xB00, v2;
	v3 =	vsel vm13, $0xB80, v3  }
0x50f: {  	v36 =	vsel vm13, $0x1080, v36;
	v39 =	vsel vm13, $0x1200, v39;
	v21 =	vsel vm14, $0x343, v21  }
0x510: {  	v49 =	vsel vm6, $0x158, v49;
	v22 =	vsel vm8, $0x1CE, v22;
	v16 =	vsel vm14, $0x372, v16  }
0x511: {  	v34 =	vsel vm8, $0x1900, v34;
	v48 =	vsel vm8, $0x1D9, v48;
	v50 =	vsel vm8, $0x1DB, v50;
	[tilespmem:$0x1FCF0] =	vst v16;
	v16 =	vld [tilespmem:$0x1F3F0]  }
0x512: {  	v25 =	vsel vm9, $0x202, v25;
	v37 =	vsel vm9, $0x1B00, v37;
	v1 =	vsel vm13, $0x333, v1  }
0x513: {  	v38 =	vsel vm9, $0x1B80, v38;
	v51 =	vsel vm9, $0x21D, v51;
	v33 =	vsel vm10, $0x1980, v33;
	[tilespmem:$0x1F400] =	vst v1;
	v1 =	vld [tilespmem:$0x1F040]  }
0x514: {  	v35 =	vsel vm10, $0x1A80, v35;
	v53 =	vsel vm10, $0x250, v53;
	v32 =	vsel vm12, $0x1A00, v32  }
0x515: {  	v2 =	vsel vm14, $0xB80, v2;
	v3 =	vsel vm14, $0x0, v3;
	v36 =	vsel vm14, $0x1100, v36  }
0x516: {  	v39 =	vsel vm14, $0x1280, v39;
	v57 =	vsel vm5, $0x11F, v57;
	v16 =	vsel vm14, $0x373, v16  }
0x517: {  	v49 =	vsel vm7, $0x199, v49;
	v22 =	vsel vm9, $0x20F, v22;
	v34 =	vsel vm9, $0x1980, v34;
	[tilespmem:$0x1FD10] =	vst v16;
	v16 =	vld [tilespmem:$0x1F400]  }
0x518: {  	v48 =	vsel vm9, $0x21A, v48;
	v50 =	vsel vm9, $0x21C, v50;
	v1 =	vsel vm13, $0x334, v1  }
0x519: {  	v33 =	vsel vm11, $0x1A00, v33;
	v32 =	vsel vm13, $0x1A80, v32;
	v0 =	vsel vm11, $0x2B8, v0;
	[tilespmem:$0x1F410] =	vst v1;
	v1 =	vld [tilespmem:$0x1F050]  }
0x51a: {  	v33 =	vsel vm12, $0x1A80, v33;
	v32 =	vsel vm14, $0x1B00, v32;
	v0 =	vsel vm12, $0x2F9, v0  }
0x51b: {  	v25 =	vsel vm10, $0x243, v25;
	v33 =	vsel vm13, $0x1B00, v33;
	v32 =	vsel vm15, $0x1B80, v32;
	[tilespmem:$0x1F0A0] =	vst v0  }
0x51c: {  	v37 =	vsel vm10, $0x1B80, v37;
	v33 =	vsel vm14, $0x1B80, v33;
	[tilespmem:$0x1F4C0] =	vst v32;
	v16 =	vsel vm14, $0x374, v16  }
0x51d: {  	v38 =	vsel vm10, $0x1000, v38;
	v51 =	vsel vm10, $0x25E, v51;
	v33 =	vsel vm15, $0x1000, v33;
	[tilespmem:$0x1FD30] =	vst v16;
	v16 =	vld [tilespmem:$0x1F410]  }
0x51e: {  	v35 =	vsel vm11, $0x1B00, v35;
	v53 =	vsel vm11, $0x291, v53;
	[tilespmem:$0x1F4D0] =	vst v33;
	v1 =	vsel vm13, $0x335, v1  }
0x51f: {  	v2 =	vsel vm15, $0x0, v2;
	v3 =	vsel vm15, $0x80, v3;
	v54 =	vsel vm5, $0x11C, v54;
	[tilespmem:$0x1F420] =	vst v1;
	v1 =	vld [tilespmem:$0x1F060]  }
0x520: {  	v57 =	vsel vm6, $0x150, v57;
	v49 =	vsel vm8, $0x1DA, v49;
	v34 =	vsel vm10, $0x1A00, v34;
	[tilespmem:$0x1F570] =	vst v42  }
0x521: {  	v22 =	vsel vm10, $0x240, v22;
	v48 =	vsel vm10, $0x25B, v48;
	v34 =	vsel vm11, $0x1A80, v34;
	[tilespmem:$0x1F580] =	vst v43  }
0x522: {  	v50 =	vsel vm10, $0x25D, v50;
	v34 =	vsel vm12, $0x1B00, v34;
	[tilespmem:$0x1F590] =	vst v44;
	v16 =	vsel vm14, $0x375, v16  }
0x523: {  	v25 =	vsel vm11, $0x284, v25;
	v35 =	vsel vm12, $0x1B80, v35;
	v34 =	vsel vm13, $0x1B80, v34;
	[tilespmem:$0x1FD50] =	vst v16;
	v16 =	vld [tilespmem:$0x1F420]  }
0x524: {  	v35 =	vsel vm13, $0x1000, v35;
	v34 =	vsel vm14, $0x1000, v34;
	[tilespmem:$0x1F5A0] =	vst v45;
	v1 =	vsel vm13, $0x336, v1  }
0x525: {  	v37 =	vsel vm11, $0x1000, v37;
	v35 =	vsel vm14, $0x1080, v35;
	v32 =	vsel vm15, $0x1080, v34;
	[tilespmem:$0x1F430] =	vst v1;
	v1 =	vld [tilespmem:$0x1F070]  }
0x526: {  	v38 =	vsel vm11, $0x1080, v38;
	v37 =	vsel vm12, $0x1080, v37;
	v33 =	vsel vm15, $0x1100, v35;
	[tilespmem:$0x1F4E0] =	vst v32  }
0x527: {  	v54 =	vsel vm6, $0x15D, v54;
	v37 =	vsel vm13, $0x1100, v37;
	v34 =	vsel vm15, $0x1180, v36;
	[tilespmem:$0x1F4F0] =	vst v33  }
0x528: {  	v38 =	vsel vm12, $0x1100, v38;
	v37 =	vsel vm14, $0x1180, v37;
	[tilespmem:$0x1F500] =	vst v34;
	v16 =	vsel vm14, $0x376, v16  }
0x529: {  	v54 =	vsel vm7, $0x19E, v54;
	v38 =	vsel vm13, $0x1180, v38;
	v35 =	vsel vm15, $0x1200, v37;
	[tilespmem:$0x1FD70] =	vst v16;
	v16 =	vld [tilespmem:$0x1F430]  }
0x52a: {  	v54 =	vsel vm8, $0x1DF, v54;
	v38 =	vsel vm14, $0x1200, v38;
	[tilespmem:$0x1F510] =	vst v35;
	v1 =	vsel vm13, $0x337, v1  }
0x52b: {  	v51 =	vsel vm11, $0x29F, v51;
	v54 =	vsel vm9, $0x210, v54;
	v36 =	vsel vm15, $0x1280, v38;
	[tilespmem:$0x1F440] =	vst v1;
	v1 =	vld [tilespmem:$0x1F080]  }
0x52c: {  	v53 =	vsel vm12, $0x2D2, v53;
	v54 =	vsel vm10, $0x251, v54;
	v37 =	vsel vm15, $0x1300, v39;
	[tilespmem:$0x1F520] =	vst v36  }
0x52d: {  	v53 =	vsel vm13, $0x313, v53;
	v54 =	vsel vm11, $0x292, v54;
	v38 =	vsel vm15, $0x1380, v40;
	[tilespmem:$0x1F530] =	vst v37  }
0x52e: {  	v53 =	vsel vm14, $0x354, v53;
	v54 =	vsel vm12, $0x2D3, v54;
	[tilespmem:$0x1F540] =	vst v38;
	v16 =	vsel vm14, $0x377, v16  }
0x52f: {  	v57 =	vsel vm7, $0x191, v57;
	v54 =	vsel vm13, $0x314, v54;
	v42 =	vsel vm15, $0x395, v53;
	[tilespmem:$0x1FD90] =	vst v16;
	v16 =	vld [tilespmem:$0x1F440]  }
0x530: {  	v49 =	vsel vm9, $0x21B, v49;
	v54 =	vsel vm14, $0x355, v54;
	[tilespmem:$0x1F620] =	vst v42;
	v1 =	vsel vm13, $0x338, v1  }
0x531: {  	v22 =	vsel vm11, $0x281, v22;
	v48 =	vsel vm11, $0x29C, v48;
	v44 =	vsel vm15, $0x396, v54;
	[tilespmem:$0x1F450] =	vst v1;
	v1 =	vld [tilespmem:$0x1F090]  }
0x532: {  	v50 =	vsel vm11, $0x29E, v50;
	v25 =	vsel vm12, $0x2C5, v25;
	v45 =	vsel vm15, $0x397, v55;
	[tilespmem:$0x1F630] =	vst v44  }
0x533: {  	v51 =	vsel vm12, $0x2D0, v51;
	v57 =	vsel vm8, $0x1D2, v57;
	v53 =	vsel vm15, $0x2B80, v63;
	[tilespmem:$0x1F640] =	vst v45  }
0x534: {  	v49 =	vsel vm10, $0x25C, v49;
	v22 =	vsel vm12, $0x2C2, v22;
	v0 =	vld [tilespmem:$0x1ECD0];
	[tilespmem:$0x1F6C0] =	vst v53;
	v16 =	vsel vm14, $0x378, v16  }
0x535: {  	v48 =	vsel vm12, $0x2DD, v48;
	v49 =	vsel vm11, $0x29D, v49;
	v32 =	vsel vm15, $0x1A80, v46;
	[tilespmem:$0x1FDB0] =	vst v16;
	v16 =	vld [tilespmem:$0x1F450]  }
0x536: {  	v48 =	vsel vm13, $0x31E, v48;
	v49 =	vsel vm12, $0x2DE, v49;
	[tilespmem:$0x1F5B0] =	vst v32;
	v1 =	vsel vm13, $0x339, v1  }
0x537: {  	v48 =	vsel vm14, $0x35F, v48;
	v49 =	vsel vm13, $0x31F, v49;
	v33 =	vsel vm15, $0x39F, v47;
	[tilespmem:$0x1F460] =	vst v1;
	v1 =	vld [tilespmem:$0x1F0A0]  }
0x538: {  	v50 =	vsel vm12, $0x2DF, v50;
	v49 =	vsel vm14, $0x350, v49;
	v34 =	vsel vm15, $0x390, v48;
	[tilespmem:$0x1F5C0] =	vst v33  }
0x539: {  	v25 =	vsel vm13, $0x306, v25;
	v51 =	vsel vm13, $0x311, v51;
	v35 =	vsel vm15, $0x391, v49;
	[tilespmem:$0x1F5D0] =	vst v34  }
0x53a: {  	v57 =	vsel vm9, $0x213, v57;
	[tilespmem:$0x1F5E0] =	vst v35;
	v0 =	vsel vm12, $0x2FA, v0;
	v16 =	vsel vm14, $0x379, v16  }
0x53b: {  	v22 =	vsel vm13, $0x303, v22;
	v50 =	vsel vm13, $0x310, v50;
	v0 =	vsel vm13, $0x33B, v0;
	[tilespmem:$0x1FDD0] =	vst v16;
	v16 =	vld [tilespmem:$0x1F460]  }
0x53c: {  	v57 =	vsel vm10, $0x254, v57;
	v50 =	vsel vm14, $0x351, v50;
	[tilespmem:$0x1F480] =	vst v0;
	v0 =	vld [tilespmem:$0x1F0B0];
	v1 =	vsel vm13, $0x33A, v1  }
0x53d: {  	v51 =	vsel vm14, $0x352, v51;
	v57 =	vsel vm11, $0x295, v57;
	v36 =	vsel vm15, $0x392, v50;
	[tilespmem:$0x1F470] =	vst v1;
	v1 =	vld [tilespmem:$0x1F0C0]  }
0x53e: {  	v22 =	vsel vm14, $0x344, v22;
	v57 =	vsel vm12, $0x2D6, v57;
	v37 =	vsel vm15, $0x393, v51;
	[tilespmem:$0x1F5F0] =	vst v36  }
0x53f: {  	v25 =	vsel vm14, $0x347, v25;
	v57 =	vsel vm13, $0x317, v57;
	v46 =	vsel vm15, $0x398, v56;
	[tilespmem:$0x1F600] =	vst v37  }
0x540: {  	v57 =	vsel vm14, $0x358, v57;
	v41 =	vsel vm15, $0x384, v21;
	[tilespmem:$0x1F650] =	vst v46;
	v16 =	vsel vm14, $0x37A, v16  }
0x541: {  	v21 =	vmovc v2;
	v2 =	vsel vm15, $0x385, v22;
	v22 =	vmovc v3;
	v3 =	vsel vm15, $0x386, v23;
	v47 =	vsel vm15, $0x399, v57;
	[tilespmem:$0x1FDE0] =	vst v16;
	v16 =	vld [tilespmem:$0x1F470]  }
0x542: {  	v48 =	vsel vm15, $0x39A, v58;
	[tilespmem:$0x1F660] =	vst v47;
	v0 =	vsel vm14, $0xA80, v0;
	v1 =	vsel vm14, $0xB00, v1  }
0x543: {  	v49 =	vsel vm15, $0x39B, v59;
	[tilespmem:$0x1F670] =	vst v48;
	v40 =	vld [tilespmem:$0x1F550];
	v0 =	vsel vm15, $0xB00, v0;
	v1 =	vsel vm15, $0xB80, v1  }
0x544: {  	v50 =	vsel vm15, $0x39C, v60;
	[tilespmem:$0x1F680] =	vst v49;
	v23 =	vmovc v0;
	v0 =	vsel vm15, $0x387, v24;
	v24 =	vmovc v1;
	v1 =	vsel vm15, $0x388, v25  }
0x545: {  	v51 =	vsel vm15, $0x39D, v61;
	[tilespmem:$0x1F690] =	vst v50;
	v25 =	vmovc v0;
	v0 =	vsel vm15, $0x389, v26;
	v26 =	vmovc v1;
	v1 =	vsel vm15, $0x38A, v27  }
0x546: {  	[tilespmem:$0x1F6A0] =	vst v51;
	v54 =	vld [tilespmem:$0x1F6D0];
	v16 =	vsel vm14, $0x37B, v16;
	v27 =	vmovc v0;
	v0 =	vsel vm15, $0x38B, v28;
	v28 =	vmovc v1;
	v1 =	vsel vm15, $0x38C, v29  }
0x547: {  	v52 =	vsel vm13, $0x312, v52;
	[tilespmem:$0x1FDF0] =	vst v16;
	v16 =	vld [tilespmem:$0x1F480];
	v29 =	vmovc v0;
	v0 =	vsel vm15, $0x38D, v30;
	v30 =	vmovc v1;
	v1 =	vsel vm15, $0x1B00, v31  }
0x548: {  	v62 =	vsel vm13, $0x2A00, v62;
	v52 =	vsel vm14, $0x353, v52;
	v56 =	vld [tilespmem:$0x1F6F0];
	v31 =	vmovc v0;
	v0 =	vsel vm15, $0x1800, v40;
	[tilespmem:$0x1F4B0] =	vst v1  }
0x549: {  	v13 =	vsel vm11, $0x380, v13;
	v62 =	vsel vm14, $0x2A80, v62;
	v58 =	vld [tilespmem:$0x1F710];
	v40 =	vsel vm15, $0x394, v52;
	[tilespmem:$0x1F560] =	vst v0  }
0x54a: {  	v9 =	vsel vm12, $0x200, v9;
	v5 =	vsel vm13, $0x80, v5;
	v59 =	vld [tilespmem:$0x1F730];
	v52 =	vsel vm15, $0x2B00, v62;
	[tilespmem:$0x1F610] =	vst v40  }
0x54b: {  	v18 =	vsel vm7, $0x189, v18;
	v19 =	vsel vm7, $0x18A, v19;
	v60 =	vld [tilespmem:$0x1F750];
	[tilespmem:$0x1F6B0] =	vst v52;
	v0 =	vsel vm15, $0x2000, v54  }
0x54c: {  	v14 =	vsel vm8, $0x280, v14;
	v15 =	vsel vm8, $0x300, v15;
	v61 =	vld [tilespmem:$0x1F770];
	v16 =	vsel vm14, $0x37C, v16;
	[tilespmem:$0x1F6E0] =	vst v0  }
0x54d: {  	v10 =	vsel vm9, $0x100, v10;
	v11 =	vsel vm9, $0x180, v11;
	v62 =	vld [tilespmem:$0x1F790];
	v0 =	vsel vm15, $0x2080, v56;
	[tilespmem:$0x1FE00] =	vst v16  }
0x54e: {  	v6 =	vsel vm10, $0xB80, v6;
	v7 =	vsel vm10, $0x0, v7;
	v63 =	vld [tilespmem:$0x1F7B0];
	[tilespmem:$0x1F700] =	vst v0;
	v0 =	vsel vm15, $0x2100, v58  }
0x54f: {  	v12 =	vsel vm10, $0x280, v12;
	v8 =	vsel vm11, $0x100, v8;
	v32 =	vld [tilespmem:$0x1F7D0];
	[tilespmem:$0x1F720] =	vst v0;
	v0 =	vsel vm15, $0x2180, v59  }
0x550: {  	v17 =	vsel vm11, $0x28C, v17;
	v13 =	vsel vm12, $0x800, v13;
	v33 =	vld [tilespmem:$0x1F7F0];
	[tilespmem:$0x1F740] =	vst v0;
	v0 =	vsel vm15, $0x2200, v60  }
0x551: {  	v9 =	vsel vm13, $0x280, v9;
	v5 =	vsel vm14, $0x100, v5;
	v34 =	vld [tilespmem:$0x1F810];
	[tilespmem:$0x1F760] =	vst v0;
	v0 =	vsel vm15, $0x2280, v61  }
0x552: {  	v18 =	vsel vm8, $0x1CA, v18;
	v19 =	vsel vm8, $0x1CB, v19;
	v35 =	vld [tilespmem:$0x1F830];
	[tilespmem:$0x1F780] =	vst v0;
	v0 =	vsel vm15, $0x2300, v62  }
0x553: {  	v14 =	vsel vm9, $0x300, v14;
	v15 =	vsel vm9, $0x380, v15;
	v36 =	vld [tilespmem:$0x1F850];
	[tilespmem:$0x1F7A0] =	vst v0;
	v0 =	vsel vm15, $0x2380, v63  }
0x554: {  	v10 =	vsel vm10, $0x180, v10;
	v11 =	vsel vm10, $0x200, v11;
	v37 =	vld [tilespmem:$0x1F870];
	[tilespmem:$0x1F7C0] =	vst v0;
	v0 =	vsel vm15, $0x2800, v32  }
0x555: {  	v6 =	vsel vm11, $0x0, v6;
	v7 =	vsel vm11, $0x80, v7;
	v40 =	vld [tilespmem:$0x1F890];
	[tilespmem:$0x1F7E0] =	vst v0;
	v0 =	vsel vm15, $0x2880, v33  }
0x556: {  	v12 =	vsel vm11, $0x300, v12;
	v17 =	vsel vm12, $0x2CD, v17;
	v42 =	vld [tilespmem:$0x1F8B0];
	[tilespmem:$0x1F800] =	vst v0;
	v0 =	vsel vm15, $0x2900, v34  }
0x557: {  	v13 =	vsel vm13, $0x880, v13;
	v9 =	vsel vm14, $0x300, v9;
	v44 =	vld [tilespmem:$0x1F8D0];
	[tilespmem:$0x1F820] =	vst v0;
	v0 =	vsel vm15, $0x2980, v35  }
0x558: {  	v18 =	vsel vm9, $0x20B, v18;
	v19 =	vsel vm9, $0x20C, v19;
	v45 =	vld [tilespmem:$0x1F8F0];
	[tilespmem:$0x1F840] =	vst v0;
	v0 =	vsel vm15, $0x2A00, v36  }
0x559: {  	v14 =	vsel vm10, $0x380, v14;
	v15 =	vsel vm10, $0x800, v15;
	v46 =	vld [tilespmem:$0x1F910];
	[tilespmem:$0x1F860] =	vst v0;
	v0 =	vsel vm15, $0x2A80, v37  }
0x55a: {  	v10 =	vsel vm11, $0x200, v10;
	v11 =	vsel vm11, $0x280, v11;
	v47 =	vld [tilespmem:$0x1F930];
	[tilespmem:$0x1F880] =	vst v0;
	v0 =	vsel vm15, $0x3AF, v40  }
0x55b: {  	v6 =	vsel vm12, $0x80, v6;
	v12 =	vsel vm12, $0x380, v12;
	v48 =	vld [tilespmem:$0x1F950];
	[tilespmem:$0x1F8A0] =	vst v0;
	v0 =	vsel vm15, $0x3A0, v42  }
0x55c: {  	v17 =	vsel vm13, $0x30E, v17;
	v13 =	vsel vm14, $0x900, v13;
	v49 =	vld [tilespmem:$0x1F970];
	[tilespmem:$0x1F8C0] =	vst v0;
	v0 =	vsel vm15, $0x3A1, v44  }
0x55d: {  	v9 =	vsel vm15, $0x380, v9;
	v18 =	vsel vm10, $0x24C, v18;
	v50 =	vld [tilespmem:$0x1F990];
	[tilespmem:$0x1F8E0] =	vst v0;
	v0 =	vsel vm15, $0x3A2, v45  }
0x55e: {  	v19 =	vsel vm10, $0x24D, v19;
	v14 =	vsel vm11, $0x800, v14;
	v51 =	vld [tilespmem:$0x1F9B0];
	[tilespmem:$0x1F900] =	vst v0;
	v0 =	vsel vm15, $0x3A3, v46  }
0x55f: {  	v15 =	vsel vm11, $0x880, v15;
	v10 =	vsel vm12, $0x280, v10;
	v52 =	vld [tilespmem:$0x1F9D0];
	[tilespmem:$0x1F920] =	vst v0;
	v0 =	vsel vm15, $0x3A4, v47  }
0x560: {  	v11 =	vsel vm12, $0x300, v11;
	v12 =	vsel vm13, $0x800, v12;
	v53 =	vld [tilespmem:$0x1F9F0];
	[tilespmem:$0x1F940] =	vst v0;
	v0 =	vsel vm15, $0x3A5, v48  }
0x561: {  	v17 =	vsel vm14, $0x34F, v17;
	v18 =	vsel vm11, $0x28D, v18;
	v54 =	vld [tilespmem:$0x1FA10];
	[tilespmem:$0x1F960] =	vst v0;
	v0 =	vsel vm15, $0x3A6, v49  }
0x562: {  	v19 =	vsel vm11, $0x28E, v19;
	v14 =	vsel vm12, $0x880, v14;
	v56 =	vld [tilespmem:$0x1FA30];
	[tilespmem:$0x1F980] =	vst v0;
	v0 =	vsel vm15, $0x3A7, v50  }
0x563: {  	v15 =	vsel vm12, $0x900, v15;
	v10 =	vsel vm13, $0x300, v10;
	v58 =	vld [tilespmem:$0x1FA50];
	[tilespmem:$0x1F9A0] =	vst v0;
	v0 =	vsel vm15, $0x3A8, v51  }
0x564: {  	v11 =	vsel vm13, $0x380, v11;
	v12 =	vsel vm14, $0x880, v12;
	v59 =	vld [tilespmem:$0x1FA70];
	[tilespmem:$0x1F9C0] =	vst v0;
	v0 =	vsel vm15, $0x3A9, v52  }
0x565: {  	v18 =	vsel vm12, $0x2CE, v18;
	v19 =	vsel vm12, $0x2CF, v19;
	v60 =	vld [tilespmem:$0x1FA90];
	[tilespmem:$0x1F9E0] =	vst v0;
	v0 =	vsel vm15, $0x3AA, v53  }
0x566: {  	v14 =	vsel vm13, $0x900, v14;
	v15 =	vsel vm13, $0x980, v15;
	v61 =	vld [tilespmem:$0x1FAB0];
	[tilespmem:$0x1FA00] =	vst v0;
	v0 =	vsel vm15, $0x3AB, v54  }
0x567: {  	v10 =	vsel vm14, $0x380, v10;
	v11 =	vsel vm14, $0x800, v11;
	v62 =	vld [tilespmem:$0x1FAD0];
	[tilespmem:$0x1FA20] =	vst v0;
	v0 =	vsel vm15, $0x3AC, v56  }
0x568: {  	v14 =	vsel vm14, $0x980, v14;
	v4 =	vsel vm6, $0x880, v4;
	v63 =	vld [tilespmem:$0x1FAF0];
	[tilespmem:$0x1FA40] =	vst v0;
	v0 =	vsel vm15, $0x3AD, v58  }
0x569: {  	v15 =	vsel vm14, $0xA00, v15;
	v4 =	vsel vm7, $0x900, v4;
	v32 =	vld [tilespmem:$0x1FB10];
	[tilespmem:$0x1FA60] =	vst v0;
	v0 =	vsel vm15, $0x3B00, v59  }
0x56a: {  	v10 =	vsel vm15, $0x800, v10;
	v4 =	vsel vm8, $0x980, v4;
	v33 =	vld [tilespmem:$0x1FB30];
	[tilespmem:$0x1FA80] =	vst v0;
	v0 =	vsel vm15, $0x3B80, v60  }
0x56b: {  	v4 =	vsel vm9, $0xA00, v4;
	v16 =	vsel vm15, $0x180, v5;
	v34 =	vld [tilespmem:$0x1FB50];
	[tilespmem:$0x1FAA0] =	vst v0;
	v0 =	vsel vm15, $0x3000, v61  }
0x56c: {  	v5 =	vsel vm15, $0x880, v11;
	v11 =	vmovc v10;
	v10 =	vsel vm15, $0x900, v12;
	v35 =	vld [tilespmem:$0x1FB70];
	[tilespmem:$0x1FAC0] =	vst v0;
	v0 =	vsel vm15, $0x3080, v62  }
0x56d: {  	v12 =	vsel vm15, $0x980, v13;
	v13 =	vsel vm15, $0xA00, v14;
	v36 =	vld [tilespmem:$0x1FB90];
	[tilespmem:$0x1FAE0] =	vst v0;
	v0 =	vsel vm15, $0x3100, v63  }
0x56e: {  	v14 =	vmovc v12;
	v12 =	vsel vm15, $0xA80, v15;
	v15 =	vmovc v9;
	v9 =	vmov v13;
	v13 =	vld [tilespmem:$0x1F490];
	[tilespmem:$0x1FB00] =	vst v0;
	v0 =	vsel vm15, $0x3180, v32  }
0x56f: {  	s3 =	srdreg.scid;
	v18 =	vsel vm13, $0x30F, v18;
	v4 =	vsel vm10, $0xA80, v4;
	[tilespmem:$0x1FB20] =	vst v0;
	v0 =	vsel vm15, $0x3200, v33  }
0x570: {  	s2 =	stileid.u32;
	v19 =	vsel vm13, $0x300, v19;
	v4 =	vsel vm11, $0xB00, v4;
	s0 =	rddreg [dreg:$0x0];
	[tilespmem:$0x1FB40] =	vst v0;
	v0 =	vsel vm15, $0x3280, v34  }
0x571: {  	s6 =	sand.u32 $0x1, s3;
	s5 =	sshll.u32 s2, $0x1;
	v19 =	vsel vm14, $0x341, v19;
	v4 =	vsel vm12, $0xB80, v4;
	s1 =	rddreg [dreg:$0x1];
	[tilespmem:$0x1FB60] =	vst v0;
	v0 =	vsel vm15, $0x3300, v35  }
0x572: {  	s9 =	sor.u32 s6, s5;
	s5 =	simm.s32 $0x0;
	v18 =	vsel vm14, $0x340, v18;
	v4 =	vsel vm13, $0x0, v4;
	s4 =	rddreg [dreg:$0x2];
	[tilespmem:$0x1FB80] =	vst v0;
	v0 =	vsel vm15, $0x3380, v36  }
0x573: {  	v4 =	vsel vm14, $0x80, v4;
	v20 =	vsel vm15, $0x380, v17;
	[smem:$0x7FF] =	sst s5;
	v13 =	vsel vm15, $0x38F, v13;
	[tilespmem:$0x1FBA0] =	vst v0  }
0x574: {  	s3 =	rddreg [dreg:$0x3];
	v17 =	vmovc v10;
	v10 =	vsel vm15, $0x381, v18;
	v18 =	vsel vm15, $0x382, v19;
	v19 =	vmov v13;
	v13 =	vld [tilespmem:$0x1F4A0];
	_ =	strace $0x80000047;
	[tilespmem:$0x1FE10] =	vst v21  }
0x575: {  	v7 =	vsel vm12, $0x100, v7;
	v6 =	vsel vm13, $0x100, v6;
	v4 =	vsel vm15, $0x100, v4;
	[tilespmem:$0x1FE20] =	vst v22  }
0x576: {  	v8 =	vsel vm12, $0x180, v8;
	v7 =	vsel vm13, $0x180, v7;
	v6 =	vsel vm14, $0x180, v6;
	[tilespmem:$0x1FE30] =	vst v4  }
0x577: {  	v8 =	vsel vm13, $0x200, v8;
	v7 =	vsel vm14, $0x200, v7;
	v6 =	vsel vm15, $0x200, v6;
	[tilespmem:$0x1FE40] =	vst v16  }
0x578: {  	v8 =	vsel vm14, $0x280, v8;
	v7 =	vsel vm15, $0x280, v7;
	[tilespmem:$0x1FE50] =	vst v6  }
0x579: {  	v8 =	vsel vm15, $0x300, v8;
	[tilespmem:$0x1FE60] =	vst v7  }
0x57a: {  	[tilespmem:$0x1FE70] =	vst v8  }
0x57b: {  	[tilespmem:$0x1FE80] =	vst v15  }
0x57c: {  	[tilespmem:$0x1FE90] =	vst v11  }
0x57d: {  	[tilespmem:$0x1FEA0] =	vst v5  }
0x57e: {  	[tilespmem:$0x1FEB0] =	vst v17  }
0x57f: {  	[tilespmem:$0x1FEC0] =	vst v14  }
0x580: {  	[tilespmem:$0x1FED0] =	vst v9  }
0x581: {  	[tilespmem:$0x1FEE0] =	vst v12  }
0x582: {  	[tilespmem:$0x1FEF0] =	vst v19  }
0x583: {  	[tilespmem:$0x1FF00] =	vst v20  }
0x584: {  	[tilespmem:$0x1FF10] =	vst v10  }
0x585: {  	v13 =	vsel vm15, $0x383, v13;
	[tilespmem:$0x1FF20] =	vst v18  }
0x586: {  	[tilespmem:$0x1FF30] =	vst v13  }
0x587: {  	[tilespmem:$0x1FF40] =	vst v41  }
0x588: {  	[tilespmem:$0x1FF50] =	vst v2  }
0x589: {  	[tilespmem:$0x1FF60] =	vst v3  }
0x58a: {  	[tilespmem:$0x1FF70] =	vst v23;
	v37 =	vld [tilespmem:$0x1FBB0]  }
0x58b: {  	[tilespmem:$0x1FF80] =	vst v24;
	v40 =	vld [tilespmem:$0x1FBD0]  }
0x58c: {  	[tilespmem:$0x1FF90] =	vst v26;
	v42 =	vld [tilespmem:$0x1FBF0]  }
0x58d: {  	[tilespmem:$0x1FFA0] =	vst v30;
	v44 =	vld [tilespmem:$0x1FC10]  }
0x58e: {  	[tilespmem:$0x1FFB0] =	vst v29;
	v45 =	vld [tilespmem:$0x1FC30]  }
0x58f: {  	[tilespmem:$0x1FFC0] =	vst v31;
	v46 =	vld [tilespmem:$0x1FC50]  }
0x590: {  	[tilespmem:$0x1FFD0] =	vst v28;
	v47 =	vld [tilespmem:$0x1FC70]  }
0x591: {  	[tilespmem:$0x1FFE0] =	vst v25;
	v48 =	vld [tilespmem:$0x1FC90]  }
0x592: {  	[tilespmem:$0x1FFF0] =	vst v27;
	v49 =	vld [tilespmem:$0x1FCB0];
	v0 =	vsel vm15, $0x3800, v37  }
0x593: {  	v50 =	vld [tilespmem:$0x1FCD0];
	[tilespmem:$0x1FBC0] =	vst v0;
	v0 =	vsel vm15, $0x3880, v40  }
0x594: {  	v51 =	vld [tilespmem:$0x1FCF0];
	[tilespmem:$0x1FBE0] =	vst v0;
	v0 =	vsel vm15, $0x3900, v42  }
0x595: {  	v52 =	vld [tilespmem:$0x1FD10];
	[tilespmem:$0x1FC00] =	vst v0;
	v0 =	vsel vm15, $0x3980, v44  }
0x596: {  	v53 =	vld [tilespmem:$0x1FD30];
	[tilespmem:$0x1FC20] =	vst v0;
	v0 =	vsel vm15, $0x3A00, v45  }
0x597: {  	v54 =	vld [tilespmem:$0x1FD50];
	[tilespmem:$0x1FC40] =	vst v0;
	v0 =	vsel vm15, $0x3A80, v46  }
0x598: {  	v56 =	vld [tilespmem:$0x1FD70];
	[tilespmem:$0x1FC60] =	vst v0;
	v0 =	vsel vm15, $0x3BF, v47  }
0x599: {  	v58 =	vld [tilespmem:$0x1FD90];
	[tilespmem:$0x1FC80] =	vst v0;
	v0 =	vsel vm15, $0x3B0, v48  }
0x59a: {  	s13 =	simm.s32 $0x800;
	v59 =	vld [tilespmem:$0x1FDB0];
	[tilespmem:$0x1FCA0] =	vst v0;
	v0 =	vsel vm15, $0x3B1, v49  }
0x59b: {  	s14 =	simm.s32 $0x7A1400;
	s15 =	simm.s32 $0x4000;
	s16 =	simm.s32 $0x1;
	v60 =	vld [tilespmem:$0x1FDD0];
	[tilespmem:$0x1FCC0] =	vst v0;
	v0 =	vsel vm15, $0x3B2, v50  }
0x59c: {  	s17 =	simm.s32 $0x8000;
	s7 =	ssub.s32 $0x2, s6;
	s6 =	smul.u32 $0x7B, s9;
	v61 =	vld [tilespmem:$0x1FDE0];
	[tilespmem:$0x1FCE0] =	vst v0;
	v0 =	vsel vm15, $0x3B3, v51  }
0x59d: {  	s18 =	simm.s32 $0x2;
	s19 =	simm.s32 $0xC000;
	s10 =	smul.u32 $0x3D800, s9;
	v62 =	vld [tilespmem:$0x1FDF0];
	[tilespmem:$0x1FD00] =	vst v0;
	v0 =	vsel vm15, $0x3B4, v52  }
0x59e: {  	s20 =	simm.s32 $0x4;
	s21 =	simm.s32 $0x3;
	s12 =	smul.u32 $0x7B00, s9;
	v63 =	vld [tilespmem:$0x1FE00];
	[tilespmem:$0x1FD20] =	vst v0;
	v0 =	vsel vm15, $0x3B5, v53  }
.Ltmp0:
0x59f: {  	s22 =	simm.s32 $0x0;
	s8 =	sshrl.u32 s7, $0x1;
	[tilespmem:$0x1FD40] =	vst v0;
	v0 =	vsel vm15, $0x3B6, v54;
	(pc) =	sbr.rel .LBB2_1-.Ltmp0, $4  }
0x5a0: {  	p0 =	sne.s32 s9, $0x1F;
	s11 =	ssub.s32 s7, s8;
	s31 =	ssub.s32 $0xF42, s6;
	v53 =	vlaneseq.u32;
	[tilespmem:$0x1FD60] =	vst v0;
	v0 =	vsel vm15, $0x3B7, v56  }
0x5a1: {  	s10 =	sshrl.u32 s10, $0x3;
	s11 =	smax.u32 s11, $0x1;
	s7 =	smin.u32 s31, $0x7B;
	v43 =	vmov v3;
	v56 =	vmul.u32 $0x41, v53;
	[tilespmem:$0x1FD80] =	vst v0;
	v0 =	vsel vm15, $0x3B8, v58  }
0x5a2: {  	s10 =	sadd.s32 s0, s10;
	s9 =	sadd.s32 s0, s12;
	s12 =	sshll.u32 @!p0 s2, $0x6;
	v38 =	vmovc v2;
	v39 =	vmovc v18;
	v58 =	vsel vm15, $0x3BA, v60;
	v60 =	vsel vm15, $0x3BC, v62;
	[tilespmem:$0x1FDA0] =	vst v0;
	v0 =	vsel vm15, $0x3B9, v59  }
0x5a3: {  	s8 =	sadd.s32 $0x7A1000, s4;
	s10 =	sadd.s32 $0x100, s10;
	s12 =	sor.u32 @!p0 $0x1C05, s12;
	v55 =	vmovc v10;
	v57 =	vmovc v13;
	v59 =	vsel vm15, $0x3BB, v61;
	v61 =	vsel vm15, $0x3BD, v63;
	v62 =	vadd.s32 $0x10, v56;
	[tilespmem:$0x1FDC0] =	vst v0  }
.LBB2_23:
0x5a4: {  	s22 =	sadd.s32 $0x1, s22  }
0x5a5: {  	_ =	swait.ge [sflag:s20], $0x4000;
	p1 =	sne.s32 s22, s11  }
.Ltmp1:
0x5a6: {  	[sflag:s20] =	ssyncset.done $0x0;
	(pc) =	sbr.rel @!p1 .LBB2_24-.Ltmp1, $4  }
0x5a7: {  	[sflag:s20] =	ssyncadd.s32 $0xFFFFC000  }
0x5a8: {  	_ =	swait.ge [sflag:s21], $0x4000  }
0x5a9: {  	[sflag:s21] =	ssyncset.done $0x0  }
0x5aa: {  	[sflag:s21] =	ssyncadd.s32 $0xFFFFC000  }
.LBB2_1:
0x5ab: {  	[hbm:s8], [sflag:s12] =	dma.local @!p0 [hbm:s1], $0x200  }
0x5ac: {  	s23 =	simm.s32 @!p0 $0x5  }
0x5ad: {  	_ =	swait.ge @!p0 [sflag:s23], $0x200  }
.Ltmp2:
0x5ae: {  	[sflag:s23] =	ssyncset.done @!p0 $0x0;
	(pc) =	sbr.rel .LBB2_2-.Ltmp2, $4  }
0x5af: {  	[sflag:s23] =	ssyncadd.s32 @!p0 $0xFFFFFE00  }
0x5b0: {  	[tilespmem:s5], [sflag:$0x1] =	stream.strided.gather [hbm4b:s9+s13], $0x4000, s14, s13, $0x38;
	[tilespmem:$0x10000] =	vst v63  }
0x5b1: {  	s23 =	simm.s32 $0x0  }
0x5b2: {  	[tilespmem:s15], [sflag:$0x2] =	stream.strided.gather [hbm4b:s10+s13], $0x4000, s14, s13, $0x38;
	[tilespmem:$0x10000] =	vst v63  }
.LBB2_22:
0x5b3: {  	s23 =	sadd.s32 $0x1, s23  }
0x5b4: {  	p1 =	sne.s32 s23, $0x3E  }
.Ltmp3:
0x5b5: {  	_ = 	snop;
	(pc) =	sbr.rel @!p1 .LBB2_23-.Ltmp3, $1  }
0x5b6: {  	_ =	sdelay $0x3  }
.LBB2_2:
0x5b7: {  	s24 =	sshll.u32 s23, $0x1  }
0x5b8: {  	p2 =	sge.u32 s24, s7  }
.Ltmp4:
0x5b9: {  	_ = 	snop;
	(pc) =	sbr.rel @p2 .LBB2_12-.Ltmp4, $2  }
0x5ba: {  	_ =	sdelay $0x2  }
0x5bb: {  	p1 =	seq.s32 s23, $0x0  }
0x5bc: {  	s26 =	simm.s32 $0x0  }
0x5bd: {  	v0 =	vmov s26  }
0x5be: {  	v1 =	vor.u32 s26, v53;
	v0 =	vshll.u32 v0, $0x3  }
0x5bf: {  	v1 =	vand.u32 $0x7F, v1;
	v0 =	vand.u32 $0x400, v0  }
0x5c0: {  	_ =	swait.ge [sflag:s16], $0x4000;
	v2 =	vor.u32 v0, v1  }
0x5c1: {  	[sflag:s16] =	ssyncset.done $0x0;
	v0 =	vor.u32 v24, v2  }
0x5c2: {  	s25 =	simm.s32 @!p1 $0x3;
	[sflag:s16] =	ssyncadd.s32 $0xFFFFC000;
	v1 =	vor.u32 v6, v2  }
0x5c3: {  	_ =	swait.ge @!p1 [sflag:s25], $0x4000;
	v3 =	vor.u32 v4, v2  }
0x5c4: {  	v45 =	vmov v25;
	v25 =	vmov v4;
	[sflag:s25] =	ssyncset.done @!p1 $0x0;
	v4 =	vor.u32 v5, v2  }
0x5c5: {  	v47 =	vmov v27;
	v27 =	vmov v6;
	[sflag:s25] =	ssyncadd.s32 @!p1 $0xFFFFC000;
	v6 =	vor.u32 v12, v2  }
0x5c6: {  	v48 =	vmov v28;
	v28 =	vmov v7;
	v7 =	vor.u32 v7, v2;
	v13 =	vld.idx.msk [tilespmem:v0+s26+$0x0], $0xffff  }
0x5c7: {  	v32 =	vmov v5;
	v0 =	vor.u32 v8, v2;
	v5 =	vld.idx.msk [tilespmem:v1+s26+$0x0], $0xffff  }
0x5c8: {  	v35 =	vmov v9;
	v10 =	vor.u32 v9, v2;
	v9 =	vld.idx.msk [tilespmem:v3+s26+$0x0], $0xffff  }
0x5c9: {  	v3 =	vor.u32 v11, v2;
	v1 =	vld.idx.msk [tilespmem:v4+s26+$0x0], $0xffff  }
0x5ca: {  	v51 =	vmov v31;
	v31 =	vmov v11;
	v11 =	vor.u32 v22, v2;
	v63 =	vld.idx.msk [tilespmem:v6+s26+$0x0], $0xffff  }
0x5cb: {  	v36 =	vmovc v12;
	v49 =	vmov v29;
	v29 =	vmov v8;
	v12 =	vor.u32 v23, v2;
	v8 =	vld.idx.msk [tilespmem:v7+s26+$0x0], $0xffff  }
0x5cc: {  	v7 =	vor.u32 v21, v2;
	v6 =	vld.idx.msk [tilespmem:v0+s26+$0x0], $0xffff  }
0x5cd: {  	v34 =	vmov v14;
	v14 =	vor.u32 v14, v2;
	v0 =	vld.idx.msk [tilespmem:v10+s26+$0x0], $0xffff  }
0x5ce: {  	v10 =	vor.u32 v15, v2;
	v4 =	vld.idx.msk [tilespmem:v3+s26+$0x0], $0xffff  }
0x5cf: {  	v50 =	vmov v30;
	v30 =	vmov v15;
	v15 =	vor.u32 v17, v2;
	v11 =	vld.idx.msk [tilespmem:v11+s26+$0x0], $0xffff  }
0x5d0: {  	v46 =	vmovc v26;
	v26 =	vmovc v16;
	v33 =	vmov v17;
	v2 =	vor.u32 v16, v2;
	v16 =	vld.idx.msk [tilespmem:v12+s26+$0x0], $0xffff;
	v17 =	vor.u32 s26, v56  }
0x5d1: {  	v18 =	vld.idx.msk [tilespmem:v7+s26+$0x0], $0xffff  }
0x5d2: {  	v3 =	vld.idx.msk [tilespmem:v14+s26+$0x0], $0xffff  }
0x5d3: {  	v14 =	vor.u32 s26, v19;
	v10 =	vld.idx.msk [tilespmem:v10+s26+$0x0], $0xffff  }
0x5d4: {  	v37 =	vmov v19;
	v19 =	vor.u32 s26, v20;
	v7 =	vld.idx.msk [tilespmem:v15+s26+$0x0], $0xffff  }
0x5d5: {  	v12 =	vld.idx.msk [tilespmem:v2+s26+$0x0], $0xffff;
	[tilespmem:v17+s17+$0x0] =	vst.idx.msk $0xffff, v16;
	v17 =	vor.u32 s26, v55  }
0x5d6: {  	v15 =	vor.u32 s26, v39  }
0x5d7: {  	v16 =	vor.u32 s26, v57  }
0x5d8: {  	v44 =	vmov v38;
	v42 =	vmov v41;
	[tilespmem:v14+s17+$0x0] =	vst.idx.msk $0xffff, v13;
	v14 =	vor.u32 s26, v41  }
0x5d9: {  	s28 =	simm.s32 $0x10;
	s29 =	simm.s32 $0x400;
	v40 =	vmovc v55;
	s25 =	simm.s32 $0x0;
	v2 =	vor.u32 s26, v43;
	v13 =	vor.u32 s26, v38;
	v41 =	vmovc v57;
	v38 =	vmov v20;
	[tilespmem:v19+s17+$0x0] =	vst.idx.msk $0xffff, v18  }
.LBB2_4:
0x5da: {  	v18 =	vor.u32 s29, v43;
	p2 =	sne.s32 s28, $0xF0;
	[tilespmem:v17+s17+$0x0] =	vst.idx.msk $0xffff, v11;
	s30 =	smov.u32 s28;
	s28 =	sadd.s32 $0x10, s28  }
0x5db: {  	[tilespmem:v15+s17+$0x0] =	vst.idx.msk $0xffff, v9;
	v9 =	vor.u32 s25, v45  }
0x5dc: {  	v11 =	vmov s30;
	[tilespmem:v16+s17+$0x0] =	vst.idx.msk $0xffff, v12;
	v12 =	vor.u32 s25, v46  }
0x5dd: {  	v15 =	vor.u32 s30, v53;
	v11 =	vshll.u32 v11, $0x3;
	[tilespmem:v14+s17+$0x0] =	vst.idx.msk $0xffff, v5;
	v5 =	vor.u32 s25, v47  }
0x5de: {  	v14 =	vand.u32 $0x7F, v15;
	v11 =	vand.u32 $0x400, v11;
	[tilespmem:v13+s17+$0x0] =	vst.idx.msk $0xffff, v8;
	v8 =	vor.u32 s25, v48  }
0x5df: {  	v11 =	vor.u32 v11, v14;
	[tilespmem:v2+s17+$0x0] =	vst.idx.msk $0xffff, v6;
	v6 =	vor.u32 s25, v49;
	v2 =	vmov v18  }
0x5e0: {  	v13 =	vor.u32 v23, v11;
	v14 =	vor.u32 v24, v11;
	[tilespmem:v9+s17+$0x0] =	vst.idx.msk $0xffff, v10;
	v9 =	vor.u32 s25, v50  }
0x5e1: {  	v15 =	vor.u32 v25, v11;
	v10 =	vor.u32 v22, v11;
	[tilespmem:v12+s17+$0x0] =	vst.idx.msk $0xffff, v4;
	v4 =	vor.u32 s25, v51;
	s25 =	smov.u32 s29  }
0x5e2: {  	v16 =	vor.u32 v28, v11;
	v12 =	vor.u32 v27, v11;
	[tilespmem:v5+s17+$0x0] =	vst.idx.msk $0xffff, v1  }
0x5e3: {  	v17 =	vor.u32 v30, v11;
	v18 =	vor.u32 v31, v11;
	[tilespmem:v8+s17+$0x0] =	vst.idx.msk $0xffff, v7  }
0x5e4: {  	v19 =	vor.u32 v34, v11;
	v7 =	vor.u32 v33, v11;
	[tilespmem:v6+s17+$0x0] =	vst.idx.msk $0xffff, v3  }
0x5e5: {  	v1 =	vor.u32 v32, v11;
	v3 =	vor.u32 v35, v11;
	[tilespmem:v9+s17+$0x0] =	vst.idx.msk $0xffff, v0  }
0x5e6: {  	v6 =	vor.u32 v36, v11;
	v0 =	vor.u32 v29, v11;
	[tilespmem:v4+s17+$0x0] =	vst.idx.msk $0xffff, v63  }
0x5e7: {  	v20 =	vor.u32 v21, v11;
	v14 =	vld.idx.msk [tilespmem:v14+s26+$0x0], $0xffff  }
0x5e8: {  	v5 =	vld.idx.msk [tilespmem:v12+s26+$0x0], $0xffff  }
0x5e9: {  	v9 =	vld.idx.msk [tilespmem:v15+s26+$0x0], $0xffff  }
0x5ea: {  	v1 =	vld.idx.msk [tilespmem:v1+s26+$0x0], $0xffff  }
0x5eb: {  	v63 =	vld.idx.msk [tilespmem:v6+s26+$0x0], $0xffff  }
0x5ec: {  	v8 =	vld.idx.msk [tilespmem:v16+s26+$0x0], $0xffff  }
0x5ed: {  	v12 =	vor.u32 v26, v11;
	v6 =	vld.idx.msk [tilespmem:v0+s26+$0x0], $0xffff  }
0x5ee: {  	v0 =	vld.idx.msk [tilespmem:v3+s26+$0x0], $0xffff  }
0x5ef: {  	v4 =	vld.idx.msk [tilespmem:v18+s26+$0x0], $0xffff  }
0x5f0: {  	v11 =	vld.idx.msk [tilespmem:v10+s26+$0x0], $0xffff  }
0x5f1: {  	v13 =	vld.idx.msk [tilespmem:v13+s26+$0x0], $0xffff  }
0x5f2: {  	v16 =	vor.u32 s29, v56;
	v18 =	vld.idx.msk [tilespmem:v20+s26+$0x0], $0xffff  }
0x5f3: {  	v3 =	vld.idx.msk [tilespmem:v19+s26+$0x0], $0xffff;
	v19 =	vor.u32 s29, v37  }
0x5f4: {  	v20 =	vor.u32 s29, v38;
	v10 =	vld.idx.msk [tilespmem:v17+s26+$0x0], $0xffff  }
.Ltmp5:
0x5f5: {  	v17 =	vor.u32 s29, v40;
	v7 =	vld.idx.msk [tilespmem:v7+s26+$0x0], $0xffff;
	(pc) =	sbr.rel @p2 .LBB2_4-.Ltmp5, $4  }
0x5f6: {  	v15 =	vor.u32 s29, v39;
	v12 =	vld.idx.msk [tilespmem:v12+s26+$0x0], $0xffff  }
0x5f7: {  	[tilespmem:v16+s17+$0x0] =	vst.idx.msk $0xffff, v13;
	v16 =	vor.u32 s29, v41  }
0x5f8: {  	[tilespmem:v19+s17+$0x0] =	vst.idx.msk $0xffff, v14;
	v14 =	vor.u32 s29, v42  }
0x5f9: {  	v13 =	vor.u32 s25, v44;
	s29 =	sadd.s32 $0x400, s29;
	[tilespmem:v20+s17+$0x0] =	vst.idx.msk $0xffff, v18  }
0x5fa: {  	v39 =	vld [tilespmem:$0x1F520]  }
0x5fb: {  	v38 =	vld [tilespmem:$0x1F510]  }
0x5fc: {  	v42 =	vld [tilespmem:$0x1F560]  }
0x5fd: {  	v41 =	vld [tilespmem:$0x1F540]  }
0x5fe: {  	v43 =	vld [tilespmem:$0x1F570]  }
0x5ff: {  	v37 =	vld [tilespmem:$0x1F500]  }
0x600: {  	v35 =	vld [tilespmem:$0x1F4E0]  }
0x601: {  	v33 =	vld [tilespmem:$0x1F4C0]  }
0x602: {  	v34 =	vld [tilespmem:$0x1F4D0]  }
0x603: {  	v32 =	vld [tilespmem:$0x1F4B0]  }
0x604: {  	v44 =	vld [tilespmem:$0x1F580]  }
0x605: {  	v36 =	vld [tilespmem:$0x1F4F0]  }
0x606: {  	[tilespmem:v17+s17+$0x0] =	vst.idx.msk $0xffff, v11;
	v40 =	vld [tilespmem:$0x1F530]  }
0x607: {  	v11 =	vor.u32 s25, v46;
	v46 =	vld [tilespmem:$0x1F5A0];
	[tilespmem:v15+s17+$0x0] =	vst.idx.msk $0xffff, v9;
	v9 =	vor.u32 s25, v45  }
0x608: {  	v25 =	vld [tilespmem:$0x1F620];
	[tilespmem:v16+s17+$0x0] =	vst.idx.msk $0xffff, v12  }
0x609: {  	v26 =	vld [tilespmem:$0x1F600];
	[tilespmem:v14+s17+$0x0] =	vst.idx.msk $0xffff, v5;
	v5 =	vor.u32 s25, v47  }
0x60a: {  	v30 =	vld [tilespmem:$0x1F630];
	v12 =	vmov s26;
	[tilespmem:v13+s17+$0x0] =	vst.idx.msk $0xffff, v8;
	v8 =	vor.u32 s25, v48  }
0x60b: {  	v29 =	vld [tilespmem:$0x1F640];
	v12 =	vshll.u32 v12, $0x3;
	[tilespmem:v2+s17+$0x0] =	vst.idx.msk $0xffff, v6;
	v2 =	vor.u32 s25, v49;
	v6 =	vor.u32 s26, v53  }
0x60c: {  	v31 =	vld [tilespmem:$0x1F650];
	[tilespmem:v9+s17+$0x0] =	vst.idx.msk $0xffff, v10;
	v9 =	vor.u32 s25, v50;
	v6 =	vand.u32 $0x7F, v6;
	v10 =	vand.u32 $0x400, v12  }
0x60d: {  	v45 =	vld [tilespmem:$0x1F590];
	[tilespmem:v11+s17+$0x0] =	vst.idx.msk $0xffff, v4;
	v4 =	vor.u32 s25, v51;
	v6 =	vor.u32 v10, v6  }
0x60e: {  	v47 =	vld [tilespmem:$0x1F5B0];
	[tilespmem:v5+s17+$0x0] =	vst.idx.msk $0xffff, v1;
	v1 =	vor.u32 v39, v6  }
0x60f: {  	v48 =	vld [tilespmem:$0x1F5C0];
	v5 =	vor.u32 v38, v6;
	[tilespmem:v8+s17+$0x0] =	vst.idx.msk $0xffff, v7  }
0x610: {  	v49 =	vld [tilespmem:$0x1F5D0];
	v12 =	vor.u32 v34, v6;
	[tilespmem:v2+s17+$0x0] =	vst.idx.msk $0xffff, v3  }
0x611: {  	v50 =	vld [tilespmem:$0x1F5E0];
	v7 =	vor.u32 v43, v6;
	[tilespmem:v9+s17+$0x0] =	vst.idx.msk $0xffff, v0  }
0x612: {  	s25 =	simm.s32 $0x0;
	v51 =	vld [tilespmem:$0x1F5F0];
	v2 =	vor.u32 v42, v6;
	[tilespmem:v4+s17+$0x0] =	vst.idx.msk $0xffff, v63  }
0x613: {  	v0 =	vor.u32 v41, v6;
	v4 =	vld.idx.msk [tilespmem:v1+s25+$0x0], $0xffff  }
0x614: {  	v9 =	vor.u32 v37, v6;
	v8 =	vld.idx.msk [tilespmem:v5+s25+$0x0], $0xffff  }
0x615: {  	v10 =	vor.u32 v47, v6;
	v12 =	vld.idx.msk [tilespmem:v12+s25+$0x0], $0xffff  }
0x616: {  	v5 =	vor.u32 v35, v6;
	v1 =	vld.idx.msk [tilespmem:v7+s25+$0x0], $0xffff  }
0x617: {  	v7 =	vor.u32 v32, v6;
	v63 =	vld.idx.msk [tilespmem:v2+s25+$0x0], $0xffff  }
0x618: {  	v2 =	vor.u32 v33, v6;
	v3 =	vld.idx.msk [tilespmem:v0+s25+$0x0], $0xffff  }
0x619: {  	v13 =	vor.u32 v44, v6;
	v9 =	vld.idx.msk [tilespmem:v9+s25+$0x0], $0xffff  }
0x61a: {  	v15 =	vor.u32 v46, v6;
	v0 =	vld.idx.msk [tilespmem:v10+s25+$0x0], $0xffff  }
0x61b: {  	v14 =	vor.u32 v45, v6;
	v11 =	vld.idx.msk [tilespmem:v5+s25+$0x0], $0xffff  }
0x61c: {  	v10 =	vor.u32 v36, v6;
	v17 =	vld.idx.msk [tilespmem:v7+s25+$0x0], $0xffff  }
0x61d: {  	v20 =	vor.u32 s26, v62;
	v27 =	vld.idx.msk [tilespmem:v2+s25+$0x0], $0xffff;
	v2 =	vor.u32 v40, v6  }
0x61e: {  	v19 =	vor.u32 s26, v48;
	v5 =	vld.idx.msk [tilespmem:v13+s25+$0x0], $0xffff  }
0x61f: {  	v7 =	vld.idx.msk [tilespmem:v15+s25+$0x0], $0xffff  }
0x620: {  	v6 =	vld.idx.msk [tilespmem:v14+s25+$0x0], $0xffff  }
0x621: {  	v13 =	vld.idx.msk [tilespmem:v10+s25+$0x0], $0xffff  }
0x622: {  	v10 =	vld.idx.msk [tilespmem:v2+s25+$0x0], $0xffff;
	[tilespmem:v20+s17+$0x0] =	vst.idx.msk $0xffff, v17  }
0x623: {  	[tilespmem:v19+s17+$0x0] =	vst.idx.msk $0xffff, v27;
	v27 =	vld [tilespmem:$0x1F610]  }
0x624: {  	v28 =	vld [tilespmem:$0x1F660];
	v18 =	vor.u32 s26, v49  }
0x625: {  	v52 =	vld [tilespmem:$0x1F670];
	v16 =	vor.u32 s26, v50  }
0x626: {  	v54 =	vld [tilespmem:$0x1F680];
	v17 =	vor.u32 s26, v51  }
0x627: {  	v55 =	vld [tilespmem:$0x1F690];
	v15 =	vor.u32 s26, v26  }
0x628: {  	s28 =	simm.s32 $0x10;
	s29 =	simm.s32 $0x400;
	v57 =	vld [tilespmem:$0x1F6A0];
	v2 =	vor.u32 s26, v25;
	v14 =	vor.u32 s26, v27  }
.LBB2_6:
0x629: {  	v19 =	vor.u32 s29, v25;
	p2 =	sne.s32 s28, $0xF0;
	[tilespmem:v18+s17+$0x0] =	vst.idx.msk $0xffff, v12;
	s30 =	smov.u32 s28;
	s28 =	sadd.s32 $0x10, s28  }
0x62a: {  	[tilespmem:v16+s17+$0x0] =	vst.idx.msk $0xffff, v11;
	v11 =	vor.u32 s26, v30  }
0x62b: {  	v12 =	vmov s30;
	[tilespmem:v17+s17+$0x0] =	vst.idx.msk $0xffff, v13;
	v13 =	vor.u32 s26, v29  }
0x62c: {  	v16 =	vor.u32 s30, v53;
	v12 =	vshll.u32 v12, $0x3;
	[tilespmem:v15+s17+$0x0] =	vst.idx.msk $0xffff, v9;
	v9 =	vor.u32 s26, v31  }
0x62d: {  	v15 =	vand.u32 $0x7F, v16;
	v12 =	vand.u32 $0x400, v12;
	[tilespmem:v14+s17+$0x0] =	vst.idx.msk $0xffff, v8;
	v8 =	vor.u32 s26, v28  }
0x62e: {  	v12 =	vor.u32 v12, v15;
	[tilespmem:v2+s17+$0x0] =	vst.idx.msk $0xffff, v4;
	v4 =	vor.u32 s26, v52;
	v2 =	vmov v19  }
0x62f: {  	v14 =	vor.u32 v32, v12;
	v15 =	vor.u32 v33, v12;
	[tilespmem:v11+s17+$0x0] =	vst.idx.msk $0xffff, v10;
	v10 =	vor.u32 s26, v54  }
0x630: {  	v16 =	vor.u32 v36, v12;
	v11 =	vor.u32 v35, v12;
	[tilespmem:v13+s17+$0x0] =	vst.idx.msk $0xffff, v3;
	v3 =	vor.u32 s26, v55  }
0x631: {  	v17 =	vor.u32 v39, v12;
	v13 =	vor.u32 v38, v12;
	[tilespmem:v9+s17+$0x0] =	vst.idx.msk $0xffff, v63;
	v9 =	vor.u32 s26, v57;
	s26 =	smov.u32 s29  }
0x632: {  	v18 =	vor.u32 v41, v12;
	v19 =	vor.u32 v42, v12;
	[tilespmem:v8+s17+$0x0] =	vst.idx.msk $0xffff, v1  }
0x633: {  	v20 =	vor.u32 v44, v12;
	v21 =	vor.u32 v45, v12;
	[tilespmem:v4+s17+$0x0] =	vst.idx.msk $0xffff, v5  }
0x634: {  	v22 =	vor.u32 v40, v12;
	v5 =	vor.u32 v37, v12;
	[tilespmem:v10+s17+$0x0] =	vst.idx.msk $0xffff, v6  }
0x635: {  	v1 =	vor.u32 v43, v12;
	v6 =	vor.u32 v47, v12;
	[tilespmem:v3+s17+$0x0] =	vst.idx.msk $0xffff, v7  }
0x636: {  	v7 =	vor.u32 v34, v12;
	[tilespmem:v9+s17+$0x0] =	vst.idx.msk $0xffff, v0  }
0x637: {  	v4 =	vld.idx.msk [tilespmem:v17+s25+$0x0], $0xffff  }
0x638: {  	v8 =	vld.idx.msk [tilespmem:v13+s25+$0x0], $0xffff  }
0x639: {  	v63 =	vld.idx.msk [tilespmem:v19+s25+$0x0], $0xffff  }
0x63a: {  	v3 =	vld.idx.msk [tilespmem:v18+s25+$0x0], $0xffff  }
0x63b: {  	v1 =	vld.idx.msk [tilespmem:v1+s25+$0x0], $0xffff  }
0x63c: {  	v17 =	vor.u32 v46, v12;
	v9 =	vld.idx.msk [tilespmem:v5+s25+$0x0], $0xffff  }
0x63d: {  	v0 =	vld.idx.msk [tilespmem:v6+s25+$0x0], $0xffff  }
0x63e: {  	v11 =	vld.idx.msk [tilespmem:v11+s25+$0x0], $0xffff  }
0x63f: {  	v19 =	vld.idx.msk [tilespmem:v15+s25+$0x0], $0xffff  }
0x640: {  	v12 =	vld.idx.msk [tilespmem:v7+s25+$0x0], $0xffff  }
0x641: {  	v14 =	vld.idx.msk [tilespmem:v14+s25+$0x0], $0xffff  }
0x642: {  	v15 =	vor.u32 s29, v62;
	v5 =	vld.idx.msk [tilespmem:v20+s25+$0x0], $0xffff  }
0x643: {  	v20 =	vor.u32 s29, v48;
	v13 =	vld.idx.msk [tilespmem:v16+s25+$0x0], $0xffff  }
.Ltmp6:
0x644: {  	v18 =	vor.u32 s29, v49;
	v6 =	vld.idx.msk [tilespmem:v21+s25+$0x0], $0xffff;
	(pc) =	sbr.rel @p2 .LBB2_6-.Ltmp6, $4  }
0x645: {  	v16 =	vor.u32 s29, v50;
	v10 =	vld.idx.msk [tilespmem:v22+s25+$0x0], $0xffff  }
0x646: {  	v7 =	vld.idx.msk [tilespmem:v17+s25+$0x0], $0xffff;
	v17 =	vor.u32 s29, v51  }
0x647: {  	[tilespmem:v15+s17+$0x0] =	vst.idx.msk $0xffff, v14;
	v15 =	vor.u32 s29, v26  }
0x648: {  	v14 =	vor.u32 s26, v27;
	s29 =	sadd.s32 $0x400, s29;
	[tilespmem:v20+s17+$0x0] =	vst.idx.msk $0xffff, v19  }
0x649: {  	v25 =	vld [tilespmem:$0x1F6C0]  }
0x64a: {  	v35 =	vld [tilespmem:$0x1F800]  }
0x64b: {  	v45 =	vld [tilespmem:$0x1F880]  }
0x64c: {  	v32 =	vld [tilespmem:$0x1F7A0]  }
0x64d: {  	v44 =	vld [tilespmem:$0x1F860]  }
0x64e: {  	v34 =	vld [tilespmem:$0x1F7E0]  }
0x64f: {  	v27 =	vld [tilespmem:$0x1F700]  }
0x650: {  	v22 =	vld [tilespmem:$0x1F6B0]  }
0x651: {  	v26 =	vld [tilespmem:$0x1F6E0]  }
0x652: {  	v37 =	vld [tilespmem:$0x1F840]  }
0x653: {  	v33 =	vld [tilespmem:$0x1F7C0]  }
0x654: {  	v36 =	vld [tilespmem:$0x1F820]  }
0x655: {  	[tilespmem:v18+s17+$0x0] =	vst.idx.msk $0xffff, v12;
	v12 =	vor.u32 s26, v29;
	v29 =	vld [tilespmem:$0x1F740]  }
0x656: {  	v46 =	vld [tilespmem:$0x1F8A0]  }
0x657: {  	v47 =	vld [tilespmem:$0x1F8C0]  }
0x658: {  	v48 =	vld [tilespmem:$0x1F8E0];
	[tilespmem:v16+s17+$0x0] =	vst.idx.msk $0xffff, v11;
	v11 =	vor.u32 s26, v30  }
0x659: {  	v49 =	vld [tilespmem:$0x1F900];
	[tilespmem:v17+s17+$0x0] =	vst.idx.msk $0xffff, v13  }
0x65a: {  	v50 =	vld [tilespmem:$0x1F920];
	[tilespmem:v15+s17+$0x0] =	vst.idx.msk $0xffff, v9;
	v9 =	vor.u32 s26, v31  }
0x65b: {  	v51 =	vld [tilespmem:$0x1F940];
	[tilespmem:v14+s17+$0x0] =	vst.idx.msk $0xffff, v8;
	v8 =	vor.u32 s26, v28  }
0x65c: {  	v43 =	vld [tilespmem:$0x1FF60];
	[tilespmem:v2+s17+$0x0] =	vst.idx.msk $0xffff, v4;
	v2 =	vor.u32 s26, v52;
	v4 =	vmov s25  }
0x65d: {  	v38 =	vld [tilespmem:$0x1F9E0];
	[tilespmem:v11+s17+$0x0] =	vst.idx.msk $0xffff, v10;
	v10 =	vor.u32 s26, v54;
	v11 =	vor.u32 s25, v53;
	v4 =	vshll.u32 v4, $0x3  }
0x65e: {  	v30 =	vld [tilespmem:$0x1F760];
	[tilespmem:v12+s17+$0x0] =	vst.idx.msk $0xffff, v3;
	v3 =	vor.u32 s26, v55;
	v11 =	vand.u32 $0x7F, v11;
	v4 =	vand.u32 $0x400, v4  }
0x65f: {  	v28 =	vld [tilespmem:$0x1F720];
	[tilespmem:v9+s17+$0x0] =	vst.idx.msk $0xffff, v63;
	v9 =	vor.u32 s26, v57;
	v4 =	vor.u32 v4, v11  }
0x660: {  	v39 =	vld [tilespmem:$0x1FA00];
	[tilespmem:v8+s17+$0x0] =	vst.idx.msk $0xffff, v1;
	v1 =	vor.u32 v25, v4  }
0x661: {  	v31 =	vld [tilespmem:$0x1F780];
	v11 =	vor.u32 v22, v4;
	[tilespmem:v2+s17+$0x0] =	vst.idx.msk $0xffff, v5  }
0x662: {  	v40 =	vld [tilespmem:$0x1FA20];
	v13 =	vor.u32 v26, v4;
	[tilespmem:v10+s17+$0x0] =	vst.idx.msk $0xffff, v6  }
0x663: {  	v52 =	vld [tilespmem:$0x1F960];
	v2 =	vor.u32 v30, v4;
	[tilespmem:v3+s17+$0x0] =	vst.idx.msk $0xffff, v7  }
0x664: {  	v54 =	vld [tilespmem:$0x1F980];
	v5 =	vor.u32 v28, v4;
	[tilespmem:v9+s17+$0x0] =	vst.idx.msk $0xffff, v0  }
0x665: {  	v3 =	vor.u32 v35, v4;
	v14 =	vld.idx.msk [tilespmem:v1+s25+$0x0], $0xffff  }
0x666: {  	v7 =	vor.u32 v31, v4;
	v17 =	vld.idx.msk [tilespmem:v11+s25+$0x0], $0xffff  }
0x667: {  	v8 =	vor.u32 v32, v4;
	v19 =	vld.idx.msk [tilespmem:v13+s25+$0x0], $0xffff  }
0x668: {  	v0 =	vor.u32 v45, v4;
	v6 =	vld.idx.msk [tilespmem:v2+s25+$0x0], $0xffff  }
0x669: {  	v2 =	vor.u32 v44, v4;
	v10 =	vld.idx.msk [tilespmem:v5+s25+$0x0], $0xffff  }
0x66a: {  	v1 =	vld.idx.msk [tilespmem:v3+s25+$0x0], $0xffff;
	v3 =	vor.u32 v27, v4  }
0x66b: {  	v15 =	vor.u32 v33, v4;
	v9 =	vld.idx.msk [tilespmem:v7+s25+$0x0], $0xffff  }
0x66c: {  	v5 =	vor.u32 v34, v4;
	v7 =	vld.idx.msk [tilespmem:v8+s25+$0x0], $0xffff  }
0x66d: {  	v8 =	vor.u32 v37, v4;
	v63 =	vld.idx.msk [tilespmem:v0+s25+$0x0], $0xffff  }
0x66e: {  	v16 =	vor.u32 v36, v4;
	v0 =	vld.idx.msk [tilespmem:v2+s25+$0x0], $0xffff;
	v2 =	vadd.s32 $0x20, v56  }
0x66f: {  	v18 =	vor.u32 s25, v2;
	v12 =	vld.idx.msk [tilespmem:v3+s25+$0x0], $0xffff;
	v3 =	vor.u32 v29, v4  }
0x670: {  	v11 =	vld.idx.msk [tilespmem:v15+s25+$0x0], $0xffff  }
0x671: {  	v5 =	vld.idx.msk [tilespmem:v5+s25+$0x0], $0xffff  }
0x672: {  	v20 =	vor.u32 s25, v46;
	v4 =	vld.idx.msk [tilespmem:v8+s25+$0x0], $0xffff  }
0x673: {  	v21 =	vor.u32 s25, v47;
	v8 =	vld.idx.msk [tilespmem:v16+s25+$0x0], $0xffff  }
0x674: {  	v13 =	vld.idx.msk [tilespmem:v3+s25+$0x0], $0xffff;
	[tilespmem:v18+s17+$0x0] =	vst.idx.msk $0xffff, v17;
	v18 =	vor.u32 s25, v48  }
0x675: {  	v55 =	vld [tilespmem:$0x1F9A0];
	v16 =	vor.u32 s25, v49  }
0x676: {  	v57 =	vld [tilespmem:$0x1F9C0];
	v17 =	vor.u32 s25, v50  }
0x677: {  	v41 =	vld [tilespmem:$0x1FA40];
	v15 =	vor.u32 s25, v51;
	[tilespmem:v20+s17+$0x0] =	vst.idx.msk $0xffff, v14  }
0x678: {  	s28 =	simm.s32 $0x10;
	s29 =	simm.s32 $0x400;
	v42 =	vld [tilespmem:$0x1FA60];
	s26 =	simm.s32 $0x0;
	v3 =	vor.u32 s25, v54;
	v14 =	vor.u32 s25, v52;
	[tilespmem:v21+s17+$0x0] =	vst.idx.msk $0xffff, v19  }
.LBB2_8:
0x679: {  	v19 =	vor.u32 s29, v54;
	p2 =	sne.s32 s28, $0xF0;
	[tilespmem:v18+s17+$0x0] =	vst.idx.msk $0xffff, v12;
	s30 =	smov.u32 s28;
	s28 =	sadd.s32 $0x10, s28  }
0x67a: {  	[tilespmem:v16+s17+$0x0] =	vst.idx.msk $0xffff, v10;
	v10 =	vor.u32 s26, v55  }
0x67b: {  	v12 =	vmov s30;
	[tilespmem:v17+s17+$0x0] =	vst.idx.msk $0xffff, v13;
	v13 =	vor.u32 s26, v57  }
0x67c: {  	v16 =	vor.u32 s30, v53;
	v12 =	vshll.u32 v12, $0x3;
	[tilespmem:v15+s17+$0x0] =	vst.idx.msk $0xffff, v6;
	v6 =	vor.u32 s26, v38  }
0x67d: {  	v15 =	vand.u32 $0x7F, v16;
	v12 =	vand.u32 $0x400, v12;
	[tilespmem:v14+s17+$0x0] =	vst.idx.msk $0xffff, v9;
	v9 =	vor.u32 s26, v39  }
0x67e: {  	v12 =	vor.u32 v12, v15;
	[tilespmem:v3+s17+$0x0] =	vst.idx.msk $0xffff, v7;
	v7 =	vor.u32 s26, v40;
	v3 =	vmov v19  }
0x67f: {  	v14 =	vor.u32 v22, v12;
	v15 =	vor.u32 v25, v12;
	[tilespmem:v10+s17+$0x0] =	vst.idx.msk $0xffff, v11;
	v10 =	vor.u32 s26, v41  }
0x680: {  	v16 =	vor.u32 v28, v12;
	v11 =	vor.u32 v27, v12;
	[tilespmem:v13+s17+$0x0] =	vst.idx.msk $0xffff, v5;
	v5 =	vor.u32 s26, v42;
	s26 =	smov.u32 s29  }
0x681: {  	v17 =	vor.u32 v31, v12;
	v13 =	vor.u32 v30, v12;
	[tilespmem:v6+s17+$0x0] =	vst.idx.msk $0xffff, v1  }
0x682: {  	v18 =	vor.u32 v33, v12;
	v19 =	vor.u32 v34, v12;
	[tilespmem:v9+s17+$0x0] =	vst.idx.msk $0xffff, v8  }
0x683: {  	v20 =	vor.u32 v37, v12;
	v8 =	vor.u32 v36, v12;
	[tilespmem:v7+s17+$0x0] =	vst.idx.msk $0xffff, v4  }
0x684: {  	v1 =	vor.u32 v35, v12;
	v4 =	vor.u32 v44, v12;
	[tilespmem:v10+s17+$0x0] =	vst.idx.msk $0xffff, v0  }
0x685: {  	v7 =	vor.u32 v45, v12;
	v0 =	vor.u32 v32, v12;
	[tilespmem:v5+s17+$0x0] =	vst.idx.msk $0xffff, v63  }
0x686: {  	v21 =	vor.u32 v26, v12;
	v15 =	vld.idx.msk [tilespmem:v15+s25+$0x0], $0xffff  }
0x687: {  	v6 =	vld.idx.msk [tilespmem:v13+s25+$0x0], $0xffff  }
0x688: {  	v10 =	vld.idx.msk [tilespmem:v16+s25+$0x0], $0xffff  }
0x689: {  	v1 =	vld.idx.msk [tilespmem:v1+s25+$0x0], $0xffff  }
0x68a: {  	v63 =	vld.idx.msk [tilespmem:v7+s25+$0x0], $0xffff  }
0x68b: {  	v9 =	vld.idx.msk [tilespmem:v17+s25+$0x0], $0xffff  }
0x68c: {  	v13 =	vor.u32 v29, v12;
	v7 =	vld.idx.msk [tilespmem:v0+s25+$0x0], $0xffff  }
0x68d: {  	v0 =	vld.idx.msk [tilespmem:v4+s25+$0x0], $0xffff  }
0x68e: {  	v5 =	vld.idx.msk [tilespmem:v19+s25+$0x0], $0xffff  }
0x68f: {  	v12 =	vld.idx.msk [tilespmem:v11+s25+$0x0], $0xffff  }
0x690: {  	v14 =	vld.idx.msk [tilespmem:v14+s25+$0x0], $0xffff  }
0x691: {  	v17 =	vor.u32 s29, v2;
	v19 =	vld.idx.msk [tilespmem:v21+s25+$0x0], $0xffff  }
0x692: {  	v4 =	vld.idx.msk [tilespmem:v20+s25+$0x0], $0xffff;
	v20 =	vor.u32 s29, v46  }
0x693: {  	v21 =	vor.u32 s29, v47;
	v11 =	vld.idx.msk [tilespmem:v18+s25+$0x0], $0xffff  }
.Ltmp7:
0x694: {  	v18 =	vor.u32 s29, v48;
	v8 =	vld.idx.msk [tilespmem:v8+s25+$0x0], $0xffff;
	(pc) =	sbr.rel @p2 .LBB2_8-.Ltmp7, $4  }
0x695: {  	v16 =	vor.u32 s29, v49;
	v13 =	vld.idx.msk [tilespmem:v13+s25+$0x0], $0xffff  }
0x696: {  	[tilespmem:v17+s17+$0x0] =	vst.idx.msk $0xffff, v14;
	v17 =	vor.u32 s29, v50  }
0x697: {  	[tilespmem:v20+s17+$0x0] =	vst.idx.msk $0xffff, v15;
	v15 =	vor.u32 s29, v51  }
0x698: {  	v14 =	vor.u32 s26, v52;
	s29 =	sadd.s32 $0x400, s29;
	[tilespmem:v21+s17+$0x0] =	vst.idx.msk $0xffff, v19  }
0x699: {  	v26 =	vld [tilespmem:$0x1FAA0]  }
0x69a: {  	v31 =	vld [tilespmem:$0x1FB40]  }
0x69b: {  	v29 =	vld [tilespmem:$0x1FB00]  }
0x69c: {  	v36 =	vld [tilespmem:$0x1FBE0]  }
0x69d: {  	v32 =	vld [tilespmem:$0x1FB60]  }
0x69e: {  	v33 =	vld [tilespmem:$0x1FB80]  }
0x69f: {  	v35 =	vld [tilespmem:$0x1FBC0]  }
0x6a0: {  	v28 =	vld [tilespmem:$0x1FAE0]  }
0x6a1: {  	v25 =	vld [tilespmem:$0x1FA80]  }
0x6a2: {  	v27 =	vld [tilespmem:$0x1FAC0]  }
0x6a3: {  	v34 =	vld [tilespmem:$0x1FBA0]  }
0x6a4: {  	[tilespmem:v18+s17+$0x0] =	vst.idx.msk $0xffff, v12;
	v37 =	vld [tilespmem:$0x1FC00]  }
0x6a5: {  	v2 =	vor.u32 s26, v55;
	v30 =	vld [tilespmem:$0x1FB20];
	[tilespmem:v16+s17+$0x0] =	vst.idx.msk $0xffff, v10  }
0x6a6: {  	v49 =	vld [tilespmem:$0x1FD60];
	v10 =	vor.u32 s26, v57;
	[tilespmem:v17+s17+$0x0] =	vst.idx.msk $0xffff, v13  }
0x6a7: {  	v44 =	vld [tilespmem:$0x1FCC0];
	[tilespmem:v15+s17+$0x0] =	vst.idx.msk $0xffff, v6;
	v6 =	vor.u32 s26, v38  }
0x6a8: {  	v12 =	vmov s25;
	v45 =	vld [tilespmem:$0x1FCE0];
	[tilespmem:v14+s17+$0x0] =	vst.idx.msk $0xffff, v9;
	v9 =	vor.u32 s26, v39  }
0x6a9: {  	v46 =	vld [tilespmem:$0x1FD00];
	v12 =	vshll.u32 v12, $0x3;
	[tilespmem:v3+s17+$0x0] =	vst.idx.msk $0xffff, v7;
	v3 =	vor.u32 s26, v40;
	v7 =	vor.u32 s25, v53  }
0x6aa: {  	v47 =	vld [tilespmem:$0x1FD20];
	[tilespmem:v2+s17+$0x0] =	vst.idx.msk $0xffff, v11;
	v2 =	vor.u32 s26, v41;
	v7 =	vand.u32 $0x7F, v7;
	v11 =	vand.u32 $0x400, v12  }
0x6ab: {  	v40 =	vld [tilespmem:$0x1FC60];
	[tilespmem:v10+s17+$0x0] =	vst.idx.msk $0xffff, v5;
	v5 =	vor.u32 s26, v42;
	v11 =	vor.u32 v11, v7  }
0x6ac: {  	v48 =	vld [tilespmem:$0x1FD40];
	[tilespmem:v6+s17+$0x0] =	vst.idx.msk $0xffff, v1;
	v1 =	vor.u32 v26, v11  }
0x6ad: {  	v38 =	vld [tilespmem:$0x1FC20];
	v6 =	vor.u32 v31, v11;
	[tilespmem:v9+s17+$0x0] =	vst.idx.msk $0xffff, v8  }
0x6ae: {  	v39 =	vld [tilespmem:$0x1FC40];
	v7 =	vor.u32 v33, v11;
	[tilespmem:v3+s17+$0x0] =	vst.idx.msk $0xffff, v4  }
0x6af: {  	v41 =	vld [tilespmem:$0x1FC80];
	v9 =	vor.u32 v28, v11;
	[tilespmem:v2+s17+$0x0] =	vst.idx.msk $0xffff, v0  }
0x6b0: {  	v42 =	vld [tilespmem:$0x1FCA0];
	v2 =	vor.u32 v40, v11;
	[tilespmem:v5+s17+$0x0] =	vst.idx.msk $0xffff, v63  }
0x6b1: {  	v3 =	vor.u32 v29, v11;
	v14 =	vld.idx.msk [tilespmem:v1+s5+$0x0], $0xffff  }
0x6b2: {  	v4 =	vor.u32 v32, v11;
	v5 =	vld.idx.msk [tilespmem:v6+s5+$0x0], $0xffff  }
0x6b3: {  	v0 =	vor.u32 v36, v11;
	v7 =	vld.idx.msk [tilespmem:v7+s5+$0x0], $0xffff  }
0x6b4: {  	v6 =	vor.u32 v39, v11;
	v12 =	vld.idx.msk [tilespmem:v9+s5+$0x0], $0xffff  }
0x6b5: {  	v63 =	vld.idx.msk [tilespmem:v2+s5+$0x0], $0xffff;
	v2 =	vor.u32 v25, v11  }
0x6b6: {  	v10 =	vld.idx.msk [tilespmem:v3+s5+$0x0], $0xffff;
	v3 =	vor.u32 v35, v11  }
0x6b7: {  	v8 =	vld.idx.msk [tilespmem:v4+s5+$0x0], $0xffff;
	v4 =	vor.u32 v27, v11  }
0x6b8: {  	v13 =	vor.u32 v38, v11;
	v1 =	vld.idx.msk [tilespmem:v0+s5+$0x0], $0xffff  }
0x6b9: {  	v15 =	vor.u32 v34, v11;
	v0 =	vld.idx.msk [tilespmem:v6+s5+$0x0], $0xffff  }
0x6ba: {  	v16 =	vor.u32 v30, v11;
	v17 =	vld.idx.msk [tilespmem:v2+s5+$0x0], $0xffff;
	v2 =	vadd.s32 $0x30, v56  }
0x6bb: {  	v6 =	vld.idx.msk [tilespmem:v3+s5+$0x0], $0xffff;
	v3 =	vor.u32 v37, v11;
	v18 =	vor.u32 s25, v2  }
0x6bc: {  	v19 =	vld.idx.msk [tilespmem:v4+s5+$0x0], $0xffff  }
0x6bd: {  	v4 =	vld.idx.msk [tilespmem:v13+s5+$0x0], $0xffff  }
0x6be: {  	v20 =	vor.u32 s25, v41;
	v11 =	vld.idx.msk [tilespmem:v15+s5+$0x0], $0xffff  }
0x6bf: {  	v21 =	vor.u32 s25, v42;
	v13 =	vld.idx.msk [tilespmem:v16+s5+$0x0], $0xffff  }
0x6c0: {  	v9 =	vld.idx.msk [tilespmem:v3+s5+$0x0], $0xffff;
	[tilespmem:v18+s17+$0x0] =	vst.idx.msk $0xffff, v17;
	v18 =	vor.u32 s25, v44  }
0x6c1: {  	v50 =	vld [tilespmem:$0x1FD80];
	v16 =	vor.u32 s25, v45  }
0x6c2: {  	v51 =	vld [tilespmem:$0x1FDA0];
	v17 =	vor.u32 s25, v46  }
0x6c3: {  	v52 =	vld [tilespmem:$0x1FDC0];
	v15 =	vor.u32 s25, v47;
	[tilespmem:v20+s17+$0x0] =	vst.idx.msk $0xffff, v14  }
0x6c4: {  	s28 =	simm.s32 $0x400;
	v22 =	vld [tilespmem:$0x1FE20];
	s26 =	simm.s32 $0x10;
	v3 =	vor.u32 s25, v49;
	v14 =	vor.u32 s25, v48;
	[tilespmem:v21+s17+$0x0] =	vst.idx.msk $0xffff, v19  }
.LBB2_10:
0x6c5: {  	v19 =	vor.u32 s28, v49;
	p2 =	sne.s32 s26, $0xF0;
	[tilespmem:v18+s17+$0x0] =	vst.idx.msk $0xffff, v12;
	s29 =	smov.u32 s26;
	s26 =	sadd.s32 $0x10, s26  }
0x6c6: {  	[tilespmem:v16+s17+$0x0] =	vst.idx.msk $0xffff, v10;
	v10 =	vor.u32 s25, v50  }
0x6c7: {  	v12 =	vmov s29;
	[tilespmem:v17+s17+$0x0] =	vst.idx.msk $0xffff, v13;
	v13 =	vor.u32 s25, v51  }
0x6c8: {  	v16 =	vor.u32 s29, v53;
	v12 =	vshll.u32 v12, $0x3;
	[tilespmem:v15+s17+$0x0] =	vst.idx.msk $0xffff, v5;
	v5 =	vor.u32 s25, v52  }
0x6c9: {  	v15 =	vand.u32 $0x7F, v16;
	v12 =	vand.u32 $0x400, v12;
	[tilespmem:v14+s17+$0x0] =	vst.idx.msk $0xffff, v8;
	v8 =	vor.u32 s25, v58  }
0x6ca: {  	v12 =	vor.u32 v12, v15;
	[tilespmem:v3+s17+$0x0] =	vst.idx.msk $0xffff, v7;
	v7 =	vor.u32 s25, v59;
	v3 =	vmov v19  }
0x6cb: {  	v14 =	vor.u32 v25, v12;
	v15 =	vor.u32 v26, v12;
	[tilespmem:v10+s17+$0x0] =	vst.idx.msk $0xffff, v11;
	v10 =	vor.u32 s25, v60  }
0x6cc: {  	v16 =	vor.u32 v29, v12;
	v11 =	vor.u32 v28, v12;
	[tilespmem:v13+s17+$0x0] =	vst.idx.msk $0xffff, v6;
	v6 =	vor.u32 s25, v61;
	s25 =	smov.u32 s28  }
0x6cd: {  	v17 =	vor.u32 v32, v12;
	v13 =	vor.u32 v31, v12;
	[tilespmem:v5+s17+$0x0] =	vst.idx.msk $0xffff, v1  }
0x6ce: {  	v18 =	vor.u32 v34, v12;
	v19 =	vor.u32 v35, v12;
	[tilespmem:v8+s17+$0x0] =	vst.idx.msk $0xffff, v9  }
0x6cf: {  	v20 =	vor.u32 v38, v12;
	v9 =	vor.u32 v37, v12;
	[tilespmem:v7+s17+$0x0] =	vst.idx.msk $0xffff, v4  }
0x6d0: {  	v1 =	vor.u32 v36, v12;
	v4 =	vor.u32 v39, v12;
	[tilespmem:v10+s17+$0x0] =	vst.idx.msk $0xffff, v0  }
0x6d1: {  	v7 =	vor.u32 v40, v12;
	v0 =	vor.u32 v33, v12;
	[tilespmem:v6+s17+$0x0] =	vst.idx.msk $0xffff, v63  }
0x6d2: {  	v21 =	vor.u32 v27, v12;
	v15 =	vld.idx.msk [tilespmem:v15+s5+$0x0], $0xffff  }
0x6d3: {  	v5 =	vld.idx.msk [tilespmem:v13+s5+$0x0], $0xffff  }
0x6d4: {  	v10 =	vld.idx.msk [tilespmem:v16+s5+$0x0], $0xffff  }
0x6d5: {  	v1 =	vld.idx.msk [tilespmem:v1+s5+$0x0], $0xffff  }
0x6d6: {  	v63 =	vld.idx.msk [tilespmem:v7+s5+$0x0], $0xffff  }
0x6d7: {  	v8 =	vld.idx.msk [tilespmem:v17+s5+$0x0], $0xffff  }
0x6d8: {  	v13 =	vor.u32 v30, v12;
	v7 =	vld.idx.msk [tilespmem:v0+s5+$0x0], $0xffff  }
0x6d9: {  	v0 =	vld.idx.msk [tilespmem:v4+s5+$0x0], $0xffff  }
0x6da: {  	v6 =	vld.idx.msk [tilespmem:v19+s5+$0x0], $0xffff  }
0x6db: {  	v12 =	vld.idx.msk [tilespmem:v11+s5+$0x0], $0xffff  }
0x6dc: {  	v14 =	vld.idx.msk [tilespmem:v14+s5+$0x0], $0xffff  }
0x6dd: {  	v17 =	vor.u32 s28, v2;
	v19 =	vld.idx.msk [tilespmem:v21+s5+$0x0], $0xffff  }
0x6de: {  	v4 =	vld.idx.msk [tilespmem:v20+s5+$0x0], $0xffff;
	v20 =	vor.u32 s28, v41  }
0x6df: {  	v21 =	vor.u32 s28, v42;
	v11 =	vld.idx.msk [tilespmem:v18+s5+$0x0], $0xffff  }
.Ltmp8:
0x6e0: {  	v18 =	vor.u32 s28, v44;
	v9 =	vld.idx.msk [tilespmem:v9+s5+$0x0], $0xffff;
	(pc) =	sbr.rel @p2 .LBB2_10-.Ltmp8, $4  }
0x6e1: {  	v16 =	vor.u32 s28, v45;
	v13 =	vld.idx.msk [tilespmem:v13+s5+$0x0], $0xffff  }
0x6e2: {  	[tilespmem:v17+s17+$0x0] =	vst.idx.msk $0xffff, v14;
	v17 =	vor.u32 s28, v46  }
0x6e3: {  	[tilespmem:v20+s17+$0x0] =	vst.idx.msk $0xffff, v15;
	v15 =	vor.u32 s28, v47  }
0x6e4: {  	v14 =	vor.u32 s25, v48;
	s28 =	sadd.s32 $0x400, s28;
	[tilespmem:v21+s17+$0x0] =	vst.idx.msk $0xffff, v19  }
0x6e5: {  	_ =	sdelay $0x2  }
0x6e6: {  	v21 =	vld [tilespmem:$0x1FE10]  }
0x6e7: {  	[tilespmem:v18+s17+$0x0] =	vst.idx.msk $0xffff, v12;
	v12 =	vld [tilespmem:$0x1FEE0]  }
0x6e8: {  	v19 =	vld [tilespmem:$0x1FEF0]  }
0x6e9: {  	v20 =	vld [tilespmem:$0x1FF00]  }
0x6ea: {  	v26 =	vld [tilespmem:$0x1FF90]  }
0x6eb: {  	v30 =	vld [tilespmem:$0x1FFA0]  }
0x6ec: {  	v29 =	vld [tilespmem:$0x1FFB0]  }
0x6ed: {  	v31 =	vld [tilespmem:$0x1FFC0]  }
0x6ee: {  	v28 =	vld [tilespmem:$0x1FFD0]  }
0x6ef: {  	v25 =	vld [tilespmem:$0x1FFE0]  }
0x6f0: {  	v27 =	vld [tilespmem:$0x1FFF0]  }
0x6f1: {  	v2 =	vor.u32 s25, v50;
	v55 =	vld [tilespmem:$0x1FF10];
	[tilespmem:v16+s17+$0x0] =	vst.idx.msk $0xffff, v10  }
0x6f2: {  	v39 =	vld [tilespmem:$0x1FF20];
	v10 =	vor.u32 s25, v51;
	[tilespmem:v17+s17+$0x0] =	vst.idx.msk $0xffff, v13  }
0x6f3: {  	v38 =	vld [tilespmem:$0x1FF50];
	[tilespmem:v15+s17+$0x0] =	vst.idx.msk $0xffff, v5;
	v5 =	vor.u32 s25, v52  }
0x6f4: {  	v41 =	vld [tilespmem:$0x1FF40];
	[tilespmem:v14+s17+$0x0] =	vst.idx.msk $0xffff, v8;
	v8 =	vor.u32 s25, v58  }
0x6f5: {  	v16 =	vld [tilespmem:$0x1FE40];
	[tilespmem:v3+s17+$0x0] =	vst.idx.msk $0xffff, v7;
	v3 =	vor.u32 s25, v59  }
0x6f6: {  	v57 =	vor.u32 s25, v60;
	v17 =	vld [tilespmem:$0x1FEB0];
	[tilespmem:v2+s17+$0x0] =	vst.idx.msk $0xffff, v11  }
0x6f7: {  	s26 =	sadd.s32 $0x2, s24;
	v15 =	vld [tilespmem:$0x1FE80];
	[tilespmem:v10+s17+$0x0] =	vst.idx.msk $0xffff, v6;
	v6 =	vor.u32 s25, v61  }
0x6f8: {  	p2 =	sge.u32 s26, s7;
	v14 =	vld [tilespmem:$0x1FEC0];
	[tilespmem:v5+s17+$0x0] =	vst.idx.msk $0xffff, v1  }
0x6f9: {  	v7 =	vld [tilespmem:$0x1FE60];
	s25 =	sadd.s32 @!p2 s6, s26;
	[tilespmem:v8+s17+$0x0] =	vst.idx.msk $0xffff, v9  }
0x6fa: {  	v11 =	vld [tilespmem:$0x1FE90];
	s25 =	sshll.u32 @!p2 s25, $0x8;
	[tilespmem:v3+s17+$0x0] =	vst.idx.msk $0xffff, v4  }
0x6fb: {  	s31 =	sadd.s32 s6, s24;
	s28 =	simm.s32 @!p2 $0x7A1400;
	v5 =	vld [tilespmem:$0x1FEA0];
	s25 =	sand.u32 @!p2 $0x1FFFFF00, s25;
	[tilespmem:v57+s17+$0x0] =	vst.idx.msk $0xffff, v0  }
0x6fc: {  	s29 =	simm.s32 @!p2 $0x0;
	s26 =	simm.s32 @!p2 $0x800;
	v8 =	vld [tilespmem:$0x1FE70];
	s25 =	sadd.s32 @!p2 s0, s25;
	[tilespmem:v6+s17+$0x0] =	vst.idx.msk $0xffff, v63  }
0x6fd: {  	v9 =	vld [tilespmem:$0x1FED0];
	[tilespmem:s29], [sflag:$0x1] =	stream.strided.gather @!p2 [hbm4b:s25+s26], $0x4000, s28, s26, $0x38  }
0x6fe: {  	v4 =	vld [tilespmem:$0x1FE30];
	s25 =	sshll.u32 s31, $0xB  }
0x6ff: {  	v57 =	vld [tilespmem:$0x1FF30];
	s25 =	sadd.s32 s4, s25  }
0x700: {  	v6 =	vld [tilespmem:$0x1FE50];
	[hbm4b:s25+s5] =	stream.linear.scatter [tilespmem:s17], [sflag:$0x3], $0x4000, $0x38  }
.LBB2_12:
0x701: {  	s25 =	sor.u32 $0x1, s24  }
0x702: {  	p2 =	sge.u32 s25, s7  }
.Ltmp9:
0x703: {  	_ = 	snop;
	(pc) =	sbr.rel @p2 .LBB2_22-.Ltmp9, $1  }
0x704: {  	_ =	sdelay $0x3  }
0x705: {  	s28 =	simm.s32 $0x0  }
0x706: {  	v0 =	vmov s28  }
0x707: {  	v1 =	vor.u32 s28, v53;
	v0 =	vshll.u32 v0, $0x3  }
0x708: {  	v1 =	vand.u32 $0x7F, v1;
	v0 =	vand.u32 $0x400, v0  }
0x709: {  	_ =	swait.ge [sflag:s18], $0x4000;
	v2 =	vor.u32 v0, v1  }
0x70a: {  	[sflag:s18] =	ssyncset.done $0x0;
	v0 =	vor.u32 v24, v2  }
0x70b: {  	s26 =	simm.s32 @!p1 $0x4;
	[sflag:s18] =	ssyncadd.s32 $0xFFFFC000;
	v1 =	vor.u32 v6, v2  }
0x70c: {  	_ =	swait.ge @!p1 [sflag:s26], $0x4000;
	v3 =	vor.u32 v4, v2  }
0x70d: {  	v45 =	vmov v25;
	v25 =	vmov v4;
	[sflag:s26] =	ssyncset.done @!p1 $0x0;
	v4 =	vor.u32 v5, v2  }
0x70e: {  	v47 =	vmov v27;
	v27 =	vmov v6;
	[sflag:s26] =	ssyncadd.s32 @!p1 $0xFFFFC000;
	v6 =	vor.u32 v12, v2  }
0x70f: {  	v48 =	vmov v28;
	v28 =	vmov v7;
	v7 =	vor.u32 v7, v2;
	v13 =	vld.idx.msk [tilespmem:v0+s15+$0x0], $0xffff  }
0x710: {  	v32 =	vmov v5;
	v0 =	vor.u32 v8, v2;
	v5 =	vld.idx.msk [tilespmem:v1+s15+$0x0], $0xffff  }
0x711: {  	v35 =	vmov v9;
	v10 =	vor.u32 v9, v2;
	v9 =	vld.idx.msk [tilespmem:v3+s15+$0x0], $0xffff  }
0x712: {  	v3 =	vor.u32 v11, v2;
	v1 =	vld.idx.msk [tilespmem:v4+s15+$0x0], $0xffff  }
0x713: {  	v51 =	vmov v31;
	v31 =	vmov v11;
	v11 =	vor.u32 v22, v2;
	v63 =	vld.idx.msk [tilespmem:v6+s15+$0x0], $0xffff  }
0x714: {  	v36 =	vmovc v12;
	v49 =	vmov v29;
	v29 =	vmov v8;
	v12 =	vor.u32 v23, v2;
	v8 =	vld.idx.msk [tilespmem:v7+s15+$0x0], $0xffff  }
0x715: {  	v7 =	vor.u32 v21, v2;
	v6 =	vld.idx.msk [tilespmem:v0+s15+$0x0], $0xffff  }
0x716: {  	v34 =	vmov v14;
	v14 =	vor.u32 v14, v2;
	v0 =	vld.idx.msk [tilespmem:v10+s15+$0x0], $0xffff  }
0x717: {  	v10 =	vor.u32 v15, v2;
	v4 =	vld.idx.msk [tilespmem:v3+s15+$0x0], $0xffff  }
0x718: {  	v50 =	vmov v30;
	v30 =	vmov v15;
	v15 =	vor.u32 v17, v2;
	v11 =	vld.idx.msk [tilespmem:v11+s15+$0x0], $0xffff  }
0x719: {  	v46 =	vmovc v26;
	v26 =	vmovc v16;
	v33 =	vmov v17;
	v2 =	vor.u32 v16, v2;
	v16 =	vld.idx.msk [tilespmem:v12+s15+$0x0], $0xffff;
	v17 =	vor.u32 s28, v56  }
0x71a: {  	v18 =	vld.idx.msk [tilespmem:v7+s15+$0x0], $0xffff  }
0x71b: {  	v3 =	vld.idx.msk [tilespmem:v14+s15+$0x0], $0xffff  }
0x71c: {  	v14 =	vor.u32 s28, v19;
	v10 =	vld.idx.msk [tilespmem:v10+s15+$0x0], $0xffff  }
0x71d: {  	v37 =	vmov v19;
	v19 =	vor.u32 s28, v20;
	v7 =	vld.idx.msk [tilespmem:v15+s15+$0x0], $0xffff  }
0x71e: {  	v12 =	vld.idx.msk [tilespmem:v2+s15+$0x0], $0xffff;
	[tilespmem:v17+s19+$0x0] =	vst.idx.msk $0xffff, v16;
	v17 =	vor.u32 s28, v55  }
0x71f: {  	v15 =	vor.u32 s28, v39  }
0x720: {  	v16 =	vor.u32 s28, v57  }
0x721: {  	v44 =	vmovc v43;
	v42 =	vmov v57;
	v40 =	vmov v39;
	[tilespmem:v14+s19+$0x0] =	vst.idx.msk $0xffff, v13;
	v14 =	vor.u32 s28, v41  }
0x722: {  	s29 =	simm.s32 $0x10;
	s30 =	simm.s32 $0x400;
	s26 =	simm.s32 $0x0;
	v2 =	vor.u32 s28, v43;
	v43 =	vmovc v38;
	v39 =	vmovc v55;
	v13 =	vor.u32 s28, v38;
	v38 =	vmov v20;
	[tilespmem:v19+s19+$0x0] =	vst.idx.msk $0xffff, v18  }
.LBB2_14:
0x723: {  	v18 =	vor.u32 s30, v44;
	p1 =	sne.s32 s29, $0xF0;
	[tilespmem:v17+s19+$0x0] =	vst.idx.msk $0xffff, v11;
	s31 =	smov.u32 s29;
	s29 =	sadd.s32 $0x10, s29  }
0x724: {  	[tilespmem:v15+s19+$0x0] =	vst.idx.msk $0xffff, v9;
	v9 =	vor.u32 s26, v45  }
0x725: {  	v11 =	vmov s31;
	[tilespmem:v16+s19+$0x0] =	vst.idx.msk $0xffff, v12;
	v12 =	vor.u32 s26, v46  }
0x726: {  	v15 =	vor.u32 s31, v53;
	v11 =	vshll.u32 v11, $0x3;
	[tilespmem:v14+s19+$0x0] =	vst.idx.msk $0xffff, v5;
	v5 =	vor.u32 s26, v47  }
0x727: {  	v14 =	vand.u32 $0x7F, v15;
	v11 =	vand.u32 $0x400, v11;
	[tilespmem:v13+s19+$0x0] =	vst.idx.msk $0xffff, v8;
	v8 =	vor.u32 s26, v48  }
0x728: {  	v11 =	vor.u32 v11, v14;
	[tilespmem:v2+s19+$0x0] =	vst.idx.msk $0xffff, v6;
	v6 =	vor.u32 s26, v49;
	v2 =	vmov v18  }
0x729: {  	v13 =	vor.u32 v23, v11;
	v14 =	vor.u32 v24, v11;
	[tilespmem:v9+s19+$0x0] =	vst.idx.msk $0xffff, v10;
	v9 =	vor.u32 s26, v50  }
0x72a: {  	v15 =	vor.u32 v25, v11;
	v10 =	vor.u32 v22, v11;
	[tilespmem:v12+s19+$0x0] =	vst.idx.msk $0xffff, v4;
	v4 =	vor.u32 s26, v51;
	s26 =	smov.u32 s30  }
0x72b: {  	v16 =	vor.u32 v28, v11;
	v12 =	vor.u32 v27, v11;
	[tilespmem:v5+s19+$0x0] =	vst.idx.msk $0xffff, v1  }
0x72c: {  	v17 =	vor.u32 v30, v11;
	v18 =	vor.u32 v31, v11;
	[tilespmem:v8+s19+$0x0] =	vst.idx.msk $0xffff, v7  }
0x72d: {  	v19 =	vor.u32 v34, v11;
	v7 =	vor.u32 v33, v11;
	[tilespmem:v6+s19+$0x0] =	vst.idx.msk $0xffff, v3  }
0x72e: {  	v1 =	vor.u32 v32, v11;
	v3 =	vor.u32 v35, v11;
	[tilespmem:v9+s19+$0x0] =	vst.idx.msk $0xffff, v0  }
0x72f: {  	v6 =	vor.u32 v36, v11;
	v0 =	vor.u32 v29, v11;
	[tilespmem:v4+s19+$0x0] =	vst.idx.msk $0xffff, v63  }
0x730: {  	v20 =	vor.u32 v21, v11;
	v14 =	vld.idx.msk [tilespmem:v14+s15+$0x0], $0xffff  }
0x731: {  	v5 =	vld.idx.msk [tilespmem:v12+s15+$0x0], $0xffff  }
0x732: {  	v9 =	vld.idx.msk [tilespmem:v15+s15+$0x0], $0xffff  }
0x733: {  	v1 =	vld.idx.msk [tilespmem:v1+s15+$0x0], $0xffff  }
0x734: {  	v63 =	vld.idx.msk [tilespmem:v6+s15+$0x0], $0xffff  }
0x735: {  	v8 =	vld.idx.msk [tilespmem:v16+s15+$0x0], $0xffff  }
0x736: {  	v12 =	vor.u32 v26, v11;
	v6 =	vld.idx.msk [tilespmem:v0+s15+$0x0], $0xffff  }
0x737: {  	v0 =	vld.idx.msk [tilespmem:v3+s15+$0x0], $0xffff  }
0x738: {  	v4 =	vld.idx.msk [tilespmem:v18+s15+$0x0], $0xffff  }
0x739: {  	v11 =	vld.idx.msk [tilespmem:v10+s15+$0x0], $0xffff  }
0x73a: {  	v13 =	vld.idx.msk [tilespmem:v13+s15+$0x0], $0xffff  }
0x73b: {  	v16 =	vor.u32 s30, v56;
	v18 =	vld.idx.msk [tilespmem:v20+s15+$0x0], $0xffff  }
0x73c: {  	v3 =	vld.idx.msk [tilespmem:v19+s15+$0x0], $0xffff;
	v19 =	vor.u32 s30, v37  }
0x73d: {  	v20 =	vor.u32 s30, v38;
	v10 =	vld.idx.msk [tilespmem:v17+s15+$0x0], $0xffff  }
.Ltmp10:
0x73e: {  	v17 =	vor.u32 s30, v39;
	v7 =	vld.idx.msk [tilespmem:v7+s15+$0x0], $0xffff;
	(pc) =	sbr.rel @p1 .LBB2_14-.Ltmp10, $4  }
0x73f: {  	v15 =	vor.u32 s30, v40;
	v12 =	vld.idx.msk [tilespmem:v12+s15+$0x0], $0xffff  }
0x740: {  	[tilespmem:v16+s19+$0x0] =	vst.idx.msk $0xffff, v13;
	v16 =	vor.u32 s30, v42  }
0x741: {  	[tilespmem:v19+s19+$0x0] =	vst.idx.msk $0xffff, v14;
	v14 =	vor.u32 s30, v41  }
0x742: {  	v13 =	vor.u32 s26, v43;
	s30 =	sadd.s32 $0x400, s30;
	[tilespmem:v20+s19+$0x0] =	vst.idx.msk $0xffff, v18  }
0x743: {  	v37 =	vld [tilespmem:$0x1F500]  }
0x744: {  	v34 =	vld [tilespmem:$0x1F4D0]  }
0x745: {  	v44 =	vld [tilespmem:$0x1F580]  }
0x746: {  	v38 =	vld [tilespmem:$0x1F510]  }
0x747: {  	[tilespmem:v17+s19+$0x0] =	vst.idx.msk $0xffff, v11;
	v11 =	vor.u32 s26, v46;
	v46 =	vld [tilespmem:$0x1F5A0]  }
0x748: {  	v40 =	vld [tilespmem:$0x1F530]  }
0x749: {  	v35 =	vld [tilespmem:$0x1F4E0]  }
0x74a: {  	v33 =	vld [tilespmem:$0x1F4C0]  }
0x74b: {  	v32 =	vld [tilespmem:$0x1F4B0]  }
0x74c: {  	v36 =	vld [tilespmem:$0x1F4F0]  }
0x74d: {  	v43 =	vld [tilespmem:$0x1F570]  }
0x74e: {  	v42 =	vld [tilespmem:$0x1F560]  }
0x74f: {  	v41 =	vld [tilespmem:$0x1F540]  }
0x750: {  	v39 =	vld [tilespmem:$0x1F520]  }
0x751: {  	v26 =	vld [tilespmem:$0x1F600]  }
0x752: {  	v27 =	vld [tilespmem:$0x1F610]  }
0x753: {  	v25 =	vld [tilespmem:$0x1F620]  }
0x754: {  	v30 =	vld [tilespmem:$0x1F630]  }
0x755: {  	v29 =	vld [tilespmem:$0x1F640]  }
0x756: {  	v31 =	vld [tilespmem:$0x1F650];
	[tilespmem:v15+s19+$0x0] =	vst.idx.msk $0xffff, v9;
	v9 =	vor.u32 s26, v45  }
0x757: {  	v28 =	vld [tilespmem:$0x1F660];
	[tilespmem:v16+s19+$0x0] =	vst.idx.msk $0xffff, v12  }
0x758: {  	v52 =	vld [tilespmem:$0x1F670];
	[tilespmem:v14+s19+$0x0] =	vst.idx.msk $0xffff, v5;
	v5 =	vor.u32 s26, v47  }
0x759: {  	v45 =	vld [tilespmem:$0x1F590];
	v12 =	vmov s28;
	[tilespmem:v13+s19+$0x0] =	vst.idx.msk $0xffff, v8;
	v8 =	vor.u32 s26, v48  }
0x75a: {  	v54 =	vld [tilespmem:$0x1F680];
	v12 =	vshll.u32 v12, $0x3;
	[tilespmem:v2+s19+$0x0] =	vst.idx.msk $0xffff, v6;
	v2 =	vor.u32 s26, v49;
	v6 =	vor.u32 s28, v53  }
0x75b: {  	v55 =	vld [tilespmem:$0x1F690];
	[tilespmem:v9+s19+$0x0] =	vst.idx.msk $0xffff, v10;
	v9 =	vor.u32 s26, v50;
	v6 =	vand.u32 $0x7F, v6;
	v10 =	vand.u32 $0x400, v12  }
0x75c: {  	v57 =	vld [tilespmem:$0x1F6A0];
	[tilespmem:v11+s19+$0x0] =	vst.idx.msk $0xffff, v4;
	v4 =	vor.u32 s26, v51;
	v11 =	vor.u32 v10, v6  }
0x75d: {  	v47 =	vld [tilespmem:$0x1F5B0];
	[tilespmem:v5+s19+$0x0] =	vst.idx.msk $0xffff, v1;
	v1 =	vor.u32 v37, v11  }
0x75e: {  	v48 =	vld [tilespmem:$0x1F5C0];
	v5 =	vor.u32 v45, v11;
	[tilespmem:v8+s19+$0x0] =	vst.idx.msk $0xffff, v7  }
0x75f: {  	v49 =	vld [tilespmem:$0x1F5D0];
	v6 =	vor.u32 v46, v11;
	[tilespmem:v2+s19+$0x0] =	vst.idx.msk $0xffff, v3  }
0x760: {  	v50 =	vld [tilespmem:$0x1F5E0];
	v10 =	vor.u32 v35, v11;
	[tilespmem:v9+s19+$0x0] =	vst.idx.msk $0xffff, v0  }
0x761: {  	v51 =	vld [tilespmem:$0x1F5F0];
	v12 =	vor.u32 v32, v11;
	[tilespmem:v4+s19+$0x0] =	vst.idx.msk $0xffff, v63  }
0x762: {  	v2 =	vor.u32 v34, v11;
	v4 =	vld.idx.msk [tilespmem:v1+s15+$0x0], $0xffff  }
0x763: {  	v3 =	vor.u32 v38, v11;
	v63 =	vld.idx.msk [tilespmem:v5+s15+$0x0], $0xffff  }
0x764: {  	v8 =	vor.u32 v40, v11;
	v1 =	vld.idx.msk [tilespmem:v6+s15+$0x0], $0xffff  }
0x765: {  	v20 =	vor.u32 v39, v11;
	v10 =	vld.idx.msk [tilespmem:v10+s15+$0x0], $0xffff  }
0x766: {  	v0 =	vor.u32 v44, v11;
	v14 =	vld.idx.msk [tilespmem:v12+s15+$0x0], $0xffff  }
0x767: {  	v9 =	vld.idx.msk [tilespmem:v2+s15+$0x0], $0xffff;
	v2 =	vor.u32 v33, v11  }
0x768: {  	v7 =	vld.idx.msk [tilespmem:v3+s15+$0x0], $0xffff;
	v3 =	vor.u32 v36, v11  }
0x769: {  	v6 =	vor.u32 v43, v11;
	v5 =	vld.idx.msk [tilespmem:v8+s15+$0x0], $0xffff  }
0x76a: {  	v15 =	vor.u32 v41, v11;
	v19 =	vor.u32 v47, v11;
	v8 =	vor.u32 v42, v11;
	v11 =	vld.idx.msk [tilespmem:v20+s15+$0x0], $0xffff  }
0x76b: {  	v0 =	vld.idx.msk [tilespmem:v0+s15+$0x0], $0xffff  }
0x76c: {  	v13 =	vld.idx.msk [tilespmem:v2+s15+$0x0], $0xffff  }
0x76d: {  	v17 =	vor.u32 s28, v62;
	v12 =	vld.idx.msk [tilespmem:v3+s15+$0x0], $0xffff  }
0x76e: {  	v18 =	vor.u32 s28, v48;
	v3 =	vld.idx.msk [tilespmem:v6+s15+$0x0], $0xffff  }
0x76f: {  	v16 =	vor.u32 s28, v49;
	v6 =	vld.idx.msk [tilespmem:v8+s15+$0x0], $0xffff  }
0x770: {  	s29 =	simm.s32 $0x400;
	s26 =	simm.s32 $0x10;
	v2 =	vor.u32 s28, v51;
	v8 =	vld.idx.msk [tilespmem:v15+s15+$0x0], $0xffff;
	v15 =	vor.u32 s28, v50  }
.LBB2_16:
0x771: {  	v20 =	vor.u32 s29, v51;
	p1 =	sne.s32 s26, $0xF0;
	v19 =	vld.idx.msk [tilespmem:v19+s15+$0x0], $0xffff;
	s30 =	smov.u32 s26;
	s26 =	sadd.s32 $0x10, s26  }
0x772: {  	[tilespmem:v17+s19+$0x0] =	vst.idx.msk $0xffff, v14;
	v14 =	vor.u32 s28, v26  }
0x773: {  	v17 =	vmov s30;
	[tilespmem:v18+s19+$0x0] =	vst.idx.msk $0xffff, v13;
	v13 =	vor.u32 s28, v27  }
0x774: {  	v18 =	vor.u32 s30, v53;
	v17 =	vshll.u32 v17, $0x3;
	[tilespmem:v16+s19+$0x0] =	vst.idx.msk $0xffff, v9;
	v9 =	vor.u32 s28, v25  }
0x775: {  	v16 =	vand.u32 $0x7F, v18;
	v17 =	vand.u32 $0x400, v17;
	[tilespmem:v15+s19+$0x0] =	vst.idx.msk $0xffff, v10;
	v10 =	vor.u32 s28, v30  }
0x776: {  	v15 =	vor.u32 v17, v16;
	[tilespmem:v2+s19+$0x0] =	vst.idx.msk $0xffff, v12;
	v12 =	vor.u32 s28, v29;
	v2 =	vmov v20  }
0x777: {  	v16 =	vor.u32 v32, v15;
	v17 =	vor.u32 v33, v15;
	[tilespmem:v14+s19+$0x0] =	vst.idx.msk $0xffff, v4;
	v4 =	vor.u32 s28, v31  }
0x778: {  	v18 =	vor.u32 v36, v15;
	v14 =	vor.u32 v35, v15;
	[tilespmem:v13+s19+$0x0] =	vst.idx.msk $0xffff, v7;
	v7 =	vor.u32 s28, v28  }
0x779: {  	v20 =	vor.u32 v39, v15;
	v13 =	vor.u32 v38, v15;
	[tilespmem:v9+s19+$0x0] =	vst.idx.msk $0xffff, v11;
	v9 =	vor.u32 s28, v52  }
0x77a: {  	v21 =	vor.u32 v42, v15;
	v11 =	vor.u32 v41, v15;
	[tilespmem:v10+s19+$0x0] =	vst.idx.msk $0xffff, v5;
	v5 =	vor.u32 s28, v54  }
0x77b: {  	v22 =	vor.u32 v45, v15;
	v10 =	vor.u32 v44, v15;
	[tilespmem:v12+s19+$0x0] =	vst.idx.msk $0xffff, v8;
	v8 =	vor.u32 s28, v55  }
0x77c: {  	v23 =	vor.u32 v40, v15;
	v12 =	vor.u32 v37, v15;
	[tilespmem:v4+s19+$0x0] =	vst.idx.msk $0xffff, v6;
	v4 =	vor.u32 s28, v57;
	s28 =	smov.u32 s29  }
0x77d: {  	v24 =	vor.u32 v46, v15;
	v6 =	vor.u32 v34, v15;
	[tilespmem:v7+s19+$0x0] =	vst.idx.msk $0xffff, v3  }
0x77e: {  	v3 =	vor.u32 v43, v15;
	[tilespmem:v9+s19+$0x0] =	vst.idx.msk $0xffff, v0  }
0x77f: {  	[tilespmem:v5+s19+$0x0] =	vst.idx.msk $0xffff, v63  }
0x780: {  	[tilespmem:v8+s19+$0x0] =	vst.idx.msk $0xffff, v1  }
0x781: {  	[tilespmem:v4+s19+$0x0] =	vst.idx.msk $0xffff, v19  }
0x782: {  	v4 =	vld.idx.msk [tilespmem:v12+s15+$0x0], $0xffff  }
0x783: {  	v63 =	vld.idx.msk [tilespmem:v22+s15+$0x0], $0xffff  }
0x784: {  	v9 =	vld.idx.msk [tilespmem:v6+s15+$0x0], $0xffff  }
0x785: {  	v0 =	vld.idx.msk [tilespmem:v10+s15+$0x0], $0xffff  }
0x786: {  	v7 =	vld.idx.msk [tilespmem:v13+s15+$0x0], $0xffff  }
0x787: {  	v1 =	vld.idx.msk [tilespmem:v24+s15+$0x0], $0xffff  }
0x788: {  	v5 =	vld.idx.msk [tilespmem:v23+s15+$0x0], $0xffff  }
0x789: {  	v10 =	vld.idx.msk [tilespmem:v14+s15+$0x0], $0xffff  }
0x78a: {  	v13 =	vld.idx.msk [tilespmem:v17+s15+$0x0], $0xffff  }
0x78b: {  	v14 =	vld.idx.msk [tilespmem:v16+s15+$0x0], $0xffff  }
.Ltmp11:
0x78c: {  	v19 =	vor.u32 v47, v15;
	v12 =	vld.idx.msk [tilespmem:v18+s15+$0x0], $0xffff;
	(pc) =	sbr.rel @p1 .LBB2_16-.Ltmp11, $4  }
0x78d: {  	v17 =	vor.u32 s29, v62;
	v3 =	vld.idx.msk [tilespmem:v3+s15+$0x0], $0xffff  }
0x78e: {  	v18 =	vor.u32 s29, v48;
	v6 =	vld.idx.msk [tilespmem:v21+s15+$0x0], $0xffff  }
0x78f: {  	v16 =	vor.u32 s29, v49;
	v8 =	vld.idx.msk [tilespmem:v11+s15+$0x0], $0xffff  }
0x790: {  	v15 =	vor.u32 s28, v50;
	s29 =	sadd.s32 $0x400, s29;
	v11 =	vld.idx.msk [tilespmem:v20+s15+$0x0], $0xffff  }
0x791: {  	_ =	sdelay $0x3  }
0x792: {  	v19 =	vld.idx.msk [tilespmem:v19+s15+$0x0], $0xffff  }
0x793: {  	v23 =	vld [tilespmem:$0x1F6C0]  }
0x794: {  	[tilespmem:v17+s19+$0x0] =	vst.idx.msk $0xffff, v14;
	v14 =	vor.u32 s28, v26;
	v26 =	vld [tilespmem:$0x1F720]  }
0x795: {  	v33 =	vld [tilespmem:$0x1F800]  }
0x796: {  	v37 =	vld [tilespmem:$0x1F880]  }
0x797: {  	v36 =	vld [tilespmem:$0x1F860]  }
0x798: {  	v32 =	vld [tilespmem:$0x1F7E0]  }
0x799: {  	v22 =	vld [tilespmem:$0x1F6B0]  }
0x79a: {  	v24 =	vld [tilespmem:$0x1F6E0]  }
0x79b: {  	v35 =	vld [tilespmem:$0x1F840]  }
0x79c: {  	v34 =	vld [tilespmem:$0x1F820]  }
0x79d: {  	v44 =	vld [tilespmem:$0x1F8A0]  }
0x79e: {  	v45 =	vld [tilespmem:$0x1F8C0]  }
0x79f: {  	v51 =	vld [tilespmem:$0x1F980]  }
0x7a0: {  	v46 =	vld [tilespmem:$0x1F8E0]  }
0x7a1: {  	v47 =	vld [tilespmem:$0x1F900]  }
0x7a2: {  	v48 =	vld [tilespmem:$0x1F920];
	[tilespmem:v18+s19+$0x0] =	vst.idx.msk $0xffff, v13;
	v13 =	vor.u32 s28, v27  }
0x7a3: {  	v49 =	vld [tilespmem:$0x1F940];
	[tilespmem:v16+s19+$0x0] =	vst.idx.msk $0xffff, v9;
	v9 =	vor.u32 s28, v25  }
0x7a4: {  	v50 =	vld [tilespmem:$0x1F960];
	[tilespmem:v15+s19+$0x0] =	vst.idx.msk $0xffff, v10;
	v10 =	vor.u32 s28, v30  }
0x7a5: {  	v43 =	vld [tilespmem:$0x1FF60];
	[tilespmem:v2+s19+$0x0] =	vst.idx.msk $0xffff, v12;
	v2 =	vor.u32 s28, v29  }
0x7a6: {  	v38 =	vld [tilespmem:$0x1F9E0];
	[tilespmem:v14+s19+$0x0] =	vst.idx.msk $0xffff, v4;
	v4 =	vor.u32 s28, v31  }
0x7a7: {  	s26 =	simm.s32 $0x0;
	v39 =	vld [tilespmem:$0x1FA00];
	[tilespmem:v13+s19+$0x0] =	vst.idx.msk $0xffff, v7;
	v7 =	vor.u32 s28, v28  }
0x7a8: {  	v25 =	vld [tilespmem:$0x1F700];
	[tilespmem:v9+s19+$0x0] =	vst.idx.msk $0xffff, v11;
	v9 =	vor.u32 s28, v52;
	v11 =	vmov s26  }
0x7a9: {  	v31 =	vld [tilespmem:$0x1F7C0];
	[tilespmem:v10+s19+$0x0] =	vst.idx.msk $0xffff, v5;
	v5 =	vor.u32 s28, v54;
	v10 =	vor.u32 s26, v53;
	v11 =	vshll.u32 v11, $0x3  }
0x7aa: {  	v27 =	vld [tilespmem:$0x1F740];
	[tilespmem:v2+s19+$0x0] =	vst.idx.msk $0xffff, v8;
	v2 =	vor.u32 s28, v55;
	v8 =	vand.u32 $0x7F, v10;
	v10 =	vand.u32 $0x400, v11  }
0x7ab: {  	v40 =	vld [tilespmem:$0x1FA20];
	[tilespmem:v4+s19+$0x0] =	vst.idx.msk $0xffff, v6;
	v4 =	vor.u32 s28, v57;
	v8 =	vor.u32 v10, v8  }
0x7ac: {  	v28 =	vld [tilespmem:$0x1F760];
	[tilespmem:v7+s19+$0x0] =	vst.idx.msk $0xffff, v3;
	v3 =	vor.u32 v23, v8  }
0x7ad: {  	v41 =	vld [tilespmem:$0x1FA40];
	v11 =	vor.u32 v25, v8;
	[tilespmem:v9+s19+$0x0] =	vst.idx.msk $0xffff, v0  }
0x7ae: {  	v42 =	vld [tilespmem:$0x1FA60];
	v13 =	vor.u32 v31, v8;
	[tilespmem:v5+s19+$0x0] =	vst.idx.msk $0xffff, v63  }
0x7af: {  	v29 =	vld [tilespmem:$0x1F780];
	v16 =	vor.u32 v27, v8;
	[tilespmem:v2+s19+$0x0] =	vst.idx.msk $0xffff, v1  }
0x7b0: {  	v30 =	vld [tilespmem:$0x1F7A0];
	v2 =	vor.u32 v37, v8;
	[tilespmem:v4+s19+$0x0] =	vst.idx.msk $0xffff, v19  }
0x7b1: {  	v0 =	vor.u32 v28, v8;
	v14 =	vld.idx.msk [tilespmem:v3+s15+$0x0], $0xffff  }
0x7b2: {  	v5 =	vor.u32 v26, v8;
	v12 =	vld.idx.msk [tilespmem:v11+s15+$0x0], $0xffff  }
0x7b3: {  	v1 =	vor.u32 v33, v8;
	v11 =	vld.idx.msk [tilespmem:v13+s15+$0x0], $0xffff  }
0x7b4: {  	v4 =	vor.u32 v29, v8;
	v13 =	vld.idx.msk [tilespmem:v16+s15+$0x0], $0xffff  }
0x7b5: {  	v63 =	vld.idx.msk [tilespmem:v2+s15+$0x0], $0xffff;
	v2 =	vor.u32 v22, v8  }
0x7b6: {  	v3 =	vor.u32 v30, v8;
	v6 =	vld.idx.msk [tilespmem:v0+s15+$0x0], $0xffff  }
0x7b7: {  	v15 =	vor.u32 v34, v8;
	v10 =	vld.idx.msk [tilespmem:v5+s15+$0x0], $0xffff  }
0x7b8: {  	v0 =	vor.u32 v36, v8;
	v1 =	vld.idx.msk [tilespmem:v1+s15+$0x0], $0xffff  }
0x7b9: {  	v5 =	vor.u32 v32, v8;
	v9 =	vld.idx.msk [tilespmem:v4+s15+$0x0], $0xffff  }
0x7ba: {  	v4 =	vor.u32 v24, v8;
	v17 =	vld.idx.msk [tilespmem:v2+s15+$0x0], $0xffff;
	v2 =	vadd.s32 $0x20, v56  }
0x7bb: {  	v7 =	vld.idx.msk [tilespmem:v3+s15+$0x0], $0xffff;
	v3 =	vor.u32 v35, v8;
	v18 =	vor.u32 s26, v2  }
0x7bc: {  	v8 =	vld.idx.msk [tilespmem:v15+s15+$0x0], $0xffff  }
0x7bd: {  	v0 =	vld.idx.msk [tilespmem:v0+s15+$0x0], $0xffff  }
0x7be: {  	v20 =	vor.u32 s26, v44;
	v5 =	vld.idx.msk [tilespmem:v5+s15+$0x0], $0xffff  }
0x7bf: {  	v21 =	vor.u32 s26, v45;
	v19 =	vld.idx.msk [tilespmem:v4+s15+$0x0], $0xffff  }
0x7c0: {  	v4 =	vld.idx.msk [tilespmem:v3+s15+$0x0], $0xffff;
	[tilespmem:v18+s19+$0x0] =	vst.idx.msk $0xffff, v17;
	v18 =	vor.u32 s26, v46  }
0x7c1: {  	v52 =	vld [tilespmem:$0x1F9A0];
	v16 =	vor.u32 s26, v47  }
0x7c2: {  	v54 =	vld [tilespmem:$0x1F9C0];
	v17 =	vor.u32 s26, v48  }
0x7c3: {  	v55 =	vld [tilespmem:$0x1FF10];
	v15 =	vor.u32 s26, v49;
	[tilespmem:v20+s19+$0x0] =	vst.idx.msk $0xffff, v14  }
0x7c4: {  	s29 =	simm.s32 $0x10;
	s30 =	simm.s32 $0x400;
	s28 =	simm.s32 $0x0;
	v57 =	vld [tilespmem:$0x1FF30];
	v3 =	vor.u32 s26, v51;
	v14 =	vor.u32 s26, v50;
	[tilespmem:v21+s19+$0x0] =	vst.idx.msk $0xffff, v19  }
.LBB2_18:
0x7c5: {  	v19 =	vor.u32 s30, v51;
	p1 =	sne.s32 s29, $0xF0;
	[tilespmem:v18+s19+$0x0] =	vst.idx.msk $0xffff, v12;
	s31 =	smov.u32 s29;
	s29 =	sadd.s32 $0x10, s29  }
0x7c6: {  	[tilespmem:v16+s19+$0x0] =	vst.idx.msk $0xffff, v10;
	v10 =	vor.u32 s28, v52  }
0x7c7: {  	v12 =	vmov s31;
	[tilespmem:v17+s19+$0x0] =	vst.idx.msk $0xffff, v13;
	v13 =	vor.u32 s28, v54  }
0x7c8: {  	v16 =	vor.u32 s31, v53;
	v12 =	vshll.u32 v12, $0x3;
	[tilespmem:v15+s19+$0x0] =	vst.idx.msk $0xffff, v6;
	v6 =	vor.u32 s28, v38  }
0x7c9: {  	v15 =	vand.u32 $0x7F, v16;
	v12 =	vand.u32 $0x400, v12;
	[tilespmem:v14+s19+$0x0] =	vst.idx.msk $0xffff, v9;
	v9 =	vor.u32 s28, v39  }
0x7ca: {  	v12 =	vor.u32 v12, v15;
	[tilespmem:v3+s19+$0x0] =	vst.idx.msk $0xffff, v7;
	v7 =	vor.u32 s28, v40;
	v3 =	vmov v19  }
0x7cb: {  	v14 =	vor.u32 v22, v12;
	v15 =	vor.u32 v23, v12;
	[tilespmem:v10+s19+$0x0] =	vst.idx.msk $0xffff, v11;
	v10 =	vor.u32 s28, v41  }
0x7cc: {  	v16 =	vor.u32 v26, v12;
	v11 =	vor.u32 v25, v12;
	[tilespmem:v13+s19+$0x0] =	vst.idx.msk $0xffff, v5;
	v5 =	vor.u32 s28, v42;
	s28 =	smov.u32 s30  }
0x7cd: {  	v17 =	vor.u32 v29, v12;
	v13 =	vor.u32 v28, v12;
	[tilespmem:v6+s19+$0x0] =	vst.idx.msk $0xffff, v1  }
0x7ce: {  	v18 =	vor.u32 v31, v12;
	v19 =	vor.u32 v32, v12;
	[tilespmem:v9+s19+$0x0] =	vst.idx.msk $0xffff, v8  }
0x7cf: {  	v20 =	vor.u32 v35, v12;
	v8 =	vor.u32 v34, v12;
	[tilespmem:v7+s19+$0x0] =	vst.idx.msk $0xffff, v4  }
0x7d0: {  	v1 =	vor.u32 v33, v12;
	v4 =	vor.u32 v36, v12;
	[tilespmem:v10+s19+$0x0] =	vst.idx.msk $0xffff, v0  }
0x7d1: {  	v7 =	vor.u32 v37, v12;
	v0 =	vor.u32 v30, v12;
	[tilespmem:v5+s19+$0x0] =	vst.idx.msk $0xffff, v63  }
0x7d2: {  	v21 =	vor.u32 v24, v12;
	v15 =	vld.idx.msk [tilespmem:v15+s15+$0x0], $0xffff  }
0x7d3: {  	v6 =	vld.idx.msk [tilespmem:v13+s15+$0x0], $0xffff  }
0x7d4: {  	v10 =	vld.idx.msk [tilespmem:v16+s15+$0x0], $0xffff  }
0x7d5: {  	v1 =	vld.idx.msk [tilespmem:v1+s15+$0x0], $0xffff  }
0x7d6: {  	v63 =	vld.idx.msk [tilespmem:v7+s15+$0x0], $0xffff  }
0x7d7: {  	v9 =	vld.idx.msk [tilespmem:v17+s15+$0x0], $0xffff  }
0x7d8: {  	v13 =	vor.u32 v27, v12;
	v7 =	vld.idx.msk [tilespmem:v0+s15+$0x0], $0xffff  }
0x7d9: {  	v0 =	vld.idx.msk [tilespmem:v4+s15+$0x0], $0xffff  }
0x7da: {  	v5 =	vld.idx.msk [tilespmem:v19+s15+$0x0], $0xffff  }
0x7db: {  	v12 =	vld.idx.msk [tilespmem:v11+s15+$0x0], $0xffff  }
0x7dc: {  	v14 =	vld.idx.msk [tilespmem:v14+s15+$0x0], $0xffff  }
0x7dd: {  	v17 =	vor.u32 s30, v2;
	v19 =	vld.idx.msk [tilespmem:v21+s15+$0x0], $0xffff  }
0x7de: {  	v4 =	vld.idx.msk [tilespmem:v20+s15+$0x0], $0xffff;
	v20 =	vor.u32 s30, v44  }
0x7df: {  	v21 =	vor.u32 s30, v45;
	v11 =	vld.idx.msk [tilespmem:v18+s15+$0x0], $0xffff  }
.Ltmp12:
0x7e0: {  	v18 =	vor.u32 s30, v46;
	v8 =	vld.idx.msk [tilespmem:v8+s15+$0x0], $0xffff;
	(pc) =	sbr.rel @p1 .LBB2_18-.Ltmp12, $4  }
0x7e1: {  	v16 =	vor.u32 s30, v47;
	v13 =	vld.idx.msk [tilespmem:v13+s15+$0x0], $0xffff  }
0x7e2: {  	[tilespmem:v17+s19+$0x0] =	vst.idx.msk $0xffff, v14;
	v17 =	vor.u32 s30, v48  }
0x7e3: {  	[tilespmem:v20+s19+$0x0] =	vst.idx.msk $0xffff, v15;
	v15 =	vor.u32 s30, v49  }
0x7e4: {  	v14 =	vor.u32 s28, v50;
	s30 =	sadd.s32 $0x400, s30;
	[tilespmem:v21+s19+$0x0] =	vst.idx.msk $0xffff, v19  }
0x7e5: {  	v26 =	vld [tilespmem:$0x1FAA0]  }
0x7e6: {  	v31 =	vld [tilespmem:$0x1FB40]  }
0x7e7: {  	v29 =	vld [tilespmem:$0x1FB00]  }
0x7e8: {  	v36 =	vld [tilespmem:$0x1FBE0]  }
0x7e9: {  	v32 =	vld [tilespmem:$0x1FB60]  }
0x7ea: {  	v33 =	vld [tilespmem:$0x1FB80]  }
0x7eb: {  	v35 =	vld [tilespmem:$0x1FBC0]  }
0x7ec: {  	v28 =	vld [tilespmem:$0x1FAE0]  }
0x7ed: {  	v25 =	vld [tilespmem:$0x1FA80]  }
0x7ee: {  	v27 =	vld [tilespmem:$0x1FAC0]  }
0x7ef: {  	v34 =	vld [tilespmem:$0x1FBA0]  }
0x7f0: {  	v37 =	vld [tilespmem:$0x1FC00]  }
0x7f1: {  	v30 =	vld [tilespmem:$0x1FB20]  }
0x7f2: {  	[tilespmem:v18+s19+$0x0] =	vst.idx.msk $0xffff, v12;
	v49 =	vld [tilespmem:$0x1FD60]  }
0x7f3: {  	v2 =	vor.u32 s28, v52;
	v44 =	vld [tilespmem:$0x1FCC0];
	[tilespmem:v16+s19+$0x0] =	vst.idx.msk $0xffff, v10  }
0x7f4: {  	v45 =	vld [tilespmem:$0x1FCE0];
	v10 =	vor.u32 s28, v54;
	[tilespmem:v17+s19+$0x0] =	vst.idx.msk $0xffff, v13  }
0x7f5: {  	v46 =	vld [tilespmem:$0x1FD00];
	[tilespmem:v15+s19+$0x0] =	vst.idx.msk $0xffff, v6;
	v6 =	vor.u32 s28, v38  }
0x7f6: {  	v12 =	vmov s26;
	v47 =	vld [tilespmem:$0x1FD20];
	[tilespmem:v14+s19+$0x0] =	vst.idx.msk $0xffff, v9;
	v9 =	vor.u32 s28, v39  }
0x7f7: {  	v48 =	vld [tilespmem:$0x1FD40];
	v12 =	vshll.u32 v12, $0x3;
	[tilespmem:v3+s19+$0x0] =	vst.idx.msk $0xffff, v7;
	v3 =	vor.u32 s28, v40;
	v7 =	vor.u32 s26, v53  }
0x7f8: {  	v23 =	vld [tilespmem:$0x1FF70];
	[tilespmem:v2+s19+$0x0] =	vst.idx.msk $0xffff, v11;
	v2 =	vor.u32 s28, v41;
	v7 =	vand.u32 $0x7F, v7;
	v11 =	vand.u32 $0x400, v12  }
0x7f9: {  	v40 =	vld [tilespmem:$0x1FC60];
	[tilespmem:v10+s19+$0x0] =	vst.idx.msk $0xffff, v5;
	v5 =	vor.u32 s28, v42;
	v11 =	vor.u32 v11, v7  }
0x7fa: {  	v24 =	vld [tilespmem:$0x1FF80];
	[tilespmem:v6+s19+$0x0] =	vst.idx.msk $0xffff, v1;
	v1 =	vor.u32 v26, v11  }
0x7fb: {  	v38 =	vld [tilespmem:$0x1FC20];
	v6 =	vor.u32 v31, v11;
	[tilespmem:v9+s19+$0x0] =	vst.idx.msk $0xffff, v8  }
0x7fc: {  	v39 =	vld [tilespmem:$0x1FC40];
	v7 =	vor.u32 v33, v11;
	[tilespmem:v3+s19+$0x0] =	vst.idx.msk $0xffff, v4  }
0x7fd: {  	v41 =	vld [tilespmem:$0x1FC80];
	v9 =	vor.u32 v28, v11;
	[tilespmem:v2+s19+$0x0] =	vst.idx.msk $0xffff, v0  }
0x7fe: {  	v42 =	vld [tilespmem:$0x1FCA0];
	v2 =	vor.u32 v40, v11;
	[tilespmem:v5+s19+$0x0] =	vst.idx.msk $0xffff, v63  }
0x7ff: {  	v3 =	vor.u32 v29, v11;
	v14 =	vld.idx.msk [tilespmem:v1+s15+$0x0], $0xffff  }
0x800: {  	v4 =	vor.u32 v32, v11;
	v5 =	vld.idx.msk [tilespmem:v6+s15+$0x0], $0xffff  }
0x801: {  	v0 =	vor.u32 v36, v11;
	v7 =	vld.idx.msk [tilespmem:v7+s15+$0x0], $0xffff  }
0x802: {  	v6 =	vor.u32 v39, v11;
	v12 =	vld.idx.msk [tilespmem:v9+s15+$0x0], $0xffff  }
0x803: {  	v63 =	vld.idx.msk [tilespmem:v2+s15+$0x0], $0xffff;
	v2 =	vor.u32 v25, v11  }
0x804: {  	v10 =	vld.idx.msk [tilespmem:v3+s15+$0x0], $0xffff;
	v3 =	vor.u32 v35, v11  }
0x805: {  	v8 =	vld.idx.msk [tilespmem:v4+s15+$0x0], $0xffff;
	v4 =	vor.u32 v27, v11  }
0x806: {  	v13 =	vor.u32 v38, v11;
	v1 =	vld.idx.msk [tilespmem:v0+s15+$0x0], $0xffff  }
0x807: {  	v15 =	vor.u32 v34, v11;
	v0 =	vld.idx.msk [tilespmem:v6+s15+$0x0], $0xffff  }
0x808: {  	v16 =	vor.u32 v30, v11;
	v17 =	vld.idx.msk [tilespmem:v2+s15+$0x0], $0xffff;
	v2 =	vadd.s32 $0x30, v56  }
0x809: {  	v6 =	vld.idx.msk [tilespmem:v3+s15+$0x0], $0xffff;
	v3 =	vor.u32 v37, v11;
	v18 =	vor.u32 s26, v2  }
0x80a: {  	v19 =	vld.idx.msk [tilespmem:v4+s15+$0x0], $0xffff  }
0x80b: {  	v4 =	vld.idx.msk [tilespmem:v13+s15+$0x0], $0xffff  }
0x80c: {  	v20 =	vor.u32 s26, v41;
	v11 =	vld.idx.msk [tilespmem:v15+s15+$0x0], $0xffff  }
0x80d: {  	v21 =	vor.u32 s26, v42;
	v13 =	vld.idx.msk [tilespmem:v16+s15+$0x0], $0xffff  }
0x80e: {  	v9 =	vld.idx.msk [tilespmem:v3+s15+$0x0], $0xffff;
	[tilespmem:v18+s19+$0x0] =	vst.idx.msk $0xffff, v17;
	v18 =	vor.u32 s26, v44  }
0x80f: {  	v50 =	vld [tilespmem:$0x1FD80];
	v16 =	vor.u32 s26, v45  }
0x810: {  	v51 =	vld [tilespmem:$0x1FDA0];
	v17 =	vor.u32 s26, v46  }
0x811: {  	v52 =	vld [tilespmem:$0x1FDC0];
	v15 =	vor.u32 s26, v47;
	[tilespmem:v20+s19+$0x0] =	vst.idx.msk $0xffff, v14  }
0x812: {  	s29 =	simm.s32 $0x400;
	v22 =	vld [tilespmem:$0x1FE20];
	s28 =	simm.s32 $0x10;
	v3 =	vor.u32 s26, v49;
	v14 =	vor.u32 s26, v48;
	[tilespmem:v21+s19+$0x0] =	vst.idx.msk $0xffff, v19  }
.LBB2_20:
0x813: {  	v19 =	vor.u32 s29, v49;
	p1 =	sne.s32 s28, $0xF0;
	[tilespmem:v18+s19+$0x0] =	vst.idx.msk $0xffff, v12;
	s30 =	smov.u32 s28;
	s28 =	sadd.s32 $0x10, s28  }
0x814: {  	[tilespmem:v16+s19+$0x0] =	vst.idx.msk $0xffff, v10;
	v10 =	vor.u32 s26, v50  }
0x815: {  	v12 =	vmov s30;
	[tilespmem:v17+s19+$0x0] =	vst.idx.msk $0xffff, v13;
	v13 =	vor.u32 s26, v51  }
0x816: {  	v16 =	vor.u32 s30, v53;
	v12 =	vshll.u32 v12, $0x3;
	[tilespmem:v15+s19+$0x0] =	vst.idx.msk $0xffff, v5;
	v5 =	vor.u32 s26, v52  }
0x817: {  	v15 =	vand.u32 $0x7F, v16;
	v12 =	vand.u32 $0x400, v12;
	[tilespmem:v14+s19+$0x0] =	vst.idx.msk $0xffff, v8;
	v8 =	vor.u32 s26, v58  }
0x818: {  	v12 =	vor.u32 v12, v15;
	[tilespmem:v3+s19+$0x0] =	vst.idx.msk $0xffff, v7;
	v7 =	vor.u32 s26, v59;
	v3 =	vmov v19  }
0x819: {  	v14 =	vor.u32 v25, v12;
	v15 =	vor.u32 v26, v12;
	[tilespmem:v10+s19+$0x0] =	vst.idx.msk $0xffff, v11;
	v10 =	vor.u32 s26, v60  }
0x81a: {  	v16 =	vor.u32 v29, v12;
	v11 =	vor.u32 v28, v12;
	[tilespmem:v13+s19+$0x0] =	vst.idx.msk $0xffff, v6;
	v6 =	vor.u32 s26, v61;
	s26 =	smov.u32 s29  }
0x81b: {  	v17 =	vor.u32 v32, v12;
	v13 =	vor.u32 v31, v12;
	[tilespmem:v5+s19+$0x0] =	vst.idx.msk $0xffff, v1  }
0x81c: {  	v18 =	vor.u32 v34, v12;
	v19 =	vor.u32 v35, v12;
	[tilespmem:v8+s19+$0x0] =	vst.idx.msk $0xffff, v9  }
0x81d: {  	v20 =	vor.u32 v38, v12;
	v9 =	vor.u32 v37, v12;
	[tilespmem:v7+s19+$0x0] =	vst.idx.msk $0xffff, v4  }
0x81e: {  	v1 =	vor.u32 v36, v12;
	v4 =	vor.u32 v39, v12;
	[tilespmem:v10+s19+$0x0] =	vst.idx.msk $0xffff, v0  }
0x81f: {  	v7 =	vor.u32 v40, v12;
	v0 =	vor.u32 v33, v12;
	[tilespmem:v6+s19+$0x0] =	vst.idx.msk $0xffff, v63  }
0x820: {  	v21 =	vor.u32 v27, v12;
	v15 =	vld.idx.msk [tilespmem:v15+s15+$0x0], $0xffff  }
0x821: {  	v5 =	vld.idx.msk [tilespmem:v13+s15+$0x0], $0xffff  }
0x822: {  	v10 =	vld.idx.msk [tilespmem:v16+s15+$0x0], $0xffff  }
0x823: {  	v1 =	vld.idx.msk [tilespmem:v1+s15+$0x0], $0xffff  }
0x824: {  	v63 =	vld.idx.msk [tilespmem:v7+s15+$0x0], $0xffff  }
0x825: {  	v8 =	vld.idx.msk [tilespmem:v17+s15+$0x0], $0xffff  }
0x826: {  	v13 =	vor.u32 v30, v12;
	v7 =	vld.idx.msk [tilespmem:v0+s15+$0x0], $0xffff  }
0x827: {  	v0 =	vld.idx.msk [tilespmem:v4+s15+$0x0], $0xffff  }
0x828: {  	v6 =	vld.idx.msk [tilespmem:v19+s15+$0x0], $0xffff  }
0x829: {  	v12 =	vld.idx.msk [tilespmem:v11+s15+$0x0], $0xffff  }
0x82a: {  	v14 =	vld.idx.msk [tilespmem:v14+s15+$0x0], $0xffff  }
0x82b: {  	v17 =	vor.u32 s29, v2;
	v19 =	vld.idx.msk [tilespmem:v21+s15+$0x0], $0xffff  }
0x82c: {  	v4 =	vld.idx.msk [tilespmem:v20+s15+$0x0], $0xffff;
	v20 =	vor.u32 s29, v41  }
0x82d: {  	v21 =	vor.u32 s29, v42;
	v11 =	vld.idx.msk [tilespmem:v18+s15+$0x0], $0xffff  }
.Ltmp13:
0x82e: {  	v18 =	vor.u32 s29, v44;
	v9 =	vld.idx.msk [tilespmem:v9+s15+$0x0], $0xffff;
	(pc) =	sbr.rel @p1 .LBB2_20-.Ltmp13, $4  }
0x82f: {  	v16 =	vor.u32 s29, v45;
	v13 =	vld.idx.msk [tilespmem:v13+s15+$0x0], $0xffff  }
0x830: {  	[tilespmem:v17+s19+$0x0] =	vst.idx.msk $0xffff, v14;
	v17 =	vor.u32 s29, v46  }
0x831: {  	[tilespmem:v20+s19+$0x0] =	vst.idx.msk $0xffff, v15;
	v15 =	vor.u32 s29, v47  }
0x832: {  	v14 =	vor.u32 s26, v48;
	s29 =	sadd.s32 $0x400, s29;
	[tilespmem:v21+s19+$0x0] =	vst.idx.msk $0xffff, v19  }
0x833: {  	_ =	sdelay $0x2  }
0x834: {  	v21 =	vld [tilespmem:$0x1FE10]  }
0x835: {  	[tilespmem:v18+s19+$0x0] =	vst.idx.msk $0xffff, v12;
	v12 =	vld [tilespmem:$0x1FEE0]  }
0x836: {  	v19 =	vld [tilespmem:$0x1FEF0]  }
0x837: {  	v20 =	vld [tilespmem:$0x1FF00]  }
0x838: {  	v26 =	vld [tilespmem:$0x1FF90]  }
0x839: {  	v30 =	vld [tilespmem:$0x1FFA0]  }
0x83a: {  	v29 =	vld [tilespmem:$0x1FFB0]  }
0x83b: {  	v2 =	vor.u32 s26, v50;
	v31 =	vld [tilespmem:$0x1FFC0];
	[tilespmem:v16+s19+$0x0] =	vst.idx.msk $0xffff, v10  }
0x83c: {  	v28 =	vld [tilespmem:$0x1FFD0];
	v10 =	vor.u32 s26, v51;
	[tilespmem:v17+s19+$0x0] =	vst.idx.msk $0xffff, v13  }
0x83d: {  	v25 =	vld [tilespmem:$0x1FFE0];
	[tilespmem:v15+s19+$0x0] =	vst.idx.msk $0xffff, v5;
	v5 =	vor.u32 s26, v52  }
0x83e: {  	v27 =	vld [tilespmem:$0x1FFF0];
	[tilespmem:v14+s19+$0x0] =	vst.idx.msk $0xffff, v8;
	v8 =	vor.u32 s26, v58  }
0x83f: {  	v39 =	vld [tilespmem:$0x1FF20];
	[tilespmem:v3+s19+$0x0] =	vst.idx.msk $0xffff, v7;
	v3 =	vor.u32 s26, v59  }
0x840: {  	v54 =	vor.u32 s26, v60;
	v38 =	vld [tilespmem:$0x1FF50];
	[tilespmem:v2+s19+$0x0] =	vst.idx.msk $0xffff, v11  }
0x841: {  	s24 =	sadd.s32 $0x3, s24;
	v41 =	vld [tilespmem:$0x1FF40];
	[tilespmem:v10+s19+$0x0] =	vst.idx.msk $0xffff, v6;
	v6 =	vor.u32 s26, v61  }
0x842: {  	p1 =	sge.u32 s24, s7;
	v16 =	vld [tilespmem:$0x1FE40];
	[tilespmem:v5+s19+$0x0] =	vst.idx.msk $0xffff, v1  }
0x843: {  	s24 =	sadd.s32 @!p1 s6, s24;
	v17 =	vld [tilespmem:$0x1FEB0];
	[tilespmem:v8+s19+$0x0] =	vst.idx.msk $0xffff, v9  }
0x844: {  	s24 =	sshll.u32 @!p1 s24, $0x8;
	v15 =	vld [tilespmem:$0x1FE80];
	[tilespmem:v3+s19+$0x0] =	vst.idx.msk $0xffff, v4  }
0x845: {  	s28 =	simm.s32 @!p1 $0x7A1400;
	s24 =	sand.u32 @!p1 $0x1FFFFF00, s24;
	v14 =	vld [tilespmem:$0x1FEC0];
	[tilespmem:v54+s19+$0x0] =	vst.idx.msk $0xffff, v0  }
0x846: {  	s29 =	simm.s32 @!p1 $0x4000;
	s24 =	sadd.s32 @!p1 s0, s24;
	v7 =	vld [tilespmem:$0x1FE60];
	s26 =	simm.s32 @!p1 $0x800;
	[tilespmem:v6+s19+$0x0] =	vst.idx.msk $0xffff, v63  }
0x847: {  	v11 =	vld [tilespmem:$0x1FE90];
	[tilespmem:s29], [sflag:$0x2] =	stream.strided.gather @!p1 [hbm4b:s24+s26], $0x4000, s28, s26, $0x38  }
.Ltmp14:
0x848: {  	s31 =	sadd.s32 s6, s25;
	v5 =	vld [tilespmem:$0x1FEA0];
	(pc) =	sbr.rel .LBB2_22-.Ltmp14, $4  }
0x849: {  	v8 =	vld [tilespmem:$0x1FE70];
	s24 =	sshll.u32 s31, $0xB  }
0x84a: {  	v9 =	vld [tilespmem:$0x1FED0];
	s24 =	sand.u32 $0x1FFFF800, s24  }
0x84b: {  	v4 =	vld [tilespmem:$0x1FE30];
	s24 =	sadd.s32 s4, s24  }
0x84c: {  	v6 =	vld [tilespmem:$0x1FE50];
	[hbm4b:s24+s5] =	stream.linear.scatter [tilespmem:s19], [sflag:$0x4], $0x4000, $0x38  }
.LBB2_24:
0x84d: {  	_ =	sfence.sel $0x180000  }
0x84e: {  	[bflag:$0x0] =	sbarrier.arrive $0xFFFF  }
0x84f: {  	p0 =	sne.s32 s2, $0x0;
	_ =	strace $0x90000047  }
0x850: {  	s0 =	sadd.s32 @!p0 $0x100000, s3;
	[bflag:$0x2] =	sbarrier.arrive $0xFFFF  }
0x851: {  	[sflag:s0] =	ssyncadd.tile.s32 @!p0 $0x1;
	_ =	shalt  }
.Lfunc_end2:
_tile_overlayer_lowered:
.L_overlay_start_2:
0x852: {  	(tag) =	ssettag $0x2  }
0x853: {  	s0 =	rddreg [dreg:$0x0];
	s2 =	stileid.u32  }
0x854: {  	s1 =	rddreg [dreg:$0x1];
	p0 =	sne.s32 s2, $0x0  }
0x855: {  	s3 =	rddreg [dreg:$0x2];
	[bflag:$0x3] =	sbarrier.arrive $0xFFFF;
	s2 =	simm.s32 @!p0 $0x1C05  }
0x856: {  	[timem:s3], [sflag:s2] =	dma.local @!p0 [hbm:s0], s1  }
0x857: {  	s0 =	simm.s32 @!p0 $0x5  }
0x858: {  	_ =	swait.ge @!p0 [sflag:s0], s1  }
0x859: {  	s1 =	ssub.s32 @!p0 $0x0, s1;
	[sflag:s0] =	ssyncset.done @!p0 $0x0  }
0x85a: {  	[sflag:s0] =	ssyncadd.s32 @!p0 s1  }
0x85b: {  	[bflag:$0x3] =	sbarrier.arrive $0xFFFF  }
0x85c: {  	_ =	shalt  }

</sc_bundles>
